<compile_context>
chip_gen: v7x
topology: tpu7x:2x2x1
jax: 0.10.2.dev20260603
libtpu: 0.0.44.dev20260713+nightly
codegen_flags: <defaults>
</compile_context>

<pallas_src>
import functools

import jax
import jax.numpy as jnp
from jax import lax
from jax.experimental import pallas as pl
from jax.experimental.pallas import tpu as pltpu, tpu_sc as plsc

N = 16
E = 24
D = 512
L = 16
NS = 16

_f32 = jnp.float32
_i32 = jnp.int32


def _splat(v, lane):
    idx = jnp.full((L,), lane, dtype=_i32)
    return jnp.take_along_axis(v, idx, axis=0)


def _gat_body(x_hbm, src_hbm, dst_hbm, w_hbm, b_hbm, w1_hbm, w2_hbm, w3_hbm,
              out_hbm,
              xs, wv, srcv, dstv, pbuf, ypart, yall, learned_ref, shared, agg,
              sem, sem2):
    s = lax.axis_index("s")
    ybase = s * 32
    ct = s // 4
    coff = (s % 4) * 32

    cx = pltpu.async_copy(x_hbm.at[:, ct, :, pl.ds(coff, 32)], xs, sem)
    cw = pltpu.async_copy(w_hbm.at[0, pl.ds(ybase, 32)], wv, sem)
    ces = pltpu.async_copy(src_hbm, srcv, sem2)
    ced = pltpu.async_copy(dst_hbm, dstv, sem2)
    cp0 = pltpu.async_copy(b_hbm, pbuf.at[0, pl.ds(0, 1)], sem2)
    cp1 = pltpu.async_copy(w1_hbm, pbuf.at[1, pl.ds(0, 1)], sem2)
    cp2 = pltpu.async_copy(w2_hbm, pbuf.at[2, pl.ds(0, 1)], sem2)
    cp3 = pltpu.async_copy(w3_hbm, pbuf.at[3, pl.ds(0, 1)], sem2)

    iota = lax.iota(_i32, L)
    zero = iota.astype(_f32) * 0.0

    for r0 in range(2):
        for r1 in range(8):
            agg[r0, r1, 0:16] = zero
            agg[r0, r1, 16:32] = zero

    ces.wait()
    ced.wait()
    cp0.wait()
    cp1.wait()
    cp2.wait()
    cp3.wait()
    b_spl = _splat(pbuf[0, 0:16], 0)
    w1_spl = _splat(pbuf[1, 0:16], 0)
    w2_spl = _splat(pbuf[2, 0:16], 0)
    w3_spl = _splat(pbuf[3, 0:16], 0)

    src_a = srcv[0:16]
    src_b = srcv[8:24]
    dst_a = dstv[0:16]
    dst_b = dstv[8:24]

    cx.wait()
    cw.wait()
    idiv8 = iota >> 3
    imod8 = iota & 7
    w0 = wv[0:16]
    w1v = wv[16:32]
    yacc = zero
    for j in range(32):
        col = plsc.load_gather(xs, [idiv8, imod8, jnp.full((L,), j, dtype=_i32)])
        wj = _splat(w0 if j < 16 else w1v, j % 16)
        yacc = yacc + col * wj
    ypart[...] = yacc
    pltpu.sync_copy(ypart, shared.at[s])

    for e in range(8):
        s_spl = _splat(src_a, e)
        d_spl = _splat(dst_a, e)
        sd, sm = s_spl >> 3, s_spl & 7
        dd, dm = d_spl >> 3, d_spl & 7
        for o in (0, 16):
            xrow = plsc.load_gather(xs, [sd, sm, iota + o])
            plsc.addupdate_scatter(agg, [dd, dm, iota + o], xrow * w1_spl)

    plsc.subcore_barrier()
    pltpu.sync_copy(shared, yall)
    y = zero
    for i in range(NS):
        y = y + yall[i, :]

    msg_a = jnp.take_along_axis(y, src_a, axis=0) \
        - jnp.take_along_axis(y, dst_a, axis=0) + b_spl
    msg_b = jnp.take_along_axis(y, src_b, axis=0) \
        - jnp.take_along_axis(y, dst_b, axis=0) + b_spl
    learned_ref[...] = b_spl
    plsc.addupdate_scatter(learned_ref, [dst_a], msg_a)
    plsc.addupdate_scatter(learned_ref, [dst_b], msg_b, mask=iota >= 8)
    learned = learned_ref[...]

    fes2 = jnp.where((iota % 2) == 0, w2_spl, w3_spl) + learned

    for e in range(8, E):
        srca, dsta, lane = (src_a, dst_a, e) if e < 16 else (src_b, dst_b, e - 8)
        s_spl = _splat(srca, lane)
        d_spl = _splat(dsta, lane)
        sd, sm = s_spl >> 3, s_spl & 7
        dd, dm = d_spl >> 3, d_spl & 7
        scale = _splat(fes2, e - 8)
        for o in (0, 16):
            xrow = plsc.load_gather(xs, [sd, sm, iota + o])
            plsc.addupdate_scatter(agg, [dd, dm, iota + o], xrow * scale)

    for r0 in range(2):
        for r1 in range(8):
            agg[r0, r1, 0:16] = jnp.maximum(agg[r0, r1, 0:16], 0.0)
            agg[r0, r1, 16:32] = jnp.maximum(agg[r0, r1, 16:32], 0.0)
    pltpu.sync_copy(agg, out_hbm.at[:, ct, :, pl.ds(coff, 32)])


_gat_kernel = functools.partial(
    pl.kernel,
    out_type=jax.ShapeDtypeStruct((2, 4, 8, 128), _f32),
    mesh=plsc.VectorSubcoreMesh(core_axis_name="c", subcore_axis_name="s",
                                num_cores=1),
    compiler_params=pltpu.CompilerParams(
        use_tc_tiling_on_sc=False,
        needs_layout_passes=False,
        disable_bounds_checks=True,
        disable_semaphore_checks=True,
    ),
    scratch_types=[
        pltpu.VMEM((2, 8, 32), _f32),
        pltpu.VMEM((32,), _f32),
        pltpu.VMEM((E,), _i32),
        pltpu.VMEM((E,), _i32),
        pltpu.VMEM((4, L), _f32),
        pltpu.VMEM((L,), _f32),
        pltpu.VMEM((NS, L), _f32),
        pltpu.VMEM((L,), _f32),
        pltpu.VMEM_SHARED((NS, L), _f32),
        pltpu.VMEM((2, 8, 32), _f32),
        pltpu.SemaphoreType.DMA,
        pltpu.SemaphoreType.DMA,
    ],
)(_gat_body)


@jax.jit
def kernel(x, edge_index, W, b, w1, w2, w3):
    x4 = x.reshape(2, 8, 4, 128).transpose(0, 2, 1, 3)
    out4 = _gat_kernel(x4, edge_index[0], edge_index[1], W, b, w1, w2, w3)
    return out4.transpose(0, 2, 1, 3).reshape(N, D)

# --- scband reference (transcript-rebuilt; emitter-appended) ---
"""Pipeline reference for scband-custom-gat-58884001628563 (READ-ONLY COPY).

The authoritative reference and input builder live on the scoring server;
editing this copy changes nothing except your own understanding.
"""

import jax, jax.numpy as jnp
import numpy as np


def setup_inputs(seed: int = 0) -> dict:
    key = jax.random.key(seed)
    ks = jax.random.split(key, 6)
    x = jax.random.normal(ks[0], (16, 512), dtype=jnp.float32)
    edge_index = jax.random.randint(ks[1], (2, 24), 0, 16, dtype=jnp.int32)
    W = jax.random.normal(ks[2], (1, 512), dtype=jnp.float32) * 0.05
    b = jnp.zeros((1,), dtype=jnp.float32)
    w1 = jnp.array([1.0], dtype=jnp.float32)
    w2 = jnp.array([-0.5], dtype=jnp.float32)
    w3 = jnp.array([1.5], dtype=jnp.float32)
    return {"x": x, "edge_index": edge_index, "W": W, "b": b, "w1": w1, "w2": w2, "w3": w3}


def reference(x, edge_index, W, b, w1, w2, w3):
    N = x.shape[0]
    # EdgeWeightLayer: add self loops, message = lin(x_j - x_i), aggr='add' onto target
    loops = jnp.arange(N, dtype=edge_index.dtype)
    ei = jnp.concatenate([edge_index, jnp.stack([loops, loops], axis=0)], axis=1)
    src = ei[0]
    dst = ei[1]
    msg = (x[src] - x[dst]) @ W.T + b  # [E+N, 1]
    learned = jax.ops.segment_sum(msg, dst, num_segments=N)  # [16, 1]
    # final_edge_scores construction (hardcoded 24 x 1 in original)
    part1 = jnp.full((8, 1), 1.0, dtype=x.dtype) * w1[0]
    pattern = jnp.where(jnp.arange(16) % 2 == 0, w2[0], w3[0])[:, None]
    part2 = pattern + learned  # [16, 1]
    fes = jnp.concatenate([part1, part2], axis=0)  # [24, 1]
    # python-loop scatter in original == vectorized scatter-add
    src0 = edge_index[0]
    dst0 = edge_index[1]
    vals = x[src0] * fes  # [24, 512]
    agg = jnp.zeros_like(x).at[dst0].add(vals)
    return jax.nn.relu(agg)

if __name__ == "__main__":
    import jax
    _d = setup_inputs()
    print(jax.jit(kernel)(*tuple(_d.values())))

</pallas_src>

<mosaic_0001>
#map = affine_map<(d0, d1) -> (0, 0, 0, 0)>
#map1 = affine_map<(d0, d1) -> (0)>
#map2 = affine_map<(d0, d1) -> (0, 0)>
module attributes {stable_mosaic.version = 14 : i64} {
  func.func @_gat_body(%arg0: i32, %arg1: i32, %arg2: memref<2x4x8x128xf32, #tpu.memory_space<hbm>>, %arg3: memref<24xi32, #tpu.memory_space<hbm>>, %arg4: memref<24xi32, #tpu.memory_space<hbm>>, %arg5: memref<1x512xf32, #tpu.memory_space<hbm>>, %arg6: memref<1xf32, #tpu.memory_space<hbm>>, %arg7: memref<1xf32, #tpu.memory_space<hbm>>, %arg8: memref<1xf32, #tpu.memory_space<hbm>>, %arg9: memref<1xf32, #tpu.memory_space<hbm>>, %arg10: memref<2x4x8x128xf32, #tpu.memory_space<hbm>>, %arg11: memref<2x8x32xf32, #tpu.memory_space<vmem>>, %arg12: memref<32xf32, #tpu.memory_space<vmem>>, %arg13: memref<24xi32, #tpu.memory_space<vmem>>, %arg14: memref<24xi32, #tpu.memory_space<vmem>>, %arg15: memref<4x16xf32, #tpu.memory_space<vmem>>, %arg16: memref<16xf32, #tpu.memory_space<vmem>>, %arg17: memref<16x16xf32, #tpu.memory_space<vmem>>, %arg18: memref<16xf32, #tpu.memory_space<vmem>>, %arg19: memref<16x16xf32, #tpu.memory_space<vmem_shared>>, %arg20: memref<2x8x32xf32, #tpu.memory_space<vmem>>, %arg21: memref<!tpu.dma_semaphore, #tpu.memory_space<semaphore_mem>>, %arg22: memref<!tpu.dma_semaphore, #tpu.memory_space<semaphore_mem>>) attributes {dimension_semantics = [#tpu.dimension_semantics<core_parallel>, #tpu.dimension_semantics<subcore_parallel>], iteration_bounds = array<i64: 1, 16>, scalar_prefetch = 0 : i64, scratch_operands = 12 : i64, tpu.core_type = #tpu.core_type<sc_vector_subcore>, window_params = [{transform_indices = #map}, {transform_indices = #map1}, {transform_indices = #map1}, {transform_indices = #map2}, {transform_indices = #map1}, {transform_indices = #map1}, {transform_indices = #map1}, {transform_indices = #map1}, {transform_indices = #map}]} {
    %mul3A = arith.constant 32 : i32
    %mul3A_0 = arith.muli %arg1, %mul3A : i32
    %jit3A = arith.constant 4 : i32
    %div3A = arith.divsi %arg1, %jit3A : i32
    %sign3A = arith.constant 0 : i32
    %sign3A_1 = arith.cmpi sgt, %arg1, %sign3A : i32
    %sign3A_2 = arith.extui %sign3A_1 : i1 to i32
    %sign3A_3 = arith.constant 0 : i32
    %sign3A_4 = arith.cmpi slt, %arg1, %sign3A_3 : i32
    %sign3A_5 = arith.extui %sign3A_4 : i1 to i32
    %sign3A_6 = arith.subi %sign3A_2, %sign3A_5 : i32
    %sign3A_7 = arith.constant 0 : i32
    %sign3A_8 = arith.cmpi sgt, %jit3A, %sign3A_7 : i32
    %sign3A_9 = arith.extui %sign3A_8 : i1 to i32
    %sign3A_10 = arith.constant 0 : i32
    %sign3A_11 = arith.cmpi slt, %jit3A, %sign3A_10 : i32
    %sign3A_12 = arith.extui %sign3A_11 : i1 to i32
    %sign3A_13 = arith.subi %sign3A_9, %sign3A_12 : i32
    %ne3A = arith.cmpi ne, %sign3A_6, %sign3A_13 : i32
    %rem3A = arith.remsi %arg1, %jit3A : i32
    %ne3A_14 = arith.constant 0 : i32
    %ne3A_15 = arith.cmpi ne, %rem3A, %ne3A_14 : i32
    %and3A = arith.andi %ne3A, %ne3A_15 : i1
    %sub3A = arith.constant 1 : i32
    %sub3A_16 = arith.subi %div3A, %sub3A : i32
    %select_n3A = arith.select %and3A, %sub3A_16, %div3A : i32
    %jit3A_17 = arith.constant 4 : i32
    %eq3A = arith.constant 0 : i32
    %eq3A_18 = arith.cmpi eq, %jit3A_17, %eq3A : i32
    %jit3A_19 = arith.constant 1 : i32
    %select_n3A_20 = arith.select %eq3A_18, %jit3A_19, %jit3A_17 : i32
    %rem3A_21 = arith.remsi %arg1, %select_n3A_20 : i32
    %ne3A_22 = arith.constant 0 : i32
    %ne3A_23 = arith.cmpi ne, %rem3A_21, %ne3A_22 : i32
    %lt3A = arith.constant 0 : i32
    %lt3A_24 = arith.cmpi slt, %rem3A_21, %lt3A : i32
    %lt3A_25 = arith.constant 0 : i32
    %lt3A_26 = arith.cmpi slt, %select_n3A_20, %lt3A_25 : i32
    %ne3A_27 = arith.xori %lt3A_24, %lt3A_26 : i1
    %and3A_28 = arith.andi %ne3A_27, %ne3A_23 : i1
    %add3A = arith.addi %rem3A_21, %select_n3A_20 : i32
    %select_n3A_29 = arith.select %and3A_28, %add3A, %rem3A_21 : i32
    %mul3A_30 = arith.constant 32 : i32
    %mul3A_31 = arith.muli %select_n3A_29, %mul3A_30 : i32
    %dma_start3A = arith.constant 0 : i32
    %dma_start3A_32 = arith.constant 0 : i32
    %dma_start3A_33 = tpu.memref_slice %arg2[%dma_start3A, %select_n3A, %dma_start3A_32, %mul3A_31] : memref<2x4x8x128xf32, #tpu.memory_space<hbm>> -> memref<2x1x8x32xf32, #tpu.memory_space<hbm>>
    %dma_start3A_34 = tpu.memref_squeeze %dma_start3A_33 : memref<2x1x8x32xf32, #tpu.memory_space<hbm>> -> memref<2x8x32xf32, #tpu.memory_space<hbm>>
    %dma_start3A_35 = arith.constant 0 : i32
    %dma_start3A_36 = arith.constant 0 : i32
    %dma_start3A_37 = tpu.memref_slice %arg2[%dma_start3A_35, %select_n3A, %dma_start3A_36, %mul3A_31] : memref<2x4x8x128xf32, #tpu.memory_space<hbm>> -> memref<2x1x8x32xf32, #tpu.memory_space<hbm>>
    %dma_start3A_38 = tpu.memref_squeeze %dma_start3A_37 : memref<2x1x8x32xf32, #tpu.memory_space<hbm>> -> memref<2x8x32xf32, #tpu.memory_space<hbm>>
    tpu.enqueue_dma source(%dma_start3A_38 : memref<2x8x32xf32, #tpu.memory_space<hbm>>) target(%arg11 : memref<2x8x32xf32, #tpu.memory_space<vmem>>) target_semaphore(%arg21 : memref<!tpu.dma_semaphore, #tpu.memory_space<semaphore_mem>>)
    %dma_start3A_39 = arith.constant 0 : i32
    %dma_start3A_40 = tpu.memref_slice %arg5[%dma_start3A_39, %mul3A_0] : memref<1x512xf32, #tpu.memory_space<hbm>> -> memref<1x32xf32, #tpu.memory_space<hbm>>
    %dma_start3A_41 = tpu.memref_squeeze %dma_start3A_40 : memref<1x32xf32, #tpu.memory_space<hbm>> -> memref<32xf32, #tpu.memory_space<hbm>>
    %dma_start3A_42 = tpu.memref_slice %arg5[%dma_start3A_39, %mul3A_0] : memref<1x512xf32, #tpu.memory_space<hbm>> -> memref<1x32xf32, #tpu.memory_space<hbm>>
    %dma_start3A_43 = tpu.memref_squeeze %dma_start3A_42 : memref<1x32xf32, #tpu.memory_space<hbm>> -> memref<32xf32, #tpu.memory_space<hbm>>
    tpu.enqueue_dma source(%dma_start3A_43 : memref<32xf32, #tpu.memory_space<hbm>>) target(%arg12 : memref<32xf32, #tpu.memory_space<vmem>>) target_semaphore(%arg21 : memref<!tpu.dma_semaphore, #tpu.memory_space<semaphore_mem>>)
    tpu.enqueue_dma source(%arg3 : memref<24xi32, #tpu.memory_space<hbm>>) target(%arg13 : memref<24xi32, #tpu.memory_space<vmem>>) target_semaphore(%arg22 : memref<!tpu.dma_semaphore, #tpu.memory_space<semaphore_mem>>)
    tpu.enqueue_dma source(%arg4 : memref<24xi32, #tpu.memory_space<hbm>>) target(%arg14 : memref<24xi32, #tpu.memory_space<vmem>>) target_semaphore(%arg22 : memref<!tpu.dma_semaphore, #tpu.memory_space<semaphore_mem>>)
    %dma_start3A_44 = arith.constant 0 : i32
    %dma_start3A_45 = arith.constant 0 : i32
    %dma_start3A_46 = tpu.memref_slice %arg15[%dma_start3A_44, %dma_start3A_45] : memref<4x16xf32, #tpu.memory_space<vmem>> -> memref<1x1xf32, #tpu.memory_space<vmem>>
    %dma_start3A_47 = tpu.memref_squeeze %dma_start3A_46 : memref<1x1xf32, #tpu.memory_space<vmem>> -> memref<1xf32, #tpu.memory_space<vmem>>
    %dma_start3A_48 = arith.constant 0 : i32
    %dma_start3A_49 = tpu.memref_slice %arg15[%dma_start3A_44, %dma_start3A_48] : memref<4x16xf32, #tpu.memory_space<vmem>> -> memref<1x1xf32, #tpu.memory_space<vmem>>
    %dma_start3A_50 = tpu.memref_squeeze %dma_start3A_49 : memref<1x1xf32, #tpu.memory_space<vmem>> -> memref<1xf32, #tpu.memory_space<vmem>>
    tpu.enqueue_dma source(%arg6 : memref<1xf32, #tpu.memory_space<hbm>>) target(%dma_start3A_50 : memref<1xf32, #tpu.memory_space<vmem>>) target_semaphore(%arg22 : memref<!tpu.dma_semaphore, #tpu.memory_space<semaphore_mem>>)
    %dma_start3A_51 = arith.constant 1 : i32
    %dma_start3A_52 = arith.constant 0 : i32
    %dma_start3A_53 = tpu.memref_slice %arg15[%dma_start3A_51, %dma_start3A_52] : memref<4x16xf32, #tpu.memory_space<vmem>> -> memref<1x1xf32, #tpu.memory_space<vmem>>
    %dma_start3A_54 = tpu.memref_squeeze %dma_start3A_53 : memref<1x1xf32, #tpu.memory_space<vmem>> -> memref<1xf32, #tpu.memory_space<vmem>>
    %dma_start3A_55 = arith.constant 0 : i32
    %dma_start3A_56 = tpu.memref_slice %arg15[%dma_start3A_51, %dma_start3A_55] : memref<4x16xf32, #tpu.memory_space<vmem>> -> memref<1x1xf32, #tpu.memory_space<vmem>>
    %dma_start3A_57 = tpu.memref_squeeze %dma_start3A_56 : memref<1x1xf32, #tpu.memory_space<vmem>> -> memref<1xf32, #tpu.memory_space<vmem>>
    tpu.enqueue_dma source(%arg7 : memref<1xf32, #tpu.memory_space<hbm>>) target(%dma_start3A_57 : memref<1xf32, #tpu.memory_space<vmem>>) target_semaphore(%arg22 : memref<!tpu.dma_semaphore, #tpu.memory_space<semaphore_mem>>)
    %dma_start3A_58 = arith.constant 2 : i32
    %dma_start3A_59 = arith.constant 0 : i32
    %dma_start3A_60 = tpu.memref_slice %arg15[%dma_start3A_58, %dma_start3A_59] : memref<4x16xf32, #tpu.memory_space<vmem>> -> memref<1x1xf32, #tpu.memory_space<vmem>>
    %dma_start3A_61 = tpu.memref_squeeze %dma_start3A_60 : memref<1x1xf32, #tpu.memory_space<vmem>> -> memref<1xf32, #tpu.memory_space<vmem>>
    %dma_start3A_62 = arith.constant 0 : i32
    %dma_start3A_63 = tpu.memref_slice %arg15[%dma_start3A_58, %dma_start3A_62] : memref<4x16xf32, #tpu.memory_space<vmem>> -> memref<1x1xf32, #tpu.memory_space<vmem>>
    %dma_start3A_64 = tpu.memref_squeeze %dma_start3A_63 : memref<1x1xf32, #tpu.memory_space<vmem>> -> memref<1xf32, #tpu.memory_space<vmem>>
    tpu.enqueue_dma source(%arg8 : memref<1xf32, #tpu.memory_space<hbm>>) target(%dma_start3A_64 : memref<1xf32, #tpu.memory_space<vmem>>) target_semaphore(%arg22 : memref<!tpu.dma_semaphore, #tpu.memory_space<semaphore_mem>>)
    %dma_start3A_65 = arith.constant 3 : i32
    %dma_start3A_66 = arith.constant 0 : i32
    %dma_start3A_67 = tpu.memref_slice %arg15[%dma_start3A_65, %dma_start3A_66] : memref<4x16xf32, #tpu.memory_space<vmem>> -> memref<1x1xf32, #tpu.memory_space<vmem>>
    %dma_start3A_68 = tpu.memref_squeeze %dma_start3A_67 : memref<1x1xf32, #tpu.memory_space<vmem>> -> memref<1xf32, #tpu.memory_space<vmem>>
    %dma_start3A_69 = arith.constant 0 : i32
    %dma_start3A_70 = tpu.memref_slice %arg15[%dma_start3A_65, %dma_start3A_69] : memref<4x16xf32, #tpu.memory_space<vmem>> -> memref<1x1xf32, #tpu.memory_space<vmem>>
    %dma_start3A_71 = tpu.memref_squeeze %dma_start3A_70 : memref<1x1xf32, #tpu.memory_space<vmem>> -> memref<1xf32, #tpu.memory_space<vmem>>
    tpu.enqueue_dma source(%arg9 : memref<1xf32, #tpu.memory_space<hbm>>) target(%dma_start3A_71 : memref<1xf32, #tpu.memory_space<vmem>>) target_semaphore(%arg22 : memref<!tpu.dma_semaphore, #tpu.memory_space<semaphore_mem>>)
    %iota3A = tpu.iota {dimensions = array<i32: 0>} : vector<16xi32>
    %convert_element_type3A = arith.sitofp %iota3A : vector<16xi32> to vector<16xf32>
    %mul3A_72 = arith.constant 0.000000e+00 : f32
    %mul3A_73 = vector.broadcast %mul3A_72 : f32 to vector<16xf32>
    %mul3A_74 = arith.mulf %convert_element_type3A, %mul3A_73 : vector<16xf32>
    %swap3A = arith.constant 0 : i32
    %swap3A_75 = arith.constant 0 : i32
    %swap3A_76 = arith.index_cast %swap3A : i32 to index
    %swap3A_77 = arith.index_cast %swap3A_75 : i32 to index
    %swap3A_78 = arith.constant 0 : index
    %swap3A_79 = tpu.vector_load %arg20[%swap3A_76, %swap3A_77, %swap3A_78] {strides = array<i32>} : memref<2x8x32xf32, #tpu.memory_space<vmem>>, vector<16xf32>,
    tpu.vector_store %arg20[%swap3A_76, %swap3A_77, %swap3A_78], %mul3A_74 {strides = array<i32>} : memref<2x8x32xf32, #tpu.memory_space<vmem>>, vector<16xf32>,
    %swap3A_80 = arith.constant 0 : i32
    %swap3A_81 = arith.constant 0 : i32
    %swap3A_82 = arith.index_cast %swap3A_80 : i32 to index
    %swap3A_83 = arith.index_cast %swap3A_81 : i32 to index
    %swap3A_84 = arith.constant 16 : index
    %swap3A_85 = tpu.vector_load %arg20[%swap3A_82, %swap3A_83, %swap3A_84] {strides = array<i32>} : memref<2x8x32xf32, #tpu.memory_space<vmem>>, vector<16xf32>,
    tpu.vector_store %arg20[%swap3A_82, %swap3A_83, %swap3A_84], %mul3A_74 {strides = array<i32>} : memref<2x8x32xf32, #tpu.memory_space<vmem>>, vector<16xf32>,
    %swap3A_86 = arith.constant 0 : i32
    %swap3A_87 = arith.constant 1 : i32
    %swap3A_88 = arith.index_cast %swap3A_86 : i32 to index
    %swap3A_89 = arith.index_cast %swap3A_87 : i32 to index
    %swap3A_90 = arith.constant 0 : index
    %swap3A_91 = tpu.vector_load %arg20[%swap3A_88, %swap3A_89, %swap3A_90] {strides = array<i32>} : memref<2x8x32xf32, #tpu.memory_space<vmem>>, vector<16xf32>,
    tpu.vector_store %arg20[%swap3A_88, %swap3A_89, %swap3A_90], %mul3A_74 {strides = array<i32>} : memref<2x8x32xf32, #tpu.memory_space<vmem>>, vector<16xf32>,
    %swap3A_92 = arith.constant 0 : i32
    %swap3A_93 = arith.constant 1 : i32
    %swap3A_94 = arith.index_cast %swap3A_92 : i32 to index
    %swap3A_95 = arith.index_cast %swap3A_93 : i32 to index
    %swap3A_96 = arith.constant 16 : index
    %swap3A_97 = tpu.vector_load %arg20[%swap3A_94, %swap3A_95, %swap3A_96] {strides = array<i32>} : memref<2x8x32xf32, #tpu.memory_space<vmem>>, vector<16xf32>,
    tpu.vector_store %arg20[%swap3A_94, %swap3A_95, %swap3A_96], %mul3A_74 {strides = array<i32>} : memref<2x8x32xf32, #tpu.memory_space<vmem>>, vector<16xf32>,
    %swap3A_98 = arith.constant 0 : i32
    %swap3A_99 = arith.constant 2 : i32
    %swap3A_100 = arith.index_cast %swap3A_98 : i32 to index
    %swap3A_101 = arith.index_cast %swap3A_99 : i32 to index
    %swap3A_102 = arith.constant 0 : index
    %swap3A_103 = tpu.vector_load %arg20[%swap3A_100, %swap3A_101, %swap3A_102] {strides = array<i32>} : memref<2x8x32xf32, #tpu.memory_space<vmem>>, vector<16xf32>,
    tpu.vector_store %arg20[%swap3A_100, %swap3A_101, %swap3A_102], %mul3A_74 {strides = array<i32>} : memref<2x8x32xf32, #tpu.memory_space<vmem>>, vector<16xf32>,
    %swap3A_104 = arith.constant 0 : i32
    %swap3A_105 = arith.constant 2 : i32
    %swap3A_106 = arith.index_cast %swap3A_104 : i32 to index
    %swap3A_107 = arith.index_cast %swap3A_105 : i32 to index
    %swap3A_108 = arith.constant 16 : index
    %swap3A_109 = tpu.vector_load %arg20[%swap3A_106, %swap3A_107, %swap3A_108] {strides = array<i32>} : memref<2x8x32xf32, #tpu.memory_space<vmem>>, vector<16xf32>,
    tpu.vector_store %arg20[%swap3A_106, %swap3A_107, %swap3A_108], %mul3A_74 {strides = array<i32>} : memref<2x8x32xf32, #tpu.memory_space<vmem>>, vector<16xf32>,
    %swap3A_110 = arith.constant 0 : i32
    %swap3A_111 = arith.constant 3 : i32
    %swap3A_112 = arith.index_cast %swap3A_110 : i32 to index
    %swap3A_113 = arith.index_cast %swap3A_111 : i32 to index
    %swap3A_114 = arith.constant 0 : index
    %swap3A_115 = tpu.vector_load %arg20[%swap3A_112, %swap3A_113, %swap3A_114] {strides = array<i32>} : memref<2x8x32xf32, #tpu.memory_space<vmem>>, vector<16xf32>,
    tpu.vector_store %arg20[%swap3A_112, %swap3A_113, %swap3A_114], %mul3A_74 {strides = array<i32>} : memref<2x8x32xf32, #tpu.memory_space<vmem>>, vector<16xf32>,
    %swap3A_116 = arith.constant 0 : i32
    %swap3A_117 = arith.constant 3 : i32
    %swap3A_118 = arith.index_cast %swap3A_116 : i32 to index
    %swap3A_119 = arith.index_cast %swap3A_117 : i32 to index
    %swap3A_120 = arith.constant 16 : index
    %swap3A_121 = tpu.vector_load %arg20[%swap3A_118, %swap3A_119, %swap3A_120] {strides = array<i32>} : memref<2x8x32xf32, #tpu.memory_space<vmem>>, vector<16xf32>,
    tpu.vector_store %arg20[%swap3A_118, %swap3A_119, %swap3A_120], %mul3A_74 {strides = array<i32>} : memref<2x8x32xf32, #tpu.memory_space<vmem>>, vector<16xf32>,
    %swap3A_122 = arith.constant 0 : i32
    %swap3A_123 = arith.constant 4 : i32
    %swap3A_124 = arith.index_cast %swap3A_122 : i32 to index
    %swap3A_125 = arith.index_cast %swap3A_123 : i32 to index
    %swap3A_126 = arith.constant 0 : index
    %swap3A_127 = tpu.vector_load %arg20[%swap3A_124, %swap3A_125, %swap3A_126] {strides = array<i32>} : memref<2x8x32xf32, #tpu.memory_space<vmem>>, vector<16xf32>,
    tpu.vector_store %arg20[%swap3A_124, %swap3A_125, %swap3A_126], %mul3A_74 {strides = array<i32>} : memref<2x8x32xf32, #tpu.memory_space<vmem>>, vector<16xf32>,
    %swap3A_128 = arith.constant 0 : i32
    %swap3A_129 = arith.constant 4 : i32
    %swap3A_130 = arith.index_cast %swap3A_128 : i32 to index
    %swap3A_131 = arith.index_cast %swap3A_129 : i32 to index
    %swap3A_132 = arith.constant 16 : index
    %swap3A_133 = tpu.vector_load %arg20[%swap3A_130, %swap3A_131, %swap3A_132] {strides = array<i32>} : memref<2x8x32xf32, #tpu.memory_space<vmem>>, vector<16xf32>,
    tpu.vector_store %arg20[%swap3A_130, %swap3A_131, %swap3A_132], %mul3A_74 {strides = array<i32>} : memref<2x8x32xf32, #tpu.memory_space<vmem>>, vector<16xf32>,
    %swap3A_134 = arith.constant 0 : i32
    %swap3A_135 = arith.constant 5 : i32
    %swap3A_136 = arith.index_cast %swap3A_134 : i32 to index
    %swap3A_137 = arith.index_cast %swap3A_135 : i32 to index
    %swap3A_138 = arith.constant 0 : index
    %swap3A_139 = tpu.vector_load %arg20[%swap3A_136, %swap3A_137, %swap3A_138] {strides = array<i32>} : memref<2x8x32xf32, #tpu.memory_space<vmem>>, vector<16xf32>,
    tpu.vector_store %arg20[%swap3A_136, %swap3A_137, %swap3A_138], %mul3A_74 {strides = array<i32>} : memref<2x8x32xf32, #tpu.memory_space<vmem>>, vector<16xf32>,
    %swap3A_140 = arith.constant 0 : i32
    %swap3A_141 = arith.constant 5 : i32
    %swap3A_142 = arith.index_cast %swap3A_140 : i32 to index
    %swap3A_143 = arith.index_cast %swap3A_141 : i32 to index
    %swap3A_144 = arith.constant 16 : index
    %swap3A_145 = tpu.vector_load %arg20[%swap3A_142, %swap3A_143, %swap3A_144] {strides = array<i32>} : memref<2x8x32xf32, #tpu.memory_space<vmem>>, vector<16xf32>,
    tpu.vector_store %arg20[%swap3A_142, %swap3A_143, %swap3A_144], %mul3A_74 {strides = array<i32>} : memref<2x8x32xf32, #tpu.memory_space<vmem>>, vector<16xf32>,
    %swap3A_146 = arith.constant 0 : i32
    %swap3A_147 = arith.constant 6 : i32
    %swap3A_148 = arith.index_cast %swap3A_146 : i32 to index
    %swap3A_149 = arith.index_cast %swap3A_147 : i32 to index
    %swap3A_150 = arith.constant 0 : index
    %swap3A_151 = tpu.vector_load %arg20[%swap3A_148, %swap3A_149, %swap3A_150] {strides = array<i32>} : memref<2x8x32xf32, #tpu.memory_space<vmem>>, vector<16xf32>,
    tpu.vector_store %arg20[%swap3A_148, %swap3A_149, %swap3A_150], %mul3A_74 {strides = array<i32>} : memref<2x8x32xf32, #tpu.memory_space<vmem>>, vector<16xf32>,
    %swap3A_152 = arith.constant 0 : i32
    %swap3A_153 = arith.constant 6 : i32
    %swap3A_154 = arith.index_cast %swap3A_152 : i32 to index
    %swap3A_155 = arith.index_cast %swap3A_153 : i32 to index
    %swap3A_156 = arith.constant 16 : index
    %swap3A_157 = tpu.vector_load %arg20[%swap3A_154, %swap3A_155, %swap3A_156] {strides = array<i32>} : memref<2x8x32xf32, #tpu.memory_space<vmem>>, vector<16xf32>,
    tpu.vector_store %arg20[%swap3A_154, %swap3A_155, %swap3A_156], %mul3A_74 {strides = array<i32>} : memref<2x8x32xf32, #tpu.memory_space<vmem>>, vector<16xf32>,
    %swap3A_158 = arith.constant 0 : i32
    %swap3A_159 = arith.constant 7 : i32
    %swap3A_160 = arith.index_cast %swap3A_158 : i32 to index
    %swap3A_161 = arith.index_cast %swap3A_159 : i32 to index
    %swap3A_162 = arith.constant 0 : index
    %swap3A_163 = tpu.vector_load %arg20[%swap3A_160, %swap3A_161, %swap3A_162] {strides = array<i32>} : memref<2x8x32xf32, #tpu.memory_space<vmem>>, vector<16xf32>,
    tpu.vector_store %arg20[%swap3A_160, %swap3A_161, %swap3A_162], %mul3A_74 {strides = array<i32>} : memref<2x8x32xf32, #tpu.memory_space<vmem>>, vector<16xf32>,
    %swap3A_164 = arith.constant 0 : i32
    %swap3A_165 = arith.constant 7 : i32
    %swap3A_166 = arith.index_cast %swap3A_164 : i32 to index
    %swap3A_167 = arith.index_cast %swap3A_165 : i32 to index
    %swap3A_168 = arith.constant 16 : index
    %swap3A_169 = tpu.vector_load %arg20[%swap3A_166, %swap3A_167, %swap3A_168] {strides = array<i32>} : memref<2x8x32xf32, #tpu.memory_space<vmem>>, vector<16xf32>,
    tpu.vector_store %arg20[%swap3A_166, %swap3A_167, %swap3A_168], %mul3A_74 {strides = array<i32>} : memref<2x8x32xf32, #tpu.memory_space<vmem>>, vector<16xf32>,
    %swap3A_170 = arith.constant 1 : i32
    %swap3A_171 = arith.constant 0 : i32
    %swap3A_172 = arith.index_cast %swap3A_170 : i32 to index
    %swap3A_173 = arith.index_cast %swap3A_171 : i32 to index
    %swap3A_174 = arith.constant 0 : index
    %swap3A_175 = tpu.vector_load %arg20[%swap3A_172, %swap3A_173, %swap3A_174] {strides = array<i32>} : memref<2x8x32xf32, #tpu.memory_space<vmem>>, vector<16xf32>,
    tpu.vector_store %arg20[%swap3A_172, %swap3A_173, %swap3A_174], %mul3A_74 {strides = array<i32>} : memref<2x8x32xf32, #tpu.memory_space<vmem>>, vector<16xf32>,
    %swap3A_176 = arith.constant 1 : i32
    %swap3A_177 = arith.constant 0 : i32
    %swap3A_178 = arith.index_cast %swap3A_176 : i32 to index
    %swap3A_179 = arith.index_cast %swap3A_177 : i32 to index
    %swap3A_180 = arith.constant 16 : index
    %swap3A_181 = tpu.vector_load %arg20[%swap3A_178, %swap3A_179, %swap3A_180] {strides = array<i32>} : memref<2x8x32xf32, #tpu.memory_space<vmem>>, vector<16xf32>,
    tpu.vector_store %arg20[%swap3A_178, %swap3A_179, %swap3A_180], %mul3A_74 {strides = array<i32>} : memref<2x8x32xf32, #tpu.memory_space<vmem>>, vector<16xf32>,
    %swap3A_182 = arith.constant 1 : i32
    %swap3A_183 = arith.constant 1 : i32
    %swap3A_184 = arith.index_cast %swap3A_182 : i32 to index
    %swap3A_185 = arith.index_cast %swap3A_183 : i32 to index
    %swap3A_186 = arith.constant 0 : index
    %swap3A_187 = tpu.vector_load %arg20[%swap3A_184, %swap3A_185, %swap3A_186] {strides = array<i32>} : memref<2x8x32xf32, #tpu.memory_space<vmem>>, vector<16xf32>,
    tpu.vector_store %arg20[%swap3A_184, %swap3A_185, %swap3A_186], %mul3A_74 {strides = array<i32>} : memref<2x8x32xf32, #tpu.memory_space<vmem>>, vector<16xf32>,
    %swap3A_188 = arith.constant 1 : i32
    %swap3A_189 = arith.constant 1 : i32
    %swap3A_190 = arith.index_cast %swap3A_188 : i32 to index
    %swap3A_191 = arith.index_cast %swap3A_189 : i32 to index
    %swap3A_192 = arith.constant 16 : index
    %swap3A_193 = tpu.vector_load %arg20[%swap3A_190, %swap3A_191, %swap3A_192] {strides = array<i32>} : memref<2x8x32xf32, #tpu.memory_space<vmem>>, vector<16xf32>,
    tpu.vector_store %arg20[%swap3A_190, %swap3A_191, %swap3A_192], %mul3A_74 {strides = array<i32>} : memref<2x8x32xf32, #tpu.memory_space<vmem>>, vector<16xf32>,
    %swap3A_194 = arith.constant 1 : i32
    %swap3A_195 = arith.constant 2 : i32
    %swap3A_196 = arith.index_cast %swap3A_194 : i32 to index
    %swap3A_197 = arith.index_cast %swap3A_195 : i32 to index
    %swap3A_198 = arith.constant 0 : index
    %swap3A_199 = tpu.vector_load %arg20[%swap3A_196, %swap3A_197, %swap3A_198] {strides = array<i32>} : memref<2x8x32xf32, #tpu.memory_space<vmem>>, vector<16xf32>,
    tpu.vector_store %arg20[%swap3A_196, %swap3A_197, %swap3A_198], %mul3A_74 {strides = array<i32>} : memref<2x8x32xf32, #tpu.memory_space<vmem>>, vector<16xf32>,
    %swap3A_200 = arith.constant 1 : i32
    %swap3A_201 = arith.constant 2 : i32
    %swap3A_202 = arith.index_cast %swap3A_200 : i32 to index
    %swap3A_203 = arith.index_cast %swap3A_201 : i32 to index
    %swap3A_204 = arith.constant 16 : index
    %swap3A_205 = tpu.vector_load %arg20[%swap3A_202, %swap3A_203, %swap3A_204] {strides = array<i32>} : memref<2x8x32xf32, #tpu.memory_space<vmem>>, vector<16xf32>,
    tpu.vector_store %arg20[%swap3A_202, %swap3A_203, %swap3A_204], %mul3A_74 {strides = array<i32>} : memref<2x8x32xf32, #tpu.memory_space<vmem>>, vector<16xf32>,
    %swap3A_206 = arith.constant 1 : i32
    %swap3A_207 = arith.constant 3 : i32
    %swap3A_208 = arith.index_cast %swap3A_206 : i32 to index
    %swap3A_209 = arith.index_cast %swap3A_207 : i32 to index
    %swap3A_210 = arith.constant 0 : index
    %swap3A_211 = tpu.vector_load %arg20[%swap3A_208, %swap3A_209, %swap3A_210] {strides = array<i32>} : memref<2x8x32xf32, #tpu.memory_space<vmem>>, vector<16xf32>,
    tpu.vector_store %arg20[%swap3A_208, %swap3A_209, %swap3A_210], %mul3A_74 {strides = array<i32>} : memref<2x8x32xf32, #tpu.memory_space<vmem>>, vector<16xf32>,
    %swap3A_212 = arith.constant 1 : i32
    %swap3A_213 = arith.constant 3 : i32
    %swap3A_214 = arith.index_cast %swap3A_212 : i32 to index
    %swap3A_215 = arith.index_cast %swap3A_213 : i32 to index
    %swap3A_216 = arith.constant 16 : index
    %swap3A_217 = tpu.vector_load %arg20[%swap3A_214, %swap3A_215, %swap3A_216] {strides = array<i32>} : memref<2x8x32xf32, #tpu.memory_space<vmem>>, vector<16xf32>,
    tpu.vector_store %arg20[%swap3A_214, %swap3A_215, %swap3A_216], %mul3A_74 {strides = array<i32>} : memref<2x8x32xf32, #tpu.memory_space<vmem>>, vector<16xf32>,
    %swap3A_218 = arith.constant 1 : i32
    %swap3A_219 = arith.constant 4 : i32
    %swap3A_220 = arith.index_cast %swap3A_218 : i32 to index
    %swap3A_221 = arith.index_cast %swap3A_219 : i32 to index
    %swap3A_222 = arith.constant 0 : index
    %swap3A_223 = tpu.vector_load %arg20[%swap3A_220, %swap3A_221, %swap3A_222] {strides = array<i32>} : memref<2x8x32xf32, #tpu.memory_space<vmem>>, vector<16xf32>,
    tpu.vector_store %arg20[%swap3A_220, %swap3A_221, %swap3A_222], %mul3A_74 {strides = array<i32>} : memref<2x8x32xf32, #tpu.memory_space<vmem>>, vector<16xf32>,
    %swap3A_224 = arith.constant 1 : i32
    %swap3A_225 = arith.constant 4 : i32
    %swap3A_226 = arith.index_cast %swap3A_224 : i32 to index
    %swap3A_227 = arith.index_cast %swap3A_225 : i32 to index
    %swap3A_228 = arith.constant 16 : index
    %swap3A_229 = tpu.vector_load %arg20[%swap3A_226, %swap3A_227, %swap3A_228] {strides = array<i32>} : memref<2x8x32xf32, #tpu.memory_space<vmem>>, vector<16xf32>,
    tpu.vector_store %arg20[%swap3A_226, %swap3A_227, %swap3A_228], %mul3A_74 {strides = array<i32>} : memref<2x8x32xf32, #tpu.memory_space<vmem>>, vector<16xf32>,
    %swap3A_230 = arith.constant 1 : i32
    %swap3A_231 = arith.constant 5 : i32
    %swap3A_232 = arith.index_cast %swap3A_230 : i32 to index
    %swap3A_233 = arith.index_cast %swap3A_231 : i32 to index
    %swap3A_234 = arith.constant 0 : index
    %swap3A_235 = tpu.vector_load %arg20[%swap3A_232, %swap3A_233, %swap3A_234] {strides = array<i32>} : memref<2x8x32xf32, #tpu.memory_space<vmem>>, vector<16xf32>,
    tpu.vector_store %arg20[%swap3A_232, %swap3A_233, %swap3A_234], %mul3A_74 {strides = array<i32>} : memref<2x8x32xf32, #tpu.memory_space<vmem>>, vector<16xf32>,
    %swap3A_236 = arith.constant 1 : i32
    %swap3A_237 = arith.constant 5 : i32
    %swap3A_238 = arith.index_cast %swap3A_236 : i32 to index
    %swap3A_239 = arith.index_cast %swap3A_237 : i32 to index
    %swap3A_240 = arith.constant 16 : index
    %swap3A_241 = tpu.vector_load %arg20[%swap3A_238, %swap3A_239, %swap3A_240] {strides = array<i32>} : memref<2x8x32xf32, #tpu.memory_space<vmem>>, vector<16xf32>,
    tpu.vector_store %arg20[%swap3A_238, %swap3A_239, %swap3A_240], %mul3A_74 {strides = array<i32>} : memref<2x8x32xf32, #tpu.memory_space<vmem>>, vector<16xf32>,
    %swap3A_242 = arith.constant 1 : i32
    %swap3A_243 = arith.constant 6 : i32
    %swap3A_244 = arith.index_cast %swap3A_242 : i32 to index
    %swap3A_245 = arith.index_cast %swap3A_243 : i32 to index
    %swap3A_246 = arith.constant 0 : index
    %swap3A_247 = tpu.vector_load %arg20[%swap3A_244, %swap3A_245, %swap3A_246] {strides = array<i32>} : memref<2x8x32xf32, #tpu.memory_space<vmem>>, vector<16xf32>,
    tpu.vector_store %arg20[%swap3A_244, %swap3A_245, %swap3A_246], %mul3A_74 {strides = array<i32>} : memref<2x8x32xf32, #tpu.memory_space<vmem>>, vector<16xf32>,
    %swap3A_248 = arith.constant 1 : i32
    %swap3A_249 = arith.constant 6 : i32
    %swap3A_250 = arith.index_cast %swap3A_248 : i32 to index
    %swap3A_251 = arith.index_cast %swap3A_249 : i32 to index
    %swap3A_252 = arith.constant 16 : index
    %swap3A_253 = tpu.vector_load %arg20[%swap3A_250, %swap3A_251, %swap3A_252] {strides = array<i32>} : memref<2x8x32xf32, #tpu.memory_space<vmem>>, vector<16xf32>,
    tpu.vector_store %arg20[%swap3A_250, %swap3A_251, %swap3A_252], %mul3A_74 {strides = array<i32>} : memref<2x8x32xf32, #tpu.memory_space<vmem>>, vector<16xf32>,
    %swap3A_254 = arith.constant 1 : i32
    %swap3A_255 = arith.constant 7 : i32
    %swap3A_256 = arith.index_cast %swap3A_254 : i32 to index
    %swap3A_257 = arith.index_cast %swap3A_255 : i32 to index
    %swap3A_258 = arith.constant 0 : index
    %swap3A_259 = tpu.vector_load %arg20[%swap3A_256, %swap3A_257, %swap3A_258] {strides = array<i32>} : memref<2x8x32xf32, #tpu.memory_space<vmem>>, vector<16xf32>,
    tpu.vector_store %arg20[%swap3A_256, %swap3A_257, %swap3A_258], %mul3A_74 {strides = array<i32>} : memref<2x8x32xf32, #tpu.memory_space<vmem>>, vector<16xf32>,
    %swap3A_260 = arith.constant 1 : i32
    %swap3A_261 = arith.constant 7 : i32
    %swap3A_262 = arith.index_cast %swap3A_260 : i32 to index
    %swap3A_263 = arith.index_cast %swap3A_261 : i32 to index
    %swap3A_264 = arith.constant 16 : index
    %swap3A_265 = tpu.vector_load %arg20[%swap3A_262, %swap3A_263, %swap3A_264] {strides = array<i32>} : memref<2x8x32xf32, #tpu.memory_space<vmem>>, vector<16xf32>,
    tpu.vector_store %arg20[%swap3A_262, %swap3A_263, %swap3A_264], %mul3A_74 {strides = array<i32>} : memref<2x8x32xf32, #tpu.memory_space<vmem>>, vector<16xf32>,
    tpu.wait_dma2 semaphore(%arg22 : memref<!tpu.dma_semaphore, #tpu.memory_space<semaphore_mem>>) src(%arg3 : memref<24xi32, #tpu.memory_space<hbm>>) dst(%arg13 : memref<24xi32, #tpu.memory_space<vmem>>)
    tpu.wait_dma2 semaphore(%arg22 : memref<!tpu.dma_semaphore, #tpu.memory_space<semaphore_mem>>) src(%arg4 : memref<24xi32, #tpu.memory_space<hbm>>) dst(%arg14 : memref<24xi32, #tpu.memory_space<vmem>>)
    %dma_wait3A = arith.constant 0 : i32
    %dma_wait3A_266 = arith.constant 0 : i32
    %dma_wait3A_267 = tpu.memref_slice %arg15[%dma_wait3A, %dma_wait3A_266] : memref<4x16xf32, #tpu.memory_space<vmem>> -> memref<1x1xf32, #tpu.memory_space<vmem>>
    %dma_wait3A_268 = tpu.memref_squeeze %dma_wait3A_267 : memref<1x1xf32, #tpu.memory_space<vmem>> -> memref<1xf32, #tpu.memory_space<vmem>>
    %dma_wait3A_269 = arith.constant 0 : i32
    %dma_wait3A_270 = tpu.memref_slice %arg15[%dma_wait3A, %dma_wait3A_269] : memref<4x16xf32, #tpu.memory_space<vmem>> -> memref<1x1xf32, #tpu.memory_space<vmem>>
    %dma_wait3A_271 = tpu.memref_squeeze %dma_wait3A_270 : memref<1x1xf32, #tpu.memory_space<vmem>> -> memref<1xf32, #tpu.memory_space<vmem>>
    tpu.wait_dma2 semaphore(%arg22 : memref<!tpu.dma_semaphore, #tpu.memory_space<semaphore_mem>>) src(%arg6 : memref<1xf32, #tpu.memory_space<hbm>>) dst(%dma_wait3A_271 : memref<1xf32, #tpu.memory_space<vmem>>)
    %dma_wait3A_272 = arith.constant 1 : i32
    %dma_wait3A_273 = arith.constant 0 : i32
    %dma_wait3A_274 = tpu.memref_slice %arg15[%dma_wait3A_272, %dma_wait3A_273] : memref<4x16xf32, #tpu.memory_space<vmem>> -> memref<1x1xf32, #tpu.memory_space<vmem>>
    %dma_wait3A_275 = tpu.memref_squeeze %dma_wait3A_274 : memref<1x1xf32, #tpu.memory_space<vmem>> -> memref<1xf32, #tpu.memory_space<vmem>>
    %dma_wait3A_276 = arith.constant 0 : i32
    %dma_wait3A_277 = tpu.memref_slice %arg15[%dma_wait3A_272, %dma_wait3A_276] : memref<4x16xf32, #tpu.memory_space<vmem>> -> memref<1x1xf32, #tpu.memory_space<vmem>>
    %dma_wait3A_278 = tpu.memref_squeeze %dma_wait3A_277 : memref<1x1xf32, #tpu.memory_space<vmem>> -> memref<1xf32, #tpu.memory_space<vmem>>
    tpu.wait_dma2 semaphore(%arg22 : memref<!tpu.dma_semaphore, #tpu.memory_space<semaphore_mem>>) src(%arg7 : memref<1xf32, #tpu.memory_space<hbm>>) dst(%dma_wait3A_278 : memref<1xf32, #tpu.memory_space<vmem>>)
    %dma_wait3A_279 = arith.constant 2 : i32
    %dma_wait3A_280 = arith.constant 0 : i32
    %dma_wait3A_281 = tpu.memref_slice %arg15[%dma_wait3A_279, %dma_wait3A_280] : memref<4x16xf32, #tpu.memory_space<vmem>> -> memref<1x1xf32, #tpu.memory_space<vmem>>
    %dma_wait3A_282 = tpu.memref_squeeze %dma_wait3A_281 : memref<1x1xf32, #tpu.memory_space<vmem>> -> memref<1xf32, #tpu.memory_space<vmem>>
    %dma_wait3A_283 = arith.constant 0 : i32
    %dma_wait3A_284 = tpu.memref_slice %arg15[%dma_wait3A_279, %dma_wait3A_283] : memref<4x16xf32, #tpu.memory_space<vmem>> -> memref<1x1xf32, #tpu.memory_space<vmem>>
    %dma_wait3A_285 = tpu.memref_squeeze %dma_wait3A_284 : memref<1x1xf32, #tpu.memory_space<vmem>> -> memref<1xf32, #tpu.memory_space<vmem>>
    tpu.wait_dma2 semaphore(%arg22 : memref<!tpu.dma_semaphore, #tpu.memory_space<semaphore_mem>>) src(%arg8 : memref<1xf32, #tpu.memory_space<hbm>>) dst(%dma_wait3A_285 : memref<1xf32, #tpu.memory_space<vmem>>)
    %dma_wait3A_286 = arith.constant 3 : i32
    %dma_wait3A_287 = arith.constant 0 : i32
    %dma_wait3A_288 = tpu.memref_slice %arg15[%dma_wait3A_286, %dma_wait3A_287] : memref<4x16xf32, #tpu.memory_space<vmem>> -> memref<1x1xf32, #tpu.memory_space<vmem>>
    %dma_wait3A_289 = tpu.memref_squeeze %dma_wait3A_288 : memref<1x1xf32, #tpu.memory_space<vmem>> -> memref<1xf32, #tpu.memory_space<vmem>>
    %dma_wait3A_290 = arith.constant 0 : i32
    %dma_wait3A_291 = tpu.memref_slice %arg15[%dma_wait3A_286, %dma_wait3A_290] : memref<4x16xf32, #tpu.memory_space<vmem>> -> memref<1x1xf32, #tpu.memory_space<vmem>>
    %dma_wait3A_292 = tpu.memref_squeeze %dma_wait3A_291 : memref<1x1xf32, #tpu.memory_space<vmem>> -> memref<1xf32, #tpu.memory_space<vmem>>
    tpu.wait_dma2 semaphore(%arg22 : memref<!tpu.dma_semaphore, #tpu.memory_space<semaphore_mem>>) src(%arg9 : memref<1xf32, #tpu.memory_space<hbm>>) dst(%dma_wait3A_292 : memref<1xf32, #tpu.memory_space<vmem>>)
    %get3A = arith.constant 0 : i32
    %get3A_293 = arith.index_cast %get3A : i32 to index
    %get3A_294 = arith.constant 0 : index
    %get3A_295 = tpu.vector_load %arg15[%get3A_293, %get3A_294] {strides = array<i32>} : memref<4x16xf32, #tpu.memory_space<vmem>>, vector<16xf32>,
    %broadcast_in_dim3A = arith.constant 0 : i32
    %broadcast_in_dim3A_296 = vector.broadcast %broadcast_in_dim3A : i32 to vector<16xi32>
    %lt3A_297 = arith.constant 0 : i32
    %lt3A_298 = vector.broadcast %lt3A_297 : i32 to vector<16xi32>
    %lt3A_299 = arith.cmpi slt, %broadcast_in_dim3A_296, %lt3A_298 : vector<16xi32>
    %add3A_300 = arith.constant 16 : i32
    %add3A_301 = vector.broadcast %add3A_300 : i32 to vector<16xi32>
    %add3A_302 = arith.addi %broadcast_in_dim3A_296, %add3A_301 : vector<16xi32>
    %select_n3A_303 = arith.select %lt3A_299, %add3A_302, %broadcast_in_dim3A_296 : vector<16xi1>, vector<16xi32>
    %reshape3A = vector.shape_cast %select_n3A_303 : vector<16xi32> to vector<16x1xi32>
    %gather3A = vector.shape_cast %reshape3A : vector<16x1xi32> to vector<16xi32>
    %gather3A_304 = tpu.dynamic_gather %get3A_295[%gather3A] in [0] : vector<16xf32>, vector<16xi32> -> vector<16xf32>
    %get3A_305 = arith.constant 1 : i32
    %get3A_306 = arith.index_cast %get3A_305 : i32 to index
    %get3A_307 = arith.constant 0 : index
    %get3A_308 = tpu.vector_load %arg15[%get3A_306, %get3A_307] {strides = array<i32>} : memref<4x16xf32, #tpu.memory_space<vmem>>, vector<16xf32>,
    %broadcast_in_dim3A_309 = arith.constant 0 : i32
    %broadcast_in_dim3A_310 = vector.broadcast %broadcast_in_dim3A_309 : i32 to vector<16xi32>
    %lt3A_311 = arith.constant 0 : i32
    %lt3A_312 = vector.broadcast %lt3A_311 : i32 to vector<16xi32>
    %lt3A_313 = arith.cmpi slt, %broadcast_in_dim3A_310, %lt3A_312 : vector<16xi32>
    %add3A_314 = arith.constant 16 : i32
    %add3A_315 = vector.broadcast %add3A_314 : i32 to vector<16xi32>
    %add3A_316 = arith.addi %broadcast_in_dim3A_310, %add3A_315 : vector<16xi32>
    %select_n3A_317 = arith.select %lt3A_313, %add3A_316, %broadcast_in_dim3A_310 : vector<16xi1>, vector<16xi32>
    %reshape3A_318 = vector.shape_cast %select_n3A_317 : vector<16xi32> to vector<16x1xi32>
    %gather3A_319 = vector.shape_cast %reshape3A_318 : vector<16x1xi32> to vector<16xi32>
    %gather3A_320 = tpu.dynamic_gather %get3A_308[%gather3A_319] in [0] : vector<16xf32>, vector<16xi32> -> vector<16xf32>
    %get3A_321 = arith.constant 2 : i32
    %get3A_322 = arith.index_cast %get3A_321 : i32 to index
    %get3A_323 = arith.constant 0 : index
    %get3A_324 = tpu.vector_load %arg15[%get3A_322, %get3A_323] {strides = array<i32>} : memref<4x16xf32, #tpu.memory_space<vmem>>, vector<16xf32>,
    %broadcast_in_dim3A_325 = arith.constant 0 : i32
    %broadcast_in_dim3A_326 = vector.broadcast %broadcast_in_dim3A_325 : i32 to vector<16xi32>
    %lt3A_327 = arith.constant 0 : i32
    %lt3A_328 = vector.broadcast %lt3A_327 : i32 to vector<16xi32>
    %lt3A_329 = arith.cmpi slt, %broadcast_in_dim3A_326, %lt3A_328 : vector<16xi32>
    %add3A_330 = arith.constant 16 : i32
    %add3A_331 = vector.broadcast %add3A_330 : i32 to vector<16xi32>
    %add3A_332 = arith.addi %broadcast_in_dim3A_326, %add3A_331 : vector<16xi32>
    %select_n3A_333 = arith.select %lt3A_329, %add3A_332, %broadcast_in_dim3A_326 : vector<16xi1>, vector<16xi32>
    %reshape3A_334 = vector.shape_cast %select_n3A_333 : vector<16xi32> to vector<16x1xi32>
    %gather3A_335 = vector.shape_cast %reshape3A_334 : vector<16x1xi32> to vector<16xi32>
    %gather3A_336 = tpu.dynamic_gather %get3A_324[%gather3A_335] in [0] : vector<16xf32>, vector<16xi32> -> vector<16xf32>
    %get3A_337 = arith.constant 3 : i32
    %get3A_338 = arith.index_cast %get3A_337 : i32 to index
    %get3A_339 = arith.constant 0 : index
    %get3A_340 = tpu.vector_load %arg15[%get3A_338, %get3A_339] {strides = array<i32>} : memref<4x16xf32, #tpu.memory_space<vmem>>, vector<16xf32>,
    %broadcast_in_dim3A_341 = arith.constant 0 : i32
    %broadcast_in_dim3A_342 = vector.broadcast %broadcast_in_dim3A_341 : i32 to vector<16xi32>
    %lt3A_343 = arith.constant 0 : i32
    %lt3A_344 = vector.broadcast %lt3A_343 : i32 to vector<16xi32>
    %lt3A_345 = arith.cmpi slt, %broadcast_in_dim3A_342, %lt3A_344 : vector<16xi32>
    %add3A_346 = arith.constant 16 : i32
    %add3A_347 = vector.broadcast %add3A_346 : i32 to vector<16xi32>
    %add3A_348 = arith.addi %broadcast_in_dim3A_342, %add3A_347 : vector<16xi32>
    %select_n3A_349 = arith.select %lt3A_345, %add3A_348, %broadcast_in_dim3A_342 : vector<16xi1>, vector<16xi32>
    %reshape3A_350 = vector.shape_cast %select_n3A_349 : vector<16xi32> to vector<16x1xi32>
    %gather3A_351 = vector.shape_cast %reshape3A_350 : vector<16x1xi32> to vector<16xi32>
    %gather3A_352 = tpu.dynamic_gather %get3A_340[%gather3A_351] in [0] : vector<16xf32>, vector<16xi32> -> vector<16xf32>
    %get3A_353 = arith.constant 0 : index
    %get3A_354 = tpu.vector_load %arg13[%get3A_353] {strides = array<i32>} : memref<24xi32, #tpu.memory_space<vmem>>, vector<16xi32>,
    %get3A_355 = arith.constant 8 : index
    %get3A_356 = tpu.vector_load %arg13[%get3A_355] {strides = array<i32>} : memref<24xi32, #tpu.memory_space<vmem>>, vector<16xi32>,
    %get3A_357 = arith.constant 0 : index
    %get3A_358 = tpu.vector_load %arg14[%get3A_357] {strides = array<i32>} : memref<24xi32, #tpu.memory_space<vmem>>, vector<16xi32>,
    %get3A_359 = arith.constant 8 : index
    %get3A_360 = tpu.vector_load %arg14[%get3A_359] {strides = array<i32>} : memref<24xi32, #tpu.memory_space<vmem>>, vector<16xi32>,
    %dma_wait3A_361 = arith.constant 0 : i32
    %dma_wait3A_362 = arith.constant 0 : i32
    %dma_wait3A_363 = tpu.memref_slice %arg2[%dma_wait3A_361, %select_n3A, %dma_wait3A_362, %mul3A_31] : memref<2x4x8x128xf32, #tpu.memory_space<hbm>> -> memref<2x1x8x32xf32, #tpu.memory_space<hbm>>
    %dma_wait3A_364 = tpu.memref_squeeze %dma_wait3A_363 : memref<2x1x8x32xf32, #tpu.memory_space<hbm>> -> memref<2x8x32xf32, #tpu.memory_space<hbm>>
    %dma_wait3A_365 = arith.constant 0 : i32
    %dma_wait3A_366 = arith.constant 0 : i32
    %dma_wait3A_367 = tpu.memref_slice %arg2[%dma_wait3A_365, %select_n3A, %dma_wait3A_366, %mul3A_31] : memref<2x4x8x128xf32, #tpu.memory_space<hbm>> -> memref<2x1x8x32xf32, #tpu.memory_space<hbm>>
    %dma_wait3A_368 = tpu.memref_squeeze %dma_wait3A_367 : memref<2x1x8x32xf32, #tpu.memory_space<hbm>> -> memref<2x8x32xf32, #tpu.memory_space<hbm>>
    tpu.wait_dma2 semaphore(%arg21 : memref<!tpu.dma_semaphore, #tpu.memory_space<semaphore_mem>>) src(%dma_wait3A_368 : memref<2x8x32xf32, #tpu.memory_space<hbm>>) dst(%arg11 : memref<2x8x32xf32, #tpu.memory_space<vmem>>)
    %dma_wait3A_369 = arith.constant 0 : i32
    %dma_wait3A_370 = tpu.memref_slice %arg5[%dma_wait3A_369, %mul3A_0] : memref<1x512xf32, #tpu.memory_space<hbm>> -> memref<1x32xf32, #tpu.memory_space<hbm>>
    %dma_wait3A_371 = tpu.memref_squeeze %dma_wait3A_370 : memref<1x32xf32, #tpu.memory_space<hbm>> -> memref<32xf32, #tpu.memory_space<hbm>>
    %dma_wait3A_372 = tpu.memref_slice %arg5[%dma_wait3A_369, %mul3A_0] : memref<1x512xf32, #tpu.memory_space<hbm>> -> memref<1x32xf32, #tpu.memory_space<hbm>>
    %dma_wait3A_373 = tpu.memref_squeeze %dma_wait3A_372 : memref<1x32xf32, #tpu.memory_space<hbm>> -> memref<32xf32, #tpu.memory_space<hbm>>
    tpu.wait_dma2 semaphore(%arg21 : memref<!tpu.dma_semaphore, #tpu.memory_space<semaphore_mem>>) src(%dma_wait3A_373 : memref<32xf32, #tpu.memory_space<hbm>>) dst(%arg12 : memref<32xf32, #tpu.memory_space<vmem>>)
    %shift_right_arithmetic3A = arith.constant 3 : i32
    %shift_right_arithmetic3A_374 = vector.broadcast %shift_right_arithmetic3A : i32 to vector<16xi32>
    %shift_right_arithmetic3A_375 = arith.shrsi %iota3A, %shift_right_arithmetic3A_374 : vector<16xi32>
    %and3A_376 = arith.constant 7 : i32
    %and3A_377 = vector.broadcast %and3A_376 : i32 to vector<16xi32>
    %and3A_378 = arith.andi %iota3A, %and3A_377 : vector<16xi32>
    %get3A_379 = arith.constant 0 : index
    %get3A_380 = tpu.vector_load %arg12[%get3A_379] {strides = array<i32>} : memref<32xf32, #tpu.memory_space<vmem>>, vector<16xf32>,
    %get3A_381 = arith.constant 16 : index
    %get3A_382 = tpu.vector_load %arg12[%get3A_381] {strides = array<i32>} : memref<32xf32, #tpu.memory_space<vmem>>, vector<16xf32>,
    %broadcast_in_dim3A_383 = arith.constant 0 : i32
    %broadcast_in_dim3A_384 = vector.broadcast %broadcast_in_dim3A_383 : i32 to vector<16xi32>
    %gather3A_385 = tpu.vector_load_idx %arg11[%shift_right_arithmetic3A_375, %and3A_378, %broadcast_in_dim3A_384] : memref<2x8x32xf32, #tpu.memory_space<vmem>>[vector<16xi32>, vector<16xi32>, vector<16xi32>], vector<16xf32>,
    %broadcast_in_dim3A_386 = arith.constant 0 : i32
    %broadcast_in_dim3A_387 = vector.broadcast %broadcast_in_dim3A_386 : i32 to vector<16xi32>
    %lt3A_388 = arith.constant 0 : i32
    %lt3A_389 = vector.broadcast %lt3A_388 : i32 to vector<16xi32>
    %lt3A_390 = arith.cmpi slt, %broadcast_in_dim3A_387, %lt3A_389 : vector<16xi32>
    %add3A_391 = arith.constant 16 : i32
    %add3A_392 = vector.broadcast %add3A_391 : i32 to vector<16xi32>
    %add3A_393 = arith.addi %broadcast_in_dim3A_387, %add3A_392 : vector<16xi32>
    %select_n3A_394 = arith.select %lt3A_390, %add3A_393, %broadcast_in_dim3A_387 : vector<16xi1>, vector<16xi32>
    %reshape3A_395 = vector.shape_cast %select_n3A_394 : vector<16xi32> to vector<16x1xi32>
    %gather3A_396 = vector.shape_cast %reshape3A_395 : vector<16x1xi32> to vector<16xi32>
    %gather3A_397 = tpu.dynamic_gather %get3A_380[%gather3A_396] in [0] : vector<16xf32>, vector<16xi32> -> vector<16xf32>
    %mul3A_398 = arith.mulf %gather3A_385, %gather3A_397 : vector<16xf32>
    %add3A_399 = arith.addf %mul3A_74, %mul3A_398 : vector<16xf32>
    %broadcast_in_dim3A_400 = arith.constant 1 : i32
    %broadcast_in_dim3A_401 = vector.broadcast %broadcast_in_dim3A_400 : i32 to vector<16xi32>
    %gather3A_402 = tpu.vector_load_idx %arg11[%shift_right_arithmetic3A_375, %and3A_378, %broadcast_in_dim3A_401] : memref<2x8x32xf32, #tpu.memory_space<vmem>>[vector<16xi32>, vector<16xi32>, vector<16xi32>], vector<16xf32>,
    %broadcast_in_dim3A_403 = arith.constant 1 : i32
    %broadcast_in_dim3A_404 = vector.broadcast %broadcast_in_dim3A_403 : i32 to vector<16xi32>
    %lt3A_405 = arith.constant 0 : i32
    %lt3A_406 = vector.broadcast %lt3A_405 : i32 to vector<16xi32>
    %lt3A_407 = arith.cmpi slt, %broadcast_in_dim3A_404, %lt3A_406 : vector<16xi32>
    %add3A_408 = arith.constant 16 : i32
    %add3A_409 = vector.broadcast %add3A_408 : i32 to vector<16xi32>
    %add3A_410 = arith.addi %broadcast_in_dim3A_404, %add3A_409 : vector<16xi32>
    %select_n3A_411 = arith.select %lt3A_407, %add3A_410, %broadcast_in_dim3A_404 : vector<16xi1>, vector<16xi32>
    %reshape3A_412 = vector.shape_cast %select_n3A_411 : vector<16xi32> to vector<16x1xi32>
    %gather3A_413 = vector.shape_cast %reshape3A_412 : vector<16x1xi32> to vector<16xi32>
    %gather3A_414 = tpu.dynamic_gather %get3A_380[%gather3A_413] in [0] : vector<16xf32>, vector<16xi32> -> vector<16xf32>
    %mul3A_415 = arith.mulf %gather3A_402, %gather3A_414 : vector<16xf32>
    %add3A_416 = arith.addf %add3A_399, %mul3A_415 : vector<16xf32>
    %broadcast_in_dim3A_417 = arith.constant 2 : i32
    %broadcast_in_dim3A_418 = vector.broadcast %broadcast_in_dim3A_417 : i32 to vector<16xi32>
    %gather3A_419 = tpu.vector_load_idx %arg11[%shift_right_arithmetic3A_375, %and3A_378, %broadcast_in_dim3A_418] : memref<2x8x32xf32, #tpu.memory_space<vmem>>[vector<16xi32>, vector<16xi32>, vector<16xi32>], vector<16xf32>,
    %broadcast_in_dim3A_420 = arith.constant 2 : i32
    %broadcast_in_dim3A_421 = vector.broadcast %broadcast_in_dim3A_420 : i32 to vector<16xi32>
    %lt3A_422 = arith.constant 0 : i32
    %lt3A_423 = vector.broadcast %lt3A_422 : i32 to vector<16xi32>
    %lt3A_424 = arith.cmpi slt, %broadcast_in_dim3A_421, %lt3A_423 : vector<16xi32>
    %add3A_425 = arith.constant 16 : i32
    %add3A_426 = vector.broadcast %add3A_425 : i32 to vector<16xi32>
    %add3A_427 = arith.addi %broadcast_in_dim3A_421, %add3A_426 : vector<16xi32>
    %select_n3A_428 = arith.select %lt3A_424, %add3A_427, %broadcast_in_dim3A_421 : vector<16xi1>, vector<16xi32>
    %reshape3A_429 = vector.shape_cast %select_n3A_428 : vector<16xi32> to vector<16x1xi32>
    %gather3A_430 = vector.shape_cast %reshape3A_429 : vector<16x1xi32> to vector<16xi32>
    %gather3A_431 = tpu.dynamic_gather %get3A_380[%gather3A_430] in [0] : vector<16xf32>, vector<16xi32> -> vector<16xf32>
    %mul3A_432 = arith.mulf %gather3A_419, %gather3A_431 : vector<16xf32>
    %add3A_433 = arith.addf %add3A_416, %mul3A_432 : vector<16xf32>
    %broadcast_in_dim3A_434 = arith.constant 3 : i32
    %broadcast_in_dim3A_435 = vector.broadcast %broadcast_in_dim3A_434 : i32 to vector<16xi32>
    %gather3A_436 = tpu.vector_load_idx %arg11[%shift_right_arithmetic3A_375, %and3A_378, %broadcast_in_dim3A_435] : memref<2x8x32xf32, #tpu.memory_space<vmem>>[vector<16xi32>, vector<16xi32>, vector<16xi32>], vector<16xf32>,
    %broadcast_in_dim3A_437 = arith.constant 3 : i32
    %broadcast_in_dim3A_438 = vector.broadcast %broadcast_in_dim3A_437 : i32 to vector<16xi32>
    %lt3A_439 = arith.constant 0 : i32
    %lt3A_440 = vector.broadcast %lt3A_439 : i32 to vector<16xi32>
    %lt3A_441 = arith.cmpi slt, %broadcast_in_dim3A_438, %lt3A_440 : vector<16xi32>
    %add3A_442 = arith.constant 16 : i32
    %add3A_443 = vector.broadcast %add3A_442 : i32 to vector<16xi32>
    %add3A_444 = arith.addi %broadcast_in_dim3A_438, %add3A_443 : vector<16xi32>
    %select_n3A_445 = arith.select %lt3A_441, %add3A_444, %broadcast_in_dim3A_438 : vector<16xi1>, vector<16xi32>
    %reshape3A_446 = vector.shape_cast %select_n3A_445 : vector<16xi32> to vector<16x1xi32>
    %gather3A_447 = vector.shape_cast %reshape3A_446 : vector<16x1xi32> to vector<16xi32>
    %gather3A_448 = tpu.dynamic_gather %get3A_380[%gather3A_447] in [0] : vector<16xf32>, vector<16xi32> -> vector<16xf32>
    %mul3A_449 = arith.mulf %gather3A_436, %gather3A_448 : vector<16xf32>
    %add3A_450 = arith.addf %add3A_433, %mul3A_449 : vector<16xf32>
    %broadcast_in_dim3A_451 = arith.constant 4 : i32
    %broadcast_in_dim3A_452 = vector.broadcast %broadcast_in_dim3A_451 : i32 to vector<16xi32>
    %gather3A_453 = tpu.vector_load_idx %arg11[%shift_right_arithmetic3A_375, %and3A_378, %broadcast_in_dim3A_452] : memref<2x8x32xf32, #tpu.memory_space<vmem>>[vector<16xi32>, vector<16xi32>, vector<16xi32>], vector<16xf32>,
    %broadcast_in_dim3A_454 = arith.constant 4 : i32
    %broadcast_in_dim3A_455 = vector.broadcast %broadcast_in_dim3A_454 : i32 to vector<16xi32>
    %lt3A_456 = arith.constant 0 : i32
    %lt3A_457 = vector.broadcast %lt3A_456 : i32 to vector<16xi32>
    %lt3A_458 = arith.cmpi slt, %broadcast_in_dim3A_455, %lt3A_457 : vector<16xi32>
    %add3A_459 = arith.constant 16 : i32
    %add3A_460 = vector.broadcast %add3A_459 : i32 to vector<16xi32>
    %add3A_461 = arith.addi %broadcast_in_dim3A_455, %add3A_460 : vector<16xi32>
    %select_n3A_462 = arith.select %lt3A_458, %add3A_461, %broadcast_in_dim3A_455 : vector<16xi1>, vector<16xi32>
    %reshape3A_463 = vector.shape_cast %select_n3A_462 : vector<16xi32> to vector<16x1xi32>
    %gather3A_464 = vector.shape_cast %reshape3A_463 : vector<16x1xi32> to vector<16xi32>
    %gather3A_465 = tpu.dynamic_gather %get3A_380[%gather3A_464] in [0] : vector<16xf32>, vector<16xi32> -> vector<16xf32>
    %mul3A_466 = arith.mulf %gather3A_453, %gather3A_465 : vector<16xf32>
    %add3A_467 = arith.addf %add3A_450, %mul3A_466 : vector<16xf32>
    %broadcast_in_dim3A_468 = arith.constant 5 : i32
    %broadcast_in_dim3A_469 = vector.broadcast %broadcast_in_dim3A_468 : i32 to vector<16xi32>
    %gather3A_470 = tpu.vector_load_idx %arg11[%shift_right_arithmetic3A_375, %and3A_378, %broadcast_in_dim3A_469] : memref<2x8x32xf32, #tpu.memory_space<vmem>>[vector<16xi32>, vector<16xi32>, vector<16xi32>], vector<16xf32>,
    %broadcast_in_dim3A_471 = arith.constant 5 : i32
    %broadcast_in_dim3A_472 = vector.broadcast %broadcast_in_dim3A_471 : i32 to vector<16xi32>
    %lt3A_473 = arith.constant 0 : i32
    %lt3A_474 = vector.broadcast %lt3A_473 : i32 to vector<16xi32>
    %lt3A_475 = arith.cmpi slt, %broadcast_in_dim3A_472, %lt3A_474 : vector<16xi32>
    %add3A_476 = arith.constant 16 : i32
    %add3A_477 = vector.broadcast %add3A_476 : i32 to vector<16xi32>
    %add3A_478 = arith.addi %broadcast_in_dim3A_472, %add3A_477 : vector<16xi32>
    %select_n3A_479 = arith.select %lt3A_475, %add3A_478, %broadcast_in_dim3A_472 : vector<16xi1>, vector<16xi32>
    %reshape3A_480 = vector.shape_cast %select_n3A_479 : vector<16xi32> to vector<16x1xi32>
    %gather3A_481 = vector.shape_cast %reshape3A_480 : vector<16x1xi32> to vector<16xi32>
    %gather3A_482 = tpu.dynamic_gather %get3A_380[%gather3A_481] in [0] : vector<16xf32>, vector<16xi32> -> vector<16xf32>
    %mul3A_483 = arith.mulf %gather3A_470, %gather3A_482 : vector<16xf32>
    %add3A_484 = arith.addf %add3A_467, %mul3A_483 : vector<16xf32>
    %broadcast_in_dim3A_485 = arith.constant 6 : i32
    %broadcast_in_dim3A_486 = vector.broadcast %broadcast_in_dim3A_485 : i32 to vector<16xi32>
    %gather3A_487 = tpu.vector_load_idx %arg11[%shift_right_arithmetic3A_375, %and3A_378, %broadcast_in_dim3A_486] : memref<2x8x32xf32, #tpu.memory_space<vmem>>[vector<16xi32>, vector<16xi32>, vector<16xi32>], vector<16xf32>,
    %broadcast_in_dim3A_488 = arith.constant 6 : i32
    %broadcast_in_dim3A_489 = vector.broadcast %broadcast_in_dim3A_488 : i32 to vector<16xi32>
    %lt3A_490 = arith.constant 0 : i32
    %lt3A_491 = vector.broadcast %lt3A_490 : i32 to vector<16xi32>
    %lt3A_492 = arith.cmpi slt, %broadcast_in_dim3A_489, %lt3A_491 : vector<16xi32>
    %add3A_493 = arith.constant 16 : i32
    %add3A_494 = vector.broadcast %add3A_493 : i32 to vector<16xi32>
    %add3A_495 = arith.addi %broadcast_in_dim3A_489, %add3A_494 : vector<16xi32>
    %select_n3A_496 = arith.select %lt3A_492, %add3A_495, %broadcast_in_dim3A_489 : vector<16xi1>, vector<16xi32>
    %reshape3A_497 = vector.shape_cast %select_n3A_496 : vector<16xi32> to vector<16x1xi32>
    %gather3A_498 = vector.shape_cast %reshape3A_497 : vector<16x1xi32> to vector<16xi32>
    %gather3A_499 = tpu.dynamic_gather %get3A_380[%gather3A_498] in [0] : vector<16xf32>, vector<16xi32> -> vector<16xf32>
    %mul3A_500 = arith.mulf %gather3A_487, %gather3A_499 : vector<16xf32>
    %add3A_501 = arith.addf %add3A_484, %mul3A_500 : vector<16xf32>
    %broadcast_in_dim3A_502 = arith.constant 7 : i32
    %broadcast_in_dim3A_503 = vector.broadcast %broadcast_in_dim3A_502 : i32 to vector<16xi32>
    %gather3A_504 = tpu.vector_load_idx %arg11[%shift_right_arithmetic3A_375, %and3A_378, %broadcast_in_dim3A_503] : memref<2x8x32xf32, #tpu.memory_space<vmem>>[vector<16xi32>, vector<16xi32>, vector<16xi32>], vector<16xf32>,
    %broadcast_in_dim3A_505 = arith.constant 7 : i32
    %broadcast_in_dim3A_506 = vector.broadcast %broadcast_in_dim3A_505 : i32 to vector<16xi32>
    %lt3A_507 = arith.constant 0 : i32
    %lt3A_508 = vector.broadcast %lt3A_507 : i32 to vector<16xi32>
    %lt3A_509 = arith.cmpi slt, %broadcast_in_dim3A_506, %lt3A_508 : vector<16xi32>
    %add3A_510 = arith.constant 16 : i32
    %add3A_511 = vector.broadcast %add3A_510 : i32 to vector<16xi32>
    %add3A_512 = arith.addi %broadcast_in_dim3A_506, %add3A_511 : vector<16xi32>
    %select_n3A_513 = arith.select %lt3A_509, %add3A_512, %broadcast_in_dim3A_506 : vector<16xi1>, vector<16xi32>
    %reshape3A_514 = vector.shape_cast %select_n3A_513 : vector<16xi32> to vector<16x1xi32>
    %gather3A_515 = vector.shape_cast %reshape3A_514 : vector<16x1xi32> to vector<16xi32>
    %gather3A_516 = tpu.dynamic_gather %get3A_380[%gather3A_515] in [0] : vector<16xf32>, vector<16xi32> -> vector<16xf32>
    %mul3A_517 = arith.mulf %gather3A_504, %gather3A_516 : vector<16xf32>
    %add3A_518 = arith.addf %add3A_501, %mul3A_517 : vector<16xf32>
    %broadcast_in_dim3A_519 = arith.constant 8 : i32
    %broadcast_in_dim3A_520 = vector.broadcast %broadcast_in_dim3A_519 : i32 to vector<16xi32>
    %gather3A_521 = tpu.vector_load_idx %arg11[%shift_right_arithmetic3A_375, %and3A_378, %broadcast_in_dim3A_520] : memref<2x8x32xf32, #tpu.memory_space<vmem>>[vector<16xi32>, vector<16xi32>, vector<16xi32>], vector<16xf32>,
    %broadcast_in_dim3A_522 = arith.constant 8 : i32
    %broadcast_in_dim3A_523 = vector.broadcast %broadcast_in_dim3A_522 : i32 to vector<16xi32>
    %lt3A_524 = arith.constant 0 : i32
    %lt3A_525 = vector.broadcast %lt3A_524 : i32 to vector<16xi32>
    %lt3A_526 = arith.cmpi slt, %broadcast_in_dim3A_523, %lt3A_525 : vector<16xi32>
    %add3A_527 = arith.constant 16 : i32
    %add3A_528 = vector.broadcast %add3A_527 : i32 to vector<16xi32>
    %add3A_529 = arith.addi %broadcast_in_dim3A_523, %add3A_528 : vector<16xi32>
    %select_n3A_530 = arith.select %lt3A_526, %add3A_529, %broadcast_in_dim3A_523 : vector<16xi1>, vector<16xi32>
    %reshape3A_531 = vector.shape_cast %select_n3A_530 : vector<16xi32> to vector<16x1xi32>
    %gather3A_532 = vector.shape_cast %reshape3A_531 : vector<16x1xi32> to vector<16xi32>
    %gather3A_533 = tpu.dynamic_gather %get3A_380[%gather3A_532] in [0] : vector<16xf32>, vector<16xi32> -> vector<16xf32>
    %mul3A_534 = arith.mulf %gather3A_521, %gather3A_533 : vector<16xf32>
    %add3A_535 = arith.addf %add3A_518, %mul3A_534 : vector<16xf32>
    %broadcast_in_dim3A_536 = arith.constant 9 : i32
    %broadcast_in_dim3A_537 = vector.broadcast %broadcast_in_dim3A_536 : i32 to vector<16xi32>
    %gather3A_538 = tpu.vector_load_idx %arg11[%shift_right_arithmetic3A_375, %and3A_378, %broadcast_in_dim3A_537] : memref<2x8x32xf32, #tpu.memory_space<vmem>>[vector<16xi32>, vector<16xi32>, vector<16xi32>], vector<16xf32>,
    %broadcast_in_dim3A_539 = arith.constant 9 : i32
    %broadcast_in_dim3A_540 = vector.broadcast %broadcast_in_dim3A_539 : i32 to vector<16xi32>
    %lt3A_541 = arith.constant 0 : i32
    %lt3A_542 = vector.broadcast %lt3A_541 : i32 to vector<16xi32>
    %lt3A_543 = arith.cmpi slt, %broadcast_in_dim3A_540, %lt3A_542 : vector<16xi32>
    %add3A_544 = arith.constant 16 : i32
    %add3A_545 = vector.broadcast %add3A_544 : i32 to vector<16xi32>
    %add3A_546 = arith.addi %broadcast_in_dim3A_540, %add3A_545 : vector<16xi32>
    %select_n3A_547 = arith.select %lt3A_543, %add3A_546, %broadcast_in_dim3A_540 : vector<16xi1>, vector<16xi32>
    %reshape3A_548 = vector.shape_cast %select_n3A_547 : vector<16xi32> to vector<16x1xi32>
    %gather3A_549 = vector.shape_cast %reshape3A_548 : vector<16x1xi32> to vector<16xi32>
    %gather3A_550 = tpu.dynamic_gather %get3A_380[%gather3A_549] in [0] : vector<16xf32>, vector<16xi32> -> vector<16xf32>
    %mul3A_551 = arith.mulf %gather3A_538, %gather3A_550 : vector<16xf32>
    %add3A_552 = arith.addf %add3A_535, %mul3A_551 : vector<16xf32>
    %broadcast_in_dim3A_553 = arith.constant 10 : i32
    %broadcast_in_dim3A_554 = vector.broadcast %broadcast_in_dim3A_553 : i32 to vector<16xi32>
    %gather3A_555 = tpu.vector_load_idx %arg11[%shift_right_arithmetic3A_375, %and3A_378, %broadcast_in_dim3A_554] : memref<2x8x32xf32, #tpu.memory_space<vmem>>[vector<16xi32>, vector<16xi32>, vector<16xi32>], vector<16xf32>,
    %broadcast_in_dim3A_556 = arith.constant 10 : i32
    %broadcast_in_dim3A_557 = vector.broadcast %broadcast_in_dim3A_556 : i32 to vector<16xi32>
    %lt3A_558 = arith.constant 0 : i32
    %lt3A_559 = vector.broadcast %lt3A_558 : i32 to vector<16xi32>
    %lt3A_560 = arith.cmpi slt, %broadcast_in_dim3A_557, %lt3A_559 : vector<16xi32>
    %add3A_561 = arith.constant 16 : i32
    %add3A_562 = vector.broadcast %add3A_561 : i32 to vector<16xi32>
    %add3A_563 = arith.addi %broadcast_in_dim3A_557, %add3A_562 : vector<16xi32>
    %select_n3A_564 = arith.select %lt3A_560, %add3A_563, %broadcast_in_dim3A_557 : vector<16xi1>, vector<16xi32>
    %reshape3A_565 = vector.shape_cast %select_n3A_564 : vector<16xi32> to vector<16x1xi32>
    %gather3A_566 = vector.shape_cast %reshape3A_565 : vector<16x1xi32> to vector<16xi32>
    %gather3A_567 = tpu.dynamic_gather %get3A_380[%gather3A_566] in [0] : vector<16xf32>, vector<16xi32> -> vector<16xf32>
    %mul3A_568 = arith.mulf %gather3A_555, %gather3A_567 : vector<16xf32>
    %add3A_569 = arith.addf %add3A_552, %mul3A_568 : vector<16xf32>
    %broadcast_in_dim3A_570 = arith.constant 11 : i32
    %broadcast_in_dim3A_571 = vector.broadcast %broadcast_in_dim3A_570 : i32 to vector<16xi32>
    %gather3A_572 = tpu.vector_load_idx %arg11[%shift_right_arithmetic3A_375, %and3A_378, %broadcast_in_dim3A_571] : memref<2x8x32xf32, #tpu.memory_space<vmem>>[vector<16xi32>, vector<16xi32>, vector<16xi32>], vector<16xf32>,
    %broadcast_in_dim3A_573 = arith.constant 11 : i32
    %broadcast_in_dim3A_574 = vector.broadcast %broadcast_in_dim3A_573 : i32 to vector<16xi32>
    %lt3A_575 = arith.constant 0 : i32
    %lt3A_576 = vector.broadcast %lt3A_575 : i32 to vector<16xi32>
    %lt3A_577 = arith.cmpi slt, %broadcast_in_dim3A_574, %lt3A_576 : vector<16xi32>
    %add3A_578 = arith.constant 16 : i32
    %add3A_579 = vector.broadcast %add3A_578 : i32 to vector<16xi32>
    %add3A_580 = arith.addi %broadcast_in_dim3A_574, %add3A_579 : vector<16xi32>
    %select_n3A_581 = arith.select %lt3A_577, %add3A_580, %broadcast_in_dim3A_574 : vector<16xi1>, vector<16xi32>
    %reshape3A_582 = vector.shape_cast %select_n3A_581 : vector<16xi32> to vector<16x1xi32>
    %gather3A_583 = vector.shape_cast %reshape3A_582 : vector<16x1xi32> to vector<16xi32>
    %gather3A_584 = tpu.dynamic_gather %get3A_380[%gather3A_583] in [0] : vector<16xf32>, vector<16xi32> -> vector<16xf32>
    %mul3A_585 = arith.mulf %gather3A_572, %gather3A_584 : vector<16xf32>
    %add3A_586 = arith.addf %add3A_569, %mul3A_585 : vector<16xf32>
    %broadcast_in_dim3A_587 = arith.constant 12 : i32
    %broadcast_in_dim3A_588 = vector.broadcast %broadcast_in_dim3A_587 : i32 to vector<16xi32>
    %gather3A_589 = tpu.vector_load_idx %arg11[%shift_right_arithmetic3A_375, %and3A_378, %broadcast_in_dim3A_588] : memref<2x8x32xf32, #tpu.memory_space<vmem>>[vector<16xi32>, vector<16xi32>, vector<16xi32>], vector<16xf32>,
    %broadcast_in_dim3A_590 = arith.constant 12 : i32
    %broadcast_in_dim3A_591 = vector.broadcast %broadcast_in_dim3A_590 : i32 to vector<16xi32>
    %lt3A_592 = arith.constant 0 : i32
    %lt3A_593 = vector.broadcast %lt3A_592 : i32 to vector<16xi32>
    %lt3A_594 = arith.cmpi slt, %broadcast_in_dim3A_591, %lt3A_593 : vector<16xi32>
    %add3A_595 = arith.constant 16 : i32
    %add3A_596 = vector.broadcast %add3A_595 : i32 to vector<16xi32>
    %add3A_597 = arith.addi %broadcast_in_dim3A_591, %add3A_596 : vector<16xi32>
    %select_n3A_598 = arith.select %lt3A_594, %add3A_597, %broadcast_in_dim3A_591 : vector<16xi1>, vector<16xi32>
    %reshape3A_599 = vector.shape_cast %select_n3A_598 : vector<16xi32> to vector<16x1xi32>
    %gather3A_600 = vector.shape_cast %reshape3A_599 : vector<16x1xi32> to vector<16xi32>
    %gather3A_601 = tpu.dynamic_gather %get3A_380[%gather3A_600] in [0] : vector<16xf32>, vector<16xi32> -> vector<16xf32>
    %mul3A_602 = arith.mulf %gather3A_589, %gather3A_601 : vector<16xf32>
    %add3A_603 = arith.addf %add3A_586, %mul3A_602 : vector<16xf32>
    %broadcast_in_dim3A_604 = arith.constant 13 : i32
    %broadcast_in_dim3A_605 = vector.broadcast %broadcast_in_dim3A_604 : i32 to vector<16xi32>
    %gather3A_606 = tpu.vector_load_idx %arg11[%shift_right_arithmetic3A_375, %and3A_378, %broadcast_in_dim3A_605] : memref<2x8x32xf32, #tpu.memory_space<vmem>>[vector<16xi32>, vector<16xi32>, vector<16xi32>], vector<16xf32>,
    %broadcast_in_dim3A_607 = arith.constant 13 : i32
    %broadcast_in_dim3A_608 = vector.broadcast %broadcast_in_dim3A_607 : i32 to vector<16xi32>
    %lt3A_609 = arith.constant 0 : i32
    %lt3A_610 = vector.broadcast %lt3A_609 : i32 to vector<16xi32>
    %lt3A_611 = arith.cmpi slt, %broadcast_in_dim3A_608, %lt3A_610 : vector<16xi32>
    %add3A_612 = arith.constant 16 : i32
    %add3A_613 = vector.broadcast %add3A_612 : i32 to vector<16xi32>
    %add3A_614 = arith.addi %broadcast_in_dim3A_608, %add3A_613 : vector<16xi32>
    %select_n3A_615 = arith.select %lt3A_611, %add3A_614, %broadcast_in_dim3A_608 : vector<16xi1>, vector<16xi32>
    %reshape3A_616 = vector.shape_cast %select_n3A_615 : vector<16xi32> to vector<16x1xi32>
    %gather3A_617 = vector.shape_cast %reshape3A_616 : vector<16x1xi32> to vector<16xi32>
    %gather3A_618 = tpu.dynamic_gather %get3A_380[%gather3A_617] in [0] : vector<16xf32>, vector<16xi32> -> vector<16xf32>
    %mul3A_619 = arith.mulf %gather3A_606, %gather3A_618 : vector<16xf32>
    %add3A_620 = arith.addf %add3A_603, %mul3A_619 : vector<16xf32>
    %broadcast_in_dim3A_621 = arith.constant 14 : i32
    %broadcast_in_dim3A_622 = vector.broadcast %broadcast_in_dim3A_621 : i32 to vector<16xi32>
    %gather3A_623 = tpu.vector_load_idx %arg11[%shift_right_arithmetic3A_375, %and3A_378, %broadcast_in_dim3A_622] : memref<2x8x32xf32, #tpu.memory_space<vmem>>[vector<16xi32>, vector<16xi32>, vector<16xi32>], vector<16xf32>,
    %broadcast_in_dim3A_624 = arith.constant 14 : i32
    %broadcast_in_dim3A_625 = vector.broadcast %broadcast_in_dim3A_624 : i32 to vector<16xi32>
    %lt3A_626 = arith.constant 0 : i32
    %lt3A_627 = vector.broadcast %lt3A_626 : i32 to vector<16xi32>
    %lt3A_628 = arith.cmpi slt, %broadcast_in_dim3A_625, %lt3A_627 : vector<16xi32>
    %add3A_629 = arith.constant 16 : i32
    %add3A_630 = vector.broadcast %add3A_629 : i32 to vector<16xi32>
    %add3A_631 = arith.addi %broadcast_in_dim3A_625, %add3A_630 : vector<16xi32>
    %select_n3A_632 = arith.select %lt3A_628, %add3A_631, %broadcast_in_dim3A_625 : vector<16xi1>, vector<16xi32>
    %reshape3A_633 = vector.shape_cast %select_n3A_632 : vector<16xi32> to vector<16x1xi32>
    %gather3A_634 = vector.shape_cast %reshape3A_633 : vector<16x1xi32> to vector<16xi32>
    %gather3A_635 = tpu.dynamic_gather %get3A_380[%gather3A_634] in [0] : vector<16xf32>, vector<16xi32> -> vector<16xf32>
    %mul3A_636 = arith.mulf %gather3A_623, %gather3A_635 : vector<16xf32>
    %add3A_637 = arith.addf %add3A_620, %mul3A_636 : vector<16xf32>
    %broadcast_in_dim3A_638 = arith.constant 15 : i32
    %broadcast_in_dim3A_639 = vector.broadcast %broadcast_in_dim3A_638 : i32 to vector<16xi32>
    %gather3A_640 = tpu.vector_load_idx %arg11[%shift_right_arithmetic3A_375, %and3A_378, %broadcast_in_dim3A_639] : memref<2x8x32xf32, #tpu.memory_space<vmem>>[vector<16xi32>, vector<16xi32>, vector<16xi32>], vector<16xf32>,
    %broadcast_in_dim3A_641 = arith.constant 15 : i32
    %broadcast_in_dim3A_642 = vector.broadcast %broadcast_in_dim3A_641 : i32 to vector<16xi32>
    %lt3A_643 = arith.constant 0 : i32
    %lt3A_644 = vector.broadcast %lt3A_643 : i32 to vector<16xi32>
    %lt3A_645 = arith.cmpi slt, %broadcast_in_dim3A_642, %lt3A_644 : vector<16xi32>
    %add3A_646 = arith.constant 16 : i32
    %add3A_647 = vector.broadcast %add3A_646 : i32 to vector<16xi32>
    %add3A_648 = arith.addi %broadcast_in_dim3A_642, %add3A_647 : vector<16xi32>
    %select_n3A_649 = arith.select %lt3A_645, %add3A_648, %broadcast_in_dim3A_642 : vector<16xi1>, vector<16xi32>
    %reshape3A_650 = vector.shape_cast %select_n3A_649 : vector<16xi32> to vector<16x1xi32>
    %gather3A_651 = vector.shape_cast %reshape3A_650 : vector<16x1xi32> to vector<16xi32>
    %gather3A_652 = tpu.dynamic_gather %get3A_380[%gather3A_651] in [0] : vector<16xf32>, vector<16xi32> -> vector<16xf32>
    %mul3A_653 = arith.mulf %gather3A_640, %gather3A_652 : vector<16xf32>
    %add3A_654 = arith.addf %add3A_637, %mul3A_653 : vector<16xf32>
    %broadcast_in_dim3A_655 = arith.constant 16 : i32
    %broadcast_in_dim3A_656 = vector.broadcast %broadcast_in_dim3A_655 : i32 to vector<16xi32>
    %gather3A_657 = tpu.vector_load_idx %arg11[%shift_right_arithmetic3A_375, %and3A_378, %broadcast_in_dim3A_656] : memref<2x8x32xf32, #tpu.memory_space<vmem>>[vector<16xi32>, vector<16xi32>, vector<16xi32>], vector<16xf32>,
    %broadcast_in_dim3A_658 = arith.constant 0 : i32
    %broadcast_in_dim3A_659 = vector.broadcast %broadcast_in_dim3A_658 : i32 to vector<16xi32>
    %lt3A_660 = arith.constant 0 : i32
    %lt3A_661 = vector.broadcast %lt3A_660 : i32 to vector<16xi32>
    %lt3A_662 = arith.cmpi slt, %broadcast_in_dim3A_659, %lt3A_661 : vector<16xi32>
    %add3A_663 = arith.constant 16 : i32
    %add3A_664 = vector.broadcast %add3A_663 : i32 to vector<16xi32>
    %add3A_665 = arith.addi %broadcast_in_dim3A_659, %add3A_664 : vector<16xi32>
    %select_n3A_666 = arith.select %lt3A_662, %add3A_665, %broadcast_in_dim3A_659 : vector<16xi1>, vector<16xi32>
    %reshape3A_667 = vector.shape_cast %select_n3A_666 : vector<16xi32> to vector<16x1xi32>
    %gather3A_668 = vector.shape_cast %reshape3A_667 : vector<16x1xi32> to vector<16xi32>
    %gather3A_669 = tpu.dynamic_gather %get3A_382[%gather3A_668] in [0] : vector<16xf32>, vector<16xi32> -> vector<16xf32>
    %mul3A_670 = arith.mulf %gather3A_657, %gather3A_669 : vector<16xf32>
    %add3A_671 = arith.addf %add3A_654, %mul3A_670 : vector<16xf32>
    %broadcast_in_dim3A_672 = arith.constant 17 : i32
    %broadcast_in_dim3A_673 = vector.broadcast %broadcast_in_dim3A_672 : i32 to vector<16xi32>
    %gather3A_674 = tpu.vector_load_idx %arg11[%shift_right_arithmetic3A_375, %and3A_378, %broadcast_in_dim3A_673] : memref<2x8x32xf32, #tpu.memory_space<vmem>>[vector<16xi32>, vector<16xi32>, vector<16xi32>], vector<16xf32>,
    %broadcast_in_dim3A_675 = arith.constant 1 : i32
    %broadcast_in_dim3A_676 = vector.broadcast %broadcast_in_dim3A_675 : i32 to vector<16xi32>
    %lt3A_677 = arith.constant 0 : i32
    %lt3A_678 = vector.broadcast %lt3A_677 : i32 to vector<16xi32>
    %lt3A_679 = arith.cmpi slt, %broadcast_in_dim3A_676, %lt3A_678 : vector<16xi32>
    %add3A_680 = arith.constant 16 : i32
    %add3A_681 = vector.broadcast %add3A_680 : i32 to vector<16xi32>
    %add3A_682 = arith.addi %broadcast_in_dim3A_676, %add3A_681 : vector<16xi32>
    %select_n3A_683 = arith.select %lt3A_679, %add3A_682, %broadcast_in_dim3A_676 : vector<16xi1>, vector<16xi32>
    %reshape3A_684 = vector.shape_cast %select_n3A_683 : vector<16xi32> to vector<16x1xi32>
    %gather3A_685 = vector.shape_cast %reshape3A_684 : vector<16x1xi32> to vector<16xi32>
    %gather3A_686 = tpu.dynamic_gather %get3A_382[%gather3A_685] in [0] : vector<16xf32>, vector<16xi32> -> vector<16xf32>
    %mul3A_687 = arith.mulf %gather3A_674, %gather3A_686 : vector<16xf32>
    %add3A_688 = arith.addf %add3A_671, %mul3A_687 : vector<16xf32>
    %broadcast_in_dim3A_689 = arith.constant 18 : i32
    %broadcast_in_dim3A_690 = vector.broadcast %broadcast_in_dim3A_689 : i32 to vector<16xi32>
    %gather3A_691 = tpu.vector_load_idx %arg11[%shift_right_arithmetic3A_375, %and3A_378, %broadcast_in_dim3A_690] : memref<2x8x32xf32, #tpu.memory_space<vmem>>[vector<16xi32>, vector<16xi32>, vector<16xi32>], vector<16xf32>,
    %broadcast_in_dim3A_692 = arith.constant 2 : i32
    %broadcast_in_dim3A_693 = vector.broadcast %broadcast_in_dim3A_692 : i32 to vector<16xi32>
    %lt3A_694 = arith.constant 0 : i32
    %lt3A_695 = vector.broadcast %lt3A_694 : i32 to vector<16xi32>
    %lt3A_696 = arith.cmpi slt, %broadcast_in_dim3A_693, %lt3A_695 : vector<16xi32>
    %add3A_697 = arith.constant 16 : i32
    %add3A_698 = vector.broadcast %add3A_697 : i32 to vector<16xi32>
    %add3A_699 = arith.addi %broadcast_in_dim3A_693, %add3A_698 : vector<16xi32>
    %select_n3A_700 = arith.select %lt3A_696, %add3A_699, %broadcast_in_dim3A_693 : vector<16xi1>, vector<16xi32>
    %reshape3A_701 = vector.shape_cast %select_n3A_700 : vector<16xi32> to vector<16x1xi32>
    %gather3A_702 = vector.shape_cast %reshape3A_701 : vector<16x1xi32> to vector<16xi32>
    %gather3A_703 = tpu.dynamic_gather %get3A_382[%gather3A_702] in [0] : vector<16xf32>, vector<16xi32> -> vector<16xf32>
    %mul3A_704 = arith.mulf %gather3A_691, %gather3A_703 : vector<16xf32>
    %add3A_705 = arith.addf %add3A_688, %mul3A_704 : vector<16xf32>
    %broadcast_in_dim3A_706 = arith.constant 19 : i32
    %broadcast_in_dim3A_707 = vector.broadcast %broadcast_in_dim3A_706 : i32 to vector<16xi32>
    %gather3A_708 = tpu.vector_load_idx %arg11[%shift_right_arithmetic3A_375, %and3A_378, %broadcast_in_dim3A_707] : memref<2x8x32xf32, #tpu.memory_space<vmem>>[vector<16xi32>, vector<16xi32>, vector<16xi32>], vector<16xf32>,
    %broadcast_in_dim3A_709 = arith.constant 3 : i32
    %broadcast_in_dim3A_710 = vector.broadcast %broadcast_in_dim3A_709 : i32 to vector<16xi32>
    %lt3A_711 = arith.constant 0 : i32
    %lt3A_712 = vector.broadcast %lt3A_711 : i32 to vector<16xi32>
    %lt3A_713 = arith.cmpi slt, %broadcast_in_dim3A_710, %lt3A_712 : vector<16xi32>
    %add3A_714 = arith.constant 16 : i32
    %add3A_715 = vector.broadcast %add3A_714 : i32 to vector<16xi32>
    %add3A_716 = arith.addi %broadcast_in_dim3A_710, %add3A_715 : vector<16xi32>
    %select_n3A_717 = arith.select %lt3A_713, %add3A_716, %broadcast_in_dim3A_710 : vector<16xi1>, vector<16xi32>
    %reshape3A_718 = vector.shape_cast %select_n3A_717 : vector<16xi32> to vector<16x1xi32>
    %gather3A_719 = vector.shape_cast %reshape3A_718 : vector<16x1xi32> to vector<16xi32>
    %gather3A_720 = tpu.dynamic_gather %get3A_382[%gather3A_719] in [0] : vector<16xf32>, vector<16xi32> -> vector<16xf32>
    %mul3A_721 = arith.mulf %gather3A_708, %gather3A_720 : vector<16xf32>
    %add3A_722 = arith.addf %add3A_705, %mul3A_721 : vector<16xf32>
    %broadcast_in_dim3A_723 = arith.constant 20 : i32
    %broadcast_in_dim3A_724 = vector.broadcast %broadcast_in_dim3A_723 : i32 to vector<16xi32>
    %gather3A_725 = tpu.vector_load_idx %arg11[%shift_right_arithmetic3A_375, %and3A_378, %broadcast_in_dim3A_724] : memref<2x8x32xf32, #tpu.memory_space<vmem>>[vector<16xi32>, vector<16xi32>, vector<16xi32>], vector<16xf32>,
    %broadcast_in_dim3A_726 = arith.constant 4 : i32
    %broadcast_in_dim3A_727 = vector.broadcast %broadcast_in_dim3A_726 : i32 to vector<16xi32>
    %lt3A_728 = arith.constant 0 : i32
    %lt3A_729 = vector.broadcast %lt3A_728 : i32 to vector<16xi32>
    %lt3A_730 = arith.cmpi slt, %broadcast_in_dim3A_727, %lt3A_729 : vector<16xi32>
    %add3A_731 = arith.constant 16 : i32
    %add3A_732 = vector.broadcast %add3A_731 : i32 to vector<16xi32>
    %add3A_733 = arith.addi %broadcast_in_dim3A_727, %add3A_732 : vector<16xi32>
    %select_n3A_734 = arith.select %lt3A_730, %add3A_733, %broadcast_in_dim3A_727 : vector<16xi1>, vector<16xi32>
    %reshape3A_735 = vector.shape_cast %select_n3A_734 : vector<16xi32> to vector<16x1xi32>
    %gather3A_736 = vector.shape_cast %reshape3A_735 : vector<16x1xi32> to vector<16xi32>
    %gather3A_737 = tpu.dynamic_gather %get3A_382[%gather3A_736] in [0] : vector<16xf32>, vector<16xi32> -> vector<16xf32>
    %mul3A_738 = arith.mulf %gather3A_725, %gather3A_737 : vector<16xf32>
    %add3A_739 = arith.addf %add3A_722, %mul3A_738 : vector<16xf32>
    %broadcast_in_dim3A_740 = arith.constant 21 : i32
    %broadcast_in_dim3A_741 = vector.broadcast %broadcast_in_dim3A_740 : i32 to vector<16xi32>
    %gather3A_742 = tpu.vector_load_idx %arg11[%shift_right_arithmetic3A_375, %and3A_378, %broadcast_in_dim3A_741] : memref<2x8x32xf32, #tpu.memory_space<vmem>>[vector<16xi32>, vector<16xi32>, vector<16xi32>], vector<16xf32>,
    %broadcast_in_dim3A_743 = arith.constant 5 : i32
    %broadcast_in_dim3A_744 = vector.broadcast %broadcast_in_dim3A_743 : i32 to vector<16xi32>
    %lt3A_745 = arith.constant 0 : i32
    %lt3A_746 = vector.broadcast %lt3A_745 : i32 to vector<16xi32>
    %lt3A_747 = arith.cmpi slt, %broadcast_in_dim3A_744, %lt3A_746 : vector<16xi32>
    %add3A_748 = arith.constant 16 : i32
    %add3A_749 = vector.broadcast %add3A_748 : i32 to vector<16xi32>
    %add3A_750 = arith.addi %broadcast_in_dim3A_744, %add3A_749 : vector<16xi32>
    %select_n3A_751 = arith.select %lt3A_747, %add3A_750, %broadcast_in_dim3A_744 : vector<16xi1>, vector<16xi32>
    %reshape3A_752 = vector.shape_cast %select_n3A_751 : vector<16xi32> to vector<16x1xi32>
    %gather3A_753 = vector.shape_cast %reshape3A_752 : vector<16x1xi32> to vector<16xi32>
    %gather3A_754 = tpu.dynamic_gather %get3A_382[%gather3A_753] in [0] : vector<16xf32>, vector<16xi32> -> vector<16xf32>
    %mul3A_755 = arith.mulf %gather3A_742, %gather3A_754 : vector<16xf32>
    %add3A_756 = arith.addf %add3A_739, %mul3A_755 : vector<16xf32>
    %broadcast_in_dim3A_757 = arith.constant 22 : i32
    %broadcast_in_dim3A_758 = vector.broadcast %broadcast_in_dim3A_757 : i32 to vector<16xi32>
    %gather3A_759 = tpu.vector_load_idx %arg11[%shift_right_arithmetic3A_375, %and3A_378, %broadcast_in_dim3A_758] : memref<2x8x32xf32, #tpu.memory_space<vmem>>[vector<16xi32>, vector<16xi32>, vector<16xi32>], vector<16xf32>,
    %broadcast_in_dim3A_760 = arith.constant 6 : i32
    %broadcast_in_dim3A_761 = vector.broadcast %broadcast_in_dim3A_760 : i32 to vector<16xi32>
    %lt3A_762 = arith.constant 0 : i32
    %lt3A_763 = vector.broadcast %lt3A_762 : i32 to vector<16xi32>
    %lt3A_764 = arith.cmpi slt, %broadcast_in_dim3A_761, %lt3A_763 : vector<16xi32>
    %add3A_765 = arith.constant 16 : i32
    %add3A_766 = vector.broadcast %add3A_765 : i32 to vector<16xi32>
    %add3A_767 = arith.addi %broadcast_in_dim3A_761, %add3A_766 : vector<16xi32>
    %select_n3A_768 = arith.select %lt3A_764, %add3A_767, %broadcast_in_dim3A_761 : vector<16xi1>, vector<16xi32>
    %reshape3A_769 = vector.shape_cast %select_n3A_768 : vector<16xi32> to vector<16x1xi32>
    %gather3A_770 = vector.shape_cast %reshape3A_769 : vector<16x1xi32> to vector<16xi32>
    %gather3A_771 = tpu.dynamic_gather %get3A_382[%gather3A_770] in [0] : vector<16xf32>, vector<16xi32> -> vector<16xf32>
    %mul3A_772 = arith.mulf %gather3A_759, %gather3A_771 : vector<16xf32>
    %add3A_773 = arith.addf %add3A_756, %mul3A_772 : vector<16xf32>
    %broadcast_in_dim3A_774 = arith.constant 23 : i32
    %broadcast_in_dim3A_775 = vector.broadcast %broadcast_in_dim3A_774 : i32 to vector<16xi32>
    %gather3A_776 = tpu.vector_load_idx %arg11[%shift_right_arithmetic3A_375, %and3A_378, %broadcast_in_dim3A_775] : memref<2x8x32xf32, #tpu.memory_space<vmem>>[vector<16xi32>, vector<16xi32>, vector<16xi32>], vector<16xf32>,
    %broadcast_in_dim3A_777 = arith.constant 7 : i32
    %broadcast_in_dim3A_778 = vector.broadcast %broadcast_in_dim3A_777 : i32 to vector<16xi32>
    %lt3A_779 = arith.constant 0 : i32
    %lt3A_780 = vector.broadcast %lt3A_779 : i32 to vector<16xi32>
    %lt3A_781 = arith.cmpi slt, %broadcast_in_dim3A_778, %lt3A_780 : vector<16xi32>
    %add3A_782 = arith.constant 16 : i32
    %add3A_783 = vector.broadcast %add3A_782 : i32 to vector<16xi32>
    %add3A_784 = arith.addi %broadcast_in_dim3A_778, %add3A_783 : vector<16xi32>
    %select_n3A_785 = arith.select %lt3A_781, %add3A_784, %broadcast_in_dim3A_778 : vector<16xi1>, vector<16xi32>
    %reshape3A_786 = vector.shape_cast %select_n3A_785 : vector<16xi32> to vector<16x1xi32>
    %gather3A_787 = vector.shape_cast %reshape3A_786 : vector<16x1xi32> to vector<16xi32>
    %gather3A_788 = tpu.dynamic_gather %get3A_382[%gather3A_787] in [0] : vector<16xf32>, vector<16xi32> -> vector<16xf32>
    %mul3A_789 = arith.mulf %gather3A_776, %gather3A_788 : vector<16xf32>
    %add3A_790 = arith.addf %add3A_773, %mul3A_789 : vector<16xf32>
    %broadcast_in_dim3A_791 = arith.constant 24 : i32
    %broadcast_in_dim3A_792 = vector.broadcast %broadcast_in_dim3A_791 : i32 to vector<16xi32>
    %gather3A_793 = tpu.vector_load_idx %arg11[%shift_right_arithmetic3A_375, %and3A_378, %broadcast_in_dim3A_792] : memref<2x8x32xf32, #tpu.memory_space<vmem>>[vector<16xi32>, vector<16xi32>, vector<16xi32>], vector<16xf32>,
    %broadcast_in_dim3A_794 = arith.constant 8 : i32
    %broadcast_in_dim3A_795 = vector.broadcast %broadcast_in_dim3A_794 : i32 to vector<16xi32>
    %lt3A_796 = arith.constant 0 : i32
    %lt3A_797 = vector.broadcast %lt3A_796 : i32 to vector<16xi32>
    %lt3A_798 = arith.cmpi slt, %broadcast_in_dim3A_795, %lt3A_797 : vector<16xi32>
    %add3A_799 = arith.constant 16 : i32
    %add3A_800 = vector.broadcast %add3A_799 : i32 to vector<16xi32>
    %add3A_801 = arith.addi %broadcast_in_dim3A_795, %add3A_800 : vector<16xi32>
    %select_n3A_802 = arith.select %lt3A_798, %add3A_801, %broadcast_in_dim3A_795 : vector<16xi1>, vector<16xi32>
    %reshape3A_803 = vector.shape_cast %select_n3A_802 : vector<16xi32> to vector<16x1xi32>
    %gather3A_804 = vector.shape_cast %reshape3A_803 : vector<16x1xi32> to vector<16xi32>
    %gather3A_805 = tpu.dynamic_gather %get3A_382[%gather3A_804] in [0] : vector<16xf32>, vector<16xi32> -> vector<16xf32>
    %mul3A_806 = arith.mulf %gather3A_793, %gather3A_805 : vector<16xf32>
    %add3A_807 = arith.addf %add3A_790, %mul3A_806 : vector<16xf32>
    %broadcast_in_dim3A_808 = arith.constant 25 : i32
    %broadcast_in_dim3A_809 = vector.broadcast %broadcast_in_dim3A_808 : i32 to vector<16xi32>
    %gather3A_810 = tpu.vector_load_idx %arg11[%shift_right_arithmetic3A_375, %and3A_378, %broadcast_in_dim3A_809] : memref<2x8x32xf32, #tpu.memory_space<vmem>>[vector<16xi32>, vector<16xi32>, vector<16xi32>], vector<16xf32>,
    %broadcast_in_dim3A_811 = arith.constant 9 : i32
    %broadcast_in_dim3A_812 = vector.broadcast %broadcast_in_dim3A_811 : i32 to vector<16xi32>
    %lt3A_813 = arith.constant 0 : i32
    %lt3A_814 = vector.broadcast %lt3A_813 : i32 to vector<16xi32>
    %lt3A_815 = arith.cmpi slt, %broadcast_in_dim3A_812, %lt3A_814 : vector<16xi32>
    %add3A_816 = arith.constant 16 : i32
    %add3A_817 = vector.broadcast %add3A_816 : i32 to vector<16xi32>
    %add3A_818 = arith.addi %broadcast_in_dim3A_812, %add3A_817 : vector<16xi32>
    %select_n3A_819 = arith.select %lt3A_815, %add3A_818, %broadcast_in_dim3A_812 : vector<16xi1>, vector<16xi32>
    %reshape3A_820 = vector.shape_cast %select_n3A_819 : vector<16xi32> to vector<16x1xi32>
    %gather3A_821 = vector.shape_cast %reshape3A_820 : vector<16x1xi32> to vector<16xi32>
    %gather3A_822 = tpu.dynamic_gather %get3A_382[%gather3A_821] in [0] : vector<16xf32>, vector<16xi32> -> vector<16xf32>
    %mul3A_823 = arith.mulf %gather3A_810, %gather3A_822 : vector<16xf32>
    %add3A_824 = arith.addf %add3A_807, %mul3A_823 : vector<16xf32>
    %broadcast_in_dim3A_825 = arith.constant 26 : i32
    %broadcast_in_dim3A_826 = vector.broadcast %broadcast_in_dim3A_825 : i32 to vector<16xi32>
    %gather3A_827 = tpu.vector_load_idx %arg11[%shift_right_arithmetic3A_375, %and3A_378, %broadcast_in_dim3A_826] : memref<2x8x32xf32, #tpu.memory_space<vmem>>[vector<16xi32>, vector<16xi32>, vector<16xi32>], vector<16xf32>,
    %broadcast_in_dim3A_828 = arith.constant 10 : i32
    %broadcast_in_dim3A_829 = vector.broadcast %broadcast_in_dim3A_828 : i32 to vector<16xi32>
    %lt3A_830 = arith.constant 0 : i32
    %lt3A_831 = vector.broadcast %lt3A_830 : i32 to vector<16xi32>
    %lt3A_832 = arith.cmpi slt, %broadcast_in_dim3A_829, %lt3A_831 : vector<16xi32>
    %add3A_833 = arith.constant 16 : i32
    %add3A_834 = vector.broadcast %add3A_833 : i32 to vector<16xi32>
    %add3A_835 = arith.addi %broadcast_in_dim3A_829, %add3A_834 : vector<16xi32>
    %select_n3A_836 = arith.select %lt3A_832, %add3A_835, %broadcast_in_dim3A_829 : vector<16xi1>, vector<16xi32>
    %reshape3A_837 = vector.shape_cast %select_n3A_836 : vector<16xi32> to vector<16x1xi32>
    %gather3A_838 = vector.shape_cast %reshape3A_837 : vector<16x1xi32> to vector<16xi32>
    %gather3A_839 = tpu.dynamic_gather %get3A_382[%gather3A_838] in [0] : vector<16xf32>, vector<16xi32> -> vector<16xf32>
    %mul3A_840 = arith.mulf %gather3A_827, %gather3A_839 : vector<16xf32>
    %add3A_841 = arith.addf %add3A_824, %mul3A_840 : vector<16xf32>
    %broadcast_in_dim3A_842 = arith.constant 27 : i32
    %broadcast_in_dim3A_843 = vector.broadcast %broadcast_in_dim3A_842 : i32 to vector<16xi32>
    %gather3A_844 = tpu.vector_load_idx %arg11[%shift_right_arithmetic3A_375, %and3A_378, %broadcast_in_dim3A_843] : memref<2x8x32xf32, #tpu.memory_space<vmem>>[vector<16xi32>, vector<16xi32>, vector<16xi32>], vector<16xf32>,
    %broadcast_in_dim3A_845 = arith.constant 11 : i32
    %broadcast_in_dim3A_846 = vector.broadcast %broadcast_in_dim3A_845 : i32 to vector<16xi32>
    %lt3A_847 = arith.constant 0 : i32
    %lt3A_848 = vector.broadcast %lt3A_847 : i32 to vector<16xi32>
    %lt3A_849 = arith.cmpi slt, %broadcast_in_dim3A_846, %lt3A_848 : vector<16xi32>
    %add3A_850 = arith.constant 16 : i32
    %add3A_851 = vector.broadcast %add3A_850 : i32 to vector<16xi32>
    %add3A_852 = arith.addi %broadcast_in_dim3A_846, %add3A_851 : vector<16xi32>
    %select_n3A_853 = arith.select %lt3A_849, %add3A_852, %broadcast_in_dim3A_846 : vector<16xi1>, vector<16xi32>
    %reshape3A_854 = vector.shape_cast %select_n3A_853 : vector<16xi32> to vector<16x1xi32>
    %gather3A_855 = vector.shape_cast %reshape3A_854 : vector<16x1xi32> to vector<16xi32>
    %gather3A_856 = tpu.dynamic_gather %get3A_382[%gather3A_855] in [0] : vector<16xf32>, vector<16xi32> -> vector<16xf32>
    %mul3A_857 = arith.mulf %gather3A_844, %gather3A_856 : vector<16xf32>
    %add3A_858 = arith.addf %add3A_841, %mul3A_857 : vector<16xf32>
    %broadcast_in_dim3A_859 = arith.constant 28 : i32
    %broadcast_in_dim3A_860 = vector.broadcast %broadcast_in_dim3A_859 : i32 to vector<16xi32>
    %gather3A_861 = tpu.vector_load_idx %arg11[%shift_right_arithmetic3A_375, %and3A_378, %broadcast_in_dim3A_860] : memref<2x8x32xf32, #tpu.memory_space<vmem>>[vector<16xi32>, vector<16xi32>, vector<16xi32>], vector<16xf32>,
    %broadcast_in_dim3A_862 = arith.constant 12 : i32
    %broadcast_in_dim3A_863 = vector.broadcast %broadcast_in_dim3A_862 : i32 to vector<16xi32>
    %lt3A_864 = arith.constant 0 : i32
    %lt3A_865 = vector.broadcast %lt3A_864 : i32 to vector<16xi32>
    %lt3A_866 = arith.cmpi slt, %broadcast_in_dim3A_863, %lt3A_865 : vector<16xi32>
    %add3A_867 = arith.constant 16 : i32
    %add3A_868 = vector.broadcast %add3A_867 : i32 to vector<16xi32>
    %add3A_869 = arith.addi %broadcast_in_dim3A_863, %add3A_868 : vector<16xi32>
    %select_n3A_870 = arith.select %lt3A_866, %add3A_869, %broadcast_in_dim3A_863 : vector<16xi1>, vector<16xi32>
    %reshape3A_871 = vector.shape_cast %select_n3A_870 : vector<16xi32> to vector<16x1xi32>
    %gather3A_872 = vector.shape_cast %reshape3A_871 : vector<16x1xi32> to vector<16xi32>
    %gather3A_873 = tpu.dynamic_gather %get3A_382[%gather3A_872] in [0] : vector<16xf32>, vector<16xi32> -> vector<16xf32>
    %mul3A_874 = arith.mulf %gather3A_861, %gather3A_873 : vector<16xf32>
    %add3A_875 = arith.addf %add3A_858, %mul3A_874 : vector<16xf32>
    %broadcast_in_dim3A_876 = arith.constant 29 : i32
    %broadcast_in_dim3A_877 = vector.broadcast %broadcast_in_dim3A_876 : i32 to vector<16xi32>
    %gather3A_878 = tpu.vector_load_idx %arg11[%shift_right_arithmetic3A_375, %and3A_378, %broadcast_in_dim3A_877] : memref<2x8x32xf32, #tpu.memory_space<vmem>>[vector<16xi32>, vector<16xi32>, vector<16xi32>], vector<16xf32>,
    %broadcast_in_dim3A_879 = arith.constant 13 : i32
    %broadcast_in_dim3A_880 = vector.broadcast %broadcast_in_dim3A_879 : i32 to vector<16xi32>
    %lt3A_881 = arith.constant 0 : i32
    %lt3A_882 = vector.broadcast %lt3A_881 : i32 to vector<16xi32>
    %lt3A_883 = arith.cmpi slt, %broadcast_in_dim3A_880, %lt3A_882 : vector<16xi32>
    %add3A_884 = arith.constant 16 : i32
    %add3A_885 = vector.broadcast %add3A_884 : i32 to vector<16xi32>
    %add3A_886 = arith.addi %broadcast_in_dim3A_880, %add3A_885 : vector<16xi32>
    %select_n3A_887 = arith.select %lt3A_883, %add3A_886, %broadcast_in_dim3A_880 : vector<16xi1>, vector<16xi32>
    %reshape3A_888 = vector.shape_cast %select_n3A_887 : vector<16xi32> to vector<16x1xi32>
    %gather3A_889 = vector.shape_cast %reshape3A_888 : vector<16x1xi32> to vector<16xi32>
    %gather3A_890 = tpu.dynamic_gather %get3A_382[%gather3A_889] in [0] : vector<16xf32>, vector<16xi32> -> vector<16xf32>
    %mul3A_891 = arith.mulf %gather3A_878, %gather3A_890 : vector<16xf32>
    %add3A_892 = arith.addf %add3A_875, %mul3A_891 : vector<16xf32>
    %broadcast_in_dim3A_893 = arith.constant 30 : i32
    %broadcast_in_dim3A_894 = vector.broadcast %broadcast_in_dim3A_893 : i32 to vector<16xi32>
    %gather3A_895 = tpu.vector_load_idx %arg11[%shift_right_arithmetic3A_375, %and3A_378, %broadcast_in_dim3A_894] : memref<2x8x32xf32, #tpu.memory_space<vmem>>[vector<16xi32>, vector<16xi32>, vector<16xi32>], vector<16xf32>,
    %broadcast_in_dim3A_896 = arith.constant 14 : i32
    %broadcast_in_dim3A_897 = vector.broadcast %broadcast_in_dim3A_896 : i32 to vector<16xi32>
    %lt3A_898 = arith.constant 0 : i32
    %lt3A_899 = vector.broadcast %lt3A_898 : i32 to vector<16xi32>
    %lt3A_900 = arith.cmpi slt, %broadcast_in_dim3A_897, %lt3A_899 : vector<16xi32>
    %add3A_901 = arith.constant 16 : i32
    %add3A_902 = vector.broadcast %add3A_901 : i32 to vector<16xi32>
    %add3A_903 = arith.addi %broadcast_in_dim3A_897, %add3A_902 : vector<16xi32>
    %select_n3A_904 = arith.select %lt3A_900, %add3A_903, %broadcast_in_dim3A_897 : vector<16xi1>, vector<16xi32>
    %reshape3A_905 = vector.shape_cast %select_n3A_904 : vector<16xi32> to vector<16x1xi32>
    %gather3A_906 = vector.shape_cast %reshape3A_905 : vector<16x1xi32> to vector<16xi32>
    %gather3A_907 = tpu.dynamic_gather %get3A_382[%gather3A_906] in [0] : vector<16xf32>, vector<16xi32> -> vector<16xf32>
    %mul3A_908 = arith.mulf %gather3A_895, %gather3A_907 : vector<16xf32>
    %add3A_909 = arith.addf %add3A_892, %mul3A_908 : vector<16xf32>
    %broadcast_in_dim3A_910 = arith.constant 31 : i32
    %broadcast_in_dim3A_911 = vector.broadcast %broadcast_in_dim3A_910 : i32 to vector<16xi32>
    %gather3A_912 = tpu.vector_load_idx %arg11[%shift_right_arithmetic3A_375, %and3A_378, %broadcast_in_dim3A_911] : memref<2x8x32xf32, #tpu.memory_space<vmem>>[vector<16xi32>, vector<16xi32>, vector<16xi32>], vector<16xf32>,
    %broadcast_in_dim3A_913 = arith.constant 15 : i32
    %broadcast_in_dim3A_914 = vector.broadcast %broadcast_in_dim3A_913 : i32 to vector<16xi32>
    %lt3A_915 = arith.constant 0 : i32
    %lt3A_916 = vector.broadcast %lt3A_915 : i32 to vector<16xi32>
    %lt3A_917 = arith.cmpi slt, %broadcast_in_dim3A_914, %lt3A_916 : vector<16xi32>
    %add3A_918 = arith.constant 16 : i32
    %add3A_919 = vector.broadcast %add3A_918 : i32 to vector<16xi32>
    %add3A_920 = arith.addi %broadcast_in_dim3A_914, %add3A_919 : vector<16xi32>
    %select_n3A_921 = arith.select %lt3A_917, %add3A_920, %broadcast_in_dim3A_914 : vector<16xi1>, vector<16xi32>
    %reshape3A_922 = vector.shape_cast %select_n3A_921 : vector<16xi32> to vector<16x1xi32>
    %gather3A_923 = vector.shape_cast %reshape3A_922 : vector<16x1xi32> to vector<16xi32>
    %gather3A_924 = tpu.dynamic_gather %get3A_382[%gather3A_923] in [0] : vector<16xf32>, vector<16xi32> -> vector<16xf32>
    %mul3A_925 = arith.mulf %gather3A_912, %gather3A_924 : vector<16xf32>
    %add3A_926 = arith.addf %add3A_909, %mul3A_925 : vector<16xf32>
    %swap3A_927 = arith.constant 0 : index
    %swap3A_928 = tpu.vector_load %arg16[%swap3A_927] {strides = array<i32>} : memref<16xf32, #tpu.memory_space<vmem>>, vector<16xf32>,
    tpu.vector_store %arg16[%swap3A_927], %add3A_926 {strides = array<i32>} : memref<16xf32, #tpu.memory_space<vmem>>, vector<16xf32>,
    "tpu.region"() ({
      %run_scoped3A = tpu.sem_alloc : memref<!tpu.dma_semaphore, #tpu.memory_space<semaphore_mem>>
      %dma_start3A_3005 = arith.constant 0 : i32
      %dma_start3A_3006 = tpu.memref_slice %arg19[%arg1, %dma_start3A_3005] : memref<16x16xf32, #tpu.memory_space<vmem_shared>> -> memref<1x16xf32, #tpu.memory_space<vmem_shared>>
      %dma_start3A_3007 = tpu.memref_squeeze %dma_start3A_3006 : memref<1x16xf32, #tpu.memory_space<vmem_shared>> -> memref<16xf32, #tpu.memory_space<vmem_shared>>
      %dma_start3A_3008 = arith.constant 0 : i32
      %dma_start3A_3009 = tpu.memref_slice %arg19[%arg1, %dma_start3A_3008] : memref<16x16xf32, #tpu.memory_space<vmem_shared>> -> memref<1x16xf32, #tpu.memory_space<vmem_shared>>
      %dma_start3A_3010 = tpu.memref_squeeze %dma_start3A_3009 : memref<1x16xf32, #tpu.memory_space<vmem_shared>> -> memref<16xf32, #tpu.memory_space<vmem_shared>>
      tpu.enqueue_dma source(%arg16 : memref<16xf32, #tpu.memory_space<vmem>>) target(%dma_start3A_3010 : memref<16xf32, #tpu.memory_space<vmem_shared>>) target_semaphore(%run_scoped3A : memref<!tpu.dma_semaphore, #tpu.memory_space<semaphore_mem>>)
      %dma_wait3A_3011 = arith.constant 0 : i32
      %dma_wait3A_3012 = tpu.memref_slice %arg19[%arg1, %dma_wait3A_3011] : memref<16x16xf32, #tpu.memory_space<vmem_shared>> -> memref<1x16xf32, #tpu.memory_space<vmem_shared>>
      %dma_wait3A_3013 = tpu.memref_squeeze %dma_wait3A_3012 : memref<1x16xf32, #tpu.memory_space<vmem_shared>> -> memref<16xf32, #tpu.memory_space<vmem_shared>>
      %dma_wait3A_3014 = arith.constant 0 : i32
      %dma_wait3A_3015 = tpu.memref_slice %arg19[%arg1, %dma_wait3A_3014] : memref<16x16xf32, #tpu.memory_space<vmem_shared>> -> memref<1x16xf32, #tpu.memory_space<vmem_shared>>
      %dma_wait3A_3016 = tpu.memref_squeeze %dma_wait3A_3015 : memref<1x16xf32, #tpu.memory_space<vmem_shared>> -> memref<16xf32, #tpu.memory_space<vmem_shared>>
      tpu.wait_dma2 semaphore(%run_scoped3A : memref<!tpu.dma_semaphore, #tpu.memory_space<semaphore_mem>>) src(%arg16 : memref<16xf32, #tpu.memory_space<vmem>>) dst(%dma_wait3A_3016 : memref<16xf32, #tpu.memory_space<vmem_shared>>)
      tpu.yield
    }) : () -> ()
    %broadcast_in_dim3A_929 = arith.constant 0 : i32
    %broadcast_in_dim3A_930 = vector.broadcast %broadcast_in_dim3A_929 : i32 to vector<16xi32>
    %lt3A_931 = arith.constant 0 : i32
    %lt3A_932 = vector.broadcast %lt3A_931 : i32 to vector<16xi32>
    %lt3A_933 = arith.cmpi slt, %broadcast_in_dim3A_930, %lt3A_932 : vector<16xi32>
    %add3A_934 = arith.constant 16 : i32
    %add3A_935 = vector.broadcast %add3A_934 : i32 to vector<16xi32>
    %add3A_936 = arith.addi %broadcast_in_dim3A_930, %add3A_935 : vector<16xi32>
    %select_n3A_937 = arith.select %lt3A_933, %add3A_936, %broadcast_in_dim3A_930 : vector<16xi1>, vector<16xi32>
    %reshape3A_938 = vector.shape_cast %select_n3A_937 : vector<16xi32> to vector<16x1xi32>
    %gather3A_939 = vector.shape_cast %reshape3A_938 : vector<16x1xi32> to vector<16xi32>
    %gather3A_940 = tpu.dynamic_gather %get3A_354[%gather3A_939] in [0] : vector<16xi32>, vector<16xi32> -> vector<16xi32>
    %broadcast_in_dim3A_941 = arith.constant 0 : i32
    %broadcast_in_dim3A_942 = vector.broadcast %broadcast_in_dim3A_941 : i32 to vector<16xi32>
    %lt3A_943 = arith.constant 0 : i32
    %lt3A_944 = vector.broadcast %lt3A_943 : i32 to vector<16xi32>
    %lt3A_945 = arith.cmpi slt, %broadcast_in_dim3A_942, %lt3A_944 : vector<16xi32>
    %add3A_946 = arith.constant 16 : i32
    %add3A_947 = vector.broadcast %add3A_946 : i32 to vector<16xi32>
    %add3A_948 = arith.addi %broadcast_in_dim3A_942, %add3A_947 : vector<16xi32>
    %select_n3A_949 = arith.select %lt3A_945, %add3A_948, %broadcast_in_dim3A_942 : vector<16xi1>, vector<16xi32>
    %reshape3A_950 = vector.shape_cast %select_n3A_949 : vector<16xi32> to vector<16x1xi32>
    %gather3A_951 = vector.shape_cast %reshape3A_950 : vector<16x1xi32> to vector<16xi32>
    %gather3A_952 = tpu.dynamic_gather %get3A_358[%gather3A_951] in [0] : vector<16xi32>, vector<16xi32> -> vector<16xi32>
    %shift_right_arithmetic3A_953 = arith.constant 3 : i32
    %shift_right_arithmetic3A_954 = vector.broadcast %shift_right_arithmetic3A_953 : i32 to vector<16xi32>
    %shift_right_arithmetic3A_955 = arith.shrsi %gather3A_940, %shift_right_arithmetic3A_954 : vector<16xi32>
    %and3A_956 = arith.constant 7 : i32
    %and3A_957 = vector.broadcast %and3A_956 : i32 to vector<16xi32>
    %and3A_958 = arith.andi %gather3A_940, %and3A_957 : vector<16xi32>
    %shift_right_arithmetic3A_959 = arith.constant 3 : i32
    %shift_right_arithmetic3A_960 = vector.broadcast %shift_right_arithmetic3A_959 : i32 to vector<16xi32>
    %shift_right_arithmetic3A_961 = arith.shrsi %gather3A_952, %shift_right_arithmetic3A_960 : vector<16xi32>
    %and3A_962 = arith.constant 7 : i32
    %and3A_963 = vector.broadcast %and3A_962 : i32 to vector<16xi32>
    %and3A_964 = arith.andi %gather3A_952, %and3A_963 : vector<16xi32>
    %add3A_965 = arith.constant 0 : i32
    %add3A_966 = vector.broadcast %add3A_965 : i32 to vector<16xi32>
    %add3A_967 = arith.addi %iota3A, %add3A_966 : vector<16xi32>
    %gather3A_968 = tpu.vector_load_idx %arg11[%shift_right_arithmetic3A_955, %and3A_958, %add3A_967] : memref<2x8x32xf32, #tpu.memory_space<vmem>>[vector<16xi32>, vector<16xi32>, vector<16xi32>], vector<16xf32>,
    %add3A_969 = arith.constant 0 : i32
    %add3A_970 = vector.broadcast %add3A_969 : i32 to vector<16xi32>
    %add3A_971 = arith.addi %iota3A, %add3A_970 : vector<16xi32>
    %mul3A_972 = arith.mulf %gather3A_968, %gather3A_320 : vector<16xf32>
    tpu.vector_store_idx %arg20[%shift_right_arithmetic3A_961, %and3A_964, %add3A_971], %mul3A_972 {add = true} : memref<2x8x32xf32, #tpu.memory_space<vmem>>[vector<16xi32>, vector<16xi32>, vector<16xi32>], vector<16xf32>,
    %add3A_973 = arith.constant 16 : i32
    %add3A_974 = vector.broadcast %add3A_973 : i32 to vector<16xi32>
    %add3A_975 = arith.addi %iota3A, %add3A_974 : vector<16xi32>
    %gather3A_976 = tpu.vector_load_idx %arg11[%shift_right_arithmetic3A_955, %and3A_958, %add3A_975] : memref<2x8x32xf32, #tpu.memory_space<vmem>>[vector<16xi32>, vector<16xi32>, vector<16xi32>], vector<16xf32>,
    %add3A_977 = arith.constant 16 : i32
    %add3A_978 = vector.broadcast %add3A_977 : i32 to vector<16xi32>
    %add3A_979 = arith.addi %iota3A, %add3A_978 : vector<16xi32>
    %mul3A_980 = arith.mulf %gather3A_976, %gather3A_320 : vector<16xf32>
    tpu.vector_store_idx %arg20[%shift_right_arithmetic3A_961, %and3A_964, %add3A_979], %mul3A_980 {add = true} : memref<2x8x32xf32, #tpu.memory_space<vmem>>[vector<16xi32>, vector<16xi32>, vector<16xi32>], vector<16xf32>,
    %broadcast_in_dim3A_981 = arith.constant 1 : i32
    %broadcast_in_dim3A_982 = vector.broadcast %broadcast_in_dim3A_981 : i32 to vector<16xi32>
    %lt3A_983 = arith.constant 0 : i32
    %lt3A_984 = vector.broadcast %lt3A_983 : i32 to vector<16xi32>
    %lt3A_985 = arith.cmpi slt, %broadcast_in_dim3A_982, %lt3A_984 : vector<16xi32>
    %add3A_986 = arith.constant 16 : i32
    %add3A_987 = vector.broadcast %add3A_986 : i32 to vector<16xi32>
    %add3A_988 = arith.addi %broadcast_in_dim3A_982, %add3A_987 : vector<16xi32>
    %select_n3A_989 = arith.select %lt3A_985, %add3A_988, %broadcast_in_dim3A_982 : vector<16xi1>, vector<16xi32>
    %reshape3A_990 = vector.shape_cast %select_n3A_989 : vector<16xi32> to vector<16x1xi32>
    %gather3A_991 = vector.shape_cast %reshape3A_990 : vector<16x1xi32> to vector<16xi32>
    %gather3A_992 = tpu.dynamic_gather %get3A_354[%gather3A_991] in [0] : vector<16xi32>, vector<16xi32> -> vector<16xi32>
    %broadcast_in_dim3A_993 = arith.constant 1 : i32
    %broadcast_in_dim3A_994 = vector.broadcast %broadcast_in_dim3A_993 : i32 to vector<16xi32>
    %lt3A_995 = arith.constant 0 : i32
    %lt3A_996 = vector.broadcast %lt3A_995 : i32 to vector<16xi32>
    %lt3A_997 = arith.cmpi slt, %broadcast_in_dim3A_994, %lt3A_996 : vector<16xi32>
    %add3A_998 = arith.constant 16 : i32
    %add3A_999 = vector.broadcast %add3A_998 : i32 to vector<16xi32>
    %add3A_1000 = arith.addi %broadcast_in_dim3A_994, %add3A_999 : vector<16xi32>
    %select_n3A_1001 = arith.select %lt3A_997, %add3A_1000, %broadcast_in_dim3A_994 : vector<16xi1>, vector<16xi32>
    %reshape3A_1002 = vector.shape_cast %select_n3A_1001 : vector<16xi32> to vector<16x1xi32>
    %gather3A_1003 = vector.shape_cast %reshape3A_1002 : vector<16x1xi32> to vector<16xi32>
    %gather3A_1004 = tpu.dynamic_gather %get3A_358[%gather3A_1003] in [0] : vector<16xi32>, vector<16xi32> -> vector<16xi32>
    %shift_right_arithmetic3A_1005 = arith.constant 3 : i32
    %shift_right_arithmetic3A_1006 = vector.broadcast %shift_right_arithmetic3A_1005 : i32 to vector<16xi32>
    %shift_right_arithmetic3A_1007 = arith.shrsi %gather3A_992, %shift_right_arithmetic3A_1006 : vector<16xi32>
    %and3A_1008 = arith.constant 7 : i32
    %and3A_1009 = vector.broadcast %and3A_1008 : i32 to vector<16xi32>
    %and3A_1010 = arith.andi %gather3A_992, %and3A_1009 : vector<16xi32>
    %shift_right_arithmetic3A_1011 = arith.constant 3 : i32
    %shift_right_arithmetic3A_1012 = vector.broadcast %shift_right_arithmetic3A_1011 : i32 to vector<16xi32>
    %shift_right_arithmetic3A_1013 = arith.shrsi %gather3A_1004, %shift_right_arithmetic3A_1012 : vector<16xi32>
    %and3A_1014 = arith.constant 7 : i32
    %and3A_1015 = vector.broadcast %and3A_1014 : i32 to vector<16xi32>
    %and3A_1016 = arith.andi %gather3A_1004, %and3A_1015 : vector<16xi32>
    %add3A_1017 = arith.constant 0 : i32
    %add3A_1018 = vector.broadcast %add3A_1017 : i32 to vector<16xi32>
    %add3A_1019 = arith.addi %iota3A, %add3A_1018 : vector<16xi32>
    %gather3A_1020 = tpu.vector_load_idx %arg11[%shift_right_arithmetic3A_1007, %and3A_1010, %add3A_1019] : memref<2x8x32xf32, #tpu.memory_space<vmem>>[vector<16xi32>, vector<16xi32>, vector<16xi32>], vector<16xf32>,
    %add3A_1021 = arith.constant 0 : i32
    %add3A_1022 = vector.broadcast %add3A_1021 : i32 to vector<16xi32>
    %add3A_1023 = arith.addi %iota3A, %add3A_1022 : vector<16xi32>
    %mul3A_1024 = arith.mulf %gather3A_1020, %gather3A_320 : vector<16xf32>
    tpu.vector_store_idx %arg20[%shift_right_arithmetic3A_1013, %and3A_1016, %add3A_1023], %mul3A_1024 {add = true} : memref<2x8x32xf32, #tpu.memory_space<vmem>>[vector<16xi32>, vector<16xi32>, vector<16xi32>], vector<16xf32>,
    %add3A_1025 = arith.constant 16 : i32
    %add3A_1026 = vector.broadcast %add3A_1025 : i32 to vector<16xi32>
    %add3A_1027 = arith.addi %iota3A, %add3A_1026 : vector<16xi32>
    %gather3A_1028 = tpu.vector_load_idx %arg11[%shift_right_arithmetic3A_1007, %and3A_1010, %add3A_1027] : memref<2x8x32xf32, #tpu.memory_space<vmem>>[vector<16xi32>, vector<16xi32>, vector<16xi32>], vector<16xf32>,
    %add3A_1029 = arith.constant 16 : i32
    %add3A_1030 = vector.broadcast %add3A_1029 : i32 to vector<16xi32>
    %add3A_1031 = arith.addi %iota3A, %add3A_1030 : vector<16xi32>
    %mul3A_1032 = arith.mulf %gather3A_1028, %gather3A_320 : vector<16xf32>
    tpu.vector_store_idx %arg20[%shift_right_arithmetic3A_1013, %and3A_1016, %add3A_1031], %mul3A_1032 {add = true} : memref<2x8x32xf32, #tpu.memory_space<vmem>>[vector<16xi32>, vector<16xi32>, vector<16xi32>], vector<16xf32>,
    %broadcast_in_dim3A_1033 = arith.constant 2 : i32
    %broadcast_in_dim3A_1034 = vector.broadcast %broadcast_in_dim3A_1033 : i32 to vector<16xi32>
    %lt3A_1035 = arith.constant 0 : i32
    %lt3A_1036 = vector.broadcast %lt3A_1035 : i32 to vector<16xi32>
    %lt3A_1037 = arith.cmpi slt, %broadcast_in_dim3A_1034, %lt3A_1036 : vector<16xi32>
    %add3A_1038 = arith.constant 16 : i32
    %add3A_1039 = vector.broadcast %add3A_1038 : i32 to vector<16xi32>
    %add3A_1040 = arith.addi %broadcast_in_dim3A_1034, %add3A_1039 : vector<16xi32>
    %select_n3A_1041 = arith.select %lt3A_1037, %add3A_1040, %broadcast_in_dim3A_1034 : vector<16xi1>, vector<16xi32>
    %reshape3A_1042 = vector.shape_cast %select_n3A_1041 : vector<16xi32> to vector<16x1xi32>
    %gather3A_1043 = vector.shape_cast %reshape3A_1042 : vector<16x1xi32> to vector<16xi32>
    %gather3A_1044 = tpu.dynamic_gather %get3A_354[%gather3A_1043] in [0] : vector<16xi32>, vector<16xi32> -> vector<16xi32>
    %broadcast_in_dim3A_1045 = arith.constant 2 : i32
    %broadcast_in_dim3A_1046 = vector.broadcast %broadcast_in_dim3A_1045 : i32 to vector<16xi32>
    %lt3A_1047 = arith.constant 0 : i32
    %lt3A_1048 = vector.broadcast %lt3A_1047 : i32 to vector<16xi32>
    %lt3A_1049 = arith.cmpi slt, %broadcast_in_dim3A_1046, %lt3A_1048 : vector<16xi32>
    %add3A_1050 = arith.constant 16 : i32
    %add3A_1051 = vector.broadcast %add3A_1050 : i32 to vector<16xi32>
    %add3A_1052 = arith.addi %broadcast_in_dim3A_1046, %add3A_1051 : vector<16xi32>
    %select_n3A_1053 = arith.select %lt3A_1049, %add3A_1052, %broadcast_in_dim3A_1046 : vector<16xi1>, vector<16xi32>
    %reshape3A_1054 = vector.shape_cast %select_n3A_1053 : vector<16xi32> to vector<16x1xi32>
    %gather3A_1055 = vector.shape_cast %reshape3A_1054 : vector<16x1xi32> to vector<16xi32>
    %gather3A_1056 = tpu.dynamic_gather %get3A_358[%gather3A_1055] in [0] : vector<16xi32>, vector<16xi32> -> vector<16xi32>
    %shift_right_arithmetic3A_1057 = arith.constant 3 : i32
    %shift_right_arithmetic3A_1058 = vector.broadcast %shift_right_arithmetic3A_1057 : i32 to vector<16xi32>
    %shift_right_arithmetic3A_1059 = arith.shrsi %gather3A_1044, %shift_right_arithmetic3A_1058 : vector<16xi32>
    %and3A_1060 = arith.constant 7 : i32
    %and3A_1061 = vector.broadcast %and3A_1060 : i32 to vector<16xi32>
    %and3A_1062 = arith.andi %gather3A_1044, %and3A_1061 : vector<16xi32>
    %shift_right_arithmetic3A_1063 = arith.constant 3 : i32
    %shift_right_arithmetic3A_1064 = vector.broadcast %shift_right_arithmetic3A_1063 : i32 to vector<16xi32>
    %shift_right_arithmetic3A_1065 = arith.shrsi %gather3A_1056, %shift_right_arithmetic3A_1064 : vector<16xi32>
    %and3A_1066 = arith.constant 7 : i32
    %and3A_1067 = vector.broadcast %and3A_1066 : i32 to vector<16xi32>
    %and3A_1068 = arith.andi %gather3A_1056, %and3A_1067 : vector<16xi32>
    %add3A_1069 = arith.constant 0 : i32
    %add3A_1070 = vector.broadcast %add3A_1069 : i32 to vector<16xi32>
    %add3A_1071 = arith.addi %iota3A, %add3A_1070 : vector<16xi32>
    %gather3A_1072 = tpu.vector_load_idx %arg11[%shift_right_arithmetic3A_1059, %and3A_1062, %add3A_1071] : memref<2x8x32xf32, #tpu.memory_space<vmem>>[vector<16xi32>, vector<16xi32>, vector<16xi32>], vector<16xf32>,
    %add3A_1073 = arith.constant 0 : i32
    %add3A_1074 = vector.broadcast %add3A_1073 : i32 to vector<16xi32>
    %add3A_1075 = arith.addi %iota3A, %add3A_1074 : vector<16xi32>
    %mul3A_1076 = arith.mulf %gather3A_1072, %gather3A_320 : vector<16xf32>
    tpu.vector_store_idx %arg20[%shift_right_arithmetic3A_1065, %and3A_1068, %add3A_1075], %mul3A_1076 {add = true} : memref<2x8x32xf32, #tpu.memory_space<vmem>>[vector<16xi32>, vector<16xi32>, vector<16xi32>], vector<16xf32>,
    %add3A_1077 = arith.constant 16 : i32
    %add3A_1078 = vector.broadcast %add3A_1077 : i32 to vector<16xi32>
    %add3A_1079 = arith.addi %iota3A, %add3A_1078 : vector<16xi32>
    %gather3A_1080 = tpu.vector_load_idx %arg11[%shift_right_arithmetic3A_1059, %and3A_1062, %add3A_1079] : memref<2x8x32xf32, #tpu.memory_space<vmem>>[vector<16xi32>, vector<16xi32>, vector<16xi32>], vector<16xf32>,
    %add3A_1081 = arith.constant 16 : i32
    %add3A_1082 = vector.broadcast %add3A_1081 : i32 to vector<16xi32>
    %add3A_1083 = arith.addi %iota3A, %add3A_1082 : vector<16xi32>
    %mul3A_1084 = arith.mulf %gather3A_1080, %gather3A_320 : vector<16xf32>
    tpu.vector_store_idx %arg20[%shift_right_arithmetic3A_1065, %and3A_1068, %add3A_1083], %mul3A_1084 {add = true} : memref<2x8x32xf32, #tpu.memory_space<vmem>>[vector<16xi32>, vector<16xi32>, vector<16xi32>], vector<16xf32>,
    %broadcast_in_dim3A_1085 = arith.constant 3 : i32
    %broadcast_in_dim3A_1086 = vector.broadcast %broadcast_in_dim3A_1085 : i32 to vector<16xi32>
    %lt3A_1087 = arith.constant 0 : i32
    %lt3A_1088 = vector.broadcast %lt3A_1087 : i32 to vector<16xi32>
    %lt3A_1089 = arith.cmpi slt, %broadcast_in_dim3A_1086, %lt3A_1088 : vector<16xi32>
    %add3A_1090 = arith.constant 16 : i32
    %add3A_1091 = vector.broadcast %add3A_1090 : i32 to vector<16xi32>
    %add3A_1092 = arith.addi %broadcast_in_dim3A_1086, %add3A_1091 : vector<16xi32>
    %select_n3A_1093 = arith.select %lt3A_1089, %add3A_1092, %broadcast_in_dim3A_1086 : vector<16xi1>, vector<16xi32>
    %reshape3A_1094 = vector.shape_cast %select_n3A_1093 : vector<16xi32> to vector<16x1xi32>
    %gather3A_1095 = vector.shape_cast %reshape3A_1094 : vector<16x1xi32> to vector<16xi32>
    %gather3A_1096 = tpu.dynamic_gather %get3A_354[%gather3A_1095] in [0] : vector<16xi32>, vector<16xi32> -> vector<16xi32>
    %broadcast_in_dim3A_1097 = arith.constant 3 : i32
    %broadcast_in_dim3A_1098 = vector.broadcast %broadcast_in_dim3A_1097 : i32 to vector<16xi32>
    %lt3A_1099 = arith.constant 0 : i32
    %lt3A_1100 = vector.broadcast %lt3A_1099 : i32 to vector<16xi32>
    %lt3A_1101 = arith.cmpi slt, %broadcast_in_dim3A_1098, %lt3A_1100 : vector<16xi32>
    %add3A_1102 = arith.constant 16 : i32
    %add3A_1103 = vector.broadcast %add3A_1102 : i32 to vector<16xi32>
    %add3A_1104 = arith.addi %broadcast_in_dim3A_1098, %add3A_1103 : vector<16xi32>
    %select_n3A_1105 = arith.select %lt3A_1101, %add3A_1104, %broadcast_in_dim3A_1098 : vector<16xi1>, vector<16xi32>
    %reshape3A_1106 = vector.shape_cast %select_n3A_1105 : vector<16xi32> to vector<16x1xi32>
    %gather3A_1107 = vector.shape_cast %reshape3A_1106 : vector<16x1xi32> to vector<16xi32>
    %gather3A_1108 = tpu.dynamic_gather %get3A_358[%gather3A_1107] in [0] : vector<16xi32>, vector<16xi32> -> vector<16xi32>
    %shift_right_arithmetic3A_1109 = arith.constant 3 : i32
    %shift_right_arithmetic3A_1110 = vector.broadcast %shift_right_arithmetic3A_1109 : i32 to vector<16xi32>
    %shift_right_arithmetic3A_1111 = arith.shrsi %gather3A_1096, %shift_right_arithmetic3A_1110 : vector<16xi32>
    %and3A_1112 = arith.constant 7 : i32
    %and3A_1113 = vector.broadcast %and3A_1112 : i32 to vector<16xi32>
    %and3A_1114 = arith.andi %gather3A_1096, %and3A_1113 : vector<16xi32>
    %shift_right_arithmetic3A_1115 = arith.constant 3 : i32
    %shift_right_arithmetic3A_1116 = vector.broadcast %shift_right_arithmetic3A_1115 : i32 to vector<16xi32>
    %shift_right_arithmetic3A_1117 = arith.shrsi %gather3A_1108, %shift_right_arithmetic3A_1116 : vector<16xi32>
    %and3A_1118 = arith.constant 7 : i32
    %and3A_1119 = vector.broadcast %and3A_1118 : i32 to vector<16xi32>
    %and3A_1120 = arith.andi %gather3A_1108, %and3A_1119 : vector<16xi32>
    %add3A_1121 = arith.constant 0 : i32
    %add3A_1122 = vector.broadcast %add3A_1121 : i32 to vector<16xi32>
    %add3A_1123 = arith.addi %iota3A, %add3A_1122 : vector<16xi32>
    %gather3A_1124 = tpu.vector_load_idx %arg11[%shift_right_arithmetic3A_1111, %and3A_1114, %add3A_1123] : memref<2x8x32xf32, #tpu.memory_space<vmem>>[vector<16xi32>, vector<16xi32>, vector<16xi32>], vector<16xf32>,
    %add3A_1125 = arith.constant 0 : i32
    %add3A_1126 = vector.broadcast %add3A_1125 : i32 to vector<16xi32>
    %add3A_1127 = arith.addi %iota3A, %add3A_1126 : vector<16xi32>
    %mul3A_1128 = arith.mulf %gather3A_1124, %gather3A_320 : vector<16xf32>
    tpu.vector_store_idx %arg20[%shift_right_arithmetic3A_1117, %and3A_1120, %add3A_1127], %mul3A_1128 {add = true} : memref<2x8x32xf32, #tpu.memory_space<vmem>>[vector<16xi32>, vector<16xi32>, vector<16xi32>], vector<16xf32>,
    %add3A_1129 = arith.constant 16 : i32
    %add3A_1130 = vector.broadcast %add3A_1129 : i32 to vector<16xi32>
    %add3A_1131 = arith.addi %iota3A, %add3A_1130 : vector<16xi32>
    %gather3A_1132 = tpu.vector_load_idx %arg11[%shift_right_arithmetic3A_1111, %and3A_1114, %add3A_1131] : memref<2x8x32xf32, #tpu.memory_space<vmem>>[vector<16xi32>, vector<16xi32>, vector<16xi32>], vector<16xf32>,
    %add3A_1133 = arith.constant 16 : i32
    %add3A_1134 = vector.broadcast %add3A_1133 : i32 to vector<16xi32>
    %add3A_1135 = arith.addi %iota3A, %add3A_1134 : vector<16xi32>
    %mul3A_1136 = arith.mulf %gather3A_1132, %gather3A_320 : vector<16xf32>
    tpu.vector_store_idx %arg20[%shift_right_arithmetic3A_1117, %and3A_1120, %add3A_1135], %mul3A_1136 {add = true} : memref<2x8x32xf32, #tpu.memory_space<vmem>>[vector<16xi32>, vector<16xi32>, vector<16xi32>], vector<16xf32>,
    %broadcast_in_dim3A_1137 = arith.constant 4 : i32
    %broadcast_in_dim3A_1138 = vector.broadcast %broadcast_in_dim3A_1137 : i32 to vector<16xi32>
    %lt3A_1139 = arith.constant 0 : i32
    %lt3A_1140 = vector.broadcast %lt3A_1139 : i32 to vector<16xi32>
    %lt3A_1141 = arith.cmpi slt, %broadcast_in_dim3A_1138, %lt3A_1140 : vector<16xi32>
    %add3A_1142 = arith.constant 16 : i32
    %add3A_1143 = vector.broadcast %add3A_1142 : i32 to vector<16xi32>
    %add3A_1144 = arith.addi %broadcast_in_dim3A_1138, %add3A_1143 : vector<16xi32>
    %select_n3A_1145 = arith.select %lt3A_1141, %add3A_1144, %broadcast_in_dim3A_1138 : vector<16xi1>, vector<16xi32>
    %reshape3A_1146 = vector.shape_cast %select_n3A_1145 : vector<16xi32> to vector<16x1xi32>
    %gather3A_1147 = vector.shape_cast %reshape3A_1146 : vector<16x1xi32> to vector<16xi32>
    %gather3A_1148 = tpu.dynamic_gather %get3A_354[%gather3A_1147] in [0] : vector<16xi32>, vector<16xi32> -> vector<16xi32>
    %broadcast_in_dim3A_1149 = arith.constant 4 : i32
    %broadcast_in_dim3A_1150 = vector.broadcast %broadcast_in_dim3A_1149 : i32 to vector<16xi32>
    %lt3A_1151 = arith.constant 0 : i32
    %lt3A_1152 = vector.broadcast %lt3A_1151 : i32 to vector<16xi32>
    %lt3A_1153 = arith.cmpi slt, %broadcast_in_dim3A_1150, %lt3A_1152 : vector<16xi32>
    %add3A_1154 = arith.constant 16 : i32
    %add3A_1155 = vector.broadcast %add3A_1154 : i32 to vector<16xi32>
    %add3A_1156 = arith.addi %broadcast_in_dim3A_1150, %add3A_1155 : vector<16xi32>
    %select_n3A_1157 = arith.select %lt3A_1153, %add3A_1156, %broadcast_in_dim3A_1150 : vector<16xi1>, vector<16xi32>
    %reshape3A_1158 = vector.shape_cast %select_n3A_1157 : vector<16xi32> to vector<16x1xi32>
    %gather3A_1159 = vector.shape_cast %reshape3A_1158 : vector<16x1xi32> to vector<16xi32>
    %gather3A_1160 = tpu.dynamic_gather %get3A_358[%gather3A_1159] in [0] : vector<16xi32>, vector<16xi32> -> vector<16xi32>
    %shift_right_arithmetic3A_1161 = arith.constant 3 : i32
    %shift_right_arithmetic3A_1162 = vector.broadcast %shift_right_arithmetic3A_1161 : i32 to vector<16xi32>
    %shift_right_arithmetic3A_1163 = arith.shrsi %gather3A_1148, %shift_right_arithmetic3A_1162 : vector<16xi32>
    %and3A_1164 = arith.constant 7 : i32
    %and3A_1165 = vector.broadcast %and3A_1164 : i32 to vector<16xi32>
    %and3A_1166 = arith.andi %gather3A_1148, %and3A_1165 : vector<16xi32>
    %shift_right_arithmetic3A_1167 = arith.constant 3 : i32
    %shift_right_arithmetic3A_1168 = vector.broadcast %shift_right_arithmetic3A_1167 : i32 to vector<16xi32>
    %shift_right_arithmetic3A_1169 = arith.shrsi %gather3A_1160, %shift_right_arithmetic3A_1168 : vector<16xi32>
    %and3A_1170 = arith.constant 7 : i32
    %and3A_1171 = vector.broadcast %and3A_1170 : i32 to vector<16xi32>
    %and3A_1172 = arith.andi %gather3A_1160, %and3A_1171 : vector<16xi32>
    %add3A_1173 = arith.constant 0 : i32
    %add3A_1174 = vector.broadcast %add3A_1173 : i32 to vector<16xi32>
    %add3A_1175 = arith.addi %iota3A, %add3A_1174 : vector<16xi32>
    %gather3A_1176 = tpu.vector_load_idx %arg11[%shift_right_arithmetic3A_1163, %and3A_1166, %add3A_1175] : memref<2x8x32xf32, #tpu.memory_space<vmem>>[vector<16xi32>, vector<16xi32>, vector<16xi32>], vector<16xf32>,
    %add3A_1177 = arith.constant 0 : i32
    %add3A_1178 = vector.broadcast %add3A_1177 : i32 to vector<16xi32>
    %add3A_1179 = arith.addi %iota3A, %add3A_1178 : vector<16xi32>
    %mul3A_1180 = arith.mulf %gather3A_1176, %gather3A_320 : vector<16xf32>
    tpu.vector_store_idx %arg20[%shift_right_arithmetic3A_1169, %and3A_1172, %add3A_1179], %mul3A_1180 {add = true} : memref<2x8x32xf32, #tpu.memory_space<vmem>>[vector<16xi32>, vector<16xi32>, vector<16xi32>], vector<16xf32>,
    %add3A_1181 = arith.constant 16 : i32
    %add3A_1182 = vector.broadcast %add3A_1181 : i32 to vector<16xi32>
    %add3A_1183 = arith.addi %iota3A, %add3A_1182 : vector<16xi32>
    %gather3A_1184 = tpu.vector_load_idx %arg11[%shift_right_arithmetic3A_1163, %and3A_1166, %add3A_1183] : memref<2x8x32xf32, #tpu.memory_space<vmem>>[vector<16xi32>, vector<16xi32>, vector<16xi32>], vector<16xf32>,
    %add3A_1185 = arith.constant 16 : i32
    %add3A_1186 = vector.broadcast %add3A_1185 : i32 to vector<16xi32>
    %add3A_1187 = arith.addi %iota3A, %add3A_1186 : vector<16xi32>
    %mul3A_1188 = arith.mulf %gather3A_1184, %gather3A_320 : vector<16xf32>
    tpu.vector_store_idx %arg20[%shift_right_arithmetic3A_1169, %and3A_1172, %add3A_1187], %mul3A_1188 {add = true} : memref<2x8x32xf32, #tpu.memory_space<vmem>>[vector<16xi32>, vector<16xi32>, vector<16xi32>], vector<16xf32>,
    %broadcast_in_dim3A_1189 = arith.constant 5 : i32
    %broadcast_in_dim3A_1190 = vector.broadcast %broadcast_in_dim3A_1189 : i32 to vector<16xi32>
    %lt3A_1191 = arith.constant 0 : i32
    %lt3A_1192 = vector.broadcast %lt3A_1191 : i32 to vector<16xi32>
    %lt3A_1193 = arith.cmpi slt, %broadcast_in_dim3A_1190, %lt3A_1192 : vector<16xi32>
    %add3A_1194 = arith.constant 16 : i32
    %add3A_1195 = vector.broadcast %add3A_1194 : i32 to vector<16xi32>
    %add3A_1196 = arith.addi %broadcast_in_dim3A_1190, %add3A_1195 : vector<16xi32>
    %select_n3A_1197 = arith.select %lt3A_1193, %add3A_1196, %broadcast_in_dim3A_1190 : vector<16xi1>, vector<16xi32>
    %reshape3A_1198 = vector.shape_cast %select_n3A_1197 : vector<16xi32> to vector<16x1xi32>
    %gather3A_1199 = vector.shape_cast %reshape3A_1198 : vector<16x1xi32> to vector<16xi32>
    %gather3A_1200 = tpu.dynamic_gather %get3A_354[%gather3A_1199] in [0] : vector<16xi32>, vector<16xi32> -> vector<16xi32>
    %broadcast_in_dim3A_1201 = arith.constant 5 : i32
    %broadcast_in_dim3A_1202 = vector.broadcast %broadcast_in_dim3A_1201 : i32 to vector<16xi32>
    %lt3A_1203 = arith.constant 0 : i32
    %lt3A_1204 = vector.broadcast %lt3A_1203 : i32 to vector<16xi32>
    %lt3A_1205 = arith.cmpi slt, %broadcast_in_dim3A_1202, %lt3A_1204 : vector<16xi32>
    %add3A_1206 = arith.constant 16 : i32
    %add3A_1207 = vector.broadcast %add3A_1206 : i32 to vector<16xi32>
    %add3A_1208 = arith.addi %broadcast_in_dim3A_1202, %add3A_1207 : vector<16xi32>
    %select_n3A_1209 = arith.select %lt3A_1205, %add3A_1208, %broadcast_in_dim3A_1202 : vector<16xi1>, vector<16xi32>
    %reshape3A_1210 = vector.shape_cast %select_n3A_1209 : vector<16xi32> to vector<16x1xi32>
    %gather3A_1211 = vector.shape_cast %reshape3A_1210 : vector<16x1xi32> to vector<16xi32>
    %gather3A_1212 = tpu.dynamic_gather %get3A_358[%gather3A_1211] in [0] : vector<16xi32>, vector<16xi32> -> vector<16xi32>
    %shift_right_arithmetic3A_1213 = arith.constant 3 : i32
    %shift_right_arithmetic3A_1214 = vector.broadcast %shift_right_arithmetic3A_1213 : i32 to vector<16xi32>
    %shift_right_arithmetic3A_1215 = arith.shrsi %gather3A_1200, %shift_right_arithmetic3A_1214 : vector<16xi32>
    %and3A_1216 = arith.constant 7 : i32
    %and3A_1217 = vector.broadcast %and3A_1216 : i32 to vector<16xi32>
    %and3A_1218 = arith.andi %gather3A_1200, %and3A_1217 : vector<16xi32>
    %shift_right_arithmetic3A_1219 = arith.constant 3 : i32
    %shift_right_arithmetic3A_1220 = vector.broadcast %shift_right_arithmetic3A_1219 : i32 to vector<16xi32>
    %shift_right_arithmetic3A_1221 = arith.shrsi %gather3A_1212, %shift_right_arithmetic3A_1220 : vector<16xi32>
    %and3A_1222 = arith.constant 7 : i32
    %and3A_1223 = vector.broadcast %and3A_1222 : i32 to vector<16xi32>
    %and3A_1224 = arith.andi %gather3A_1212, %and3A_1223 : vector<16xi32>
    %add3A_1225 = arith.constant 0 : i32
    %add3A_1226 = vector.broadcast %add3A_1225 : i32 to vector<16xi32>
    %add3A_1227 = arith.addi %iota3A, %add3A_1226 : vector<16xi32>
    %gather3A_1228 = tpu.vector_load_idx %arg11[%shift_right_arithmetic3A_1215, %and3A_1218, %add3A_1227] : memref<2x8x32xf32, #tpu.memory_space<vmem>>[vector<16xi32>, vector<16xi32>, vector<16xi32>], vector<16xf32>,
    %add3A_1229 = arith.constant 0 : i32
    %add3A_1230 = vector.broadcast %add3A_1229 : i32 to vector<16xi32>
    %add3A_1231 = arith.addi %iota3A, %add3A_1230 : vector<16xi32>
    %mul3A_1232 = arith.mulf %gather3A_1228, %gather3A_320 : vector<16xf32>
    tpu.vector_store_idx %arg20[%shift_right_arithmetic3A_1221, %and3A_1224, %add3A_1231], %mul3A_1232 {add = true} : memref<2x8x32xf32, #tpu.memory_space<vmem>>[vector<16xi32>, vector<16xi32>, vector<16xi32>], vector<16xf32>,
    %add3A_1233 = arith.constant 16 : i32
    %add3A_1234 = vector.broadcast %add3A_1233 : i32 to vector<16xi32>
    %add3A_1235 = arith.addi %iota3A, %add3A_1234 : vector<16xi32>
    %gather3A_1236 = tpu.vector_load_idx %arg11[%shift_right_arithmetic3A_1215, %and3A_1218, %add3A_1235] : memref<2x8x32xf32, #tpu.memory_space<vmem>>[vector<16xi32>, vector<16xi32>, vector<16xi32>], vector<16xf32>,
    %add3A_1237 = arith.constant 16 : i32
    %add3A_1238 = vector.broadcast %add3A_1237 : i32 to vector<16xi32>
    %add3A_1239 = arith.addi %iota3A, %add3A_1238 : vector<16xi32>
    %mul3A_1240 = arith.mulf %gather3A_1236, %gather3A_320 : vector<16xf32>
    tpu.vector_store_idx %arg20[%shift_right_arithmetic3A_1221, %and3A_1224, %add3A_1239], %mul3A_1240 {add = true} : memref<2x8x32xf32, #tpu.memory_space<vmem>>[vector<16xi32>, vector<16xi32>, vector<16xi32>], vector<16xf32>,
    %broadcast_in_dim3A_1241 = arith.constant 6 : i32
    %broadcast_in_dim3A_1242 = vector.broadcast %broadcast_in_dim3A_1241 : i32 to vector<16xi32>
    %lt3A_1243 = arith.constant 0 : i32
    %lt3A_1244 = vector.broadcast %lt3A_1243 : i32 to vector<16xi32>
    %lt3A_1245 = arith.cmpi slt, %broadcast_in_dim3A_1242, %lt3A_1244 : vector<16xi32>
    %add3A_1246 = arith.constant 16 : i32
    %add3A_1247 = vector.broadcast %add3A_1246 : i32 to vector<16xi32>
    %add3A_1248 = arith.addi %broadcast_in_dim3A_1242, %add3A_1247 : vector<16xi32>
    %select_n3A_1249 = arith.select %lt3A_1245, %add3A_1248, %broadcast_in_dim3A_1242 : vector<16xi1>, vector<16xi32>
    %reshape3A_1250 = vector.shape_cast %select_n3A_1249 : vector<16xi32> to vector<16x1xi32>
    %gather3A_1251 = vector.shape_cast %reshape3A_1250 : vector<16x1xi32> to vector<16xi32>
    %gather3A_1252 = tpu.dynamic_gather %get3A_354[%gather3A_1251] in [0] : vector<16xi32>, vector<16xi32> -> vector<16xi32>
    %broadcast_in_dim3A_1253 = arith.constant 6 : i32
    %broadcast_in_dim3A_1254 = vector.broadcast %broadcast_in_dim3A_1253 : i32 to vector<16xi32>
    %lt3A_1255 = arith.constant 0 : i32
    %lt3A_1256 = vector.broadcast %lt3A_1255 : i32 to vector<16xi32>
    %lt3A_1257 = arith.cmpi slt, %broadcast_in_dim3A_1254, %lt3A_1256 : vector<16xi32>
    %add3A_1258 = arith.constant 16 : i32
    %add3A_1259 = vector.broadcast %add3A_1258 : i32 to vector<16xi32>
    %add3A_1260 = arith.addi %broadcast_in_dim3A_1254, %add3A_1259 : vector<16xi32>
    %select_n3A_1261 = arith.select %lt3A_1257, %add3A_1260, %broadcast_in_dim3A_1254 : vector<16xi1>, vector<16xi32>
    %reshape3A_1262 = vector.shape_cast %select_n3A_1261 : vector<16xi32> to vector<16x1xi32>
    %gather3A_1263 = vector.shape_cast %reshape3A_1262 : vector<16x1xi32> to vector<16xi32>
    %gather3A_1264 = tpu.dynamic_gather %get3A_358[%gather3A_1263] in [0] : vector<16xi32>, vector<16xi32> -> vector<16xi32>
    %shift_right_arithmetic3A_1265 = arith.constant 3 : i32
    %shift_right_arithmetic3A_1266 = vector.broadcast %shift_right_arithmetic3A_1265 : i32 to vector<16xi32>
    %shift_right_arithmetic3A_1267 = arith.shrsi %gather3A_1252, %shift_right_arithmetic3A_1266 : vector<16xi32>
    %and3A_1268 = arith.constant 7 : i32
    %and3A_1269 = vector.broadcast %and3A_1268 : i32 to vector<16xi32>
    %and3A_1270 = arith.andi %gather3A_1252, %and3A_1269 : vector<16xi32>
    %shift_right_arithmetic3A_1271 = arith.constant 3 : i32
    %shift_right_arithmetic3A_1272 = vector.broadcast %shift_right_arithmetic3A_1271 : i32 to vector<16xi32>
    %shift_right_arithmetic3A_1273 = arith.shrsi %gather3A_1264, %shift_right_arithmetic3A_1272 : vector<16xi32>
    %and3A_1274 = arith.constant 7 : i32
    %and3A_1275 = vector.broadcast %and3A_1274 : i32 to vector<16xi32>
    %and3A_1276 = arith.andi %gather3A_1264, %and3A_1275 : vector<16xi32>
    %add3A_1277 = arith.constant 0 : i32
    %add3A_1278 = vector.broadcast %add3A_1277 : i32 to vector<16xi32>
    %add3A_1279 = arith.addi %iota3A, %add3A_1278 : vector<16xi32>
    %gather3A_1280 = tpu.vector_load_idx %arg11[%shift_right_arithmetic3A_1267, %and3A_1270, %add3A_1279] : memref<2x8x32xf32, #tpu.memory_space<vmem>>[vector<16xi32>, vector<16xi32>, vector<16xi32>], vector<16xf32>,
    %add3A_1281 = arith.constant 0 : i32
    %add3A_1282 = vector.broadcast %add3A_1281 : i32 to vector<16xi32>
    %add3A_1283 = arith.addi %iota3A, %add3A_1282 : vector<16xi32>
    %mul3A_1284 = arith.mulf %gather3A_1280, %gather3A_320 : vector<16xf32>
    tpu.vector_store_idx %arg20[%shift_right_arithmetic3A_1273, %and3A_1276, %add3A_1283], %mul3A_1284 {add = true} : memref<2x8x32xf32, #tpu.memory_space<vmem>>[vector<16xi32>, vector<16xi32>, vector<16xi32>], vector<16xf32>,
    %add3A_1285 = arith.constant 16 : i32
    %add3A_1286 = vector.broadcast %add3A_1285 : i32 to vector<16xi32>
    %add3A_1287 = arith.addi %iota3A, %add3A_1286 : vector<16xi32>
    %gather3A_1288 = tpu.vector_load_idx %arg11[%shift_right_arithmetic3A_1267, %and3A_1270, %add3A_1287] : memref<2x8x32xf32, #tpu.memory_space<vmem>>[vector<16xi32>, vector<16xi32>, vector<16xi32>], vector<16xf32>,
    %add3A_1289 = arith.constant 16 : i32
    %add3A_1290 = vector.broadcast %add3A_1289 : i32 to vector<16xi32>
    %add3A_1291 = arith.addi %iota3A, %add3A_1290 : vector<16xi32>
    %mul3A_1292 = arith.mulf %gather3A_1288, %gather3A_320 : vector<16xf32>
    tpu.vector_store_idx %arg20[%shift_right_arithmetic3A_1273, %and3A_1276, %add3A_1291], %mul3A_1292 {add = true} : memref<2x8x32xf32, #tpu.memory_space<vmem>>[vector<16xi32>, vector<16xi32>, vector<16xi32>], vector<16xf32>,
    %broadcast_in_dim3A_1293 = arith.constant 7 : i32
    %broadcast_in_dim3A_1294 = vector.broadcast %broadcast_in_dim3A_1293 : i32 to vector<16xi32>
    %lt3A_1295 = arith.constant 0 : i32
    %lt3A_1296 = vector.broadcast %lt3A_1295 : i32 to vector<16xi32>
    %lt3A_1297 = arith.cmpi slt, %broadcast_in_dim3A_1294, %lt3A_1296 : vector<16xi32>
    %add3A_1298 = arith.constant 16 : i32
    %add3A_1299 = vector.broadcast %add3A_1298 : i32 to vector<16xi32>
    %add3A_1300 = arith.addi %broadcast_in_dim3A_1294, %add3A_1299 : vector<16xi32>
    %select_n3A_1301 = arith.select %lt3A_1297, %add3A_1300, %broadcast_in_dim3A_1294 : vector<16xi1>, vector<16xi32>
    %reshape3A_1302 = vector.shape_cast %select_n3A_1301 : vector<16xi32> to vector<16x1xi32>
    %gather3A_1303 = vector.shape_cast %reshape3A_1302 : vector<16x1xi32> to vector<16xi32>
    %gather3A_1304 = tpu.dynamic_gather %get3A_354[%gather3A_1303] in [0] : vector<16xi32>, vector<16xi32> -> vector<16xi32>
    %broadcast_in_dim3A_1305 = arith.constant 7 : i32
    %broadcast_in_dim3A_1306 = vector.broadcast %broadcast_in_dim3A_1305 : i32 to vector<16xi32>
    %lt3A_1307 = arith.constant 0 : i32
    %lt3A_1308 = vector.broadcast %lt3A_1307 : i32 to vector<16xi32>
    %lt3A_1309 = arith.cmpi slt, %broadcast_in_dim3A_1306, %lt3A_1308 : vector<16xi32>
    %add3A_1310 = arith.constant 16 : i32
    %add3A_1311 = vector.broadcast %add3A_1310 : i32 to vector<16xi32>
    %add3A_1312 = arith.addi %broadcast_in_dim3A_1306, %add3A_1311 : vector<16xi32>
    %select_n3A_1313 = arith.select %lt3A_1309, %add3A_1312, %broadcast_in_dim3A_1306 : vector<16xi1>, vector<16xi32>
    %reshape3A_1314 = vector.shape_cast %select_n3A_1313 : vector<16xi32> to vector<16x1xi32>
    %gather3A_1315 = vector.shape_cast %reshape3A_1314 : vector<16x1xi32> to vector<16xi32>
    %gather3A_1316 = tpu.dynamic_gather %get3A_358[%gather3A_1315] in [0] : vector<16xi32>, vector<16xi32> -> vector<16xi32>
    %shift_right_arithmetic3A_1317 = arith.constant 3 : i32
    %shift_right_arithmetic3A_1318 = vector.broadcast %shift_right_arithmetic3A_1317 : i32 to vector<16xi32>
    %shift_right_arithmetic3A_1319 = arith.shrsi %gather3A_1304, %shift_right_arithmetic3A_1318 : vector<16xi32>
    %and3A_1320 = arith.constant 7 : i32
    %and3A_1321 = vector.broadcast %and3A_1320 : i32 to vector<16xi32>
    %and3A_1322 = arith.andi %gather3A_1304, %and3A_1321 : vector<16xi32>
    %shift_right_arithmetic3A_1323 = arith.constant 3 : i32
    %shift_right_arithmetic3A_1324 = vector.broadcast %shift_right_arithmetic3A_1323 : i32 to vector<16xi32>
    %shift_right_arithmetic3A_1325 = arith.shrsi %gather3A_1316, %shift_right_arithmetic3A_1324 : vector<16xi32>
    %and3A_1326 = arith.constant 7 : i32
    %and3A_1327 = vector.broadcast %and3A_1326 : i32 to vector<16xi32>
    %and3A_1328 = arith.andi %gather3A_1316, %and3A_1327 : vector<16xi32>
    %add3A_1329 = arith.constant 0 : i32
    %add3A_1330 = vector.broadcast %add3A_1329 : i32 to vector<16xi32>
    %add3A_1331 = arith.addi %iota3A, %add3A_1330 : vector<16xi32>
    %gather3A_1332 = tpu.vector_load_idx %arg11[%shift_right_arithmetic3A_1319, %and3A_1322, %add3A_1331] : memref<2x8x32xf32, #tpu.memory_space<vmem>>[vector<16xi32>, vector<16xi32>, vector<16xi32>], vector<16xf32>,
    %add3A_1333 = arith.constant 0 : i32
    %add3A_1334 = vector.broadcast %add3A_1333 : i32 to vector<16xi32>
    %add3A_1335 = arith.addi %iota3A, %add3A_1334 : vector<16xi32>
    %mul3A_1336 = arith.mulf %gather3A_1332, %gather3A_320 : vector<16xf32>
    tpu.vector_store_idx %arg20[%shift_right_arithmetic3A_1325, %and3A_1328, %add3A_1335], %mul3A_1336 {add = true} : memref<2x8x32xf32, #tpu.memory_space<vmem>>[vector<16xi32>, vector<16xi32>, vector<16xi32>], vector<16xf32>,
    %add3A_1337 = arith.constant 16 : i32
    %add3A_1338 = vector.broadcast %add3A_1337 : i32 to vector<16xi32>
    %add3A_1339 = arith.addi %iota3A, %add3A_1338 : vector<16xi32>
    %gather3A_1340 = tpu.vector_load_idx %arg11[%shift_right_arithmetic3A_1319, %and3A_1322, %add3A_1339] : memref<2x8x32xf32, #tpu.memory_space<vmem>>[vector<16xi32>, vector<16xi32>, vector<16xi32>], vector<16xf32>,
    %add3A_1341 = arith.constant 16 : i32
    %add3A_1342 = vector.broadcast %add3A_1341 : i32 to vector<16xi32>
    %add3A_1343 = arith.addi %iota3A, %add3A_1342 : vector<16xi32>
    %mul3A_1344 = arith.mulf %gather3A_1340, %gather3A_320 : vector<16xf32>
    tpu.vector_store_idx %arg20[%shift_right_arithmetic3A_1325, %and3A_1328, %add3A_1343], %mul3A_1344 {add = true} : memref<2x8x32xf32, #tpu.memory_space<vmem>>[vector<16xi32>, vector<16xi32>, vector<16xi32>], vector<16xf32>,
    %barrier3A = arith.constant 0 : index
    tpu.barrier barrier_id(%barrier3A)
    "tpu.region"() ({
      %run_scoped3A = tpu.sem_alloc : memref<!tpu.dma_semaphore, #tpu.memory_space<semaphore_mem>>
      tpu.enqueue_dma source(%arg19 : memref<16x16xf32, #tpu.memory_space<vmem_shared>>) target(%arg17 : memref<16x16xf32, #tpu.memory_space<vmem>>) target_semaphore(%run_scoped3A : memref<!tpu.dma_semaphore, #tpu.memory_space<semaphore_mem>>)
      tpu.wait_dma2 semaphore(%run_scoped3A : memref<!tpu.dma_semaphore, #tpu.memory_space<semaphore_mem>>) src(%arg19 : memref<16x16xf32, #tpu.memory_space<vmem_shared>>) dst(%arg17 : memref<16x16xf32, #tpu.memory_space<vmem>>)
      tpu.yield
    }) : () -> ()
    %get3A_1345 = arith.constant 0 : i32
    %get3A_1346 = arith.index_cast %get3A_1345 : i32 to index
    %get3A_1347 = arith.constant 0 : index
    %get3A_1348 = tpu.vector_load %arg17[%get3A_1346, %get3A_1347] {strides = array<i32>} : memref<16x16xf32, #tpu.memory_space<vmem>>, vector<16xf32>,
    %add3A_1349 = arith.addf %mul3A_74, %get3A_1348 : vector<16xf32>
    %get3A_1350 = arith.constant 1 : i32
    %get3A_1351 = arith.index_cast %get3A_1350 : i32 to index
    %get3A_1352 = arith.constant 0 : index
    %get3A_1353 = tpu.vector_load %arg17[%get3A_1351, %get3A_1352] {strides = array<i32>} : memref<16x16xf32, #tpu.memory_space<vmem>>, vector<16xf32>,
    %add3A_1354 = arith.addf %add3A_1349, %get3A_1353 : vector<16xf32>
    %get3A_1355 = arith.constant 2 : i32
    %get3A_1356 = arith.index_cast %get3A_1355 : i32 to index
    %get3A_1357 = arith.constant 0 : index
    %get3A_1358 = tpu.vector_load %arg17[%get3A_1356, %get3A_1357] {strides = array<i32>} : memref<16x16xf32, #tpu.memory_space<vmem>>, vector<16xf32>,
    %add3A_1359 = arith.addf %add3A_1354, %get3A_1358 : vector<16xf32>
    %get3A_1360 = arith.constant 3 : i32
    %get3A_1361 = arith.index_cast %get3A_1360 : i32 to index
    %get3A_1362 = arith.constant 0 : index
    %get3A_1363 = tpu.vector_load %arg17[%get3A_1361, %get3A_1362] {strides = array<i32>} : memref<16x16xf32, #tpu.memory_space<vmem>>, vector<16xf32>,
    %add3A_1364 = arith.addf %add3A_1359, %get3A_1363 : vector<16xf32>
    %get3A_1365 = arith.constant 4 : i32
    %get3A_1366 = arith.index_cast %get3A_1365 : i32 to index
    %get3A_1367 = arith.constant 0 : index
    %get3A_1368 = tpu.vector_load %arg17[%get3A_1366, %get3A_1367] {strides = array<i32>} : memref<16x16xf32, #tpu.memory_space<vmem>>, vector<16xf32>,
    %add3A_1369 = arith.addf %add3A_1364, %get3A_1368 : vector<16xf32>
    %get3A_1370 = arith.constant 5 : i32
    %get3A_1371 = arith.index_cast %get3A_1370 : i32 to index
    %get3A_1372 = arith.constant 0 : index
    %get3A_1373 = tpu.vector_load %arg17[%get3A_1371, %get3A_1372] {strides = array<i32>} : memref<16x16xf32, #tpu.memory_space<vmem>>, vector<16xf32>,
    %add3A_1374 = arith.addf %add3A_1369, %get3A_1373 : vector<16xf32>
    %get3A_1375 = arith.constant 6 : i32
    %get3A_1376 = arith.index_cast %get3A_1375 : i32 to index
    %get3A_1377 = arith.constant 0 : index
    %get3A_1378 = tpu.vector_load %arg17[%get3A_1376, %get3A_1377] {strides = array<i32>} : memref<16x16xf32, #tpu.memory_space<vmem>>, vector<16xf32>,
    %add3A_1379 = arith.addf %add3A_1374, %get3A_1378 : vector<16xf32>
    %get3A_1380 = arith.constant 7 : i32
    %get3A_1381 = arith.index_cast %get3A_1380 : i32 to index
    %get3A_1382 = arith.constant 0 : index
    %get3A_1383 = tpu.vector_load %arg17[%get3A_1381, %get3A_1382] {strides = array<i32>} : memref<16x16xf32, #tpu.memory_space<vmem>>, vector<16xf32>,
    %add3A_1384 = arith.addf %add3A_1379, %get3A_1383 : vector<16xf32>
    %get3A_1385 = arith.constant 8 : i32
    %get3A_1386 = arith.index_cast %get3A_1385 : i32 to index
    %get3A_1387 = arith.constant 0 : index
    %get3A_1388 = tpu.vector_load %arg17[%get3A_1386, %get3A_1387] {strides = array<i32>} : memref<16x16xf32, #tpu.memory_space<vmem>>, vector<16xf32>,
    %add3A_1389 = arith.addf %add3A_1384, %get3A_1388 : vector<16xf32>
    %get3A_1390 = arith.constant 9 : i32
    %get3A_1391 = arith.index_cast %get3A_1390 : i32 to index
    %get3A_1392 = arith.constant 0 : index
    %get3A_1393 = tpu.vector_load %arg17[%get3A_1391, %get3A_1392] {strides = array<i32>} : memref<16x16xf32, #tpu.memory_space<vmem>>, vector<16xf32>,
    %add3A_1394 = arith.addf %add3A_1389, %get3A_1393 : vector<16xf32>
    %get3A_1395 = arith.constant 10 : i32
    %get3A_1396 = arith.index_cast %get3A_1395 : i32 to index
    %get3A_1397 = arith.constant 0 : index
    %get3A_1398 = tpu.vector_load %arg17[%get3A_1396, %get3A_1397] {strides = array<i32>} : memref<16x16xf32, #tpu.memory_space<vmem>>, vector<16xf32>,
    %add3A_1399 = arith.addf %add3A_1394, %get3A_1398 : vector<16xf32>
    %get3A_1400 = arith.constant 11 : i32
    %get3A_1401 = arith.index_cast %get3A_1400 : i32 to index
    %get3A_1402 = arith.constant 0 : index
    %get3A_1403 = tpu.vector_load %arg17[%get3A_1401, %get3A_1402] {strides = array<i32>} : memref<16x16xf32, #tpu.memory_space<vmem>>, vector<16xf32>,
    %add3A_1404 = arith.addf %add3A_1399, %get3A_1403 : vector<16xf32>
    %get3A_1405 = arith.constant 12 : i32
    %get3A_1406 = arith.index_cast %get3A_1405 : i32 to index
    %get3A_1407 = arith.constant 0 : index
    %get3A_1408 = tpu.vector_load %arg17[%get3A_1406, %get3A_1407] {strides = array<i32>} : memref<16x16xf32, #tpu.memory_space<vmem>>, vector<16xf32>,
    %add3A_1409 = arith.addf %add3A_1404, %get3A_1408 : vector<16xf32>
    %get3A_1410 = arith.constant 13 : i32
    %get3A_1411 = arith.index_cast %get3A_1410 : i32 to index
    %get3A_1412 = arith.constant 0 : index
    %get3A_1413 = tpu.vector_load %arg17[%get3A_1411, %get3A_1412] {strides = array<i32>} : memref<16x16xf32, #tpu.memory_space<vmem>>, vector<16xf32>,
    %add3A_1414 = arith.addf %add3A_1409, %get3A_1413 : vector<16xf32>
    %get3A_1415 = arith.constant 14 : i32
    %get3A_1416 = arith.index_cast %get3A_1415 : i32 to index
    %get3A_1417 = arith.constant 0 : index
    %get3A_1418 = tpu.vector_load %arg17[%get3A_1416, %get3A_1417] {strides = array<i32>} : memref<16x16xf32, #tpu.memory_space<vmem>>, vector<16xf32>,
    %add3A_1419 = arith.addf %add3A_1414, %get3A_1418 : vector<16xf32>
    %get3A_1420 = arith.constant 15 : i32
    %get3A_1421 = arith.index_cast %get3A_1420 : i32 to index
    %get3A_1422 = arith.constant 0 : index
    %get3A_1423 = tpu.vector_load %arg17[%get3A_1421, %get3A_1422] {strides = array<i32>} : memref<16x16xf32, #tpu.memory_space<vmem>>, vector<16xf32>,
    %add3A_1424 = arith.addf %add3A_1419, %get3A_1423 : vector<16xf32>
    %lt3A_1425 = arith.constant 0 : i32
    %lt3A_1426 = vector.broadcast %lt3A_1425 : i32 to vector<16xi32>
    %lt3A_1427 = arith.cmpi slt, %get3A_354, %lt3A_1426 : vector<16xi32>
    %add3A_1428 = arith.constant 16 : i32
    %add3A_1429 = vector.broadcast %add3A_1428 : i32 to vector<16xi32>
    %add3A_1430 = arith.addi %get3A_354, %add3A_1429 : vector<16xi32>
    %select_n3A_1431 = arith.select %lt3A_1427, %add3A_1430, %get3A_354 : vector<16xi1>, vector<16xi32>
    %reshape3A_1432 = vector.shape_cast %select_n3A_1431 : vector<16xi32> to vector<16x1xi32>
    %gather3A_1433 = vector.shape_cast %reshape3A_1432 : vector<16x1xi32> to vector<16xi32>
    %gather3A_1434 = tpu.dynamic_gather %add3A_1424[%gather3A_1433] in [0] : vector<16xf32>, vector<16xi32> -> vector<16xf32>
    %lt3A_1435 = arith.constant 0 : i32
    %lt3A_1436 = vector.broadcast %lt3A_1435 : i32 to vector<16xi32>
    %lt3A_1437 = arith.cmpi slt, %get3A_358, %lt3A_1436 : vector<16xi32>
    %add3A_1438 = arith.constant 16 : i32
    %add3A_1439 = vector.broadcast %add3A_1438 : i32 to vector<16xi32>
    %add3A_1440 = arith.addi %get3A_358, %add3A_1439 : vector<16xi32>
    %select_n3A_1441 = arith.select %lt3A_1437, %add3A_1440, %get3A_358 : vector<16xi1>, vector<16xi32>
    %reshape3A_1442 = vector.shape_cast %select_n3A_1441 : vector<16xi32> to vector<16x1xi32>
    %gather3A_1443 = vector.shape_cast %reshape3A_1442 : vector<16x1xi32> to vector<16xi32>
    %gather3A_1444 = tpu.dynamic_gather %add3A_1424[%gather3A_1443] in [0] : vector<16xf32>, vector<16xi32> -> vector<16xf32>
    %sub3A_1445 = arith.subf %gather3A_1434, %gather3A_1444 : vector<16xf32>
    %add3A_1446 = arith.addf %sub3A_1445, %gather3A_304 : vector<16xf32>
    %lt3A_1447 = arith.constant 0 : i32
    %lt3A_1448 = vector.broadcast %lt3A_1447 : i32 to vector<16xi32>
    %lt3A_1449 = arith.cmpi slt, %get3A_356, %lt3A_1448 : vector<16xi32>
    %add3A_1450 = arith.constant 16 : i32
    %add3A_1451 = vector.broadcast %add3A_1450 : i32 to vector<16xi32>
    %add3A_1452 = arith.addi %get3A_356, %add3A_1451 : vector<16xi32>
    %select_n3A_1453 = arith.select %lt3A_1449, %add3A_1452, %get3A_356 : vector<16xi1>, vector<16xi32>
    %reshape3A_1454 = vector.shape_cast %select_n3A_1453 : vector<16xi32> to vector<16x1xi32>
    %gather3A_1455 = vector.shape_cast %reshape3A_1454 : vector<16x1xi32> to vector<16xi32>
    %gather3A_1456 = tpu.dynamic_gather %add3A_1424[%gather3A_1455] in [0] : vector<16xf32>, vector<16xi32> -> vector<16xf32>
    %lt3A_1457 = arith.constant 0 : i32
    %lt3A_1458 = vector.broadcast %lt3A_1457 : i32 to vector<16xi32>
    %lt3A_1459 = arith.cmpi slt, %get3A_360, %lt3A_1458 : vector<16xi32>
    %add3A_1460 = arith.constant 16 : i32
    %add3A_1461 = vector.broadcast %add3A_1460 : i32 to vector<16xi32>
    %add3A_1462 = arith.addi %get3A_360, %add3A_1461 : vector<16xi32>
    %select_n3A_1463 = arith.select %lt3A_1459, %add3A_1462, %get3A_360 : vector<16xi1>, vector<16xi32>
    %reshape3A_1464 = vector.shape_cast %select_n3A_1463 : vector<16xi32> to vector<16x1xi32>
    %gather3A_1465 = vector.shape_cast %reshape3A_1464 : vector<16x1xi32> to vector<16xi32>
    %gather3A_1466 = tpu.dynamic_gather %add3A_1424[%gather3A_1465] in [0] : vector<16xf32>, vector<16xi32> -> vector<16xf32>
    %sub3A_1467 = arith.subf %gather3A_1456, %gather3A_1466 : vector<16xf32>
    %add3A_1468 = arith.addf %sub3A_1467, %gather3A_304 : vector<16xf32>
    %swap3A_1469 = arith.constant 0 : index
    %swap3A_1470 = tpu.vector_load %arg18[%swap3A_1469] {strides = array<i32>} : memref<16xf32, #tpu.memory_space<vmem>>, vector<16xf32>,
    tpu.vector_store %arg18[%swap3A_1469], %gather3A_304 {strides = array<i32>} : memref<16xf32, #tpu.memory_space<vmem>>, vector<16xf32>,
    tpu.vector_store_idx %arg18[%get3A_358], %add3A_1446 {add = true} : memref<16xf32, #tpu.memory_space<vmem>>[vector<16xi32>], vector<16xf32>,
    %ge3A = arith.constant 8 : i32
    %ge3A_1471 = vector.broadcast %ge3A : i32 to vector<16xi32>
    %ge3A_1472 = arith.cmpi sge, %iota3A, %ge3A_1471 : vector<16xi32>
    tpu.vector_store_idx %arg18[%get3A_360], %add3A_1468 masked %ge3A_1472 {add = true} : memref<16xf32, #tpu.memory_space<vmem>>[vector<16xi32>], vector<16xf32>, vector<16xi1>
    %get3A_1473 = arith.constant 0 : index
    %get3A_1474 = tpu.vector_load %arg18[%get3A_1473] {strides = array<i32>} : memref<16xf32, #tpu.memory_space<vmem>>, vector<16xf32>,
    %jit3A_1475 = arith.constant 2 : i32
    %eq3A_1476 = arith.constant 0 : i32
    %eq3A_1477 = arith.cmpi eq, %jit3A_1475, %eq3A_1476 : i32
    %jit3A_1478 = arith.constant 1 : i32
    %select_n3A_1479 = arith.select %eq3A_1477, %jit3A_1478, %jit3A_1475 : i32
    %rem3A_1480 = vector.broadcast %select_n3A_1479 : i32 to vector<16xi32>
    %rem3A_1481 = arith.remsi %iota3A, %rem3A_1480 : vector<16xi32>
    %ne3A_1482 = arith.constant 0 : i32
    %ne3A_1483 = vector.broadcast %ne3A_1482 : i32 to vector<16xi32>
    %ne3A_1484 = arith.cmpi ne, %rem3A_1481, %ne3A_1483 : vector<16xi32>
    %lt3A_1485 = arith.constant 0 : i32
    %lt3A_1486 = vector.broadcast %lt3A_1485 : i32 to vector<16xi32>
    %lt3A_1487 = arith.cmpi slt, %rem3A_1481, %lt3A_1486 : vector<16xi32>
    %lt3A_1488 = arith.constant 0 : i32
    %lt3A_1489 = arith.cmpi slt, %select_n3A_1479, %lt3A_1488 : i32
    %ne3A_1490 = vector.broadcast %lt3A_1489 : i1 to vector<16xi1>
    %ne3A_1491 = vector.broadcast %ne3A_1490 : vector<16xi1> to vector<16xi1>
    %ne3A_1492 = arith.xori %lt3A_1487, %ne3A_1491 : vector<16xi1>
    %and3A_1493 = arith.andi %ne3A_1492, %ne3A_1484 : vector<16xi1>
    %add3A_1494 = vector.broadcast %select_n3A_1479 : i32 to vector<16xi32>
    %add3A_1495 = arith.addi %rem3A_1481, %add3A_1494 : vector<16xi32>
    %select_n3A_1496 = arith.select %and3A_1493, %add3A_1495, %rem3A_1481 : vector<16xi1>, vector<16xi32>
    %eq3A_1497 = arith.constant 0 : i32
    %eq3A_1498 = vector.broadcast %eq3A_1497 : i32 to vector<16xi32>
    %eq3A_1499 = arith.cmpi eq, %select_n3A_1496, %eq3A_1498 : vector<16xi32>
    %select_n3A_1500 = arith.select %eq3A_1499, %gather3A_336, %gather3A_352 : vector<16xi1>, vector<16xf32>
    %add3A_1501 = arith.addf %select_n3A_1500, %get3A_1474 : vector<16xf32>
    %broadcast_in_dim3A_1502 = arith.constant 8 : i32
    %broadcast_in_dim3A_1503 = vector.broadcast %broadcast_in_dim3A_1502 : i32 to vector<16xi32>
    %lt3A_1504 = arith.constant 0 : i32
    %lt3A_1505 = vector.broadcast %lt3A_1504 : i32 to vector<16xi32>
    %lt3A_1506 = arith.cmpi slt, %broadcast_in_dim3A_1503, %lt3A_1505 : vector<16xi32>
    %add3A_1507 = arith.constant 16 : i32
    %add3A_1508 = vector.broadcast %add3A_1507 : i32 to vector<16xi32>
    %add3A_1509 = arith.addi %broadcast_in_dim3A_1503, %add3A_1508 : vector<16xi32>
    %select_n3A_1510 = arith.select %lt3A_1506, %add3A_1509, %broadcast_in_dim3A_1503 : vector<16xi1>, vector<16xi32>
    %reshape3A_1511 = vector.shape_cast %select_n3A_1510 : vector<16xi32> to vector<16x1xi32>
    %gather3A_1512 = vector.shape_cast %reshape3A_1511 : vector<16x1xi32> to vector<16xi32>
    %gather3A_1513 = tpu.dynamic_gather %get3A_354[%gather3A_1512] in [0] : vector<16xi32>, vector<16xi32> -> vector<16xi32>
    %broadcast_in_dim3A_1514 = arith.constant 8 : i32
    %broadcast_in_dim3A_1515 = vector.broadcast %broadcast_in_dim3A_1514 : i32 to vector<16xi32>
    %lt3A_1516 = arith.constant 0 : i32
    %lt3A_1517 = vector.broadcast %lt3A_1516 : i32 to vector<16xi32>
    %lt3A_1518 = arith.cmpi slt, %broadcast_in_dim3A_1515, %lt3A_1517 : vector<16xi32>
    %add3A_1519 = arith.constant 16 : i32
    %add3A_1520 = vector.broadcast %add3A_1519 : i32 to vector<16xi32>
    %add3A_1521 = arith.addi %broadcast_in_dim3A_1515, %add3A_1520 : vector<16xi32>
    %select_n3A_1522 = arith.select %lt3A_1518, %add3A_1521, %broadcast_in_dim3A_1515 : vector<16xi1>, vector<16xi32>
    %reshape3A_1523 = vector.shape_cast %select_n3A_1522 : vector<16xi32> to vector<16x1xi32>
    %gather3A_1524 = vector.shape_cast %reshape3A_1523 : vector<16x1xi32> to vector<16xi32>
    %gather3A_1525 = tpu.dynamic_gather %get3A_358[%gather3A_1524] in [0] : vector<16xi32>, vector<16xi32> -> vector<16xi32>
    %shift_right_arithmetic3A_1526 = arith.constant 3 : i32
    %shift_right_arithmetic3A_1527 = vector.broadcast %shift_right_arithmetic3A_1526 : i32 to vector<16xi32>
    %shift_right_arithmetic3A_1528 = arith.shrsi %gather3A_1513, %shift_right_arithmetic3A_1527 : vector<16xi32>
    %and3A_1529 = arith.constant 7 : i32
    %and3A_1530 = vector.broadcast %and3A_1529 : i32 to vector<16xi32>
    %and3A_1531 = arith.andi %gather3A_1513, %and3A_1530 : vector<16xi32>
    %shift_right_arithmetic3A_1532 = arith.constant 3 : i32
    %shift_right_arithmetic3A_1533 = vector.broadcast %shift_right_arithmetic3A_1532 : i32 to vector<16xi32>
    %shift_right_arithmetic3A_1534 = arith.shrsi %gather3A_1525, %shift_right_arithmetic3A_1533 : vector<16xi32>
    %and3A_1535 = arith.constant 7 : i32
    %and3A_1536 = vector.broadcast %and3A_1535 : i32 to vector<16xi32>
    %and3A_1537 = arith.andi %gather3A_1525, %and3A_1536 : vector<16xi32>
    %broadcast_in_dim3A_1538 = arith.constant 0 : i32
    %broadcast_in_dim3A_1539 = vector.broadcast %broadcast_in_dim3A_1538 : i32 to vector<16xi32>
    %lt3A_1540 = arith.constant 0 : i32
    %lt3A_1541 = vector.broadcast %lt3A_1540 : i32 to vector<16xi32>
    %lt3A_1542 = arith.cmpi slt, %broadcast_in_dim3A_1539, %lt3A_1541 : vector<16xi32>
    %add3A_1543 = arith.constant 16 : i32
    %add3A_1544 = vector.broadcast %add3A_1543 : i32 to vector<16xi32>
    %add3A_1545 = arith.addi %broadcast_in_dim3A_1539, %add3A_1544 : vector<16xi32>
    %select_n3A_1546 = arith.select %lt3A_1542, %add3A_1545, %broadcast_in_dim3A_1539 : vector<16xi1>, vector<16xi32>
    %reshape3A_1547 = vector.shape_cast %select_n3A_1546 : vector<16xi32> to vector<16x1xi32>
    %gather3A_1548 = vector.shape_cast %reshape3A_1547 : vector<16x1xi32> to vector<16xi32>
    %gather3A_1549 = tpu.dynamic_gather %add3A_1501[%gather3A_1548] in [0] : vector<16xf32>, vector<16xi32> -> vector<16xf32>
    %add3A_1550 = arith.constant 0 : i32
    %add3A_1551 = vector.broadcast %add3A_1550 : i32 to vector<16xi32>
    %add3A_1552 = arith.addi %iota3A, %add3A_1551 : vector<16xi32>
    %gather3A_1553 = tpu.vector_load_idx %arg11[%shift_right_arithmetic3A_1528, %and3A_1531, %add3A_1552] : memref<2x8x32xf32, #tpu.memory_space<vmem>>[vector<16xi32>, vector<16xi32>, vector<16xi32>], vector<16xf32>,
    %add3A_1554 = arith.constant 0 : i32
    %add3A_1555 = vector.broadcast %add3A_1554 : i32 to vector<16xi32>
    %add3A_1556 = arith.addi %iota3A, %add3A_1555 : vector<16xi32>
    %mul3A_1557 = arith.mulf %gather3A_1553, %gather3A_1549 : vector<16xf32>
    tpu.vector_store_idx %arg20[%shift_right_arithmetic3A_1534, %and3A_1537, %add3A_1556], %mul3A_1557 {add = true} : memref<2x8x32xf32, #tpu.memory_space<vmem>>[vector<16xi32>, vector<16xi32>, vector<16xi32>], vector<16xf32>,
    %add3A_1558 = arith.constant 16 : i32
    %add3A_1559 = vector.broadcast %add3A_1558 : i32 to vector<16xi32>
    %add3A_1560 = arith.addi %iota3A, %add3A_1559 : vector<16xi32>
    %gather3A_1561 = tpu.vector_load_idx %arg11[%shift_right_arithmetic3A_1528, %and3A_1531, %add3A_1560] : memref<2x8x32xf32, #tpu.memory_space<vmem>>[vector<16xi32>, vector<16xi32>, vector<16xi32>], vector<16xf32>,
    %add3A_1562 = arith.constant 16 : i32
    %add3A_1563 = vector.broadcast %add3A_1562 : i32 to vector<16xi32>
    %add3A_1564 = arith.addi %iota3A, %add3A_1563 : vector<16xi32>
    %mul3A_1565 = arith.mulf %gather3A_1561, %gather3A_1549 : vector<16xf32>
    tpu.vector_store_idx %arg20[%shift_right_arithmetic3A_1534, %and3A_1537, %add3A_1564], %mul3A_1565 {add = true} : memref<2x8x32xf32, #tpu.memory_space<vmem>>[vector<16xi32>, vector<16xi32>, vector<16xi32>], vector<16xf32>,
    %broadcast_in_dim3A_1566 = arith.constant 9 : i32
    %broadcast_in_dim3A_1567 = vector.broadcast %broadcast_in_dim3A_1566 : i32 to vector<16xi32>
    %lt3A_1568 = arith.constant 0 : i32
    %lt3A_1569 = vector.broadcast %lt3A_1568 : i32 to vector<16xi32>
    %lt3A_1570 = arith.cmpi slt, %broadcast_in_dim3A_1567, %lt3A_1569 : vector<16xi32>
    %add3A_1571 = arith.constant 16 : i32
    %add3A_1572 = vector.broadcast %add3A_1571 : i32 to vector<16xi32>
    %add3A_1573 = arith.addi %broadcast_in_dim3A_1567, %add3A_1572 : vector<16xi32>
    %select_n3A_1574 = arith.select %lt3A_1570, %add3A_1573, %broadcast_in_dim3A_1567 : vector<16xi1>, vector<16xi32>
    %reshape3A_1575 = vector.shape_cast %select_n3A_1574 : vector<16xi32> to vector<16x1xi32>
    %gather3A_1576 = vector.shape_cast %reshape3A_1575 : vector<16x1xi32> to vector<16xi32>
    %gather3A_1577 = tpu.dynamic_gather %get3A_354[%gather3A_1576] in [0] : vector<16xi32>, vector<16xi32> -> vector<16xi32>
    %broadcast_in_dim3A_1578 = arith.constant 9 : i32
    %broadcast_in_dim3A_1579 = vector.broadcast %broadcast_in_dim3A_1578 : i32 to vector<16xi32>
    %lt3A_1580 = arith.constant 0 : i32
    %lt3A_1581 = vector.broadcast %lt3A_1580 : i32 to vector<16xi32>
    %lt3A_1582 = arith.cmpi slt, %broadcast_in_dim3A_1579, %lt3A_1581 : vector<16xi32>
    %add3A_1583 = arith.constant 16 : i32
    %add3A_1584 = vector.broadcast %add3A_1583 : i32 to vector<16xi32>
    %add3A_1585 = arith.addi %broadcast_in_dim3A_1579, %add3A_1584 : vector<16xi32>
    %select_n3A_1586 = arith.select %lt3A_1582, %add3A_1585, %broadcast_in_dim3A_1579 : vector<16xi1>, vector<16xi32>
    %reshape3A_1587 = vector.shape_cast %select_n3A_1586 : vector<16xi32> to vector<16x1xi32>
    %gather3A_1588 = vector.shape_cast %reshape3A_1587 : vector<16x1xi32> to vector<16xi32>
    %gather3A_1589 = tpu.dynamic_gather %get3A_358[%gather3A_1588] in [0] : vector<16xi32>, vector<16xi32> -> vector<16xi32>
    %shift_right_arithmetic3A_1590 = arith.constant 3 : i32
    %shift_right_arithmetic3A_1591 = vector.broadcast %shift_right_arithmetic3A_1590 : i32 to vector<16xi32>
    %shift_right_arithmetic3A_1592 = arith.shrsi %gather3A_1577, %shift_right_arithmetic3A_1591 : vector<16xi32>
    %and3A_1593 = arith.constant 7 : i32
    %and3A_1594 = vector.broadcast %and3A_1593 : i32 to vector<16xi32>
    %and3A_1595 = arith.andi %gather3A_1577, %and3A_1594 : vector<16xi32>
    %shift_right_arithmetic3A_1596 = arith.constant 3 : i32
    %shift_right_arithmetic3A_1597 = vector.broadcast %shift_right_arithmetic3A_1596 : i32 to vector<16xi32>
    %shift_right_arithmetic3A_1598 = arith.shrsi %gather3A_1589, %shift_right_arithmetic3A_1597 : vector<16xi32>
    %and3A_1599 = arith.constant 7 : i32
    %and3A_1600 = vector.broadcast %and3A_1599 : i32 to vector<16xi32>
    %and3A_1601 = arith.andi %gather3A_1589, %and3A_1600 : vector<16xi32>
    %broadcast_in_dim3A_1602 = arith.constant 1 : i32
    %broadcast_in_dim3A_1603 = vector.broadcast %broadcast_in_dim3A_1602 : i32 to vector<16xi32>
    %lt3A_1604 = arith.constant 0 : i32
    %lt3A_1605 = vector.broadcast %lt3A_1604 : i32 to vector<16xi32>
    %lt3A_1606 = arith.cmpi slt, %broadcast_in_dim3A_1603, %lt3A_1605 : vector<16xi32>
    %add3A_1607 = arith.constant 16 : i32
    %add3A_1608 = vector.broadcast %add3A_1607 : i32 to vector<16xi32>
    %add3A_1609 = arith.addi %broadcast_in_dim3A_1603, %add3A_1608 : vector<16xi32>
    %select_n3A_1610 = arith.select %lt3A_1606, %add3A_1609, %broadcast_in_dim3A_1603 : vector<16xi1>, vector<16xi32>
    %reshape3A_1611 = vector.shape_cast %select_n3A_1610 : vector<16xi32> to vector<16x1xi32>
    %gather3A_1612 = vector.shape_cast %reshape3A_1611 : vector<16x1xi32> to vector<16xi32>
    %gather3A_1613 = tpu.dynamic_gather %add3A_1501[%gather3A_1612] in [0] : vector<16xf32>, vector<16xi32> -> vector<16xf32>
    %add3A_1614 = arith.constant 0 : i32
    %add3A_1615 = vector.broadcast %add3A_1614 : i32 to vector<16xi32>
    %add3A_1616 = arith.addi %iota3A, %add3A_1615 : vector<16xi32>
    %gather3A_1617 = tpu.vector_load_idx %arg11[%shift_right_arithmetic3A_1592, %and3A_1595, %add3A_1616] : memref<2x8x32xf32, #tpu.memory_space<vmem>>[vector<16xi32>, vector<16xi32>, vector<16xi32>], vector<16xf32>,
    %add3A_1618 = arith.constant 0 : i32
    %add3A_1619 = vector.broadcast %add3A_1618 : i32 to vector<16xi32>
    %add3A_1620 = arith.addi %iota3A, %add3A_1619 : vector<16xi32>
    %mul3A_1621 = arith.mulf %gather3A_1617, %gather3A_1613 : vector<16xf32>
    tpu.vector_store_idx %arg20[%shift_right_arithmetic3A_1598, %and3A_1601, %add3A_1620], %mul3A_1621 {add = true} : memref<2x8x32xf32, #tpu.memory_space<vmem>>[vector<16xi32>, vector<16xi32>, vector<16xi32>], vector<16xf32>,
    %add3A_1622 = arith.constant 16 : i32
    %add3A_1623 = vector.broadcast %add3A_1622 : i32 to vector<16xi32>
    %add3A_1624 = arith.addi %iota3A, %add3A_1623 : vector<16xi32>
    %gather3A_1625 = tpu.vector_load_idx %arg11[%shift_right_arithmetic3A_1592, %and3A_1595, %add3A_1624] : memref<2x8x32xf32, #tpu.memory_space<vmem>>[vector<16xi32>, vector<16xi32>, vector<16xi32>], vector<16xf32>,
    %add3A_1626 = arith.constant 16 : i32
    %add3A_1627 = vector.broadcast %add3A_1626 : i32 to vector<16xi32>
    %add3A_1628 = arith.addi %iota3A, %add3A_1627 : vector<16xi32>
    %mul3A_1629 = arith.mulf %gather3A_1625, %gather3A_1613 : vector<16xf32>
    tpu.vector_store_idx %arg20[%shift_right_arithmetic3A_1598, %and3A_1601, %add3A_1628], %mul3A_1629 {add = true} : memref<2x8x32xf32, #tpu.memory_space<vmem>>[vector<16xi32>, vector<16xi32>, vector<16xi32>], vector<16xf32>,
    %broadcast_in_dim3A_1630 = arith.constant 10 : i32
    %broadcast_in_dim3A_1631 = vector.broadcast %broadcast_in_dim3A_1630 : i32 to vector<16xi32>
    %lt3A_1632 = arith.constant 0 : i32
    %lt3A_1633 = vector.broadcast %lt3A_1632 : i32 to vector<16xi32>
    %lt3A_1634 = arith.cmpi slt, %broadcast_in_dim3A_1631, %lt3A_1633 : vector<16xi32>
    %add3A_1635 = arith.constant 16 : i32
    %add3A_1636 = vector.broadcast %add3A_1635 : i32 to vector<16xi32>
    %add3A_1637 = arith.addi %broadcast_in_dim3A_1631, %add3A_1636 : vector<16xi32>
    %select_n3A_1638 = arith.select %lt3A_1634, %add3A_1637, %broadcast_in_dim3A_1631 : vector<16xi1>, vector<16xi32>
    %reshape3A_1639 = vector.shape_cast %select_n3A_1638 : vector<16xi32> to vector<16x1xi32>
    %gather3A_1640 = vector.shape_cast %reshape3A_1639 : vector<16x1xi32> to vector<16xi32>
    %gather3A_1641 = tpu.dynamic_gather %get3A_354[%gather3A_1640] in [0] : vector<16xi32>, vector<16xi32> -> vector<16xi32>
    %broadcast_in_dim3A_1642 = arith.constant 10 : i32
    %broadcast_in_dim3A_1643 = vector.broadcast %broadcast_in_dim3A_1642 : i32 to vector<16xi32>
    %lt3A_1644 = arith.constant 0 : i32
    %lt3A_1645 = vector.broadcast %lt3A_1644 : i32 to vector<16xi32>
    %lt3A_1646 = arith.cmpi slt, %broadcast_in_dim3A_1643, %lt3A_1645 : vector<16xi32>
    %add3A_1647 = arith.constant 16 : i32
    %add3A_1648 = vector.broadcast %add3A_1647 : i32 to vector<16xi32>
    %add3A_1649 = arith.addi %broadcast_in_dim3A_1643, %add3A_1648 : vector<16xi32>
    %select_n3A_1650 = arith.select %lt3A_1646, %add3A_1649, %broadcast_in_dim3A_1643 : vector<16xi1>, vector<16xi32>
    %reshape3A_1651 = vector.shape_cast %select_n3A_1650 : vector<16xi32> to vector<16x1xi32>
    %gather3A_1652 = vector.shape_cast %reshape3A_1651 : vector<16x1xi32> to vector<16xi32>
    %gather3A_1653 = tpu.dynamic_gather %get3A_358[%gather3A_1652] in [0] : vector<16xi32>, vector<16xi32> -> vector<16xi32>
    %shift_right_arithmetic3A_1654 = arith.constant 3 : i32
    %shift_right_arithmetic3A_1655 = vector.broadcast %shift_right_arithmetic3A_1654 : i32 to vector<16xi32>
    %shift_right_arithmetic3A_1656 = arith.shrsi %gather3A_1641, %shift_right_arithmetic3A_1655 : vector<16xi32>
    %and3A_1657 = arith.constant 7 : i32
    %and3A_1658 = vector.broadcast %and3A_1657 : i32 to vector<16xi32>
    %and3A_1659 = arith.andi %gather3A_1641, %and3A_1658 : vector<16xi32>
    %shift_right_arithmetic3A_1660 = arith.constant 3 : i32
    %shift_right_arithmetic3A_1661 = vector.broadcast %shift_right_arithmetic3A_1660 : i32 to vector<16xi32>
    %shift_right_arithmetic3A_1662 = arith.shrsi %gather3A_1653, %shift_right_arithmetic3A_1661 : vector<16xi32>
    %and3A_1663 = arith.constant 7 : i32
    %and3A_1664 = vector.broadcast %and3A_1663 : i32 to vector<16xi32>
    %and3A_1665 = arith.andi %gather3A_1653, %and3A_1664 : vector<16xi32>
    %broadcast_in_dim3A_1666 = arith.constant 2 : i32
    %broadcast_in_dim3A_1667 = vector.broadcast %broadcast_in_dim3A_1666 : i32 to vector<16xi32>
    %lt3A_1668 = arith.constant 0 : i32
    %lt3A_1669 = vector.broadcast %lt3A_1668 : i32 to vector<16xi32>
    %lt3A_1670 = arith.cmpi slt, %broadcast_in_dim3A_1667, %lt3A_1669 : vector<16xi32>
    %add3A_1671 = arith.constant 16 : i32
    %add3A_1672 = vector.broadcast %add3A_1671 : i32 to vector<16xi32>
    %add3A_1673 = arith.addi %broadcast_in_dim3A_1667, %add3A_1672 : vector<16xi32>
    %select_n3A_1674 = arith.select %lt3A_1670, %add3A_1673, %broadcast_in_dim3A_1667 : vector<16xi1>, vector<16xi32>
    %reshape3A_1675 = vector.shape_cast %select_n3A_1674 : vector<16xi32> to vector<16x1xi32>
    %gather3A_1676 = vector.shape_cast %reshape3A_1675 : vector<16x1xi32> to vector<16xi32>
    %gather3A_1677 = tpu.dynamic_gather %add3A_1501[%gather3A_1676] in [0] : vector<16xf32>, vector<16xi32> -> vector<16xf32>
    %add3A_1678 = arith.constant 0 : i32
    %add3A_1679 = vector.broadcast %add3A_1678 : i32 to vector<16xi32>
    %add3A_1680 = arith.addi %iota3A, %add3A_1679 : vector<16xi32>
    %gather3A_1681 = tpu.vector_load_idx %arg11[%shift_right_arithmetic3A_1656, %and3A_1659, %add3A_1680] : memref<2x8x32xf32, #tpu.memory_space<vmem>>[vector<16xi32>, vector<16xi32>, vector<16xi32>], vector<16xf32>,
    %add3A_1682 = arith.constant 0 : i32
    %add3A_1683 = vector.broadcast %add3A_1682 : i32 to vector<16xi32>
    %add3A_1684 = arith.addi %iota3A, %add3A_1683 : vector<16xi32>
    %mul3A_1685 = arith.mulf %gather3A_1681, %gather3A_1677 : vector<16xf32>
    tpu.vector_store_idx %arg20[%shift_right_arithmetic3A_1662, %and3A_1665, %add3A_1684], %mul3A_1685 {add = true} : memref<2x8x32xf32, #tpu.memory_space<vmem>>[vector<16xi32>, vector<16xi32>, vector<16xi32>], vector<16xf32>,
    %add3A_1686 = arith.constant 16 : i32
    %add3A_1687 = vector.broadcast %add3A_1686 : i32 to vector<16xi32>
    %add3A_1688 = arith.addi %iota3A, %add3A_1687 : vector<16xi32>
    %gather3A_1689 = tpu.vector_load_idx %arg11[%shift_right_arithmetic3A_1656, %and3A_1659, %add3A_1688] : memref<2x8x32xf32, #tpu.memory_space<vmem>>[vector<16xi32>, vector<16xi32>, vector<16xi32>], vector<16xf32>,
    %add3A_1690 = arith.constant 16 : i32
    %add3A_1691 = vector.broadcast %add3A_1690 : i32 to vector<16xi32>
    %add3A_1692 = arith.addi %iota3A, %add3A_1691 : vector<16xi32>
    %mul3A_1693 = arith.mulf %gather3A_1689, %gather3A_1677 : vector<16xf32>
    tpu.vector_store_idx %arg20[%shift_right_arithmetic3A_1662, %and3A_1665, %add3A_1692], %mul3A_1693 {add = true} : memref<2x8x32xf32, #tpu.memory_space<vmem>>[vector<16xi32>, vector<16xi32>, vector<16xi32>], vector<16xf32>,
    %broadcast_in_dim3A_1694 = arith.constant 11 : i32
    %broadcast_in_dim3A_1695 = vector.broadcast %broadcast_in_dim3A_1694 : i32 to vector<16xi32>
    %lt3A_1696 = arith.constant 0 : i32
    %lt3A_1697 = vector.broadcast %lt3A_1696 : i32 to vector<16xi32>
    %lt3A_1698 = arith.cmpi slt, %broadcast_in_dim3A_1695, %lt3A_1697 : vector<16xi32>
    %add3A_1699 = arith.constant 16 : i32
    %add3A_1700 = vector.broadcast %add3A_1699 : i32 to vector<16xi32>
    %add3A_1701 = arith.addi %broadcast_in_dim3A_1695, %add3A_1700 : vector<16xi32>
    %select_n3A_1702 = arith.select %lt3A_1698, %add3A_1701, %broadcast_in_dim3A_1695 : vector<16xi1>, vector<16xi32>
    %reshape3A_1703 = vector.shape_cast %select_n3A_1702 : vector<16xi32> to vector<16x1xi32>
    %gather3A_1704 = vector.shape_cast %reshape3A_1703 : vector<16x1xi32> to vector<16xi32>
    %gather3A_1705 = tpu.dynamic_gather %get3A_354[%gather3A_1704] in [0] : vector<16xi32>, vector<16xi32> -> vector<16xi32>
    %broadcast_in_dim3A_1706 = arith.constant 11 : i32
    %broadcast_in_dim3A_1707 = vector.broadcast %broadcast_in_dim3A_1706 : i32 to vector<16xi32>
    %lt3A_1708 = arith.constant 0 : i32
    %lt3A_1709 = vector.broadcast %lt3A_1708 : i32 to vector<16xi32>
    %lt3A_1710 = arith.cmpi slt, %broadcast_in_dim3A_1707, %lt3A_1709 : vector<16xi32>
    %add3A_1711 = arith.constant 16 : i32
    %add3A_1712 = vector.broadcast %add3A_1711 : i32 to vector<16xi32>
    %add3A_1713 = arith.addi %broadcast_in_dim3A_1707, %add3A_1712 : vector<16xi32>
    %select_n3A_1714 = arith.select %lt3A_1710, %add3A_1713, %broadcast_in_dim3A_1707 : vector<16xi1>, vector<16xi32>
    %reshape3A_1715 = vector.shape_cast %select_n3A_1714 : vector<16xi32> to vector<16x1xi32>
    %gather3A_1716 = vector.shape_cast %reshape3A_1715 : vector<16x1xi32> to vector<16xi32>
    %gather3A_1717 = tpu.dynamic_gather %get3A_358[%gather3A_1716] in [0] : vector<16xi32>, vector<16xi32> -> vector<16xi32>
    %shift_right_arithmetic3A_1718 = arith.constant 3 : i32
    %shift_right_arithmetic3A_1719 = vector.broadcast %shift_right_arithmetic3A_1718 : i32 to vector<16xi32>
    %shift_right_arithmetic3A_1720 = arith.shrsi %gather3A_1705, %shift_right_arithmetic3A_1719 : vector<16xi32>
    %and3A_1721 = arith.constant 7 : i32
    %and3A_1722 = vector.broadcast %and3A_1721 : i32 to vector<16xi32>
    %and3A_1723 = arith.andi %gather3A_1705, %and3A_1722 : vector<16xi32>
    %shift_right_arithmetic3A_1724 = arith.constant 3 : i32
    %shift_right_arithmetic3A_1725 = vector.broadcast %shift_right_arithmetic3A_1724 : i32 to vector<16xi32>
    %shift_right_arithmetic3A_1726 = arith.shrsi %gather3A_1717, %shift_right_arithmetic3A_1725 : vector<16xi32>
    %and3A_1727 = arith.constant 7 : i32
    %and3A_1728 = vector.broadcast %and3A_1727 : i32 to vector<16xi32>
    %and3A_1729 = arith.andi %gather3A_1717, %and3A_1728 : vector<16xi32>
    %broadcast_in_dim3A_1730 = arith.constant 3 : i32
    %broadcast_in_dim3A_1731 = vector.broadcast %broadcast_in_dim3A_1730 : i32 to vector<16xi32>
    %lt3A_1732 = arith.constant 0 : i32
    %lt3A_1733 = vector.broadcast %lt3A_1732 : i32 to vector<16xi32>
    %lt3A_1734 = arith.cmpi slt, %broadcast_in_dim3A_1731, %lt3A_1733 : vector<16xi32>
    %add3A_1735 = arith.constant 16 : i32
    %add3A_1736 = vector.broadcast %add3A_1735 : i32 to vector<16xi32>
    %add3A_1737 = arith.addi %broadcast_in_dim3A_1731, %add3A_1736 : vector<16xi32>
    %select_n3A_1738 = arith.select %lt3A_1734, %add3A_1737, %broadcast_in_dim3A_1731 : vector<16xi1>, vector<16xi32>
    %reshape3A_1739 = vector.shape_cast %select_n3A_1738 : vector<16xi32> to vector<16x1xi32>
    %gather3A_1740 = vector.shape_cast %reshape3A_1739 : vector<16x1xi32> to vector<16xi32>
    %gather3A_1741 = tpu.dynamic_gather %add3A_1501[%gather3A_1740] in [0] : vector<16xf32>, vector<16xi32> -> vector<16xf32>
    %add3A_1742 = arith.constant 0 : i32
    %add3A_1743 = vector.broadcast %add3A_1742 : i32 to vector<16xi32>
    %add3A_1744 = arith.addi %iota3A, %add3A_1743 : vector<16xi32>
    %gather3A_1745 = tpu.vector_load_idx %arg11[%shift_right_arithmetic3A_1720, %and3A_1723, %add3A_1744] : memref<2x8x32xf32, #tpu.memory_space<vmem>>[vector<16xi32>, vector<16xi32>, vector<16xi32>], vector<16xf32>,
    %add3A_1746 = arith.constant 0 : i32
    %add3A_1747 = vector.broadcast %add3A_1746 : i32 to vector<16xi32>
    %add3A_1748 = arith.addi %iota3A, %add3A_1747 : vector<16xi32>
    %mul3A_1749 = arith.mulf %gather3A_1745, %gather3A_1741 : vector<16xf32>
    tpu.vector_store_idx %arg20[%shift_right_arithmetic3A_1726, %and3A_1729, %add3A_1748], %mul3A_1749 {add = true} : memref<2x8x32xf32, #tpu.memory_space<vmem>>[vector<16xi32>, vector<16xi32>, vector<16xi32>], vector<16xf32>,
    %add3A_1750 = arith.constant 16 : i32
    %add3A_1751 = vector.broadcast %add3A_1750 : i32 to vector<16xi32>
    %add3A_1752 = arith.addi %iota3A, %add3A_1751 : vector<16xi32>
    %gather3A_1753 = tpu.vector_load_idx %arg11[%shift_right_arithmetic3A_1720, %and3A_1723, %add3A_1752] : memref<2x8x32xf32, #tpu.memory_space<vmem>>[vector<16xi32>, vector<16xi32>, vector<16xi32>], vector<16xf32>,
    %add3A_1754 = arith.constant 16 : i32
    %add3A_1755 = vector.broadcast %add3A_1754 : i32 to vector<16xi32>
    %add3A_1756 = arith.addi %iota3A, %add3A_1755 : vector<16xi32>
    %mul3A_1757 = arith.mulf %gather3A_1753, %gather3A_1741 : vector<16xf32>
    tpu.vector_store_idx %arg20[%shift_right_arithmetic3A_1726, %and3A_1729, %add3A_1756], %mul3A_1757 {add = true} : memref<2x8x32xf32, #tpu.memory_space<vmem>>[vector<16xi32>, vector<16xi32>, vector<16xi32>], vector<16xf32>,
    %broadcast_in_dim3A_1758 = arith.constant 12 : i32
    %broadcast_in_dim3A_1759 = vector.broadcast %broadcast_in_dim3A_1758 : i32 to vector<16xi32>
    %lt3A_1760 = arith.constant 0 : i32
    %lt3A_1761 = vector.broadcast %lt3A_1760 : i32 to vector<16xi32>
    %lt3A_1762 = arith.cmpi slt, %broadcast_in_dim3A_1759, %lt3A_1761 : vector<16xi32>
    %add3A_1763 = arith.constant 16 : i32
    %add3A_1764 = vector.broadcast %add3A_1763 : i32 to vector<16xi32>
    %add3A_1765 = arith.addi %broadcast_in_dim3A_1759, %add3A_1764 : vector<16xi32>
    %select_n3A_1766 = arith.select %lt3A_1762, %add3A_1765, %broadcast_in_dim3A_1759 : vector<16xi1>, vector<16xi32>
    %reshape3A_1767 = vector.shape_cast %select_n3A_1766 : vector<16xi32> to vector<16x1xi32>
    %gather3A_1768 = vector.shape_cast %reshape3A_1767 : vector<16x1xi32> to vector<16xi32>
    %gather3A_1769 = tpu.dynamic_gather %get3A_354[%gather3A_1768] in [0] : vector<16xi32>, vector<16xi32> -> vector<16xi32>
    %broadcast_in_dim3A_1770 = arith.constant 12 : i32
    %broadcast_in_dim3A_1771 = vector.broadcast %broadcast_in_dim3A_1770 : i32 to vector<16xi32>
    %lt3A_1772 = arith.constant 0 : i32
    %lt3A_1773 = vector.broadcast %lt3A_1772 : i32 to vector<16xi32>
    %lt3A_1774 = arith.cmpi slt, %broadcast_in_dim3A_1771, %lt3A_1773 : vector<16xi32>
    %add3A_1775 = arith.constant 16 : i32
    %add3A_1776 = vector.broadcast %add3A_1775 : i32 to vector<16xi32>
    %add3A_1777 = arith.addi %broadcast_in_dim3A_1771, %add3A_1776 : vector<16xi32>
    %select_n3A_1778 = arith.select %lt3A_1774, %add3A_1777, %broadcast_in_dim3A_1771 : vector<16xi1>, vector<16xi32>
    %reshape3A_1779 = vector.shape_cast %select_n3A_1778 : vector<16xi32> to vector<16x1xi32>
    %gather3A_1780 = vector.shape_cast %reshape3A_1779 : vector<16x1xi32> to vector<16xi32>
    %gather3A_1781 = tpu.dynamic_gather %get3A_358[%gather3A_1780] in [0] : vector<16xi32>, vector<16xi32> -> vector<16xi32>
    %shift_right_arithmetic3A_1782 = arith.constant 3 : i32
    %shift_right_arithmetic3A_1783 = vector.broadcast %shift_right_arithmetic3A_1782 : i32 to vector<16xi32>
    %shift_right_arithmetic3A_1784 = arith.shrsi %gather3A_1769, %shift_right_arithmetic3A_1783 : vector<16xi32>
    %and3A_1785 = arith.constant 7 : i32
    %and3A_1786 = vector.broadcast %and3A_1785 : i32 to vector<16xi32>
    %and3A_1787 = arith.andi %gather3A_1769, %and3A_1786 : vector<16xi32>
    %shift_right_arithmetic3A_1788 = arith.constant 3 : i32
    %shift_right_arithmetic3A_1789 = vector.broadcast %shift_right_arithmetic3A_1788 : i32 to vector<16xi32>
    %shift_right_arithmetic3A_1790 = arith.shrsi %gather3A_1781, %shift_right_arithmetic3A_1789 : vector<16xi32>
    %and3A_1791 = arith.constant 7 : i32
    %and3A_1792 = vector.broadcast %and3A_1791 : i32 to vector<16xi32>
    %and3A_1793 = arith.andi %gather3A_1781, %and3A_1792 : vector<16xi32>
    %broadcast_in_dim3A_1794 = arith.constant 4 : i32
    %broadcast_in_dim3A_1795 = vector.broadcast %broadcast_in_dim3A_1794 : i32 to vector<16xi32>
    %lt3A_1796 = arith.constant 0 : i32
    %lt3A_1797 = vector.broadcast %lt3A_1796 : i32 to vector<16xi32>
    %lt3A_1798 = arith.cmpi slt, %broadcast_in_dim3A_1795, %lt3A_1797 : vector<16xi32>
    %add3A_1799 = arith.constant 16 : i32
    %add3A_1800 = vector.broadcast %add3A_1799 : i32 to vector<16xi32>
    %add3A_1801 = arith.addi %broadcast_in_dim3A_1795, %add3A_1800 : vector<16xi32>
    %select_n3A_1802 = arith.select %lt3A_1798, %add3A_1801, %broadcast_in_dim3A_1795 : vector<16xi1>, vector<16xi32>
    %reshape3A_1803 = vector.shape_cast %select_n3A_1802 : vector<16xi32> to vector<16x1xi32>
    %gather3A_1804 = vector.shape_cast %reshape3A_1803 : vector<16x1xi32> to vector<16xi32>
    %gather3A_1805 = tpu.dynamic_gather %add3A_1501[%gather3A_1804] in [0] : vector<16xf32>, vector<16xi32> -> vector<16xf32>
    %add3A_1806 = arith.constant 0 : i32
    %add3A_1807 = vector.broadcast %add3A_1806 : i32 to vector<16xi32>
    %add3A_1808 = arith.addi %iota3A, %add3A_1807 : vector<16xi32>
    %gather3A_1809 = tpu.vector_load_idx %arg11[%shift_right_arithmetic3A_1784, %and3A_1787, %add3A_1808] : memref<2x8x32xf32, #tpu.memory_space<vmem>>[vector<16xi32>, vector<16xi32>, vector<16xi32>], vector<16xf32>,
    %add3A_1810 = arith.constant 0 : i32
    %add3A_1811 = vector.broadcast %add3A_1810 : i32 to vector<16xi32>
    %add3A_1812 = arith.addi %iota3A, %add3A_1811 : vector<16xi32>
    %mul3A_1813 = arith.mulf %gather3A_1809, %gather3A_1805 : vector<16xf32>
    tpu.vector_store_idx %arg20[%shift_right_arithmetic3A_1790, %and3A_1793, %add3A_1812], %mul3A_1813 {add = true} : memref<2x8x32xf32, #tpu.memory_space<vmem>>[vector<16xi32>, vector<16xi32>, vector<16xi32>], vector<16xf32>,
    %add3A_1814 = arith.constant 16 : i32
    %add3A_1815 = vector.broadcast %add3A_1814 : i32 to vector<16xi32>
    %add3A_1816 = arith.addi %iota3A, %add3A_1815 : vector<16xi32>
    %gather3A_1817 = tpu.vector_load_idx %arg11[%shift_right_arithmetic3A_1784, %and3A_1787, %add3A_1816] : memref<2x8x32xf32, #tpu.memory_space<vmem>>[vector<16xi32>, vector<16xi32>, vector<16xi32>], vector<16xf32>,
    %add3A_1818 = arith.constant 16 : i32
    %add3A_1819 = vector.broadcast %add3A_1818 : i32 to vector<16xi32>
    %add3A_1820 = arith.addi %iota3A, %add3A_1819 : vector<16xi32>
    %mul3A_1821 = arith.mulf %gather3A_1817, %gather3A_1805 : vector<16xf32>
    tpu.vector_store_idx %arg20[%shift_right_arithmetic3A_1790, %and3A_1793, %add3A_1820], %mul3A_1821 {add = true} : memref<2x8x32xf32, #tpu.memory_space<vmem>>[vector<16xi32>, vector<16xi32>, vector<16xi32>], vector<16xf32>,
    %broadcast_in_dim3A_1822 = arith.constant 13 : i32
    %broadcast_in_dim3A_1823 = vector.broadcast %broadcast_in_dim3A_1822 : i32 to vector<16xi32>
    %lt3A_1824 = arith.constant 0 : i32
    %lt3A_1825 = vector.broadcast %lt3A_1824 : i32 to vector<16xi32>
    %lt3A_1826 = arith.cmpi slt, %broadcast_in_dim3A_1823, %lt3A_1825 : vector<16xi32>
    %add3A_1827 = arith.constant 16 : i32
    %add3A_1828 = vector.broadcast %add3A_1827 : i32 to vector<16xi32>
    %add3A_1829 = arith.addi %broadcast_in_dim3A_1823, %add3A_1828 : vector<16xi32>
    %select_n3A_1830 = arith.select %lt3A_1826, %add3A_1829, %broadcast_in_dim3A_1823 : vector<16xi1>, vector<16xi32>
    %reshape3A_1831 = vector.shape_cast %select_n3A_1830 : vector<16xi32> to vector<16x1xi32>
    %gather3A_1832 = vector.shape_cast %reshape3A_1831 : vector<16x1xi32> to vector<16xi32>
    %gather3A_1833 = tpu.dynamic_gather %get3A_354[%gather3A_1832] in [0] : vector<16xi32>, vector<16xi32> -> vector<16xi32>
    %broadcast_in_dim3A_1834 = arith.constant 13 : i32
    %broadcast_in_dim3A_1835 = vector.broadcast %broadcast_in_dim3A_1834 : i32 to vector<16xi32>
    %lt3A_1836 = arith.constant 0 : i32
    %lt3A_1837 = vector.broadcast %lt3A_1836 : i32 to vector<16xi32>
    %lt3A_1838 = arith.cmpi slt, %broadcast_in_dim3A_1835, %lt3A_1837 : vector<16xi32>
    %add3A_1839 = arith.constant 16 : i32
    %add3A_1840 = vector.broadcast %add3A_1839 : i32 to vector<16xi32>
    %add3A_1841 = arith.addi %broadcast_in_dim3A_1835, %add3A_1840 : vector<16xi32>
    %select_n3A_1842 = arith.select %lt3A_1838, %add3A_1841, %broadcast_in_dim3A_1835 : vector<16xi1>, vector<16xi32>
    %reshape3A_1843 = vector.shape_cast %select_n3A_1842 : vector<16xi32> to vector<16x1xi32>
    %gather3A_1844 = vector.shape_cast %reshape3A_1843 : vector<16x1xi32> to vector<16xi32>
    %gather3A_1845 = tpu.dynamic_gather %get3A_358[%gather3A_1844] in [0] : vector<16xi32>, vector<16xi32> -> vector<16xi32>
    %shift_right_arithmetic3A_1846 = arith.constant 3 : i32
    %shift_right_arithmetic3A_1847 = vector.broadcast %shift_right_arithmetic3A_1846 : i32 to vector<16xi32>
    %shift_right_arithmetic3A_1848 = arith.shrsi %gather3A_1833, %shift_right_arithmetic3A_1847 : vector<16xi32>
    %and3A_1849 = arith.constant 7 : i32
    %and3A_1850 = vector.broadcast %and3A_1849 : i32 to vector<16xi32>
    %and3A_1851 = arith.andi %gather3A_1833, %and3A_1850 : vector<16xi32>
    %shift_right_arithmetic3A_1852 = arith.constant 3 : i32
    %shift_right_arithmetic3A_1853 = vector.broadcast %shift_right_arithmetic3A_1852 : i32 to vector<16xi32>
    %shift_right_arithmetic3A_1854 = arith.shrsi %gather3A_1845, %shift_right_arithmetic3A_1853 : vector<16xi32>
    %and3A_1855 = arith.constant 7 : i32
    %and3A_1856 = vector.broadcast %and3A_1855 : i32 to vector<16xi32>
    %and3A_1857 = arith.andi %gather3A_1845, %and3A_1856 : vector<16xi32>
    %broadcast_in_dim3A_1858 = arith.constant 5 : i32
    %broadcast_in_dim3A_1859 = vector.broadcast %broadcast_in_dim3A_1858 : i32 to vector<16xi32>
    %lt3A_1860 = arith.constant 0 : i32
    %lt3A_1861 = vector.broadcast %lt3A_1860 : i32 to vector<16xi32>
    %lt3A_1862 = arith.cmpi slt, %broadcast_in_dim3A_1859, %lt3A_1861 : vector<16xi32>
    %add3A_1863 = arith.constant 16 : i32
    %add3A_1864 = vector.broadcast %add3A_1863 : i32 to vector<16xi32>
    %add3A_1865 = arith.addi %broadcast_in_dim3A_1859, %add3A_1864 : vector<16xi32>
    %select_n3A_1866 = arith.select %lt3A_1862, %add3A_1865, %broadcast_in_dim3A_1859 : vector<16xi1>, vector<16xi32>
    %reshape3A_1867 = vector.shape_cast %select_n3A_1866 : vector<16xi32> to vector<16x1xi32>
    %gather3A_1868 = vector.shape_cast %reshape3A_1867 : vector<16x1xi32> to vector<16xi32>
    %gather3A_1869 = tpu.dynamic_gather %add3A_1501[%gather3A_1868] in [0] : vector<16xf32>, vector<16xi32> -> vector<16xf32>
    %add3A_1870 = arith.constant 0 : i32
    %add3A_1871 = vector.broadcast %add3A_1870 : i32 to vector<16xi32>
    %add3A_1872 = arith.addi %iota3A, %add3A_1871 : vector<16xi32>
    %gather3A_1873 = tpu.vector_load_idx %arg11[%shift_right_arithmetic3A_1848, %and3A_1851, %add3A_1872] : memref<2x8x32xf32, #tpu.memory_space<vmem>>[vector<16xi32>, vector<16xi32>, vector<16xi32>], vector<16xf32>,
    %add3A_1874 = arith.constant 0 : i32
    %add3A_1875 = vector.broadcast %add3A_1874 : i32 to vector<16xi32>
    %add3A_1876 = arith.addi %iota3A, %add3A_1875 : vector<16xi32>
    %mul3A_1877 = arith.mulf %gather3A_1873, %gather3A_1869 : vector<16xf32>
    tpu.vector_store_idx %arg20[%shift_right_arithmetic3A_1854, %and3A_1857, %add3A_1876], %mul3A_1877 {add = true} : memref<2x8x32xf32, #tpu.memory_space<vmem>>[vector<16xi32>, vector<16xi32>, vector<16xi32>], vector<16xf32>,
    %add3A_1878 = arith.constant 16 : i32
    %add3A_1879 = vector.broadcast %add3A_1878 : i32 to vector<16xi32>
    %add3A_1880 = arith.addi %iota3A, %add3A_1879 : vector<16xi32>
    %gather3A_1881 = tpu.vector_load_idx %arg11[%shift_right_arithmetic3A_1848, %and3A_1851, %add3A_1880] : memref<2x8x32xf32, #tpu.memory_space<vmem>>[vector<16xi32>, vector<16xi32>, vector<16xi32>], vector<16xf32>,
    %add3A_1882 = arith.constant 16 : i32
    %add3A_1883 = vector.broadcast %add3A_1882 : i32 to vector<16xi32>
    %add3A_1884 = arith.addi %iota3A, %add3A_1883 : vector<16xi32>
    %mul3A_1885 = arith.mulf %gather3A_1881, %gather3A_1869 : vector<16xf32>
    tpu.vector_store_idx %arg20[%shift_right_arithmetic3A_1854, %and3A_1857, %add3A_1884], %mul3A_1885 {add = true} : memref<2x8x32xf32, #tpu.memory_space<vmem>>[vector<16xi32>, vector<16xi32>, vector<16xi32>], vector<16xf32>,
    %broadcast_in_dim3A_1886 = arith.constant 14 : i32
    %broadcast_in_dim3A_1887 = vector.broadcast %broadcast_in_dim3A_1886 : i32 to vector<16xi32>
    %lt3A_1888 = arith.constant 0 : i32
    %lt3A_1889 = vector.broadcast %lt3A_1888 : i32 to vector<16xi32>
    %lt3A_1890 = arith.cmpi slt, %broadcast_in_dim3A_1887, %lt3A_1889 : vector<16xi32>
    %add3A_1891 = arith.constant 16 : i32
    %add3A_1892 = vector.broadcast %add3A_1891 : i32 to vector<16xi32>
    %add3A_1893 = arith.addi %broadcast_in_dim3A_1887, %add3A_1892 : vector<16xi32>
    %select_n3A_1894 = arith.select %lt3A_1890, %add3A_1893, %broadcast_in_dim3A_1887 : vector<16xi1>, vector<16xi32>
    %reshape3A_1895 = vector.shape_cast %select_n3A_1894 : vector<16xi32> to vector<16x1xi32>
    %gather3A_1896 = vector.shape_cast %reshape3A_1895 : vector<16x1xi32> to vector<16xi32>
    %gather3A_1897 = tpu.dynamic_gather %get3A_354[%gather3A_1896] in [0] : vector<16xi32>, vector<16xi32> -> vector<16xi32>
    %broadcast_in_dim3A_1898 = arith.constant 14 : i32
    %broadcast_in_dim3A_1899 = vector.broadcast %broadcast_in_dim3A_1898 : i32 to vector<16xi32>
    %lt3A_1900 = arith.constant 0 : i32
    %lt3A_1901 = vector.broadcast %lt3A_1900 : i32 to vector<16xi32>
    %lt3A_1902 = arith.cmpi slt, %broadcast_in_dim3A_1899, %lt3A_1901 : vector<16xi32>
    %add3A_1903 = arith.constant 16 : i32
    %add3A_1904 = vector.broadcast %add3A_1903 : i32 to vector<16xi32>
    %add3A_1905 = arith.addi %broadcast_in_dim3A_1899, %add3A_1904 : vector<16xi32>
    %select_n3A_1906 = arith.select %lt3A_1902, %add3A_1905, %broadcast_in_dim3A_1899 : vector<16xi1>, vector<16xi32>
    %reshape3A_1907 = vector.shape_cast %select_n3A_1906 : vector<16xi32> to vector<16x1xi32>
    %gather3A_1908 = vector.shape_cast %reshape3A_1907 : vector<16x1xi32> to vector<16xi32>
    %gather3A_1909 = tpu.dynamic_gather %get3A_358[%gather3A_1908] in [0] : vector<16xi32>, vector<16xi32> -> vector<16xi32>
    %shift_right_arithmetic3A_1910 = arith.constant 3 : i32
    %shift_right_arithmetic3A_1911 = vector.broadcast %shift_right_arithmetic3A_1910 : i32 to vector<16xi32>
    %shift_right_arithmetic3A_1912 = arith.shrsi %gather3A_1897, %shift_right_arithmetic3A_1911 : vector<16xi32>
    %and3A_1913 = arith.constant 7 : i32
    %and3A_1914 = vector.broadcast %and3A_1913 : i32 to vector<16xi32>
    %and3A_1915 = arith.andi %gather3A_1897, %and3A_1914 : vector<16xi32>
    %shift_right_arithmetic3A_1916 = arith.constant 3 : i32
    %shift_right_arithmetic3A_1917 = vector.broadcast %shift_right_arithmetic3A_1916 : i32 to vector<16xi32>
    %shift_right_arithmetic3A_1918 = arith.shrsi %gather3A_1909, %shift_right_arithmetic3A_1917 : vector<16xi32>
    %and3A_1919 = arith.constant 7 : i32
    %and3A_1920 = vector.broadcast %and3A_1919 : i32 to vector<16xi32>
    %and3A_1921 = arith.andi %gather3A_1909, %and3A_1920 : vector<16xi32>
    %broadcast_in_dim3A_1922 = arith.constant 6 : i32
    %broadcast_in_dim3A_1923 = vector.broadcast %broadcast_in_dim3A_1922 : i32 to vector<16xi32>
    %lt3A_1924 = arith.constant 0 : i32
    %lt3A_1925 = vector.broadcast %lt3A_1924 : i32 to vector<16xi32>
    %lt3A_1926 = arith.cmpi slt, %broadcast_in_dim3A_1923, %lt3A_1925 : vector<16xi32>
    %add3A_1927 = arith.constant 16 : i32
    %add3A_1928 = vector.broadcast %add3A_1927 : i32 to vector<16xi32>
    %add3A_1929 = arith.addi %broadcast_in_dim3A_1923, %add3A_1928 : vector<16xi32>
    %select_n3A_1930 = arith.select %lt3A_1926, %add3A_1929, %broadcast_in_dim3A_1923 : vector<16xi1>, vector<16xi32>
    %reshape3A_1931 = vector.shape_cast %select_n3A_1930 : vector<16xi32> to vector<16x1xi32>
    %gather3A_1932 = vector.shape_cast %reshape3A_1931 : vector<16x1xi32> to vector<16xi32>
    %gather3A_1933 = tpu.dynamic_gather %add3A_1501[%gather3A_1932] in [0] : vector<16xf32>, vector<16xi32> -> vector<16xf32>
    %add3A_1934 = arith.constant 0 : i32
    %add3A_1935 = vector.broadcast %add3A_1934 : i32 to vector<16xi32>
    %add3A_1936 = arith.addi %iota3A, %add3A_1935 : vector<16xi32>
    %gather3A_1937 = tpu.vector_load_idx %arg11[%shift_right_arithmetic3A_1912, %and3A_1915, %add3A_1936] : memref<2x8x32xf32, #tpu.memory_space<vmem>>[vector<16xi32>, vector<16xi32>, vector<16xi32>], vector<16xf32>,
    %add3A_1938 = arith.constant 0 : i32
    %add3A_1939 = vector.broadcast %add3A_1938 : i32 to vector<16xi32>
    %add3A_1940 = arith.addi %iota3A, %add3A_1939 : vector<16xi32>
    %mul3A_1941 = arith.mulf %gather3A_1937, %gather3A_1933 : vector<16xf32>
    tpu.vector_store_idx %arg20[%shift_right_arithmetic3A_1918, %and3A_1921, %add3A_1940], %mul3A_1941 {add = true} : memref<2x8x32xf32, #tpu.memory_space<vmem>>[vector<16xi32>, vector<16xi32>, vector<16xi32>], vector<16xf32>,
    %add3A_1942 = arith.constant 16 : i32
    %add3A_1943 = vector.broadcast %add3A_1942 : i32 to vector<16xi32>
    %add3A_1944 = arith.addi %iota3A, %add3A_1943 : vector<16xi32>
    %gather3A_1945 = tpu.vector_load_idx %arg11[%shift_right_arithmetic3A_1912, %and3A_1915, %add3A_1944] : memref<2x8x32xf32, #tpu.memory_space<vmem>>[vector<16xi32>, vector<16xi32>, vector<16xi32>], vector<16xf32>,
    %add3A_1946 = arith.constant 16 : i32
    %add3A_1947 = vector.broadcast %add3A_1946 : i32 to vector<16xi32>
    %add3A_1948 = arith.addi %iota3A, %add3A_1947 : vector<16xi32>
    %mul3A_1949 = arith.mulf %gather3A_1945, %gather3A_1933 : vector<16xf32>
    tpu.vector_store_idx %arg20[%shift_right_arithmetic3A_1918, %and3A_1921, %add3A_1948], %mul3A_1949 {add = true} : memref<2x8x32xf32, #tpu.memory_space<vmem>>[vector<16xi32>, vector<16xi32>, vector<16xi32>], vector<16xf32>,
    %broadcast_in_dim3A_1950 = arith.constant 15 : i32
    %broadcast_in_dim3A_1951 = vector.broadcast %broadcast_in_dim3A_1950 : i32 to vector<16xi32>
    %lt3A_1952 = arith.constant 0 : i32
    %lt3A_1953 = vector.broadcast %lt3A_1952 : i32 to vector<16xi32>
    %lt3A_1954 = arith.cmpi slt, %broadcast_in_dim3A_1951, %lt3A_1953 : vector<16xi32>
    %add3A_1955 = arith.constant 16 : i32
    %add3A_1956 = vector.broadcast %add3A_1955 : i32 to vector<16xi32>
    %add3A_1957 = arith.addi %broadcast_in_dim3A_1951, %add3A_1956 : vector<16xi32>
    %select_n3A_1958 = arith.select %lt3A_1954, %add3A_1957, %broadcast_in_dim3A_1951 : vector<16xi1>, vector<16xi32>
    %reshape3A_1959 = vector.shape_cast %select_n3A_1958 : vector<16xi32> to vector<16x1xi32>
    %gather3A_1960 = vector.shape_cast %reshape3A_1959 : vector<16x1xi32> to vector<16xi32>
    %gather3A_1961 = tpu.dynamic_gather %get3A_354[%gather3A_1960] in [0] : vector<16xi32>, vector<16xi32> -> vector<16xi32>
    %broadcast_in_dim3A_1962 = arith.constant 15 : i32
    %broadcast_in_dim3A_1963 = vector.broadcast %broadcast_in_dim3A_1962 : i32 to vector<16xi32>
    %lt3A_1964 = arith.constant 0 : i32
    %lt3A_1965 = vector.broadcast %lt3A_1964 : i32 to vector<16xi32>
    %lt3A_1966 = arith.cmpi slt, %broadcast_in_dim3A_1963, %lt3A_1965 : vector<16xi32>
    %add3A_1967 = arith.constant 16 : i32
    %add3A_1968 = vector.broadcast %add3A_1967 : i32 to vector<16xi32>
    %add3A_1969 = arith.addi %broadcast_in_dim3A_1963, %add3A_1968 : vector<16xi32>
    %select_n3A_1970 = arith.select %lt3A_1966, %add3A_1969, %broadcast_in_dim3A_1963 : vector<16xi1>, vector<16xi32>
    %reshape3A_1971 = vector.shape_cast %select_n3A_1970 : vector<16xi32> to vector<16x1xi32>
    %gather3A_1972 = vector.shape_cast %reshape3A_1971 : vector<16x1xi32> to vector<16xi32>
    %gather3A_1973 = tpu.dynamic_gather %get3A_358[%gather3A_1972] in [0] : vector<16xi32>, vector<16xi32> -> vector<16xi32>
    %shift_right_arithmetic3A_1974 = arith.constant 3 : i32
    %shift_right_arithmetic3A_1975 = vector.broadcast %shift_right_arithmetic3A_1974 : i32 to vector<16xi32>
    %shift_right_arithmetic3A_1976 = arith.shrsi %gather3A_1961, %shift_right_arithmetic3A_1975 : vector<16xi32>
    %and3A_1977 = arith.constant 7 : i32
    %and3A_1978 = vector.broadcast %and3A_1977 : i32 to vector<16xi32>
    %and3A_1979 = arith.andi %gather3A_1961, %and3A_1978 : vector<16xi32>
    %shift_right_arithmetic3A_1980 = arith.constant 3 : i32
    %shift_right_arithmetic3A_1981 = vector.broadcast %shift_right_arithmetic3A_1980 : i32 to vector<16xi32>
    %shift_right_arithmetic3A_1982 = arith.shrsi %gather3A_1973, %shift_right_arithmetic3A_1981 : vector<16xi32>
    %and3A_1983 = arith.constant 7 : i32
    %and3A_1984 = vector.broadcast %and3A_1983 : i32 to vector<16xi32>
    %and3A_1985 = arith.andi %gather3A_1973, %and3A_1984 : vector<16xi32>
    %broadcast_in_dim3A_1986 = arith.constant 7 : i32
    %broadcast_in_dim3A_1987 = vector.broadcast %broadcast_in_dim3A_1986 : i32 to vector<16xi32>
    %lt3A_1988 = arith.constant 0 : i32
    %lt3A_1989 = vector.broadcast %lt3A_1988 : i32 to vector<16xi32>
    %lt3A_1990 = arith.cmpi slt, %broadcast_in_dim3A_1987, %lt3A_1989 : vector<16xi32>
    %add3A_1991 = arith.constant 16 : i32
    %add3A_1992 = vector.broadcast %add3A_1991 : i32 to vector<16xi32>
    %add3A_1993 = arith.addi %broadcast_in_dim3A_1987, %add3A_1992 : vector<16xi32>
    %select_n3A_1994 = arith.select %lt3A_1990, %add3A_1993, %broadcast_in_dim3A_1987 : vector<16xi1>, vector<16xi32>
    %reshape3A_1995 = vector.shape_cast %select_n3A_1994 : vector<16xi32> to vector<16x1xi32>
    %gather3A_1996 = vector.shape_cast %reshape3A_1995 : vector<16x1xi32> to vector<16xi32>
    %gather3A_1997 = tpu.dynamic_gather %add3A_1501[%gather3A_1996] in [0] : vector<16xf32>, vector<16xi32> -> vector<16xf32>
    %add3A_1998 = arith.constant 0 : i32
    %add3A_1999 = vector.broadcast %add3A_1998 : i32 to vector<16xi32>
    %add3A_2000 = arith.addi %iota3A, %add3A_1999 : vector<16xi32>
    %gather3A_2001 = tpu.vector_load_idx %arg11[%shift_right_arithmetic3A_1976, %and3A_1979, %add3A_2000] : memref<2x8x32xf32, #tpu.memory_space<vmem>>[vector<16xi32>, vector<16xi32>, vector<16xi32>], vector<16xf32>,
    %add3A_2002 = arith.constant 0 : i32
    %add3A_2003 = vector.broadcast %add3A_2002 : i32 to vector<16xi32>
    %add3A_2004 = arith.addi %iota3A, %add3A_2003 : vector<16xi32>
    %mul3A_2005 = arith.mulf %gather3A_2001, %gather3A_1997 : vector<16xf32>
    tpu.vector_store_idx %arg20[%shift_right_arithmetic3A_1982, %and3A_1985, %add3A_2004], %mul3A_2005 {add = true} : memref<2x8x32xf32, #tpu.memory_space<vmem>>[vector<16xi32>, vector<16xi32>, vector<16xi32>], vector<16xf32>,
    %add3A_2006 = arith.constant 16 : i32
    %add3A_2007 = vector.broadcast %add3A_2006 : i32 to vector<16xi32>
    %add3A_2008 = arith.addi %iota3A, %add3A_2007 : vector<16xi32>
    %gather3A_2009 = tpu.vector_load_idx %arg11[%shift_right_arithmetic3A_1976, %and3A_1979, %add3A_2008] : memref<2x8x32xf32, #tpu.memory_space<vmem>>[vector<16xi32>, vector<16xi32>, vector<16xi32>], vector<16xf32>,
    %add3A_2010 = arith.constant 16 : i32
    %add3A_2011 = vector.broadcast %add3A_2010 : i32 to vector<16xi32>
    %add3A_2012 = arith.addi %iota3A, %add3A_2011 : vector<16xi32>
    %mul3A_2013 = arith.mulf %gather3A_2009, %gather3A_1997 : vector<16xf32>
    tpu.vector_store_idx %arg20[%shift_right_arithmetic3A_1982, %and3A_1985, %add3A_2012], %mul3A_2013 {add = true} : memref<2x8x32xf32, #tpu.memory_space<vmem>>[vector<16xi32>, vector<16xi32>, vector<16xi32>], vector<16xf32>,
    %broadcast_in_dim3A_2014 = arith.constant 8 : i32
    %broadcast_in_dim3A_2015 = vector.broadcast %broadcast_in_dim3A_2014 : i32 to vector<16xi32>
    %lt3A_2016 = arith.constant 0 : i32
    %lt3A_2017 = vector.broadcast %lt3A_2016 : i32 to vector<16xi32>
    %lt3A_2018 = arith.cmpi slt, %broadcast_in_dim3A_2015, %lt3A_2017 : vector<16xi32>
    %add3A_2019 = arith.constant 16 : i32
    %add3A_2020 = vector.broadcast %add3A_2019 : i32 to vector<16xi32>
    %add3A_2021 = arith.addi %broadcast_in_dim3A_2015, %add3A_2020 : vector<16xi32>
    %select_n3A_2022 = arith.select %lt3A_2018, %add3A_2021, %broadcast_in_dim3A_2015 : vector<16xi1>, vector<16xi32>
    %reshape3A_2023 = vector.shape_cast %select_n3A_2022 : vector<16xi32> to vector<16x1xi32>
    %gather3A_2024 = vector.shape_cast %reshape3A_2023 : vector<16x1xi32> to vector<16xi32>
    %gather3A_2025 = tpu.dynamic_gather %get3A_356[%gather3A_2024] in [0] : vector<16xi32>, vector<16xi32> -> vector<16xi32>
    %broadcast_in_dim3A_2026 = arith.constant 8 : i32
    %broadcast_in_dim3A_2027 = vector.broadcast %broadcast_in_dim3A_2026 : i32 to vector<16xi32>
    %lt3A_2028 = arith.constant 0 : i32
    %lt3A_2029 = vector.broadcast %lt3A_2028 : i32 to vector<16xi32>
    %lt3A_2030 = arith.cmpi slt, %broadcast_in_dim3A_2027, %lt3A_2029 : vector<16xi32>
    %add3A_2031 = arith.constant 16 : i32
    %add3A_2032 = vector.broadcast %add3A_2031 : i32 to vector<16xi32>
    %add3A_2033 = arith.addi %broadcast_in_dim3A_2027, %add3A_2032 : vector<16xi32>
    %select_n3A_2034 = arith.select %lt3A_2030, %add3A_2033, %broadcast_in_dim3A_2027 : vector<16xi1>, vector<16xi32>
    %reshape3A_2035 = vector.shape_cast %select_n3A_2034 : vector<16xi32> to vector<16x1xi32>
    %gather3A_2036 = vector.shape_cast %reshape3A_2035 : vector<16x1xi32> to vector<16xi32>
    %gather3A_2037 = tpu.dynamic_gather %get3A_360[%gather3A_2036] in [0] : vector<16xi32>, vector<16xi32> -> vector<16xi32>
    %shift_right_arithmetic3A_2038 = arith.constant 3 : i32
    %shift_right_arithmetic3A_2039 = vector.broadcast %shift_right_arithmetic3A_2038 : i32 to vector<16xi32>
    %shift_right_arithmetic3A_2040 = arith.shrsi %gather3A_2025, %shift_right_arithmetic3A_2039 : vector<16xi32>
    %and3A_2041 = arith.constant 7 : i32
    %and3A_2042 = vector.broadcast %and3A_2041 : i32 to vector<16xi32>
    %and3A_2043 = arith.andi %gather3A_2025, %and3A_2042 : vector<16xi32>
    %shift_right_arithmetic3A_2044 = arith.constant 3 : i32
    %shift_right_arithmetic3A_2045 = vector.broadcast %shift_right_arithmetic3A_2044 : i32 to vector<16xi32>
    %shift_right_arithmetic3A_2046 = arith.shrsi %gather3A_2037, %shift_right_arithmetic3A_2045 : vector<16xi32>
    %and3A_2047 = arith.constant 7 : i32
    %and3A_2048 = vector.broadcast %and3A_2047 : i32 to vector<16xi32>
    %and3A_2049 = arith.andi %gather3A_2037, %and3A_2048 : vector<16xi32>
    %broadcast_in_dim3A_2050 = arith.constant 8 : i32
    %broadcast_in_dim3A_2051 = vector.broadcast %broadcast_in_dim3A_2050 : i32 to vector<16xi32>
    %lt3A_2052 = arith.constant 0 : i32
    %lt3A_2053 = vector.broadcast %lt3A_2052 : i32 to vector<16xi32>
    %lt3A_2054 = arith.cmpi slt, %broadcast_in_dim3A_2051, %lt3A_2053 : vector<16xi32>
    %add3A_2055 = arith.constant 16 : i32
    %add3A_2056 = vector.broadcast %add3A_2055 : i32 to vector<16xi32>
    %add3A_2057 = arith.addi %broadcast_in_dim3A_2051, %add3A_2056 : vector<16xi32>
    %select_n3A_2058 = arith.select %lt3A_2054, %add3A_2057, %broadcast_in_dim3A_2051 : vector<16xi1>, vector<16xi32>
    %reshape3A_2059 = vector.shape_cast %select_n3A_2058 : vector<16xi32> to vector<16x1xi32>
    %gather3A_2060 = vector.shape_cast %reshape3A_2059 : vector<16x1xi32> to vector<16xi32>
    %gather3A_2061 = tpu.dynamic_gather %add3A_1501[%gather3A_2060] in [0] : vector<16xf32>, vector<16xi32> -> vector<16xf32>
    %add3A_2062 = arith.constant 0 : i32
    %add3A_2063 = vector.broadcast %add3A_2062 : i32 to vector<16xi32>
    %add3A_2064 = arith.addi %iota3A, %add3A_2063 : vector<16xi32>
    %gather3A_2065 = tpu.vector_load_idx %arg11[%shift_right_arithmetic3A_2040, %and3A_2043, %add3A_2064] : memref<2x8x32xf32, #tpu.memory_space<vmem>>[vector<16xi32>, vector<16xi32>, vector<16xi32>], vector<16xf32>,
    %add3A_2066 = arith.constant 0 : i32
    %add3A_2067 = vector.broadcast %add3A_2066 : i32 to vector<16xi32>
    %add3A_2068 = arith.addi %iota3A, %add3A_2067 : vector<16xi32>
    %mul3A_2069 = arith.mulf %gather3A_2065, %gather3A_2061 : vector<16xf32>
    tpu.vector_store_idx %arg20[%shift_right_arithmetic3A_2046, %and3A_2049, %add3A_2068], %mul3A_2069 {add = true} : memref<2x8x32xf32, #tpu.memory_space<vmem>>[vector<16xi32>, vector<16xi32>, vector<16xi32>], vector<16xf32>,
    %add3A_2070 = arith.constant 16 : i32
    %add3A_2071 = vector.broadcast %add3A_2070 : i32 to vector<16xi32>
    %add3A_2072 = arith.addi %iota3A, %add3A_2071 : vector<16xi32>
    %gather3A_2073 = tpu.vector_load_idx %arg11[%shift_right_arithmetic3A_2040, %and3A_2043, %add3A_2072] : memref<2x8x32xf32, #tpu.memory_space<vmem>>[vector<16xi32>, vector<16xi32>, vector<16xi32>], vector<16xf32>,
    %add3A_2074 = arith.constant 16 : i32
    %add3A_2075 = vector.broadcast %add3A_2074 : i32 to vector<16xi32>
    %add3A_2076 = arith.addi %iota3A, %add3A_2075 : vector<16xi32>
    %mul3A_2077 = arith.mulf %gather3A_2073, %gather3A_2061 : vector<16xf32>
    tpu.vector_store_idx %arg20[%shift_right_arithmetic3A_2046, %and3A_2049, %add3A_2076], %mul3A_2077 {add = true} : memref<2x8x32xf32, #tpu.memory_space<vmem>>[vector<16xi32>, vector<16xi32>, vector<16xi32>], vector<16xf32>,
    %broadcast_in_dim3A_2078 = arith.constant 9 : i32
    %broadcast_in_dim3A_2079 = vector.broadcast %broadcast_in_dim3A_2078 : i32 to vector<16xi32>
    %lt3A_2080 = arith.constant 0 : i32
    %lt3A_2081 = vector.broadcast %lt3A_2080 : i32 to vector<16xi32>
    %lt3A_2082 = arith.cmpi slt, %broadcast_in_dim3A_2079, %lt3A_2081 : vector<16xi32>
    %add3A_2083 = arith.constant 16 : i32
    %add3A_2084 = vector.broadcast %add3A_2083 : i32 to vector<16xi32>
    %add3A_2085 = arith.addi %broadcast_in_dim3A_2079, %add3A_2084 : vector<16xi32>
    %select_n3A_2086 = arith.select %lt3A_2082, %add3A_2085, %broadcast_in_dim3A_2079 : vector<16xi1>, vector<16xi32>
    %reshape3A_2087 = vector.shape_cast %select_n3A_2086 : vector<16xi32> to vector<16x1xi32>
    %gather3A_2088 = vector.shape_cast %reshape3A_2087 : vector<16x1xi32> to vector<16xi32>
    %gather3A_2089 = tpu.dynamic_gather %get3A_356[%gather3A_2088] in [0] : vector<16xi32>, vector<16xi32> -> vector<16xi32>
    %broadcast_in_dim3A_2090 = arith.constant 9 : i32
    %broadcast_in_dim3A_2091 = vector.broadcast %broadcast_in_dim3A_2090 : i32 to vector<16xi32>
    %lt3A_2092 = arith.constant 0 : i32
    %lt3A_2093 = vector.broadcast %lt3A_2092 : i32 to vector<16xi32>
    %lt3A_2094 = arith.cmpi slt, %broadcast_in_dim3A_2091, %lt3A_2093 : vector<16xi32>
    %add3A_2095 = arith.constant 16 : i32
    %add3A_2096 = vector.broadcast %add3A_2095 : i32 to vector<16xi32>
    %add3A_2097 = arith.addi %broadcast_in_dim3A_2091, %add3A_2096 : vector<16xi32>
    %select_n3A_2098 = arith.select %lt3A_2094, %add3A_2097, %broadcast_in_dim3A_2091 : vector<16xi1>, vector<16xi32>
    %reshape3A_2099 = vector.shape_cast %select_n3A_2098 : vector<16xi32> to vector<16x1xi32>
    %gather3A_2100 = vector.shape_cast %reshape3A_2099 : vector<16x1xi32> to vector<16xi32>
    %gather3A_2101 = tpu.dynamic_gather %get3A_360[%gather3A_2100] in [0] : vector<16xi32>, vector<16xi32> -> vector<16xi32>
    %shift_right_arithmetic3A_2102 = arith.constant 3 : i32
    %shift_right_arithmetic3A_2103 = vector.broadcast %shift_right_arithmetic3A_2102 : i32 to vector<16xi32>
    %shift_right_arithmetic3A_2104 = arith.shrsi %gather3A_2089, %shift_right_arithmetic3A_2103 : vector<16xi32>
    %and3A_2105 = arith.constant 7 : i32
    %and3A_2106 = vector.broadcast %and3A_2105 : i32 to vector<16xi32>
    %and3A_2107 = arith.andi %gather3A_2089, %and3A_2106 : vector<16xi32>
    %shift_right_arithmetic3A_2108 = arith.constant 3 : i32
    %shift_right_arithmetic3A_2109 = vector.broadcast %shift_right_arithmetic3A_2108 : i32 to vector<16xi32>
    %shift_right_arithmetic3A_2110 = arith.shrsi %gather3A_2101, %shift_right_arithmetic3A_2109 : vector<16xi32>
    %and3A_2111 = arith.constant 7 : i32
    %and3A_2112 = vector.broadcast %and3A_2111 : i32 to vector<16xi32>
    %and3A_2113 = arith.andi %gather3A_2101, %and3A_2112 : vector<16xi32>
    %broadcast_in_dim3A_2114 = arith.constant 9 : i32
    %broadcast_in_dim3A_2115 = vector.broadcast %broadcast_in_dim3A_2114 : i32 to vector<16xi32>
    %lt3A_2116 = arith.constant 0 : i32
    %lt3A_2117 = vector.broadcast %lt3A_2116 : i32 to vector<16xi32>
    %lt3A_2118 = arith.cmpi slt, %broadcast_in_dim3A_2115, %lt3A_2117 : vector<16xi32>
    %add3A_2119 = arith.constant 16 : i32
    %add3A_2120 = vector.broadcast %add3A_2119 : i32 to vector<16xi32>
    %add3A_2121 = arith.addi %broadcast_in_dim3A_2115, %add3A_2120 : vector<16xi32>
    %select_n3A_2122 = arith.select %lt3A_2118, %add3A_2121, %broadcast_in_dim3A_2115 : vector<16xi1>, vector<16xi32>
    %reshape3A_2123 = vector.shape_cast %select_n3A_2122 : vector<16xi32> to vector<16x1xi32>
    %gather3A_2124 = vector.shape_cast %reshape3A_2123 : vector<16x1xi32> to vector<16xi32>
    %gather3A_2125 = tpu.dynamic_gather %add3A_1501[%gather3A_2124] in [0] : vector<16xf32>, vector<16xi32> -> vector<16xf32>
    %add3A_2126 = arith.constant 0 : i32
    %add3A_2127 = vector.broadcast %add3A_2126 : i32 to vector<16xi32>
    %add3A_2128 = arith.addi %iota3A, %add3A_2127 : vector<16xi32>
    %gather3A_2129 = tpu.vector_load_idx %arg11[%shift_right_arithmetic3A_2104, %and3A_2107, %add3A_2128] : memref<2x8x32xf32, #tpu.memory_space<vmem>>[vector<16xi32>, vector<16xi32>, vector<16xi32>], vector<16xf32>,
    %add3A_2130 = arith.constant 0 : i32
    %add3A_2131 = vector.broadcast %add3A_2130 : i32 to vector<16xi32>
    %add3A_2132 = arith.addi %iota3A, %add3A_2131 : vector<16xi32>
    %mul3A_2133 = arith.mulf %gather3A_2129, %gather3A_2125 : vector<16xf32>
    tpu.vector_store_idx %arg20[%shift_right_arithmetic3A_2110, %and3A_2113, %add3A_2132], %mul3A_2133 {add = true} : memref<2x8x32xf32, #tpu.memory_space<vmem>>[vector<16xi32>, vector<16xi32>, vector<16xi32>], vector<16xf32>,
    %add3A_2134 = arith.constant 16 : i32
    %add3A_2135 = vector.broadcast %add3A_2134 : i32 to vector<16xi32>
    %add3A_2136 = arith.addi %iota3A, %add3A_2135 : vector<16xi32>
    %gather3A_2137 = tpu.vector_load_idx %arg11[%shift_right_arithmetic3A_2104, %and3A_2107, %add3A_2136] : memref<2x8x32xf32, #tpu.memory_space<vmem>>[vector<16xi32>, vector<16xi32>, vector<16xi32>], vector<16xf32>,
    %add3A_2138 = arith.constant 16 : i32
    %add3A_2139 = vector.broadcast %add3A_2138 : i32 to vector<16xi32>
    %add3A_2140 = arith.addi %iota3A, %add3A_2139 : vector<16xi32>
    %mul3A_2141 = arith.mulf %gather3A_2137, %gather3A_2125 : vector<16xf32>
    tpu.vector_store_idx %arg20[%shift_right_arithmetic3A_2110, %and3A_2113, %add3A_2140], %mul3A_2141 {add = true} : memref<2x8x32xf32, #tpu.memory_space<vmem>>[vector<16xi32>, vector<16xi32>, vector<16xi32>], vector<16xf32>,
    %broadcast_in_dim3A_2142 = arith.constant 10 : i32
    %broadcast_in_dim3A_2143 = vector.broadcast %broadcast_in_dim3A_2142 : i32 to vector<16xi32>
    %lt3A_2144 = arith.constant 0 : i32
    %lt3A_2145 = vector.broadcast %lt3A_2144 : i32 to vector<16xi32>
    %lt3A_2146 = arith.cmpi slt, %broadcast_in_dim3A_2143, %lt3A_2145 : vector<16xi32>
    %add3A_2147 = arith.constant 16 : i32
    %add3A_2148 = vector.broadcast %add3A_2147 : i32 to vector<16xi32>
    %add3A_2149 = arith.addi %broadcast_in_dim3A_2143, %add3A_2148 : vector<16xi32>
    %select_n3A_2150 = arith.select %lt3A_2146, %add3A_2149, %broadcast_in_dim3A_2143 : vector<16xi1>, vector<16xi32>
    %reshape3A_2151 = vector.shape_cast %select_n3A_2150 : vector<16xi32> to vector<16x1xi32>
    %gather3A_2152 = vector.shape_cast %reshape3A_2151 : vector<16x1xi32> to vector<16xi32>
    %gather3A_2153 = tpu.dynamic_gather %get3A_356[%gather3A_2152] in [0] : vector<16xi32>, vector<16xi32> -> vector<16xi32>
    %broadcast_in_dim3A_2154 = arith.constant 10 : i32
    %broadcast_in_dim3A_2155 = vector.broadcast %broadcast_in_dim3A_2154 : i32 to vector<16xi32>
    %lt3A_2156 = arith.constant 0 : i32
    %lt3A_2157 = vector.broadcast %lt3A_2156 : i32 to vector<16xi32>
    %lt3A_2158 = arith.cmpi slt, %broadcast_in_dim3A_2155, %lt3A_2157 : vector<16xi32>
    %add3A_2159 = arith.constant 16 : i32
    %add3A_2160 = vector.broadcast %add3A_2159 : i32 to vector<16xi32>
    %add3A_2161 = arith.addi %broadcast_in_dim3A_2155, %add3A_2160 : vector<16xi32>
    %select_n3A_2162 = arith.select %lt3A_2158, %add3A_2161, %broadcast_in_dim3A_2155 : vector<16xi1>, vector<16xi32>
    %reshape3A_2163 = vector.shape_cast %select_n3A_2162 : vector<16xi32> to vector<16x1xi32>
    %gather3A_2164 = vector.shape_cast %reshape3A_2163 : vector<16x1xi32> to vector<16xi32>
    %gather3A_2165 = tpu.dynamic_gather %get3A_360[%gather3A_2164] in [0] : vector<16xi32>, vector<16xi32> -> vector<16xi32>
    %shift_right_arithmetic3A_2166 = arith.constant 3 : i32
    %shift_right_arithmetic3A_2167 = vector.broadcast %shift_right_arithmetic3A_2166 : i32 to vector<16xi32>
    %shift_right_arithmetic3A_2168 = arith.shrsi %gather3A_2153, %shift_right_arithmetic3A_2167 : vector<16xi32>
    %and3A_2169 = arith.constant 7 : i32
    %and3A_2170 = vector.broadcast %and3A_2169 : i32 to vector<16xi32>
    %and3A_2171 = arith.andi %gather3A_2153, %and3A_2170 : vector<16xi32>
    %shift_right_arithmetic3A_2172 = arith.constant 3 : i32
    %shift_right_arithmetic3A_2173 = vector.broadcast %shift_right_arithmetic3A_2172 : i32 to vector<16xi32>
    %shift_right_arithmetic3A_2174 = arith.shrsi %gather3A_2165, %shift_right_arithmetic3A_2173 : vector<16xi32>
    %and3A_2175 = arith.constant 7 : i32
    %and3A_2176 = vector.broadcast %and3A_2175 : i32 to vector<16xi32>
    %and3A_2177 = arith.andi %gather3A_2165, %and3A_2176 : vector<16xi32>
    %broadcast_in_dim3A_2178 = arith.constant 10 : i32
    %broadcast_in_dim3A_2179 = vector.broadcast %broadcast_in_dim3A_2178 : i32 to vector<16xi32>
    %lt3A_2180 = arith.constant 0 : i32
    %lt3A_2181 = vector.broadcast %lt3A_2180 : i32 to vector<16xi32>
    %lt3A_2182 = arith.cmpi slt, %broadcast_in_dim3A_2179, %lt3A_2181 : vector<16xi32>
    %add3A_2183 = arith.constant 16 : i32
    %add3A_2184 = vector.broadcast %add3A_2183 : i32 to vector<16xi32>
    %add3A_2185 = arith.addi %broadcast_in_dim3A_2179, %add3A_2184 : vector<16xi32>
    %select_n3A_2186 = arith.select %lt3A_2182, %add3A_2185, %broadcast_in_dim3A_2179 : vector<16xi1>, vector<16xi32>
    %reshape3A_2187 = vector.shape_cast %select_n3A_2186 : vector<16xi32> to vector<16x1xi32>
    %gather3A_2188 = vector.shape_cast %reshape3A_2187 : vector<16x1xi32> to vector<16xi32>
    %gather3A_2189 = tpu.dynamic_gather %add3A_1501[%gather3A_2188] in [0] : vector<16xf32>, vector<16xi32> -> vector<16xf32>
    %add3A_2190 = arith.constant 0 : i32
    %add3A_2191 = vector.broadcast %add3A_2190 : i32 to vector<16xi32>
    %add3A_2192 = arith.addi %iota3A, %add3A_2191 : vector<16xi32>
    %gather3A_2193 = tpu.vector_load_idx %arg11[%shift_right_arithmetic3A_2168, %and3A_2171, %add3A_2192] : memref<2x8x32xf32, #tpu.memory_space<vmem>>[vector<16xi32>, vector<16xi32>, vector<16xi32>], vector<16xf32>,
    %add3A_2194 = arith.constant 0 : i32
    %add3A_2195 = vector.broadcast %add3A_2194 : i32 to vector<16xi32>
    %add3A_2196 = arith.addi %iota3A, %add3A_2195 : vector<16xi32>
    %mul3A_2197 = arith.mulf %gather3A_2193, %gather3A_2189 : vector<16xf32>
    tpu.vector_store_idx %arg20[%shift_right_arithmetic3A_2174, %and3A_2177, %add3A_2196], %mul3A_2197 {add = true} : memref<2x8x32xf32, #tpu.memory_space<vmem>>[vector<16xi32>, vector<16xi32>, vector<16xi32>], vector<16xf32>,
    %add3A_2198 = arith.constant 16 : i32
    %add3A_2199 = vector.broadcast %add3A_2198 : i32 to vector<16xi32>
    %add3A_2200 = arith.addi %iota3A, %add3A_2199 : vector<16xi32>
    %gather3A_2201 = tpu.vector_load_idx %arg11[%shift_right_arithmetic3A_2168, %and3A_2171, %add3A_2200] : memref<2x8x32xf32, #tpu.memory_space<vmem>>[vector<16xi32>, vector<16xi32>, vector<16xi32>], vector<16xf32>,
    %add3A_2202 = arith.constant 16 : i32
    %add3A_2203 = vector.broadcast %add3A_2202 : i32 to vector<16xi32>
    %add3A_2204 = arith.addi %iota3A, %add3A_2203 : vector<16xi32>
    %mul3A_2205 = arith.mulf %gather3A_2201, %gather3A_2189 : vector<16xf32>
    tpu.vector_store_idx %arg20[%shift_right_arithmetic3A_2174, %and3A_2177, %add3A_2204], %mul3A_2205 {add = true} : memref<2x8x32xf32, #tpu.memory_space<vmem>>[vector<16xi32>, vector<16xi32>, vector<16xi32>], vector<16xf32>,
    %broadcast_in_dim3A_2206 = arith.constant 11 : i32
    %broadcast_in_dim3A_2207 = vector.broadcast %broadcast_in_dim3A_2206 : i32 to vector<16xi32>
    %lt3A_2208 = arith.constant 0 : i32
    %lt3A_2209 = vector.broadcast %lt3A_2208 : i32 to vector<16xi32>
    %lt3A_2210 = arith.cmpi slt, %broadcast_in_dim3A_2207, %lt3A_2209 : vector<16xi32>
    %add3A_2211 = arith.constant 16 : i32
    %add3A_2212 = vector.broadcast %add3A_2211 : i32 to vector<16xi32>
    %add3A_2213 = arith.addi %broadcast_in_dim3A_2207, %add3A_2212 : vector<16xi32>
    %select_n3A_2214 = arith.select %lt3A_2210, %add3A_2213, %broadcast_in_dim3A_2207 : vector<16xi1>, vector<16xi32>
    %reshape3A_2215 = vector.shape_cast %select_n3A_2214 : vector<16xi32> to vector<16x1xi32>
    %gather3A_2216 = vector.shape_cast %reshape3A_2215 : vector<16x1xi32> to vector<16xi32>
    %gather3A_2217 = tpu.dynamic_gather %get3A_356[%gather3A_2216] in [0] : vector<16xi32>, vector<16xi32> -> vector<16xi32>
    %broadcast_in_dim3A_2218 = arith.constant 11 : i32
    %broadcast_in_dim3A_2219 = vector.broadcast %broadcast_in_dim3A_2218 : i32 to vector<16xi32>
    %lt3A_2220 = arith.constant 0 : i32
    %lt3A_2221 = vector.broadcast %lt3A_2220 : i32 to vector<16xi32>
    %lt3A_2222 = arith.cmpi slt, %broadcast_in_dim3A_2219, %lt3A_2221 : vector<16xi32>
    %add3A_2223 = arith.constant 16 : i32
    %add3A_2224 = vector.broadcast %add3A_2223 : i32 to vector<16xi32>
    %add3A_2225 = arith.addi %broadcast_in_dim3A_2219, %add3A_2224 : vector<16xi32>
    %select_n3A_2226 = arith.select %lt3A_2222, %add3A_2225, %broadcast_in_dim3A_2219 : vector<16xi1>, vector<16xi32>
    %reshape3A_2227 = vector.shape_cast %select_n3A_2226 : vector<16xi32> to vector<16x1xi32>
    %gather3A_2228 = vector.shape_cast %reshape3A_2227 : vector<16x1xi32> to vector<16xi32>
    %gather3A_2229 = tpu.dynamic_gather %get3A_360[%gather3A_2228] in [0] : vector<16xi32>, vector<16xi32> -> vector<16xi32>
    %shift_right_arithmetic3A_2230 = arith.constant 3 : i32
    %shift_right_arithmetic3A_2231 = vector.broadcast %shift_right_arithmetic3A_2230 : i32 to vector<16xi32>
    %shift_right_arithmetic3A_2232 = arith.shrsi %gather3A_2217, %shift_right_arithmetic3A_2231 : vector<16xi32>
    %and3A_2233 = arith.constant 7 : i32
    %and3A_2234 = vector.broadcast %and3A_2233 : i32 to vector<16xi32>
    %and3A_2235 = arith.andi %gather3A_2217, %and3A_2234 : vector<16xi32>
    %shift_right_arithmetic3A_2236 = arith.constant 3 : i32
    %shift_right_arithmetic3A_2237 = vector.broadcast %shift_right_arithmetic3A_2236 : i32 to vector<16xi32>
    %shift_right_arithmetic3A_2238 = arith.shrsi %gather3A_2229, %shift_right_arithmetic3A_2237 : vector<16xi32>
    %and3A_2239 = arith.constant 7 : i32
    %and3A_2240 = vector.broadcast %and3A_2239 : i32 to vector<16xi32>
    %and3A_2241 = arith.andi %gather3A_2229, %and3A_2240 : vector<16xi32>
    %broadcast_in_dim3A_2242 = arith.constant 11 : i32
    %broadcast_in_dim3A_2243 = vector.broadcast %broadcast_in_dim3A_2242 : i32 to vector<16xi32>
    %lt3A_2244 = arith.constant 0 : i32
    %lt3A_2245 = vector.broadcast %lt3A_2244 : i32 to vector<16xi32>
    %lt3A_2246 = arith.cmpi slt, %broadcast_in_dim3A_2243, %lt3A_2245 : vector<16xi32>
    %add3A_2247 = arith.constant 16 : i32
    %add3A_2248 = vector.broadcast %add3A_2247 : i32 to vector<16xi32>
    %add3A_2249 = arith.addi %broadcast_in_dim3A_2243, %add3A_2248 : vector<16xi32>
    %select_n3A_2250 = arith.select %lt3A_2246, %add3A_2249, %broadcast_in_dim3A_2243 : vector<16xi1>, vector<16xi32>
    %reshape3A_2251 = vector.shape_cast %select_n3A_2250 : vector<16xi32> to vector<16x1xi32>
    %gather3A_2252 = vector.shape_cast %reshape3A_2251 : vector<16x1xi32> to vector<16xi32>
    %gather3A_2253 = tpu.dynamic_gather %add3A_1501[%gather3A_2252] in [0] : vector<16xf32>, vector<16xi32> -> vector<16xf32>
    %add3A_2254 = arith.constant 0 : i32
    %add3A_2255 = vector.broadcast %add3A_2254 : i32 to vector<16xi32>
    %add3A_2256 = arith.addi %iota3A, %add3A_2255 : vector<16xi32>
    %gather3A_2257 = tpu.vector_load_idx %arg11[%shift_right_arithmetic3A_2232, %and3A_2235, %add3A_2256] : memref<2x8x32xf32, #tpu.memory_space<vmem>>[vector<16xi32>, vector<16xi32>, vector<16xi32>], vector<16xf32>,
    %add3A_2258 = arith.constant 0 : i32
    %add3A_2259 = vector.broadcast %add3A_2258 : i32 to vector<16xi32>
    %add3A_2260 = arith.addi %iota3A, %add3A_2259 : vector<16xi32>
    %mul3A_2261 = arith.mulf %gather3A_2257, %gather3A_2253 : vector<16xf32>
    tpu.vector_store_idx %arg20[%shift_right_arithmetic3A_2238, %and3A_2241, %add3A_2260], %mul3A_2261 {add = true} : memref<2x8x32xf32, #tpu.memory_space<vmem>>[vector<16xi32>, vector<16xi32>, vector<16xi32>], vector<16xf32>,
    %add3A_2262 = arith.constant 16 : i32
    %add3A_2263 = vector.broadcast %add3A_2262 : i32 to vector<16xi32>
    %add3A_2264 = arith.addi %iota3A, %add3A_2263 : vector<16xi32>
    %gather3A_2265 = tpu.vector_load_idx %arg11[%shift_right_arithmetic3A_2232, %and3A_2235, %add3A_2264] : memref<2x8x32xf32, #tpu.memory_space<vmem>>[vector<16xi32>, vector<16xi32>, vector<16xi32>], vector<16xf32>,
    %add3A_2266 = arith.constant 16 : i32
    %add3A_2267 = vector.broadcast %add3A_2266 : i32 to vector<16xi32>
    %add3A_2268 = arith.addi %iota3A, %add3A_2267 : vector<16xi32>
    %mul3A_2269 = arith.mulf %gather3A_2265, %gather3A_2253 : vector<16xf32>
    tpu.vector_store_idx %arg20[%shift_right_arithmetic3A_2238, %and3A_2241, %add3A_2268], %mul3A_2269 {add = true} : memref<2x8x32xf32, #tpu.memory_space<vmem>>[vector<16xi32>, vector<16xi32>, vector<16xi32>], vector<16xf32>,
    %broadcast_in_dim3A_2270 = arith.constant 12 : i32
    %broadcast_in_dim3A_2271 = vector.broadcast %broadcast_in_dim3A_2270 : i32 to vector<16xi32>
    %lt3A_2272 = arith.constant 0 : i32
    %lt3A_2273 = vector.broadcast %lt3A_2272 : i32 to vector<16xi32>
    %lt3A_2274 = arith.cmpi slt, %broadcast_in_dim3A_2271, %lt3A_2273 : vector<16xi32>
    %add3A_2275 = arith.constant 16 : i32
    %add3A_2276 = vector.broadcast %add3A_2275 : i32 to vector<16xi32>
    %add3A_2277 = arith.addi %broadcast_in_dim3A_2271, %add3A_2276 : vector<16xi32>
    %select_n3A_2278 = arith.select %lt3A_2274, %add3A_2277, %broadcast_in_dim3A_2271 : vector<16xi1>, vector<16xi32>
    %reshape3A_2279 = vector.shape_cast %select_n3A_2278 : vector<16xi32> to vector<16x1xi32>
    %gather3A_2280 = vector.shape_cast %reshape3A_2279 : vector<16x1xi32> to vector<16xi32>
    %gather3A_2281 = tpu.dynamic_gather %get3A_356[%gather3A_2280] in [0] : vector<16xi32>, vector<16xi32> -> vector<16xi32>
    %broadcast_in_dim3A_2282 = arith.constant 12 : i32
    %broadcast_in_dim3A_2283 = vector.broadcast %broadcast_in_dim3A_2282 : i32 to vector<16xi32>
    %lt3A_2284 = arith.constant 0 : i32
    %lt3A_2285 = vector.broadcast %lt3A_2284 : i32 to vector<16xi32>
    %lt3A_2286 = arith.cmpi slt, %broadcast_in_dim3A_2283, %lt3A_2285 : vector<16xi32>
    %add3A_2287 = arith.constant 16 : i32
    %add3A_2288 = vector.broadcast %add3A_2287 : i32 to vector<16xi32>
    %add3A_2289 = arith.addi %broadcast_in_dim3A_2283, %add3A_2288 : vector<16xi32>
    %select_n3A_2290 = arith.select %lt3A_2286, %add3A_2289, %broadcast_in_dim3A_2283 : vector<16xi1>, vector<16xi32>
    %reshape3A_2291 = vector.shape_cast %select_n3A_2290 : vector<16xi32> to vector<16x1xi32>
    %gather3A_2292 = vector.shape_cast %reshape3A_2291 : vector<16x1xi32> to vector<16xi32>
    %gather3A_2293 = tpu.dynamic_gather %get3A_360[%gather3A_2292] in [0] : vector<16xi32>, vector<16xi32> -> vector<16xi32>
    %shift_right_arithmetic3A_2294 = arith.constant 3 : i32
    %shift_right_arithmetic3A_2295 = vector.broadcast %shift_right_arithmetic3A_2294 : i32 to vector<16xi32>
    %shift_right_arithmetic3A_2296 = arith.shrsi %gather3A_2281, %shift_right_arithmetic3A_2295 : vector<16xi32>
    %and3A_2297 = arith.constant 7 : i32
    %and3A_2298 = vector.broadcast %and3A_2297 : i32 to vector<16xi32>
    %and3A_2299 = arith.andi %gather3A_2281, %and3A_2298 : vector<16xi32>
    %shift_right_arithmetic3A_2300 = arith.constant 3 : i32
    %shift_right_arithmetic3A_2301 = vector.broadcast %shift_right_arithmetic3A_2300 : i32 to vector<16xi32>
    %shift_right_arithmetic3A_2302 = arith.shrsi %gather3A_2293, %shift_right_arithmetic3A_2301 : vector<16xi32>
    %and3A_2303 = arith.constant 7 : i32
    %and3A_2304 = vector.broadcast %and3A_2303 : i32 to vector<16xi32>
    %and3A_2305 = arith.andi %gather3A_2293, %and3A_2304 : vector<16xi32>
    %broadcast_in_dim3A_2306 = arith.constant 12 : i32
    %broadcast_in_dim3A_2307 = vector.broadcast %broadcast_in_dim3A_2306 : i32 to vector<16xi32>
    %lt3A_2308 = arith.constant 0 : i32
    %lt3A_2309 = vector.broadcast %lt3A_2308 : i32 to vector<16xi32>
    %lt3A_2310 = arith.cmpi slt, %broadcast_in_dim3A_2307, %lt3A_2309 : vector<16xi32>
    %add3A_2311 = arith.constant 16 : i32
    %add3A_2312 = vector.broadcast %add3A_2311 : i32 to vector<16xi32>
    %add3A_2313 = arith.addi %broadcast_in_dim3A_2307, %add3A_2312 : vector<16xi32>
    %select_n3A_2314 = arith.select %lt3A_2310, %add3A_2313, %broadcast_in_dim3A_2307 : vector<16xi1>, vector<16xi32>
    %reshape3A_2315 = vector.shape_cast %select_n3A_2314 : vector<16xi32> to vector<16x1xi32>
    %gather3A_2316 = vector.shape_cast %reshape3A_2315 : vector<16x1xi32> to vector<16xi32>
    %gather3A_2317 = tpu.dynamic_gather %add3A_1501[%gather3A_2316] in [0] : vector<16xf32>, vector<16xi32> -> vector<16xf32>
    %add3A_2318 = arith.constant 0 : i32
    %add3A_2319 = vector.broadcast %add3A_2318 : i32 to vector<16xi32>
    %add3A_2320 = arith.addi %iota3A, %add3A_2319 : vector<16xi32>
    %gather3A_2321 = tpu.vector_load_idx %arg11[%shift_right_arithmetic3A_2296, %and3A_2299, %add3A_2320] : memref<2x8x32xf32, #tpu.memory_space<vmem>>[vector<16xi32>, vector<16xi32>, vector<16xi32>], vector<16xf32>,
    %add3A_2322 = arith.constant 0 : i32
    %add3A_2323 = vector.broadcast %add3A_2322 : i32 to vector<16xi32>
    %add3A_2324 = arith.addi %iota3A, %add3A_2323 : vector<16xi32>
    %mul3A_2325 = arith.mulf %gather3A_2321, %gather3A_2317 : vector<16xf32>
    tpu.vector_store_idx %arg20[%shift_right_arithmetic3A_2302, %and3A_2305, %add3A_2324], %mul3A_2325 {add = true} : memref<2x8x32xf32, #tpu.memory_space<vmem>>[vector<16xi32>, vector<16xi32>, vector<16xi32>], vector<16xf32>,
    %add3A_2326 = arith.constant 16 : i32
    %add3A_2327 = vector.broadcast %add3A_2326 : i32 to vector<16xi32>
    %add3A_2328 = arith.addi %iota3A, %add3A_2327 : vector<16xi32>
    %gather3A_2329 = tpu.vector_load_idx %arg11[%shift_right_arithmetic3A_2296, %and3A_2299, %add3A_2328] : memref<2x8x32xf32, #tpu.memory_space<vmem>>[vector<16xi32>, vector<16xi32>, vector<16xi32>], vector<16xf32>,
    %add3A_2330 = arith.constant 16 : i32
    %add3A_2331 = vector.broadcast %add3A_2330 : i32 to vector<16xi32>
    %add3A_2332 = arith.addi %iota3A, %add3A_2331 : vector<16xi32>
    %mul3A_2333 = arith.mulf %gather3A_2329, %gather3A_2317 : vector<16xf32>
    tpu.vector_store_idx %arg20[%shift_right_arithmetic3A_2302, %and3A_2305, %add3A_2332], %mul3A_2333 {add = true} : memref<2x8x32xf32, #tpu.memory_space<vmem>>[vector<16xi32>, vector<16xi32>, vector<16xi32>], vector<16xf32>,
    %broadcast_in_dim3A_2334 = arith.constant 13 : i32
    %broadcast_in_dim3A_2335 = vector.broadcast %broadcast_in_dim3A_2334 : i32 to vector<16xi32>
    %lt3A_2336 = arith.constant 0 : i32
    %lt3A_2337 = vector.broadcast %lt3A_2336 : i32 to vector<16xi32>
    %lt3A_2338 = arith.cmpi slt, %broadcast_in_dim3A_2335, %lt3A_2337 : vector<16xi32>
    %add3A_2339 = arith.constant 16 : i32
    %add3A_2340 = vector.broadcast %add3A_2339 : i32 to vector<16xi32>
    %add3A_2341 = arith.addi %broadcast_in_dim3A_2335, %add3A_2340 : vector<16xi32>
    %select_n3A_2342 = arith.select %lt3A_2338, %add3A_2341, %broadcast_in_dim3A_2335 : vector<16xi1>, vector<16xi32>
    %reshape3A_2343 = vector.shape_cast %select_n3A_2342 : vector<16xi32> to vector<16x1xi32>
    %gather3A_2344 = vector.shape_cast %reshape3A_2343 : vector<16x1xi32> to vector<16xi32>
    %gather3A_2345 = tpu.dynamic_gather %get3A_356[%gather3A_2344] in [0] : vector<16xi32>, vector<16xi32> -> vector<16xi32>
    %broadcast_in_dim3A_2346 = arith.constant 13 : i32
    %broadcast_in_dim3A_2347 = vector.broadcast %broadcast_in_dim3A_2346 : i32 to vector<16xi32>
    %lt3A_2348 = arith.constant 0 : i32
    %lt3A_2349 = vector.broadcast %lt3A_2348 : i32 to vector<16xi32>
    %lt3A_2350 = arith.cmpi slt, %broadcast_in_dim3A_2347, %lt3A_2349 : vector<16xi32>
    %add3A_2351 = arith.constant 16 : i32
    %add3A_2352 = vector.broadcast %add3A_2351 : i32 to vector<16xi32>
    %add3A_2353 = arith.addi %broadcast_in_dim3A_2347, %add3A_2352 : vector<16xi32>
    %select_n3A_2354 = arith.select %lt3A_2350, %add3A_2353, %broadcast_in_dim3A_2347 : vector<16xi1>, vector<16xi32>
    %reshape3A_2355 = vector.shape_cast %select_n3A_2354 : vector<16xi32> to vector<16x1xi32>
    %gather3A_2356 = vector.shape_cast %reshape3A_2355 : vector<16x1xi32> to vector<16xi32>
    %gather3A_2357 = tpu.dynamic_gather %get3A_360[%gather3A_2356] in [0] : vector<16xi32>, vector<16xi32> -> vector<16xi32>
    %shift_right_arithmetic3A_2358 = arith.constant 3 : i32
    %shift_right_arithmetic3A_2359 = vector.broadcast %shift_right_arithmetic3A_2358 : i32 to vector<16xi32>
    %shift_right_arithmetic3A_2360 = arith.shrsi %gather3A_2345, %shift_right_arithmetic3A_2359 : vector<16xi32>
    %and3A_2361 = arith.constant 7 : i32
    %and3A_2362 = vector.broadcast %and3A_2361 : i32 to vector<16xi32>
    %and3A_2363 = arith.andi %gather3A_2345, %and3A_2362 : vector<16xi32>
    %shift_right_arithmetic3A_2364 = arith.constant 3 : i32
    %shift_right_arithmetic3A_2365 = vector.broadcast %shift_right_arithmetic3A_2364 : i32 to vector<16xi32>
    %shift_right_arithmetic3A_2366 = arith.shrsi %gather3A_2357, %shift_right_arithmetic3A_2365 : vector<16xi32>
    %and3A_2367 = arith.constant 7 : i32
    %and3A_2368 = vector.broadcast %and3A_2367 : i32 to vector<16xi32>
    %and3A_2369 = arith.andi %gather3A_2357, %and3A_2368 : vector<16xi32>
    %broadcast_in_dim3A_2370 = arith.constant 13 : i32
    %broadcast_in_dim3A_2371 = vector.broadcast %broadcast_in_dim3A_2370 : i32 to vector<16xi32>
    %lt3A_2372 = arith.constant 0 : i32
    %lt3A_2373 = vector.broadcast %lt3A_2372 : i32 to vector<16xi32>
    %lt3A_2374 = arith.cmpi slt, %broadcast_in_dim3A_2371, %lt3A_2373 : vector<16xi32>
    %add3A_2375 = arith.constant 16 : i32
    %add3A_2376 = vector.broadcast %add3A_2375 : i32 to vector<16xi32>
    %add3A_2377 = arith.addi %broadcast_in_dim3A_2371, %add3A_2376 : vector<16xi32>
    %select_n3A_2378 = arith.select %lt3A_2374, %add3A_2377, %broadcast_in_dim3A_2371 : vector<16xi1>, vector<16xi32>
    %reshape3A_2379 = vector.shape_cast %select_n3A_2378 : vector<16xi32> to vector<16x1xi32>
    %gather3A_2380 = vector.shape_cast %reshape3A_2379 : vector<16x1xi32> to vector<16xi32>
    %gather3A_2381 = tpu.dynamic_gather %add3A_1501[%gather3A_2380] in [0] : vector<16xf32>, vector<16xi32> -> vector<16xf32>
    %add3A_2382 = arith.constant 0 : i32
    %add3A_2383 = vector.broadcast %add3A_2382 : i32 to vector<16xi32>
    %add3A_2384 = arith.addi %iota3A, %add3A_2383 : vector<16xi32>
    %gather3A_2385 = tpu.vector_load_idx %arg11[%shift_right_arithmetic3A_2360, %and3A_2363, %add3A_2384] : memref<2x8x32xf32, #tpu.memory_space<vmem>>[vector<16xi32>, vector<16xi32>, vector<16xi32>], vector<16xf32>,
    %add3A_2386 = arith.constant 0 : i32
    %add3A_2387 = vector.broadcast %add3A_2386 : i32 to vector<16xi32>
    %add3A_2388 = arith.addi %iota3A, %add3A_2387 : vector<16xi32>
    %mul3A_2389 = arith.mulf %gather3A_2385, %gather3A_2381 : vector<16xf32>
    tpu.vector_store_idx %arg20[%shift_right_arithmetic3A_2366, %and3A_2369, %add3A_2388], %mul3A_2389 {add = true} : memref<2x8x32xf32, #tpu.memory_space<vmem>>[vector<16xi32>, vector<16xi32>, vector<16xi32>], vector<16xf32>,
    %add3A_2390 = arith.constant 16 : i32
    %add3A_2391 = vector.broadcast %add3A_2390 : i32 to vector<16xi32>
    %add3A_2392 = arith.addi %iota3A, %add3A_2391 : vector<16xi32>
    %gather3A_2393 = tpu.vector_load_idx %arg11[%shift_right_arithmetic3A_2360, %and3A_2363, %add3A_2392] : memref<2x8x32xf32, #tpu.memory_space<vmem>>[vector<16xi32>, vector<16xi32>, vector<16xi32>], vector<16xf32>,
    %add3A_2394 = arith.constant 16 : i32
    %add3A_2395 = vector.broadcast %add3A_2394 : i32 to vector<16xi32>
    %add3A_2396 = arith.addi %iota3A, %add3A_2395 : vector<16xi32>
    %mul3A_2397 = arith.mulf %gather3A_2393, %gather3A_2381 : vector<16xf32>
    tpu.vector_store_idx %arg20[%shift_right_arithmetic3A_2366, %and3A_2369, %add3A_2396], %mul3A_2397 {add = true} : memref<2x8x32xf32, #tpu.memory_space<vmem>>[vector<16xi32>, vector<16xi32>, vector<16xi32>], vector<16xf32>,
    %broadcast_in_dim3A_2398 = arith.constant 14 : i32
    %broadcast_in_dim3A_2399 = vector.broadcast %broadcast_in_dim3A_2398 : i32 to vector<16xi32>
    %lt3A_2400 = arith.constant 0 : i32
    %lt3A_2401 = vector.broadcast %lt3A_2400 : i32 to vector<16xi32>
    %lt3A_2402 = arith.cmpi slt, %broadcast_in_dim3A_2399, %lt3A_2401 : vector<16xi32>
    %add3A_2403 = arith.constant 16 : i32
    %add3A_2404 = vector.broadcast %add3A_2403 : i32 to vector<16xi32>
    %add3A_2405 = arith.addi %broadcast_in_dim3A_2399, %add3A_2404 : vector<16xi32>
    %select_n3A_2406 = arith.select %lt3A_2402, %add3A_2405, %broadcast_in_dim3A_2399 : vector<16xi1>, vector<16xi32>
    %reshape3A_2407 = vector.shape_cast %select_n3A_2406 : vector<16xi32> to vector<16x1xi32>
    %gather3A_2408 = vector.shape_cast %reshape3A_2407 : vector<16x1xi32> to vector<16xi32>
    %gather3A_2409 = tpu.dynamic_gather %get3A_356[%gather3A_2408] in [0] : vector<16xi32>, vector<16xi32> -> vector<16xi32>
    %broadcast_in_dim3A_2410 = arith.constant 14 : i32
    %broadcast_in_dim3A_2411 = vector.broadcast %broadcast_in_dim3A_2410 : i32 to vector<16xi32>
    %lt3A_2412 = arith.constant 0 : i32
    %lt3A_2413 = vector.broadcast %lt3A_2412 : i32 to vector<16xi32>
    %lt3A_2414 = arith.cmpi slt, %broadcast_in_dim3A_2411, %lt3A_2413 : vector<16xi32>
    %add3A_2415 = arith.constant 16 : i32
    %add3A_2416 = vector.broadcast %add3A_2415 : i32 to vector<16xi32>
    %add3A_2417 = arith.addi %broadcast_in_dim3A_2411, %add3A_2416 : vector<16xi32>
    %select_n3A_2418 = arith.select %lt3A_2414, %add3A_2417, %broadcast_in_dim3A_2411 : vector<16xi1>, vector<16xi32>
    %reshape3A_2419 = vector.shape_cast %select_n3A_2418 : vector<16xi32> to vector<16x1xi32>
    %gather3A_2420 = vector.shape_cast %reshape3A_2419 : vector<16x1xi32> to vector<16xi32>
    %gather3A_2421 = tpu.dynamic_gather %get3A_360[%gather3A_2420] in [0] : vector<16xi32>, vector<16xi32> -> vector<16xi32>
    %shift_right_arithmetic3A_2422 = arith.constant 3 : i32
    %shift_right_arithmetic3A_2423 = vector.broadcast %shift_right_arithmetic3A_2422 : i32 to vector<16xi32>
    %shift_right_arithmetic3A_2424 = arith.shrsi %gather3A_2409, %shift_right_arithmetic3A_2423 : vector<16xi32>
    %and3A_2425 = arith.constant 7 : i32
    %and3A_2426 = vector.broadcast %and3A_2425 : i32 to vector<16xi32>
    %and3A_2427 = arith.andi %gather3A_2409, %and3A_2426 : vector<16xi32>
    %shift_right_arithmetic3A_2428 = arith.constant 3 : i32
    %shift_right_arithmetic3A_2429 = vector.broadcast %shift_right_arithmetic3A_2428 : i32 to vector<16xi32>
    %shift_right_arithmetic3A_2430 = arith.shrsi %gather3A_2421, %shift_right_arithmetic3A_2429 : vector<16xi32>
    %and3A_2431 = arith.constant 7 : i32
    %and3A_2432 = vector.broadcast %and3A_2431 : i32 to vector<16xi32>
    %and3A_2433 = arith.andi %gather3A_2421, %and3A_2432 : vector<16xi32>
    %broadcast_in_dim3A_2434 = arith.constant 14 : i32
    %broadcast_in_dim3A_2435 = vector.broadcast %broadcast_in_dim3A_2434 : i32 to vector<16xi32>
    %lt3A_2436 = arith.constant 0 : i32
    %lt3A_2437 = vector.broadcast %lt3A_2436 : i32 to vector<16xi32>
    %lt3A_2438 = arith.cmpi slt, %broadcast_in_dim3A_2435, %lt3A_2437 : vector<16xi32>
    %add3A_2439 = arith.constant 16 : i32
    %add3A_2440 = vector.broadcast %add3A_2439 : i32 to vector<16xi32>
    %add3A_2441 = arith.addi %broadcast_in_dim3A_2435, %add3A_2440 : vector<16xi32>
    %select_n3A_2442 = arith.select %lt3A_2438, %add3A_2441, %broadcast_in_dim3A_2435 : vector<16xi1>, vector<16xi32>
    %reshape3A_2443 = vector.shape_cast %select_n3A_2442 : vector<16xi32> to vector<16x1xi32>
    %gather3A_2444 = vector.shape_cast %reshape3A_2443 : vector<16x1xi32> to vector<16xi32>
    %gather3A_2445 = tpu.dynamic_gather %add3A_1501[%gather3A_2444] in [0] : vector<16xf32>, vector<16xi32> -> vector<16xf32>
    %add3A_2446 = arith.constant 0 : i32
    %add3A_2447 = vector.broadcast %add3A_2446 : i32 to vector<16xi32>
    %add3A_2448 = arith.addi %iota3A, %add3A_2447 : vector<16xi32>
    %gather3A_2449 = tpu.vector_load_idx %arg11[%shift_right_arithmetic3A_2424, %and3A_2427, %add3A_2448] : memref<2x8x32xf32, #tpu.memory_space<vmem>>[vector<16xi32>, vector<16xi32>, vector<16xi32>], vector<16xf32>,
    %add3A_2450 = arith.constant 0 : i32
    %add3A_2451 = vector.broadcast %add3A_2450 : i32 to vector<16xi32>
    %add3A_2452 = arith.addi %iota3A, %add3A_2451 : vector<16xi32>
    %mul3A_2453 = arith.mulf %gather3A_2449, %gather3A_2445 : vector<16xf32>
    tpu.vector_store_idx %arg20[%shift_right_arithmetic3A_2430, %and3A_2433, %add3A_2452], %mul3A_2453 {add = true} : memref<2x8x32xf32, #tpu.memory_space<vmem>>[vector<16xi32>, vector<16xi32>, vector<16xi32>], vector<16xf32>,
    %add3A_2454 = arith.constant 16 : i32
    %add3A_2455 = vector.broadcast %add3A_2454 : i32 to vector<16xi32>
    %add3A_2456 = arith.addi %iota3A, %add3A_2455 : vector<16xi32>
    %gather3A_2457 = tpu.vector_load_idx %arg11[%shift_right_arithmetic3A_2424, %and3A_2427, %add3A_2456] : memref<2x8x32xf32, #tpu.memory_space<vmem>>[vector<16xi32>, vector<16xi32>, vector<16xi32>], vector<16xf32>,
    %add3A_2458 = arith.constant 16 : i32
    %add3A_2459 = vector.broadcast %add3A_2458 : i32 to vector<16xi32>
    %add3A_2460 = arith.addi %iota3A, %add3A_2459 : vector<16xi32>
    %mul3A_2461 = arith.mulf %gather3A_2457, %gather3A_2445 : vector<16xf32>
    tpu.vector_store_idx %arg20[%shift_right_arithmetic3A_2430, %and3A_2433, %add3A_2460], %mul3A_2461 {add = true} : memref<2x8x32xf32, #tpu.memory_space<vmem>>[vector<16xi32>, vector<16xi32>, vector<16xi32>], vector<16xf32>,
    %broadcast_in_dim3A_2462 = arith.constant 15 : i32
    %broadcast_in_dim3A_2463 = vector.broadcast %broadcast_in_dim3A_2462 : i32 to vector<16xi32>
    %lt3A_2464 = arith.constant 0 : i32
    %lt3A_2465 = vector.broadcast %lt3A_2464 : i32 to vector<16xi32>
    %lt3A_2466 = arith.cmpi slt, %broadcast_in_dim3A_2463, %lt3A_2465 : vector<16xi32>
    %add3A_2467 = arith.constant 16 : i32
    %add3A_2468 = vector.broadcast %add3A_2467 : i32 to vector<16xi32>
    %add3A_2469 = arith.addi %broadcast_in_dim3A_2463, %add3A_2468 : vector<16xi32>
    %select_n3A_2470 = arith.select %lt3A_2466, %add3A_2469, %broadcast_in_dim3A_2463 : vector<16xi1>, vector<16xi32>
    %reshape3A_2471 = vector.shape_cast %select_n3A_2470 : vector<16xi32> to vector<16x1xi32>
    %gather3A_2472 = vector.shape_cast %reshape3A_2471 : vector<16x1xi32> to vector<16xi32>
    %gather3A_2473 = tpu.dynamic_gather %get3A_356[%gather3A_2472] in [0] : vector<16xi32>, vector<16xi32> -> vector<16xi32>
    %broadcast_in_dim3A_2474 = arith.constant 15 : i32
    %broadcast_in_dim3A_2475 = vector.broadcast %broadcast_in_dim3A_2474 : i32 to vector<16xi32>
    %lt3A_2476 = arith.constant 0 : i32
    %lt3A_2477 = vector.broadcast %lt3A_2476 : i32 to vector<16xi32>
    %lt3A_2478 = arith.cmpi slt, %broadcast_in_dim3A_2475, %lt3A_2477 : vector<16xi32>
    %add3A_2479 = arith.constant 16 : i32
    %add3A_2480 = vector.broadcast %add3A_2479 : i32 to vector<16xi32>
    %add3A_2481 = arith.addi %broadcast_in_dim3A_2475, %add3A_2480 : vector<16xi32>
    %select_n3A_2482 = arith.select %lt3A_2478, %add3A_2481, %broadcast_in_dim3A_2475 : vector<16xi1>, vector<16xi32>
    %reshape3A_2483 = vector.shape_cast %select_n3A_2482 : vector<16xi32> to vector<16x1xi32>
    %gather3A_2484 = vector.shape_cast %reshape3A_2483 : vector<16x1xi32> to vector<16xi32>
    %gather3A_2485 = tpu.dynamic_gather %get3A_360[%gather3A_2484] in [0] : vector<16xi32>, vector<16xi32> -> vector<16xi32>
    %shift_right_arithmetic3A_2486 = arith.constant 3 : i32
    %shift_right_arithmetic3A_2487 = vector.broadcast %shift_right_arithmetic3A_2486 : i32 to vector<16xi32>
    %shift_right_arithmetic3A_2488 = arith.shrsi %gather3A_2473, %shift_right_arithmetic3A_2487 : vector<16xi32>
    %and3A_2489 = arith.constant 7 : i32
    %and3A_2490 = vector.broadcast %and3A_2489 : i32 to vector<16xi32>
    %and3A_2491 = arith.andi %gather3A_2473, %and3A_2490 : vector<16xi32>
    %shift_right_arithmetic3A_2492 = arith.constant 3 : i32
    %shift_right_arithmetic3A_2493 = vector.broadcast %shift_right_arithmetic3A_2492 : i32 to vector<16xi32>
    %shift_right_arithmetic3A_2494 = arith.shrsi %gather3A_2485, %shift_right_arithmetic3A_2493 : vector<16xi32>
    %and3A_2495 = arith.constant 7 : i32
    %and3A_2496 = vector.broadcast %and3A_2495 : i32 to vector<16xi32>
    %and3A_2497 = arith.andi %gather3A_2485, %and3A_2496 : vector<16xi32>
    %broadcast_in_dim3A_2498 = arith.constant 15 : i32
    %broadcast_in_dim3A_2499 = vector.broadcast %broadcast_in_dim3A_2498 : i32 to vector<16xi32>
    %lt3A_2500 = arith.constant 0 : i32
    %lt3A_2501 = vector.broadcast %lt3A_2500 : i32 to vector<16xi32>
    %lt3A_2502 = arith.cmpi slt, %broadcast_in_dim3A_2499, %lt3A_2501 : vector<16xi32>
    %add3A_2503 = arith.constant 16 : i32
    %add3A_2504 = vector.broadcast %add3A_2503 : i32 to vector<16xi32>
    %add3A_2505 = arith.addi %broadcast_in_dim3A_2499, %add3A_2504 : vector<16xi32>
    %select_n3A_2506 = arith.select %lt3A_2502, %add3A_2505, %broadcast_in_dim3A_2499 : vector<16xi1>, vector<16xi32>
    %reshape3A_2507 = vector.shape_cast %select_n3A_2506 : vector<16xi32> to vector<16x1xi32>
    %gather3A_2508 = vector.shape_cast %reshape3A_2507 : vector<16x1xi32> to vector<16xi32>
    %gather3A_2509 = tpu.dynamic_gather %add3A_1501[%gather3A_2508] in [0] : vector<16xf32>, vector<16xi32> -> vector<16xf32>
    %add3A_2510 = arith.constant 0 : i32
    %add3A_2511 = vector.broadcast %add3A_2510 : i32 to vector<16xi32>
    %add3A_2512 = arith.addi %iota3A, %add3A_2511 : vector<16xi32>
    %gather3A_2513 = tpu.vector_load_idx %arg11[%shift_right_arithmetic3A_2488, %and3A_2491, %add3A_2512] : memref<2x8x32xf32, #tpu.memory_space<vmem>>[vector<16xi32>, vector<16xi32>, vector<16xi32>], vector<16xf32>,
    %add3A_2514 = arith.constant 0 : i32
    %add3A_2515 = vector.broadcast %add3A_2514 : i32 to vector<16xi32>
    %add3A_2516 = arith.addi %iota3A, %add3A_2515 : vector<16xi32>
    %mul3A_2517 = arith.mulf %gather3A_2513, %gather3A_2509 : vector<16xf32>
    tpu.vector_store_idx %arg20[%shift_right_arithmetic3A_2494, %and3A_2497, %add3A_2516], %mul3A_2517 {add = true} : memref<2x8x32xf32, #tpu.memory_space<vmem>>[vector<16xi32>, vector<16xi32>, vector<16xi32>], vector<16xf32>,
    %add3A_2518 = arith.constant 16 : i32
    %add3A_2519 = vector.broadcast %add3A_2518 : i32 to vector<16xi32>
    %add3A_2520 = arith.addi %iota3A, %add3A_2519 : vector<16xi32>
    %gather3A_2521 = tpu.vector_load_idx %arg11[%shift_right_arithmetic3A_2488, %and3A_2491, %add3A_2520] : memref<2x8x32xf32, #tpu.memory_space<vmem>>[vector<16xi32>, vector<16xi32>, vector<16xi32>], vector<16xf32>,
    %add3A_2522 = arith.constant 16 : i32
    %add3A_2523 = vector.broadcast %add3A_2522 : i32 to vector<16xi32>
    %add3A_2524 = arith.addi %iota3A, %add3A_2523 : vector<16xi32>
    %mul3A_2525 = arith.mulf %gather3A_2521, %gather3A_2509 : vector<16xf32>
    tpu.vector_store_idx %arg20[%shift_right_arithmetic3A_2494, %and3A_2497, %add3A_2524], %mul3A_2525 {add = true} : memref<2x8x32xf32, #tpu.memory_space<vmem>>[vector<16xi32>, vector<16xi32>, vector<16xi32>], vector<16xf32>,
    %get3A_2526 = arith.constant 0 : i32
    %get3A_2527 = arith.constant 0 : i32
    %get3A_2528 = arith.index_cast %get3A_2526 : i32 to index
    %get3A_2529 = arith.index_cast %get3A_2527 : i32 to index
    %get3A_2530 = arith.constant 0 : index
    %get3A_2531 = tpu.vector_load %arg20[%get3A_2528, %get3A_2529, %get3A_2530] {strides = array<i32>} : memref<2x8x32xf32, #tpu.memory_space<vmem>>, vector<16xf32>,
    %max3A = arith.constant 0.000000e+00 : f32
    %max3A_2532 = vector.broadcast %max3A : f32 to vector<16xf32>
    %max3A_2533 = arith.maximumf %get3A_2531, %max3A_2532 : vector<16xf32>
    %swap3A_2534 = arith.constant 0 : i32
    %swap3A_2535 = arith.constant 0 : i32
    %swap3A_2536 = arith.index_cast %swap3A_2534 : i32 to index
    %swap3A_2537 = arith.index_cast %swap3A_2535 : i32 to index
    %swap3A_2538 = arith.constant 0 : index
    %swap3A_2539 = tpu.vector_load %arg20[%swap3A_2536, %swap3A_2537, %swap3A_2538] {strides = array<i32>} : memref<2x8x32xf32, #tpu.memory_space<vmem>>, vector<16xf32>,
    tpu.vector_store %arg20[%swap3A_2536, %swap3A_2537, %swap3A_2538], %max3A_2533 {strides = array<i32>} : memref<2x8x32xf32, #tpu.memory_space<vmem>>, vector<16xf32>,
    %get3A_2540 = arith.constant 0 : i32
    %get3A_2541 = arith.constant 0 : i32
    %get3A_2542 = arith.index_cast %get3A_2540 : i32 to index
    %get3A_2543 = arith.index_cast %get3A_2541 : i32 to index
    %get3A_2544 = arith.constant 16 : index
    %get3A_2545 = tpu.vector_load %arg20[%get3A_2542, %get3A_2543, %get3A_2544] {strides = array<i32>} : memref<2x8x32xf32, #tpu.memory_space<vmem>>, vector<16xf32>,
    %max3A_2546 = arith.constant 0.000000e+00 : f32
    %max3A_2547 = vector.broadcast %max3A_2546 : f32 to vector<16xf32>
    %max3A_2548 = arith.maximumf %get3A_2545, %max3A_2547 : vector<16xf32>
    %swap3A_2549 = arith.constant 0 : i32
    %swap3A_2550 = arith.constant 0 : i32
    %swap3A_2551 = arith.index_cast %swap3A_2549 : i32 to index
    %swap3A_2552 = arith.index_cast %swap3A_2550 : i32 to index
    %swap3A_2553 = arith.constant 16 : index
    %swap3A_2554 = tpu.vector_load %arg20[%swap3A_2551, %swap3A_2552, %swap3A_2553] {strides = array<i32>} : memref<2x8x32xf32, #tpu.memory_space<vmem>>, vector<16xf32>,
    tpu.vector_store %arg20[%swap3A_2551, %swap3A_2552, %swap3A_2553], %max3A_2548 {strides = array<i32>} : memref<2x8x32xf32, #tpu.memory_space<vmem>>, vector<16xf32>,
    %get3A_2555 = arith.constant 0 : i32
    %get3A_2556 = arith.constant 1 : i32
    %get3A_2557 = arith.index_cast %get3A_2555 : i32 to index
    %get3A_2558 = arith.index_cast %get3A_2556 : i32 to index
    %get3A_2559 = arith.constant 0 : index
    %get3A_2560 = tpu.vector_load %arg20[%get3A_2557, %get3A_2558, %get3A_2559] {strides = array<i32>} : memref<2x8x32xf32, #tpu.memory_space<vmem>>, vector<16xf32>,
    %max3A_2561 = arith.constant 0.000000e+00 : f32
    %max3A_2562 = vector.broadcast %max3A_2561 : f32 to vector<16xf32>
    %max3A_2563 = arith.maximumf %get3A_2560, %max3A_2562 : vector<16xf32>
    %swap3A_2564 = arith.constant 0 : i32
    %swap3A_2565 = arith.constant 1 : i32
    %swap3A_2566 = arith.index_cast %swap3A_2564 : i32 to index
    %swap3A_2567 = arith.index_cast %swap3A_2565 : i32 to index
    %swap3A_2568 = arith.constant 0 : index
    %swap3A_2569 = tpu.vector_load %arg20[%swap3A_2566, %swap3A_2567, %swap3A_2568] {strides = array<i32>} : memref<2x8x32xf32, #tpu.memory_space<vmem>>, vector<16xf32>,
    tpu.vector_store %arg20[%swap3A_2566, %swap3A_2567, %swap3A_2568], %max3A_2563 {strides = array<i32>} : memref<2x8x32xf32, #tpu.memory_space<vmem>>, vector<16xf32>,
    %get3A_2570 = arith.constant 0 : i32
    %get3A_2571 = arith.constant 1 : i32
    %get3A_2572 = arith.index_cast %get3A_2570 : i32 to index
    %get3A_2573 = arith.index_cast %get3A_2571 : i32 to index
    %get3A_2574 = arith.constant 16 : index
    %get3A_2575 = tpu.vector_load %arg20[%get3A_2572, %get3A_2573, %get3A_2574] {strides = array<i32>} : memref<2x8x32xf32, #tpu.memory_space<vmem>>, vector<16xf32>,
    %max3A_2576 = arith.constant 0.000000e+00 : f32
    %max3A_2577 = vector.broadcast %max3A_2576 : f32 to vector<16xf32>
    %max3A_2578 = arith.maximumf %get3A_2575, %max3A_2577 : vector<16xf32>
    %swap3A_2579 = arith.constant 0 : i32
    %swap3A_2580 = arith.constant 1 : i32
    %swap3A_2581 = arith.index_cast %swap3A_2579 : i32 to index
    %swap3A_2582 = arith.index_cast %swap3A_2580 : i32 to index
    %swap3A_2583 = arith.constant 16 : index
    %swap3A_2584 = tpu.vector_load %arg20[%swap3A_2581, %swap3A_2582, %swap3A_2583] {strides = array<i32>} : memref<2x8x32xf32, #tpu.memory_space<vmem>>, vector<16xf32>,
    tpu.vector_store %arg20[%swap3A_2581, %swap3A_2582, %swap3A_2583], %max3A_2578 {strides = array<i32>} : memref<2x8x32xf32, #tpu.memory_space<vmem>>, vector<16xf32>,
    %get3A_2585 = arith.constant 0 : i32
    %get3A_2586 = arith.constant 2 : i32
    %get3A_2587 = arith.index_cast %get3A_2585 : i32 to index
    %get3A_2588 = arith.index_cast %get3A_2586 : i32 to index
    %get3A_2589 = arith.constant 0 : index
    %get3A_2590 = tpu.vector_load %arg20[%get3A_2587, %get3A_2588, %get3A_2589] {strides = array<i32>} : memref<2x8x32xf32, #tpu.memory_space<vmem>>, vector<16xf32>,
    %max3A_2591 = arith.constant 0.000000e+00 : f32
    %max3A_2592 = vector.broadcast %max3A_2591 : f32 to vector<16xf32>
    %max3A_2593 = arith.maximumf %get3A_2590, %max3A_2592 : vector<16xf32>
    %swap3A_2594 = arith.constant 0 : i32
    %swap3A_2595 = arith.constant 2 : i32
    %swap3A_2596 = arith.index_cast %swap3A_2594 : i32 to index
    %swap3A_2597 = arith.index_cast %swap3A_2595 : i32 to index
    %swap3A_2598 = arith.constant 0 : index
    %swap3A_2599 = tpu.vector_load %arg20[%swap3A_2596, %swap3A_2597, %swap3A_2598] {strides = array<i32>} : memref<2x8x32xf32, #tpu.memory_space<vmem>>, vector<16xf32>,
    tpu.vector_store %arg20[%swap3A_2596, %swap3A_2597, %swap3A_2598], %max3A_2593 {strides = array<i32>} : memref<2x8x32xf32, #tpu.memory_space<vmem>>, vector<16xf32>,
    %get3A_2600 = arith.constant 0 : i32
    %get3A_2601 = arith.constant 2 : i32
    %get3A_2602 = arith.index_cast %get3A_2600 : i32 to index
    %get3A_2603 = arith.index_cast %get3A_2601 : i32 to index
    %get3A_2604 = arith.constant 16 : index
    %get3A_2605 = tpu.vector_load %arg20[%get3A_2602, %get3A_2603, %get3A_2604] {strides = array<i32>} : memref<2x8x32xf32, #tpu.memory_space<vmem>>, vector<16xf32>,
    %max3A_2606 = arith.constant 0.000000e+00 : f32
    %max3A_2607 = vector.broadcast %max3A_2606 : f32 to vector<16xf32>
    %max3A_2608 = arith.maximumf %get3A_2605, %max3A_2607 : vector<16xf32>
    %swap3A_2609 = arith.constant 0 : i32
    %swap3A_2610 = arith.constant 2 : i32
    %swap3A_2611 = arith.index_cast %swap3A_2609 : i32 to index
    %swap3A_2612 = arith.index_cast %swap3A_2610 : i32 to index
    %swap3A_2613 = arith.constant 16 : index
    %swap3A_2614 = tpu.vector_load %arg20[%swap3A_2611, %swap3A_2612, %swap3A_2613] {strides = array<i32>} : memref<2x8x32xf32, #tpu.memory_space<vmem>>, vector<16xf32>,
    tpu.vector_store %arg20[%swap3A_2611, %swap3A_2612, %swap3A_2613], %max3A_2608 {strides = array<i32>} : memref<2x8x32xf32, #tpu.memory_space<vmem>>, vector<16xf32>,
    %get3A_2615 = arith.constant 0 : i32
    %get3A_2616 = arith.constant 3 : i32
    %get3A_2617 = arith.index_cast %get3A_2615 : i32 to index
    %get3A_2618 = arith.index_cast %get3A_2616 : i32 to index
    %get3A_2619 = arith.constant 0 : index
    %get3A_2620 = tpu.vector_load %arg20[%get3A_2617, %get3A_2618, %get3A_2619] {strides = array<i32>} : memref<2x8x32xf32, #tpu.memory_space<vmem>>, vector<16xf32>,
    %max3A_2621 = arith.constant 0.000000e+00 : f32
    %max3A_2622 = vector.broadcast %max3A_2621 : f32 to vector<16xf32>
    %max3A_2623 = arith.maximumf %get3A_2620, %max3A_2622 : vector<16xf32>
    %swap3A_2624 = arith.constant 0 : i32
    %swap3A_2625 = arith.constant 3 : i32
    %swap3A_2626 = arith.index_cast %swap3A_2624 : i32 to index
    %swap3A_2627 = arith.index_cast %swap3A_2625 : i32 to index
    %swap3A_2628 = arith.constant 0 : index
    %swap3A_2629 = tpu.vector_load %arg20[%swap3A_2626, %swap3A_2627, %swap3A_2628] {strides = array<i32>} : memref<2x8x32xf32, #tpu.memory_space<vmem>>, vector<16xf32>,
    tpu.vector_store %arg20[%swap3A_2626, %swap3A_2627, %swap3A_2628], %max3A_2623 {strides = array<i32>} : memref<2x8x32xf32, #tpu.memory_space<vmem>>, vector<16xf32>,
    %get3A_2630 = arith.constant 0 : i32
    %get3A_2631 = arith.constant 3 : i32
    %get3A_2632 = arith.index_cast %get3A_2630 : i32 to index
    %get3A_2633 = arith.index_cast %get3A_2631 : i32 to index
    %get3A_2634 = arith.constant 16 : index
    %get3A_2635 = tpu.vector_load %arg20[%get3A_2632, %get3A_2633, %get3A_2634] {strides = array<i32>} : memref<2x8x32xf32, #tpu.memory_space<vmem>>, vector<16xf32>,
    %max3A_2636 = arith.constant 0.000000e+00 : f32
    %max3A_2637 = vector.broadcast %max3A_2636 : f32 to vector<16xf32>
    %max3A_2638 = arith.maximumf %get3A_2635, %max3A_2637 : vector<16xf32>
    %swap3A_2639 = arith.constant 0 : i32
    %swap3A_2640 = arith.constant 3 : i32
    %swap3A_2641 = arith.index_cast %swap3A_2639 : i32 to index
    %swap3A_2642 = arith.index_cast %swap3A_2640 : i32 to index
    %swap3A_2643 = arith.constant 16 : index
    %swap3A_2644 = tpu.vector_load %arg20[%swap3A_2641, %swap3A_2642, %swap3A_2643] {strides = array<i32>} : memref<2x8x32xf32, #tpu.memory_space<vmem>>, vector<16xf32>,
    tpu.vector_store %arg20[%swap3A_2641, %swap3A_2642, %swap3A_2643], %max3A_2638 {strides = array<i32>} : memref<2x8x32xf32, #tpu.memory_space<vmem>>, vector<16xf32>,
    %get3A_2645 = arith.constant 0 : i32
    %get3A_2646 = arith.constant 4 : i32
    %get3A_2647 = arith.index_cast %get3A_2645 : i32 to index
    %get3A_2648 = arith.index_cast %get3A_2646 : i32 to index
    %get3A_2649 = arith.constant 0 : index
    %get3A_2650 = tpu.vector_load %arg20[%get3A_2647, %get3A_2648, %get3A_2649] {strides = array<i32>} : memref<2x8x32xf32, #tpu.memory_space<vmem>>, vector<16xf32>,
    %max3A_2651 = arith.constant 0.000000e+00 : f32
    %max3A_2652 = vector.broadcast %max3A_2651 : f32 to vector<16xf32>
    %max3A_2653 = arith.maximumf %get3A_2650, %max3A_2652 : vector<16xf32>
    %swap3A_2654 = arith.constant 0 : i32
    %swap3A_2655 = arith.constant 4 : i32
    %swap3A_2656 = arith.index_cast %swap3A_2654 : i32 to index
    %swap3A_2657 = arith.index_cast %swap3A_2655 : i32 to index
    %swap3A_2658 = arith.constant 0 : index
    %swap3A_2659 = tpu.vector_load %arg20[%swap3A_2656, %swap3A_2657, %swap3A_2658] {strides = array<i32>} : memref<2x8x32xf32, #tpu.memory_space<vmem>>, vector<16xf32>,
    tpu.vector_store %arg20[%swap3A_2656, %swap3A_2657, %swap3A_2658], %max3A_2653 {strides = array<i32>} : memref<2x8x32xf32, #tpu.memory_space<vmem>>, vector<16xf32>,
    %get3A_2660 = arith.constant 0 : i32
    %get3A_2661 = arith.constant 4 : i32
    %get3A_2662 = arith.index_cast %get3A_2660 : i32 to index
    %get3A_2663 = arith.index_cast %get3A_2661 : i32 to index
    %get3A_2664 = arith.constant 16 : index
    %get3A_2665 = tpu.vector_load %arg20[%get3A_2662, %get3A_2663, %get3A_2664] {strides = array<i32>} : memref<2x8x32xf32, #tpu.memory_space<vmem>>, vector<16xf32>,
    %max3A_2666 = arith.constant 0.000000e+00 : f32
    %max3A_2667 = vector.broadcast %max3A_2666 : f32 to vector<16xf32>
    %max3A_2668 = arith.maximumf %get3A_2665, %max3A_2667 : vector<16xf32>
    %swap3A_2669 = arith.constant 0 : i32
    %swap3A_2670 = arith.constant 4 : i32
    %swap3A_2671 = arith.index_cast %swap3A_2669 : i32 to index
    %swap3A_2672 = arith.index_cast %swap3A_2670 : i32 to index
    %swap3A_2673 = arith.constant 16 : index
    %swap3A_2674 = tpu.vector_load %arg20[%swap3A_2671, %swap3A_2672, %swap3A_2673] {strides = array<i32>} : memref<2x8x32xf32, #tpu.memory_space<vmem>>, vector<16xf32>,
    tpu.vector_store %arg20[%swap3A_2671, %swap3A_2672, %swap3A_2673], %max3A_2668 {strides = array<i32>} : memref<2x8x32xf32, #tpu.memory_space<vmem>>, vector<16xf32>,
    %get3A_2675 = arith.constant 0 : i32
    %get3A_2676 = arith.constant 5 : i32
    %get3A_2677 = arith.index_cast %get3A_2675 : i32 to index
    %get3A_2678 = arith.index_cast %get3A_2676 : i32 to index
    %get3A_2679 = arith.constant 0 : index
    %get3A_2680 = tpu.vector_load %arg20[%get3A_2677, %get3A_2678, %get3A_2679] {strides = array<i32>} : memref<2x8x32xf32, #tpu.memory_space<vmem>>, vector<16xf32>,
    %max3A_2681 = arith.constant 0.000000e+00 : f32
    %max3A_2682 = vector.broadcast %max3A_2681 : f32 to vector<16xf32>
    %max3A_2683 = arith.maximumf %get3A_2680, %max3A_2682 : vector<16xf32>
    %swap3A_2684 = arith.constant 0 : i32
    %swap3A_2685 = arith.constant 5 : i32
    %swap3A_2686 = arith.index_cast %swap3A_2684 : i32 to index
    %swap3A_2687 = arith.index_cast %swap3A_2685 : i32 to index
    %swap3A_2688 = arith.constant 0 : index
    %swap3A_2689 = tpu.vector_load %arg20[%swap3A_2686, %swap3A_2687, %swap3A_2688] {strides = array<i32>} : memref<2x8x32xf32, #tpu.memory_space<vmem>>, vector<16xf32>,
    tpu.vector_store %arg20[%swap3A_2686, %swap3A_2687, %swap3A_2688], %max3A_2683 {strides = array<i32>} : memref<2x8x32xf32, #tpu.memory_space<vmem>>, vector<16xf32>,
    %get3A_2690 = arith.constant 0 : i32
    %get3A_2691 = arith.constant 5 : i32
    %get3A_2692 = arith.index_cast %get3A_2690 : i32 to index
    %get3A_2693 = arith.index_cast %get3A_2691 : i32 to index
    %get3A_2694 = arith.constant 16 : index
    %get3A_2695 = tpu.vector_load %arg20[%get3A_2692, %get3A_2693, %get3A_2694] {strides = array<i32>} : memref<2x8x32xf32, #tpu.memory_space<vmem>>, vector<16xf32>,
    %max3A_2696 = arith.constant 0.000000e+00 : f32
    %max3A_2697 = vector.broadcast %max3A_2696 : f32 to vector<16xf32>
    %max3A_2698 = arith.maximumf %get3A_2695, %max3A_2697 : vector<16xf32>
    %swap3A_2699 = arith.constant 0 : i32
    %swap3A_2700 = arith.constant 5 : i32
    %swap3A_2701 = arith.index_cast %swap3A_2699 : i32 to index
    %swap3A_2702 = arith.index_cast %swap3A_2700 : i32 to index
    %swap3A_2703 = arith.constant 16 : index
    %swap3A_2704 = tpu.vector_load %arg20[%swap3A_2701, %swap3A_2702, %swap3A_2703] {strides = array<i32>} : memref<2x8x32xf32, #tpu.memory_space<vmem>>, vector<16xf32>,
    tpu.vector_store %arg20[%swap3A_2701, %swap3A_2702, %swap3A_2703], %max3A_2698 {strides = array<i32>} : memref<2x8x32xf32, #tpu.memory_space<vmem>>, vector<16xf32>,
    %get3A_2705 = arith.constant 0 : i32
    %get3A_2706 = arith.constant 6 : i32
    %get3A_2707 = arith.index_cast %get3A_2705 : i32 to index
    %get3A_2708 = arith.index_cast %get3A_2706 : i32 to index
    %get3A_2709 = arith.constant 0 : index
    %get3A_2710 = tpu.vector_load %arg20[%get3A_2707, %get3A_2708, %get3A_2709] {strides = array<i32>} : memref<2x8x32xf32, #tpu.memory_space<vmem>>, vector<16xf32>,
    %max3A_2711 = arith.constant 0.000000e+00 : f32
    %max3A_2712 = vector.broadcast %max3A_2711 : f32 to vector<16xf32>
    %max3A_2713 = arith.maximumf %get3A_2710, %max3A_2712 : vector<16xf32>
    %swap3A_2714 = arith.constant 0 : i32
    %swap3A_2715 = arith.constant 6 : i32
    %swap3A_2716 = arith.index_cast %swap3A_2714 : i32 to index
    %swap3A_2717 = arith.index_cast %swap3A_2715 : i32 to index
    %swap3A_2718 = arith.constant 0 : index
    %swap3A_2719 = tpu.vector_load %arg20[%swap3A_2716, %swap3A_2717, %swap3A_2718] {strides = array<i32>} : memref<2x8x32xf32, #tpu.memory_space<vmem>>, vector<16xf32>,
    tpu.vector_store %arg20[%swap3A_2716, %swap3A_2717, %swap3A_2718], %max3A_2713 {strides = array<i32>} : memref<2x8x32xf32, #tpu.memory_space<vmem>>, vector<16xf32>,
    %get3A_2720 = arith.constant 0 : i32
    %get3A_2721 = arith.constant 6 : i32
    %get3A_2722 = arith.index_cast %get3A_2720 : i32 to index
    %get3A_2723 = arith.index_cast %get3A_2721 : i32 to index
    %get3A_2724 = arith.constant 16 : index
    %get3A_2725 = tpu.vector_load %arg20[%get3A_2722, %get3A_2723, %get3A_2724] {strides = array<i32>} : memref<2x8x32xf32, #tpu.memory_space<vmem>>, vector<16xf32>,
    %max3A_2726 = arith.constant 0.000000e+00 : f32
    %max3A_2727 = vector.broadcast %max3A_2726 : f32 to vector<16xf32>
    %max3A_2728 = arith.maximumf %get3A_2725, %max3A_2727 : vector<16xf32>
    %swap3A_2729 = arith.constant 0 : i32
    %swap3A_2730 = arith.constant 6 : i32
    %swap3A_2731 = arith.index_cast %swap3A_2729 : i32 to index
    %swap3A_2732 = arith.index_cast %swap3A_2730 : i32 to index
    %swap3A_2733 = arith.constant 16 : index
    %swap3A_2734 = tpu.vector_load %arg20[%swap3A_2731, %swap3A_2732, %swap3A_2733] {strides = array<i32>} : memref<2x8x32xf32, #tpu.memory_space<vmem>>, vector<16xf32>,
    tpu.vector_store %arg20[%swap3A_2731, %swap3A_2732, %swap3A_2733], %max3A_2728 {strides = array<i32>} : memref<2x8x32xf32, #tpu.memory_space<vmem>>, vector<16xf32>,
    %get3A_2735 = arith.constant 0 : i32
    %get3A_2736 = arith.constant 7 : i32
    %get3A_2737 = arith.index_cast %get3A_2735 : i32 to index
    %get3A_2738 = arith.index_cast %get3A_2736 : i32 to index
    %get3A_2739 = arith.constant 0 : index
    %get3A_2740 = tpu.vector_load %arg20[%get3A_2737, %get3A_2738, %get3A_2739] {strides = array<i32>} : memref<2x8x32xf32, #tpu.memory_space<vmem>>, vector<16xf32>,
    %max3A_2741 = arith.constant 0.000000e+00 : f32
    %max3A_2742 = vector.broadcast %max3A_2741 : f32 to vector<16xf32>
    %max3A_2743 = arith.maximumf %get3A_2740, %max3A_2742 : vector<16xf32>
    %swap3A_2744 = arith.constant 0 : i32
    %swap3A_2745 = arith.constant 7 : i32
    %swap3A_2746 = arith.index_cast %swap3A_2744 : i32 to index
    %swap3A_2747 = arith.index_cast %swap3A_2745 : i32 to index
    %swap3A_2748 = arith.constant 0 : index
    %swap3A_2749 = tpu.vector_load %arg20[%swap3A_2746, %swap3A_2747, %swap3A_2748] {strides = array<i32>} : memref<2x8x32xf32, #tpu.memory_space<vmem>>, vector<16xf32>,
    tpu.vector_store %arg20[%swap3A_2746, %swap3A_2747, %swap3A_2748], %max3A_2743 {strides = array<i32>} : memref<2x8x32xf32, #tpu.memory_space<vmem>>, vector<16xf32>,
    %get3A_2750 = arith.constant 0 : i32
    %get3A_2751 = arith.constant 7 : i32
    %get3A_2752 = arith.index_cast %get3A_2750 : i32 to index
    %get3A_2753 = arith.index_cast %get3A_2751 : i32 to index
    %get3A_2754 = arith.constant 16 : index
    %get3A_2755 = tpu.vector_load %arg20[%get3A_2752, %get3A_2753, %get3A_2754] {strides = array<i32>} : memref<2x8x32xf32, #tpu.memory_space<vmem>>, vector<16xf32>,
    %max3A_2756 = arith.constant 0.000000e+00 : f32
    %max3A_2757 = vector.broadcast %max3A_2756 : f32 to vector<16xf32>
    %max3A_2758 = arith.maximumf %get3A_2755, %max3A_2757 : vector<16xf32>
    %swap3A_2759 = arith.constant 0 : i32
    %swap3A_2760 = arith.constant 7 : i32
    %swap3A_2761 = arith.index_cast %swap3A_2759 : i32 to index
    %swap3A_2762 = arith.index_cast %swap3A_2760 : i32 to index
    %swap3A_2763 = arith.constant 16 : index
    %swap3A_2764 = tpu.vector_load %arg20[%swap3A_2761, %swap3A_2762, %swap3A_2763] {strides = array<i32>} : memref<2x8x32xf32, #tpu.memory_space<vmem>>, vector<16xf32>,
    tpu.vector_store %arg20[%swap3A_2761, %swap3A_2762, %swap3A_2763], %max3A_2758 {strides = array<i32>} : memref<2x8x32xf32, #tpu.memory_space<vmem>>, vector<16xf32>,
    %get3A_2765 = arith.constant 1 : i32
    %get3A_2766 = arith.constant 0 : i32
    %get3A_2767 = arith.index_cast %get3A_2765 : i32 to index
    %get3A_2768 = arith.index_cast %get3A_2766 : i32 to index
    %get3A_2769 = arith.constant 0 : index
    %get3A_2770 = tpu.vector_load %arg20[%get3A_2767, %get3A_2768, %get3A_2769] {strides = array<i32>} : memref<2x8x32xf32, #tpu.memory_space<vmem>>, vector<16xf32>,
    %max3A_2771 = arith.constant 0.000000e+00 : f32
    %max3A_2772 = vector.broadcast %max3A_2771 : f32 to vector<16xf32>
    %max3A_2773 = arith.maximumf %get3A_2770, %max3A_2772 : vector<16xf32>
    %swap3A_2774 = arith.constant 1 : i32
    %swap3A_2775 = arith.constant 0 : i32
    %swap3A_2776 = arith.index_cast %swap3A_2774 : i32 to index
    %swap3A_2777 = arith.index_cast %swap3A_2775 : i32 to index
    %swap3A_2778 = arith.constant 0 : index
    %swap3A_2779 = tpu.vector_load %arg20[%swap3A_2776, %swap3A_2777, %swap3A_2778] {strides = array<i32>} : memref<2x8x32xf32, #tpu.memory_space<vmem>>, vector<16xf32>,
    tpu.vector_store %arg20[%swap3A_2776, %swap3A_2777, %swap3A_2778], %max3A_2773 {strides = array<i32>} : memref<2x8x32xf32, #tpu.memory_space<vmem>>, vector<16xf32>,
    %get3A_2780 = arith.constant 1 : i32
    %get3A_2781 = arith.constant 0 : i32
    %get3A_2782 = arith.index_cast %get3A_2780 : i32 to index
    %get3A_2783 = arith.index_cast %get3A_2781 : i32 to index
    %get3A_2784 = arith.constant 16 : index
    %get3A_2785 = tpu.vector_load %arg20[%get3A_2782, %get3A_2783, %get3A_2784] {strides = array<i32>} : memref<2x8x32xf32, #tpu.memory_space<vmem>>, vector<16xf32>,
    %max3A_2786 = arith.constant 0.000000e+00 : f32
    %max3A_2787 = vector.broadcast %max3A_2786 : f32 to vector<16xf32>
    %max3A_2788 = arith.maximumf %get3A_2785, %max3A_2787 : vector<16xf32>
    %swap3A_2789 = arith.constant 1 : i32
    %swap3A_2790 = arith.constant 0 : i32
    %swap3A_2791 = arith.index_cast %swap3A_2789 : i32 to index
    %swap3A_2792 = arith.index_cast %swap3A_2790 : i32 to index
    %swap3A_2793 = arith.constant 16 : index
    %swap3A_2794 = tpu.vector_load %arg20[%swap3A_2791, %swap3A_2792, %swap3A_2793] {strides = array<i32>} : memref<2x8x32xf32, #tpu.memory_space<vmem>>, vector<16xf32>,
    tpu.vector_store %arg20[%swap3A_2791, %swap3A_2792, %swap3A_2793], %max3A_2788 {strides = array<i32>} : memref<2x8x32xf32, #tpu.memory_space<vmem>>, vector<16xf32>,
    %get3A_2795 = arith.constant 1 : i32
    %get3A_2796 = arith.constant 1 : i32
    %get3A_2797 = arith.index_cast %get3A_2795 : i32 to index
    %get3A_2798 = arith.index_cast %get3A_2796 : i32 to index
    %get3A_2799 = arith.constant 0 : index
    %get3A_2800 = tpu.vector_load %arg20[%get3A_2797, %get3A_2798, %get3A_2799] {strides = array<i32>} : memref<2x8x32xf32, #tpu.memory_space<vmem>>, vector<16xf32>,
    %max3A_2801 = arith.constant 0.000000e+00 : f32
    %max3A_2802 = vector.broadcast %max3A_2801 : f32 to vector<16xf32>
    %max3A_2803 = arith.maximumf %get3A_2800, %max3A_2802 : vector<16xf32>
    %swap3A_2804 = arith.constant 1 : i32
    %swap3A_2805 = arith.constant 1 : i32
    %swap3A_2806 = arith.index_cast %swap3A_2804 : i32 to index
    %swap3A_2807 = arith.index_cast %swap3A_2805 : i32 to index
    %swap3A_2808 = arith.constant 0 : index
    %swap3A_2809 = tpu.vector_load %arg20[%swap3A_2806, %swap3A_2807, %swap3A_2808] {strides = array<i32>} : memref<2x8x32xf32, #tpu.memory_space<vmem>>, vector<16xf32>,
    tpu.vector_store %arg20[%swap3A_2806, %swap3A_2807, %swap3A_2808], %max3A_2803 {strides = array<i32>} : memref<2x8x32xf32, #tpu.memory_space<vmem>>, vector<16xf32>,
    %get3A_2810 = arith.constant 1 : i32
    %get3A_2811 = arith.constant 1 : i32
    %get3A_2812 = arith.index_cast %get3A_2810 : i32 to index
    %get3A_2813 = arith.index_cast %get3A_2811 : i32 to index
    %get3A_2814 = arith.constant 16 : index
    %get3A_2815 = tpu.vector_load %arg20[%get3A_2812, %get3A_2813, %get3A_2814] {strides = array<i32>} : memref<2x8x32xf32, #tpu.memory_space<vmem>>, vector<16xf32>,
    %max3A_2816 = arith.constant 0.000000e+00 : f32
    %max3A_2817 = vector.broadcast %max3A_2816 : f32 to vector<16xf32>
    %max3A_2818 = arith.maximumf %get3A_2815, %max3A_2817 : vector<16xf32>
    %swap3A_2819 = arith.constant 1 : i32
    %swap3A_2820 = arith.constant 1 : i32
    %swap3A_2821 = arith.index_cast %swap3A_2819 : i32 to index
    %swap3A_2822 = arith.index_cast %swap3A_2820 : i32 to index
    %swap3A_2823 = arith.constant 16 : index
    %swap3A_2824 = tpu.vector_load %arg20[%swap3A_2821, %swap3A_2822, %swap3A_2823] {strides = array<i32>} : memref<2x8x32xf32, #tpu.memory_space<vmem>>, vector<16xf32>,
    tpu.vector_store %arg20[%swap3A_2821, %swap3A_2822, %swap3A_2823], %max3A_2818 {strides = array<i32>} : memref<2x8x32xf32, #tpu.memory_space<vmem>>, vector<16xf32>,
    %get3A_2825 = arith.constant 1 : i32
    %get3A_2826 = arith.constant 2 : i32
    %get3A_2827 = arith.index_cast %get3A_2825 : i32 to index
    %get3A_2828 = arith.index_cast %get3A_2826 : i32 to index
    %get3A_2829 = arith.constant 0 : index
    %get3A_2830 = tpu.vector_load %arg20[%get3A_2827, %get3A_2828, %get3A_2829] {strides = array<i32>} : memref<2x8x32xf32, #tpu.memory_space<vmem>>, vector<16xf32>,
    %max3A_2831 = arith.constant 0.000000e+00 : f32
    %max3A_2832 = vector.broadcast %max3A_2831 : f32 to vector<16xf32>
    %max3A_2833 = arith.maximumf %get3A_2830, %max3A_2832 : vector<16xf32>
    %swap3A_2834 = arith.constant 1 : i32
    %swap3A_2835 = arith.constant 2 : i32
    %swap3A_2836 = arith.index_cast %swap3A_2834 : i32 to index
    %swap3A_2837 = arith.index_cast %swap3A_2835 : i32 to index
    %swap3A_2838 = arith.constant 0 : index
    %swap3A_2839 = tpu.vector_load %arg20[%swap3A_2836, %swap3A_2837, %swap3A_2838] {strides = array<i32>} : memref<2x8x32xf32, #tpu.memory_space<vmem>>, vector<16xf32>,
    tpu.vector_store %arg20[%swap3A_2836, %swap3A_2837, %swap3A_2838], %max3A_2833 {strides = array<i32>} : memref<2x8x32xf32, #tpu.memory_space<vmem>>, vector<16xf32>,
    %get3A_2840 = arith.constant 1 : i32
    %get3A_2841 = arith.constant 2 : i32
    %get3A_2842 = arith.index_cast %get3A_2840 : i32 to index
    %get3A_2843 = arith.index_cast %get3A_2841 : i32 to index
    %get3A_2844 = arith.constant 16 : index
    %get3A_2845 = tpu.vector_load %arg20[%get3A_2842, %get3A_2843, %get3A_2844] {strides = array<i32>} : memref<2x8x32xf32, #tpu.memory_space<vmem>>, vector<16xf32>,
    %max3A_2846 = arith.constant 0.000000e+00 : f32
    %max3A_2847 = vector.broadcast %max3A_2846 : f32 to vector<16xf32>
    %max3A_2848 = arith.maximumf %get3A_2845, %max3A_2847 : vector<16xf32>
    %swap3A_2849 = arith.constant 1 : i32
    %swap3A_2850 = arith.constant 2 : i32
    %swap3A_2851 = arith.index_cast %swap3A_2849 : i32 to index
    %swap3A_2852 = arith.index_cast %swap3A_2850 : i32 to index
    %swap3A_2853 = arith.constant 16 : index
    %swap3A_2854 = tpu.vector_load %arg20[%swap3A_2851, %swap3A_2852, %swap3A_2853] {strides = array<i32>} : memref<2x8x32xf32, #tpu.memory_space<vmem>>, vector<16xf32>,
    tpu.vector_store %arg20[%swap3A_2851, %swap3A_2852, %swap3A_2853], %max3A_2848 {strides = array<i32>} : memref<2x8x32xf32, #tpu.memory_space<vmem>>, vector<16xf32>,
    %get3A_2855 = arith.constant 1 : i32
    %get3A_2856 = arith.constant 3 : i32
    %get3A_2857 = arith.index_cast %get3A_2855 : i32 to index
    %get3A_2858 = arith.index_cast %get3A_2856 : i32 to index
    %get3A_2859 = arith.constant 0 : index
    %get3A_2860 = tpu.vector_load %arg20[%get3A_2857, %get3A_2858, %get3A_2859] {strides = array<i32>} : memref<2x8x32xf32, #tpu.memory_space<vmem>>, vector<16xf32>,
    %max3A_2861 = arith.constant 0.000000e+00 : f32
    %max3A_2862 = vector.broadcast %max3A_2861 : f32 to vector<16xf32>
    %max3A_2863 = arith.maximumf %get3A_2860, %max3A_2862 : vector<16xf32>
    %swap3A_2864 = arith.constant 1 : i32
    %swap3A_2865 = arith.constant 3 : i32
    %swap3A_2866 = arith.index_cast %swap3A_2864 : i32 to index
    %swap3A_2867 = arith.index_cast %swap3A_2865 : i32 to index
    %swap3A_2868 = arith.constant 0 : index
    %swap3A_2869 = tpu.vector_load %arg20[%swap3A_2866, %swap3A_2867, %swap3A_2868] {strides = array<i32>} : memref<2x8x32xf32, #tpu.memory_space<vmem>>, vector<16xf32>,
    tpu.vector_store %arg20[%swap3A_2866, %swap3A_2867, %swap3A_2868], %max3A_2863 {strides = array<i32>} : memref<2x8x32xf32, #tpu.memory_space<vmem>>, vector<16xf32>,
    %get3A_2870 = arith.constant 1 : i32
    %get3A_2871 = arith.constant 3 : i32
    %get3A_2872 = arith.index_cast %get3A_2870 : i32 to index
    %get3A_2873 = arith.index_cast %get3A_2871 : i32 to index
    %get3A_2874 = arith.constant 16 : index
    %get3A_2875 = tpu.vector_load %arg20[%get3A_2872, %get3A_2873, %get3A_2874] {strides = array<i32>} : memref<2x8x32xf32, #tpu.memory_space<vmem>>, vector<16xf32>,
    %max3A_2876 = arith.constant 0.000000e+00 : f32
    %max3A_2877 = vector.broadcast %max3A_2876 : f32 to vector<16xf32>
    %max3A_2878 = arith.maximumf %get3A_2875, %max3A_2877 : vector<16xf32>
    %swap3A_2879 = arith.constant 1 : i32
    %swap3A_2880 = arith.constant 3 : i32
    %swap3A_2881 = arith.index_cast %swap3A_2879 : i32 to index
    %swap3A_2882 = arith.index_cast %swap3A_2880 : i32 to index
    %swap3A_2883 = arith.constant 16 : index
    %swap3A_2884 = tpu.vector_load %arg20[%swap3A_2881, %swap3A_2882, %swap3A_2883] {strides = array<i32>} : memref<2x8x32xf32, #tpu.memory_space<vmem>>, vector<16xf32>,
    tpu.vector_store %arg20[%swap3A_2881, %swap3A_2882, %swap3A_2883], %max3A_2878 {strides = array<i32>} : memref<2x8x32xf32, #tpu.memory_space<vmem>>, vector<16xf32>,
    %get3A_2885 = arith.constant 1 : i32
    %get3A_2886 = arith.constant 4 : i32
    %get3A_2887 = arith.index_cast %get3A_2885 : i32 to index
    %get3A_2888 = arith.index_cast %get3A_2886 : i32 to index
    %get3A_2889 = arith.constant 0 : index
    %get3A_2890 = tpu.vector_load %arg20[%get3A_2887, %get3A_2888, %get3A_2889] {strides = array<i32>} : memref<2x8x32xf32, #tpu.memory_space<vmem>>, vector<16xf32>,
    %max3A_2891 = arith.constant 0.000000e+00 : f32
    %max3A_2892 = vector.broadcast %max3A_2891 : f32 to vector<16xf32>
    %max3A_2893 = arith.maximumf %get3A_2890, %max3A_2892 : vector<16xf32>
    %swap3A_2894 = arith.constant 1 : i32
    %swap3A_2895 = arith.constant 4 : i32
    %swap3A_2896 = arith.index_cast %swap3A_2894 : i32 to index
    %swap3A_2897 = arith.index_cast %swap3A_2895 : i32 to index
    %swap3A_2898 = arith.constant 0 : index
    %swap3A_2899 = tpu.vector_load %arg20[%swap3A_2896, %swap3A_2897, %swap3A_2898] {strides = array<i32>} : memref<2x8x32xf32, #tpu.memory_space<vmem>>, vector<16xf32>,
    tpu.vector_store %arg20[%swap3A_2896, %swap3A_2897, %swap3A_2898], %max3A_2893 {strides = array<i32>} : memref<2x8x32xf32, #tpu.memory_space<vmem>>, vector<16xf32>,
    %get3A_2900 = arith.constant 1 : i32
    %get3A_2901 = arith.constant 4 : i32
    %get3A_2902 = arith.index_cast %get3A_2900 : i32 to index
    %get3A_2903 = arith.index_cast %get3A_2901 : i32 to index
    %get3A_2904 = arith.constant 16 : index
    %get3A_2905 = tpu.vector_load %arg20[%get3A_2902, %get3A_2903, %get3A_2904] {strides = array<i32>} : memref<2x8x32xf32, #tpu.memory_space<vmem>>, vector<16xf32>,
    %max3A_2906 = arith.constant 0.000000e+00 : f32
    %max3A_2907 = vector.broadcast %max3A_2906 : f32 to vector<16xf32>
    %max3A_2908 = arith.maximumf %get3A_2905, %max3A_2907 : vector<16xf32>
    %swap3A_2909 = arith.constant 1 : i32
    %swap3A_2910 = arith.constant 4 : i32
    %swap3A_2911 = arith.index_cast %swap3A_2909 : i32 to index
    %swap3A_2912 = arith.index_cast %swap3A_2910 : i32 to index
    %swap3A_2913 = arith.constant 16 : index
    %swap3A_2914 = tpu.vector_load %arg20[%swap3A_2911, %swap3A_2912, %swap3A_2913] {strides = array<i32>} : memref<2x8x32xf32, #tpu.memory_space<vmem>>, vector<16xf32>,
    tpu.vector_store %arg20[%swap3A_2911, %swap3A_2912, %swap3A_2913], %max3A_2908 {strides = array<i32>} : memref<2x8x32xf32, #tpu.memory_space<vmem>>, vector<16xf32>,
    %get3A_2915 = arith.constant 1 : i32
    %get3A_2916 = arith.constant 5 : i32
    %get3A_2917 = arith.index_cast %get3A_2915 : i32 to index
    %get3A_2918 = arith.index_cast %get3A_2916 : i32 to index
    %get3A_2919 = arith.constant 0 : index
    %get3A_2920 = tpu.vector_load %arg20[%get3A_2917, %get3A_2918, %get3A_2919] {strides = array<i32>} : memref<2x8x32xf32, #tpu.memory_space<vmem>>, vector<16xf32>,
    %max3A_2921 = arith.constant 0.000000e+00 : f32
    %max3A_2922 = vector.broadcast %max3A_2921 : f32 to vector<16xf32>
    %max3A_2923 = arith.maximumf %get3A_2920, %max3A_2922 : vector<16xf32>
    %swap3A_2924 = arith.constant 1 : i32
    %swap3A_2925 = arith.constant 5 : i32
    %swap3A_2926 = arith.index_cast %swap3A_2924 : i32 to index
    %swap3A_2927 = arith.index_cast %swap3A_2925 : i32 to index
    %swap3A_2928 = arith.constant 0 : index
    %swap3A_2929 = tpu.vector_load %arg20[%swap3A_2926, %swap3A_2927, %swap3A_2928] {strides = array<i32>} : memref<2x8x32xf32, #tpu.memory_space<vmem>>, vector<16xf32>,
    tpu.vector_store %arg20[%swap3A_2926, %swap3A_2927, %swap3A_2928], %max3A_2923 {strides = array<i32>} : memref<2x8x32xf32, #tpu.memory_space<vmem>>, vector<16xf32>,
    %get3A_2930 = arith.constant 1 : i32
    %get3A_2931 = arith.constant 5 : i32
    %get3A_2932 = arith.index_cast %get3A_2930 : i32 to index
    %get3A_2933 = arith.index_cast %get3A_2931 : i32 to index
    %get3A_2934 = arith.constant 16 : index
    %get3A_2935 = tpu.vector_load %arg20[%get3A_2932, %get3A_2933, %get3A_2934] {strides = array<i32>} : memref<2x8x32xf32, #tpu.memory_space<vmem>>, vector<16xf32>,
    %max3A_2936 = arith.constant 0.000000e+00 : f32
    %max3A_2937 = vector.broadcast %max3A_2936 : f32 to vector<16xf32>
    %max3A_2938 = arith.maximumf %get3A_2935, %max3A_2937 : vector<16xf32>
    %swap3A_2939 = arith.constant 1 : i32
    %swap3A_2940 = arith.constant 5 : i32
    %swap3A_2941 = arith.index_cast %swap3A_2939 : i32 to index
    %swap3A_2942 = arith.index_cast %swap3A_2940 : i32 to index
    %swap3A_2943 = arith.constant 16 : index
    %swap3A_2944 = tpu.vector_load %arg20[%swap3A_2941, %swap3A_2942, %swap3A_2943] {strides = array<i32>} : memref<2x8x32xf32, #tpu.memory_space<vmem>>, vector<16xf32>,
    tpu.vector_store %arg20[%swap3A_2941, %swap3A_2942, %swap3A_2943], %max3A_2938 {strides = array<i32>} : memref<2x8x32xf32, #tpu.memory_space<vmem>>, vector<16xf32>,
    %get3A_2945 = arith.constant 1 : i32
    %get3A_2946 = arith.constant 6 : i32
    %get3A_2947 = arith.index_cast %get3A_2945 : i32 to index
    %get3A_2948 = arith.index_cast %get3A_2946 : i32 to index
    %get3A_2949 = arith.constant 0 : index
    %get3A_2950 = tpu.vector_load %arg20[%get3A_2947, %get3A_2948, %get3A_2949] {strides = array<i32>} : memref<2x8x32xf32, #tpu.memory_space<vmem>>, vector<16xf32>,
    %max3A_2951 = arith.constant 0.000000e+00 : f32
    %max3A_2952 = vector.broadcast %max3A_2951 : f32 to vector<16xf32>
    %max3A_2953 = arith.maximumf %get3A_2950, %max3A_2952 : vector<16xf32>
    %swap3A_2954 = arith.constant 1 : i32
    %swap3A_2955 = arith.constant 6 : i32
    %swap3A_2956 = arith.index_cast %swap3A_2954 : i32 to index
    %swap3A_2957 = arith.index_cast %swap3A_2955 : i32 to index
    %swap3A_2958 = arith.constant 0 : index
    %swap3A_2959 = tpu.vector_load %arg20[%swap3A_2956, %swap3A_2957, %swap3A_2958] {strides = array<i32>} : memref<2x8x32xf32, #tpu.memory_space<vmem>>, vector<16xf32>,
    tpu.vector_store %arg20[%swap3A_2956, %swap3A_2957, %swap3A_2958], %max3A_2953 {strides = array<i32>} : memref<2x8x32xf32, #tpu.memory_space<vmem>>, vector<16xf32>,
    %get3A_2960 = arith.constant 1 : i32
    %get3A_2961 = arith.constant 6 : i32
    %get3A_2962 = arith.index_cast %get3A_2960 : i32 to index
    %get3A_2963 = arith.index_cast %get3A_2961 : i32 to index
    %get3A_2964 = arith.constant 16 : index
    %get3A_2965 = tpu.vector_load %arg20[%get3A_2962, %get3A_2963, %get3A_2964] {strides = array<i32>} : memref<2x8x32xf32, #tpu.memory_space<vmem>>, vector<16xf32>,
    %max3A_2966 = arith.constant 0.000000e+00 : f32
    %max3A_2967 = vector.broadcast %max3A_2966 : f32 to vector<16xf32>
    %max3A_2968 = arith.maximumf %get3A_2965, %max3A_2967 : vector<16xf32>
    %swap3A_2969 = arith.constant 1 : i32
    %swap3A_2970 = arith.constant 6 : i32
    %swap3A_2971 = arith.index_cast %swap3A_2969 : i32 to index
    %swap3A_2972 = arith.index_cast %swap3A_2970 : i32 to index
    %swap3A_2973 = arith.constant 16 : index
    %swap3A_2974 = tpu.vector_load %arg20[%swap3A_2971, %swap3A_2972, %swap3A_2973] {strides = array<i32>} : memref<2x8x32xf32, #tpu.memory_space<vmem>>, vector<16xf32>,
    tpu.vector_store %arg20[%swap3A_2971, %swap3A_2972, %swap3A_2973], %max3A_2968 {strides = array<i32>} : memref<2x8x32xf32, #tpu.memory_space<vmem>>, vector<16xf32>,
    %get3A_2975 = arith.constant 1 : i32
    %get3A_2976 = arith.constant 7 : i32
    %get3A_2977 = arith.index_cast %get3A_2975 : i32 to index
    %get3A_2978 = arith.index_cast %get3A_2976 : i32 to index
    %get3A_2979 = arith.constant 0 : index
    %get3A_2980 = tpu.vector_load %arg20[%get3A_2977, %get3A_2978, %get3A_2979] {strides = array<i32>} : memref<2x8x32xf32, #tpu.memory_space<vmem>>, vector<16xf32>,
    %max3A_2981 = arith.constant 0.000000e+00 : f32
    %max3A_2982 = vector.broadcast %max3A_2981 : f32 to vector<16xf32>
    %max3A_2983 = arith.maximumf %get3A_2980, %max3A_2982 : vector<16xf32>
    %swap3A_2984 = arith.constant 1 : i32
    %swap3A_2985 = arith.constant 7 : i32
    %swap3A_2986 = arith.index_cast %swap3A_2984 : i32 to index
    %swap3A_2987 = arith.index_cast %swap3A_2985 : i32 to index
    %swap3A_2988 = arith.constant 0 : index
    %swap3A_2989 = tpu.vector_load %arg20[%swap3A_2986, %swap3A_2987, %swap3A_2988] {strides = array<i32>} : memref<2x8x32xf32, #tpu.memory_space<vmem>>, vector<16xf32>,
    tpu.vector_store %arg20[%swap3A_2986, %swap3A_2987, %swap3A_2988], %max3A_2983 {strides = array<i32>} : memref<2x8x32xf32, #tpu.memory_space<vmem>>, vector<16xf32>,
    %get3A_2990 = arith.constant 1 : i32
    %get3A_2991 = arith.constant 7 : i32
    %get3A_2992 = arith.index_cast %get3A_2990 : i32 to index
    %get3A_2993 = arith.index_cast %get3A_2991 : i32 to index
    %get3A_2994 = arith.constant 16 : index
    %get3A_2995 = tpu.vector_load %arg20[%get3A_2992, %get3A_2993, %get3A_2994] {strides = array<i32>} : memref<2x8x32xf32, #tpu.memory_space<vmem>>, vector<16xf32>,
    %max3A_2996 = arith.constant 0.000000e+00 : f32
    %max3A_2997 = vector.broadcast %max3A_2996 : f32 to vector<16xf32>
    %max3A_2998 = arith.maximumf %get3A_2995, %max3A_2997 : vector<16xf32>
    %swap3A_2999 = arith.constant 1 : i32
    %swap3A_3000 = arith.constant 7 : i32
    %swap3A_3001 = arith.index_cast %swap3A_2999 : i32 to index
    %swap3A_3002 = arith.index_cast %swap3A_3000 : i32 to index
    %swap3A_3003 = arith.constant 16 : index
    %swap3A_3004 = tpu.vector_load %arg20[%swap3A_3001, %swap3A_3002, %swap3A_3003] {strides = array<i32>} : memref<2x8x32xf32, #tpu.memory_space<vmem>>, vector<16xf32>,
    tpu.vector_store %arg20[%swap3A_3001, %swap3A_3002, %swap3A_3003], %max3A_2998 {strides = array<i32>} : memref<2x8x32xf32, #tpu.memory_space<vmem>>, vector<16xf32>,
    "tpu.region"() ({
      %run_scoped3A = tpu.sem_alloc : memref<!tpu.dma_semaphore, #tpu.memory_space<semaphore_mem>>
      %dma_start3A_3005 = arith.constant 0 : i32
      %dma_start3A_3006 = arith.constant 0 : i32
      %dma_start3A_3007 = tpu.memref_slice %arg10[%dma_start3A_3005, %select_n3A, %dma_start3A_3006, %mul3A_31] : memref<2x4x8x128xf32, #tpu.memory_space<hbm>> -> memref<2x1x8x32xf32, #tpu.memory_space<hbm>>
      %dma_start3A_3008 = tpu.memref_squeeze %dma_start3A_3007 : memref<2x1x8x32xf32, #tpu.memory_space<hbm>> -> memref<2x8x32xf32, #tpu.memory_space<hbm>>
      %dma_start3A_3009 = arith.constant 0 : i32
      %dma_start3A_3010 = arith.constant 0 : i32
      %dma_start3A_3011 = tpu.memref_slice %arg10[%dma_start3A_3009, %select_n3A, %dma_start3A_3010, %mul3A_31] : memref<2x4x8x128xf32, #tpu.memory_space<hbm>> -> memref<2x1x8x32xf32, #tpu.memory_space<hbm>>
      %dma_start3A_3012 = tpu.memref_squeeze %dma_start3A_3011 : memref<2x1x8x32xf32, #tpu.memory_space<hbm>> -> memref<2x8x32xf32, #tpu.memory_space<hbm>>
      tpu.enqueue_dma source(%arg20 : memref<2x8x32xf32, #tpu.memory_space<vmem>>) target(%dma_start3A_3012 : memref<2x8x32xf32, #tpu.memory_space<hbm>>) target_semaphore(%run_scoped3A : memref<!tpu.dma_semaphore, #tpu.memory_space<semaphore_mem>>)
      %dma_wait3A_3013 = arith.constant 0 : i32
      %dma_wait3A_3014 = arith.constant 0 : i32
      %dma_wait3A_3015 = tpu.memref_slice %arg10[%dma_wait3A_3013, %select_n3A, %dma_wait3A_3014, %mul3A_31] : memref<2x4x8x128xf32, #tpu.memory_space<hbm>> -> memref<2x1x8x32xf32, #tpu.memory_space<hbm>>
      %dma_wait3A_3016 = tpu.memref_squeeze %dma_wait3A_3015 : memref<2x1x8x32xf32, #tpu.memory_space<hbm>> -> memref<2x8x32xf32, #tpu.memory_space<hbm>>
      %dma_wait3A_3017 = arith.constant 0 : i32
      %dma_wait3A_3018 = arith.constant 0 : i32
      %dma_wait3A_3019 = tpu.memref_slice %arg10[%dma_wait3A_3017, %select_n3A, %dma_wait3A_3018, %mul3A_31] : memref<2x4x8x128xf32, #tpu.memory_space<hbm>> -> memref<2x1x8x32xf32, #tpu.memory_space<hbm>>
      %dma_wait3A_3020 = tpu.memref_squeeze %dma_wait3A_3019 : memref<2x1x8x32xf32, #tpu.memory_space<hbm>> -> memref<2x8x32xf32, #tpu.memory_space<hbm>>
      tpu.wait_dma2 semaphore(%run_scoped3A : memref<!tpu.dma_semaphore, #tpu.memory_space<semaphore_mem>>) src(%arg20 : memref<2x8x32xf32, #tpu.memory_space<vmem>>) dst(%dma_wait3A_3020 : memref<2x8x32xf32, #tpu.memory_space<hbm>>)
      tpu.yield
    }) : () -> ()
    return
  }
}

</mosaic_0001>

<sc_bundles>
// kernel: kernel.3.cloned.1.call-start
scs
__scs_entry_jumppad:
0x0: {  	(pc) =	sbr.rel $0x88, $3  }
0x1: {  	(tag) =	ssettag $0x0;
	lr =	simm.s32 $0x1  }
0x2: {  	[smem:$0x3F9A] =	sst lr;
	_ =	strace $0xD0000000  }
0x3: {  	_ = 	snop  }
0x4: {  	_ = 	snop  }
0x5: {  	_ = 	snop  }
0x6: {  	_ = 	snop  }
0x7: {  	_ = 	snop  }
__scs_overlays_trampoline_lowered:
0x8: {  	[smem:$0x3FA9] =	sst s0  }
0x9: {  	[smem:$0x3FAA] =	sst s1  }
0xa: {  	[smem:$0x3FAB] =	sst s2  }
0xb: {  	[smem:$0x3FAC] =	sst s3  }
0xc: {  	[smem:$0x3FAD] =	sst s4  }
0xd: {  	[smem:$0x3FAE] =	sst s5  }
0xe: {  	[smem:$0x3FAF] =	sst s6  }
0xf: {  	[smem:$0x3FB0] =	sst s7  }
0x10: {  	[smem:$0x3FB1] =	sst s8  }
0x11: {  	[smem:$0x3FB2] =	sst s9;
	s0 =	simm.s32 @!p0 $0x0  }
0x12: {  	s1 =	sld [smem:$0x3F98];
	s0 =	simm.s32 @p0 $0x1  }
0x13: {  	[smem:$0x3FB3] =	sst s0;
	s0 =	simm.s32 @!p1 $0x0  }
0x14: {  	s2 =	sld [smem:$0x3F97];
	s0 =	simm.s32 @p1 $0x1  }
0x15: {  	[smem:$0x3FB4] =	sst s0;
	s0 =	simm.s32 @!p2 $0x0  }
0x16: {  	s3 =	sld [smem:$0x3FDB];
	s0 =	simm.s32 @p2 $0x1  }
0x17: {  	s4 =	simm.s32 $0x1BF5;
	[smem:$0x3FB6] =	sst s0  }
0x18: {  	s0 =	sld [smem:$0x3F99];
	_ =	swait.ge [sflag:s4], $0x0  }
0x19: {  	s7 =	sld [smem:$0x3F9A]  }
0x1a: {  	s8 =	sadd.s32 $0xFFFFE003, lr  }
0x1b: {  	s9 =	sadd.s32 $0xFFFFFEF7, lr;
	s5 =	simm.s32 $0xFFFFFFFF;
	p2 =	slt.u32 s8, $0xFFFFF086  }
0x1c: {  	p1 =	slt.u32 s9, $0xF7A;
	s5 =	simm.s32 @!p2 $0x0  }
0x1d: {  	s5 =	simm.s32 @p1 $0x1;
	p0 =	seq.s32 s7, s2  }
0x1e: {  	s7 =	smul.u32 @!p0 $0xF7A, s2;
	p2 =	seq.s32 @!p0 s5, $0x0  }
0x1f: {  	s9 =	smul.u32 $0xF7A, s1;
	s8 =	simm.s32 @!p0 $0x1BF5;
	p2 =	por !p2, p0  }
0x20: {  	[sflag:s8] =	ssyncset.s32 @!p0 $0xFFFFF086;
	s6 =	sadd.s32 @!p0 s3, s7;
	s7 =	simm.s32 @!p0 $0x108  }
0x21: {  	s3 =	sadd.s32 s3, s9;
	s6 =	sadd.s32 @!p0 $0x88, s6;
	s7 =	simm.s32 @p2 $0x1082  }
0x22: {  	[simem:s7], [sflag:s8] =	dma.local @!p0 [hbm:s6], $0xF7A  }
0x23: {  	s9 =	sor.u32 $0xD0000000, s2;
	s6 =	simm.s32 $0x108;
	_ =	swait.ge @!p0 [sflag:s8], $0x0  }
0x24: {  	s3 =	sadd.s32 $0x88, s3;
	s6 =	simm.s32 @!p1 $0x1082;
	[sflag:s4] =	ssyncset.s32 $0xFFFFF086  }
0x25: {  	[simem:s6], [sflag:s4] =	dma.local [hbm:s3], $0xF7A  }
0x26: {  	[smem:$0x3F9A] =	sst s1;
	(tag) =	ssettag s2;
	_ =	strace s9  }
0x27: {  	s1 =	sld [smem:$0x3FAA]  }
0x28: {  	s2 =	sld [smem:$0x3FAB]  }
0x29: {  	s4 =	sld [smem:$0x3FAD]  }
0x2a: {  	p0 =	seq.s32 s5, $0x0;
	s5 =	sld [smem:$0x3FAE]  }
0x2b: {  	s6 =	sld [smem:$0x3FAF]  }
0x2c: {  	s7 =	sld [smem:$0x3FB0]  }
0x2d: {  	s3 =	simm.s32 $0x108;
	s8 =	sld [smem:$0x3FB1]  }
0x2e: {  	s3 =	simm.s32 @!p0 $0x1082;
	s9 =	sld [smem:$0x3FB2]  }
0x2f: {  	lr =	sadd.s32 s0, s3;
	s0 =	sld [smem:$0x3FA9]  }
0x30: {  	s3 =	sld [smem:$0x3FAC]  }
0x31: {  	[smem:$0x3FB5] =	sst s10  }
0x32: {  	s10 =	sld [smem:$0x3FB3];
	_ =	sdelay $0x3  }
0x33: {  	p0 =	seq.s32 s10, $0x1;
	s10 =	sld [smem:$0x3FB5];
	_ =	sdelay $0x3  }
0x34: {  	[smem:$0x3FB5] =	sst s10  }
0x35: {  	s10 =	sld [smem:$0x3FB4];
	_ =	sdelay $0x3  }
0x36: {  	p1 =	seq.s32 s10, $0x1;
	s10 =	sld [smem:$0x3FB5];
	_ =	sdelay $0x3  }
0x37: {  	[smem:$0x3FB5] =	sst s10  }
0x38: {  	s10 =	sld [smem:$0x3FB6]  }
0x39: {  	_ = 	snop;
	(pc) =	sbr.ind lr, $3  }
0x3a: {  	_ = 	snop  }
0x3b: {  	_ = 	snop  }
0x3c: {  	p2 =	seq.s32 s10, $0x1;
	s10 =	sld [smem:$0x3FB5]  }
0x3d: {  	_ =	shalt  }
0x3e: {  	_ =	shalt  }
0x3f: {  	_ =	shalt  }
0x40: {  	_ =	shalt  }
0x41: {  	_ =	shalt  }
0x42: {  	_ =	shalt  }
0x43: {  	_ =	shalt  }
0x44: {  	_ =	shalt  }
0x45: {  	_ =	shalt  }
0x46: {  	_ =	shalt  }
0x47: {  	_ =	shalt  }
0x48: {  	_ =	shalt  }
0x49: {  	_ =	shalt  }
0x4a: {  	_ =	shalt  }
0x4b: {  	_ =	shalt  }
0x4c: {  	_ =	shalt  }
0x4d: {  	_ =	shalt  }
0x4e: {  	_ =	shalt  }
0x4f: {  	_ =	shalt  }
0x50: {  	_ =	shalt  }
0x51: {  	_ =	shalt  }
0x52: {  	_ =	shalt  }
0x53: {  	_ =	shalt  }
0x54: {  	_ =	shalt  }
0x55: {  	_ =	shalt  }
0x56: {  	_ =	shalt  }
0x57: {  	_ =	shalt  }
0x58: {  	_ =	shalt  }
0x59: {  	_ =	shalt  }
0x5a: {  	_ =	shalt  }
0x5b: {  	_ =	shalt  }
0x5c: {  	_ =	shalt  }
0x5d: {  	_ =	shalt  }
0x5e: {  	_ =	shalt  }
0x5f: {  	_ =	shalt  }
0x60: {  	_ =	shalt  }
0x61: {  	_ =	shalt  }
0x62: {  	_ =	shalt  }
0x63: {  	_ =	shalt  }
0x64: {  	_ =	shalt  }
0x65: {  	_ =	shalt  }
0x66: {  	_ =	shalt  }
0x67: {  	_ =	shalt  }
0x68: {  	_ =	shalt  }
0x69: {  	_ =	shalt  }
0x6a: {  	_ =	shalt  }
0x6b: {  	_ =	shalt  }
0x6c: {  	_ =	shalt  }
0x6d: {  	_ =	shalt  }
0x6e: {  	_ =	shalt  }
0x6f: {  	_ =	shalt  }
0x70: {  	_ =	shalt  }
0x71: {  	_ =	shalt  }
0x72: {  	_ =	shalt  }
0x73: {  	_ =	shalt  }
0x74: {  	_ =	shalt  }
0x75: {  	_ =	shalt  }
0x76: {  	_ =	shalt  }
0x77: {  	_ =	shalt  }
0x78: {  	_ =	shalt  }
0x79: {  	_ =	shalt  }
0x7a: {  	_ =	shalt  }
0x7b: {  	_ =	shalt  }
0x7c: {  	_ =	shalt  }
0x7d: {  	_ =	shalt  }
0x7e: {  	_ =	shalt  }
0x7f: {  	_ =	shalt  }
0x80: {  	_ =	shalt  }
0x81: {  	_ =	shalt  }
0x82: {  	_ =	shalt  }
0x83: {  	_ =	shalt  }
0x84: {  	_ =	shalt  }
0x85: {  	_ =	shalt  }
0x86: {  	_ =	shalt  }
0x87: {  	_ =	shalt  }
.Lfunc_end0:
.L_simem_size_0:
called_computation_lowered:
.L_overlay_start_0:
0x88: {  	s0 =	sld [smem:$0x3FD9]  }
0x89: {  	s1 =	sld [smem:$0x3FFE];
	_ =	sdelay $0x3  }
0x8a: {  	s0 =	sadd.s32 s1, s0  }
0x8b: {  	[smem:$0x3FC1] =	sst s0  }
0x8c: {  	_ = 	snop  }
0x8d: {  	s0 =	sld [smem:$0x3FC9]  }
0x8e: {  	s16 =	sld [smem:$0x3FC7]  }
0x8f: {  	s2 =	sld [smem:$0x3FC6]  }
0x90: {  	s3 =	sld [smem:$0x3FC5]  }
0x91: {  	s4 =	sld [smem:$0x3FC4]  }
0x92: {  	s5 =	sld [smem:$0x3FC3]  }
0x93: {  	s6 =	sld [smem:$0x3FD0];
	(tm) =	ssettm $0x1  }
0x94: {  	s7 =	sld [smem:$0x3FFB];
	_ =	sdelay $0x3  }
0x95: {  	_ =	strace s7  }
0x96: {  	s7 =	sld [smem:$0x3FFC];
	_ =	sdelay $0x3  }
0x97: {  	_ =	strace s7  }
0x98: {  	s7 =	sld [smem:$0x3FFD];
	_ =	sdelay $0x3  }
0x99: {  	_ =	strace s7  }
0x9a: {  	_ =	strace $0x8FFFFFFF  }
0x9b: {  	s17 =	sld [smem:$0x3FDB];
	_ =	sdelay $0x1  }
0x9c: {  	s8 =	simm.s32 $_scs_section_size  }
0x9d: {  	s9 =	simm.s32 $_size__tile_overlayer_lowered;
	s10 =	simm.s32 $_tile_overlayer_lowered  }
0x9e: {  	s20 =	simm.s32 $0x1BFF;
	s19 =	sshll.u32 s10, $0x1;
	s7 =	sadd.s32 s8, s17  }
0x9f: {  	s11 =	simm.s32 $0x0;
	s18 =	sshll.u32 s9, $0x1;
	s9 =	sadd.s32 s19, s7  }
0xa0: {  	[timem:s11], [sflag:s20] =	dma.local [hbm:s9], s18  }
0xa1: {  	_ =	swait.ge [sflag:s20], s18  }
0xa2: {  	s8 =	ssub.s32 $0x0, s18;
	[sflag:s20] =	ssyncset.done $0x0  }
0xa3: {  	[sflag:s20] =	ssyncadd.s32 s8;
	_ =	sdelay $0x1  }
0xa4: {  	s21 =	simm.s32 $0x1B8B  }
0xa5: {  	_ =	swait.ge [sflag:s21], $0x1  }
0xa6: {  	[sflag:s21] =	ssyncset.done $0x0  }
0xa7: {  	s23 =	simm.s32 $0x1B8E;
	s22 =	sld [smem:$0x3FFE];
	[sflag:s21] =	ssyncadd.s32 $0xFFFFFFFF  }
0xa8: {  	s24 =	simm.s32 $execute0_lowered;
	[smem:$0x3FD2] =	sst s23  }
0xa9: {  	s9 =	sshll.u32 s24, $0x1;
	_ =	strace $0x80000046;
	[dreg:$0x1] =	wrdreg $0xFFFFFFFF  }
0xaa: {  	s25 =	simm.s32 $_size_execute0_lowered;
	s7 =	sadd.s32 s7, s9;
	[dreg:$0x0] =	wrdreg $0x0  }
0xab: {  	s9 =	sshll.u32 s25, $0x1;
	[dreg:$0x2] =	wrdreg s7  }
0xac: {  	[dreg:$0x3] =	wrdreg s9  }
0xad: {  	[dreg:$0x4] =	wrdreg $0xC0  }
0xae: {  	_ =	task [dreg:s11], $0x5FFFF  }
0xaf: {  	[dreg:$0x1] =	wrdreg $0xFFFFFFFF  }
0xb0: {  	[dreg:$0x0] =	wrdreg $0x60  }
0xb1: {  	[dreg:$0x2] =	wrdreg s0  }
0xb2: {  	[dreg:$0x3] =	wrdreg s22  }
0xb3: {  	[dreg:$0x4] =	wrdreg s16  }
0xb4: {  	[dreg:$0x5] =	wrdreg s2  }
0xb5: {  	[dreg:$0x6] =	wrdreg s3  }
0xb6: {  	[dreg:$0x7] =	wrdreg s4  }
0xb7: {  	[dreg:$0x8] =	wrdreg s5  }
0xb8: {  	[dreg:$0x9] =	wrdreg s6  }
0xb9: {  	[dreg:$0xa] =	wrdreg $0x3B00  }
0xba: {  	[dreg:$0xb] =	wrdreg $0x9  }
0xbb: {  	_ =	task.clear_ibuf [dreg:s11], $0xCFFFF;
	_ =	strace $0x90000046  }
0xbc: {  	s26 =	simm.s32 $0x9;
	_ =	strace $0x80000048  }
0xbd: {  	_ =	swait.ge [sflag:s26], $0x1  }
0xbe: {  	[sflag:s26] =	ssyncadd.s32 $0xFFFFFFFF  }
0xbf: {  	_ =	strace $0x90000048  }
0xc0: {  	_ =	sfence  }
0xc1: {  	s28 =	sld [smem:$0x0];
	_ =	sdelay $0x1  }
0xc2: {  	s29 =	srdreg.scid  }
0xc3: {  	s30 =	sshll.u32 s29, $0xD;
	s31 =	sshrl.u32 s29, $0x2  }
0xc4: {  	s1 =	sand.u32 $0x1, s29;
	s2 =	sand.u32 $0x4000, s30;
	s0 =	sadd.s32 s31, s28  }
0xc5: {  	s1 =	sor.u32 s2, s1;
	s0 =	sshll.u32 s0, $0x11  }
0xc6: {  	s0 =	sor.u32 s0, s1  }
0xc7: {  	s0 =	sadd.s32 $0x8F2B, s0  }
0xc8: {  	[sflag:s0] =	ssyncadd.remote.s32 $0x1  }
0xc9: {  	_ =	sfence.sel $0xFFFF  }
0xca: {  	[dreg:$0x0] =	wrdreg $0xFFFFFFFF;
	(pc) =	sbr.abs _section_cstart, $3  }
0xcb: {  	[dreg:$0x1] =	wrdreg $0xFFFFFFFF  }
0xcc: {  	_ =	task.clear_ibuf [dreg:s11], $0x2FFFF;
	_ =	strace $0x9FFFFFFF  }
0xcd: {  	(tm) =	ssettm $0x7FFFFFFF  }
tec
execute0_lowered:
.L_overlay_start_1:
0x0: {  	(tag) =	ssettag $0x1  }
0x1: {  	s3 =	rddreg [dreg:$0x0]  }
0x2: {  	s7 =	rddreg [dreg:$0x1]  }
0x3: {  	s8 =	rddreg [dreg:$0x2]  }
0x4: {  	s10 =	rddreg [dreg:$0x3]  }
0x5: {  	s11 =	rddreg [dreg:$0x4]  }
0x6: {  	s12 =	rddreg [dreg:$0x5]  }
0x7: {  	s13 =	rddreg [dreg:$0x6]  }
0x8: {  	s2 =	rddreg [dreg:$0x7]  }
0x9: {  	s9 =	rddreg [dreg:$0x8];
	s1 =	stileid.u32  }
0xa: {  	s6 =	simm.s32 $0x0;
	s4 =	sshll.u32 s1, $0x5;
	s14 =	sshll.u32 s1, $0x2  }
0xb: {  	[smem:$0x7FF] =	sst s6;
	s4 =	sor.u32 s14, s4  }
0xc: {  	s0 =	rddreg [dreg:$0x9];
	_ =	strace $0x80000047;
	s5 =	sand.u32 $0x18C, s4  }
0xd: {  	s4 =	simm.s32 $0x80;
	s15 =	sadd.s32 s3, s5;
	s3 =	simm.s32 $0x20  }
0xe: {  	[tilespmem:s6], [sflag:$0x1] =	stream.strided.gather [hbm4b:s15+s3], $0x100, s4, s3, $0x38;
	[tilespmem:$0x5C0] =	vst v63  }
0xf: {  	s16 =	simm.s32 $0x100;
	s15 =	sadd.s32 $0x200, s15  }
0x10: {  	[tilespmem:s16], [sflag:$0x1] =	stream.strided.gather [hbm4b:s15+s3], $0x100, s4, s3, $0x38;
	[tilespmem:$0x5C0] =	vst v63  }
0x11: {  	s31 =	simm.s32 $0x200;
	s8 =	sadd.s32 s8, s14  }
0x12: {  	[tilespmem:s31], [sflag:$0x1] =	stream.linear.gather [hbm4b:s8+s6], $0x20, $0x38;
	[tilespmem:$0x5C0] =	vst v63  }
0x13: {  	s15 =	sadd.s32 $0xA00, s7;
	s16 =	simm.s32 $0x220  }
0x14: {  	[tilespmem:s16], [sflag:$0x2] =	stream.linear.gather [hbm4b:s15+s6], $0x18, $0x38;
	[tilespmem:$0x5C0] =	vst v63  }
0x15: {  	s17 =	simm.s32 $0x238;
	s7 =	sadd.s32 $0x800, s7  }
0x16: {  	[tilespmem:s17], [sflag:$0x2] =	stream.linear.gather [hbm4b:s7+s6], $0x18, $0x38;
	[tilespmem:$0x5C0] =	vst v63  }
0x17: {  	s18 =	simm.s32 $0x250  }
0x18: {  	[tilespmem:s18], [sflag:$0x2] =	stream.linear.gather [hbm4b:s10+s6], $0x1, $0x38;
	[tilespmem:$0x5C0] =	vst v63  }
0x19: {  	s19 =	simm.s32 $0x260  }
0x1a: {  	[tilespmem:s19], [sflag:$0x2] =	stream.linear.gather [hbm4b:s11+s6], $0x1, $0x38;
	[tilespmem:$0x5C0] =	vst v63  }
0x1b: {  	s20 =	simm.s32 $0x270  }
0x1c: {  	[tilespmem:s20], [sflag:$0x2] =	stream.linear.gather [hbm4b:s12+s6], $0x1, $0x38;
	[tilespmem:$0x5C0] =	vst v63  }
0x1d: {  	s21 =	simm.s32 $0x280  }
0x1e: {  	v0 =	vimm.f32 $0.0e+00;
	[tilespmem:s21], [sflag:$0x2] =	stream.linear.gather [hbm4b:s13+s6], $0x1, $0x38;
	[tilespmem:$0x5C0] =	vst v63  }
0x1f: {  	[tilespmem:$0x3C0] =	vst v0  }
0x20: {  	[tilespmem:$0x3D0] =	vst v0  }
0x21: {  	[tilespmem:$0x3E0] =	vst v0  }
0x22: {  	[tilespmem:$0x3F0] =	vst v0  }
0x23: {  	[tilespmem:$0x400] =	vst v0  }
0x24: {  	[tilespmem:$0x410] =	vst v0  }
0x25: {  	[tilespmem:$0x420] =	vst v0  }
0x26: {  	[tilespmem:$0x430] =	vst v0  }
0x27: {  	[tilespmem:$0x440] =	vst v0  }
0x28: {  	[tilespmem:$0x450] =	vst v0  }
0x29: {  	[tilespmem:$0x460] =	vst v0  }
0x2a: {  	[tilespmem:$0x470] =	vst v0  }
0x2b: {  	[tilespmem:$0x480] =	vst v0  }
0x2c: {  	[tilespmem:$0x490] =	vst v0  }
0x2d: {  	[tilespmem:$0x4A0] =	vst v0  }
0x2e: {  	[tilespmem:$0x4B0] =	vst v0  }
0x2f: {  	[tilespmem:$0x4C0] =	vst v0  }
0x30: {  	[tilespmem:$0x4D0] =	vst v0  }
0x31: {  	[tilespmem:$0x4E0] =	vst v0  }
0x32: {  	[tilespmem:$0x4F0] =	vst v0  }
0x33: {  	[tilespmem:$0x500] =	vst v0  }
0x34: {  	[tilespmem:$0x510] =	vst v0  }
0x35: {  	[tilespmem:$0x520] =	vst v0  }
0x36: {  	[tilespmem:$0x530] =	vst v0  }
0x37: {  	[tilespmem:$0x540] =	vst v0  }
0x38: {  	[tilespmem:$0x550] =	vst v0  }
0x39: {  	[tilespmem:$0x560] =	vst v0  }
0x3a: {  	[tilespmem:$0x570] =	vst v0  }
0x3b: {  	[tilespmem:$0x580] =	vst v0  }
0x3c: {  	[tilespmem:$0x590] =	vst v0  }
0x3d: {  	[tilespmem:$0x5A0] =	vst v0  }
0x3e: {  	s22 =	simm.s32 $0x2;
	[tilespmem:$0x5B0] =	vst v0  }
0x3f: {  	_ =	swait.ge [sflag:s22], $0x18  }
0x40: {  	[sflag:s22] =	ssyncset.done $0x0  }
0x41: {  	[sflag:s22] =	ssyncadd.s32 $0xFFFFFFE8  }
0x42: {  	_ =	swait.ge [sflag:s22], $0x18  }
0x43: {  	[sflag:s22] =	ssyncset.done $0x0  }
0x44: {  	[sflag:s22] =	ssyncadd.s32 $0xFFFFFFE8  }
0x45: {  	_ =	swait.ge [sflag:s22], $0x1  }
0x46: {  	[sflag:s22] =	ssyncset.done $0x0  }
0x47: {  	[sflag:s22] =	ssyncadd.s32 $0xFFFFFFFF  }
0x48: {  	_ =	swait.ge [sflag:s22], $0x1  }
0x49: {  	[sflag:s22] =	ssyncset.done $0x0  }
0x4a: {  	[sflag:s22] =	ssyncadd.s32 $0xFFFFFFFF  }
0x4b: {  	_ =	swait.ge [sflag:s22], $0x1  }
0x4c: {  	[sflag:s22] =	ssyncset.done $0x0  }
0x4d: {  	[sflag:s22] =	ssyncadd.s32 $0xFFFFFFFF  }
0x4e: {  	_ =	swait.ge [sflag:s22], $0x1  }
0x4f: {  	[sflag:s22] =	ssyncset.done $0x0  }
0x50: {  	[sflag:s22] =	ssyncadd.s32 $0xFFFFFFFF  }
0x51: {  	v24 =	vld [tilespmem:$0x250]  }
0x52: {  	v25 =	vld [tilespmem:$0x260]  }
0x53: {  	v22 =	vld [tilespmem:$0x270]  }
0x54: {  	v21 =	vld [tilespmem:$0x280]  }
0x55: {  	v7 =	vld [tilespmem:$0x220]  }
0x56: {  	v2 =	vld [tilespmem:$0x228]  }
0x57: {  	s23 =	simm.s32 $0x1;
	v6 =	vld [tilespmem:$0x238]  }
0x58: {  	v0 =	vld [tilespmem:$0x240];
	_ =	swait.ge [sflag:s23], $0x200  }
0x59: {  	v1 =	vlaneseq.u32;
	[sflag:s23] =	ssyncset.done $0x0  }
0x5a: {  	v16 =	vmul.u32 $0x20, v1;
	[sflag:s23] =	ssyncadd.s32 $0xFFFFFE00  }
0x5b: {  	_ =	swait.ge [sflag:s23], $0x20  }
0x5c: {  	[sflag:s23] =	ssyncset.done $0x0  }
0x5d: {  	v3 =	vor.u32 $0x1, v16;
	[sflag:s23] =	ssyncadd.s32 $0xFFFFFFE0  }
0x5e: {  	v26 =	vld [tilespmem:$0x200]  }
0x5f: {  	v5 =	vor.u32 $0x2, v16  }
0x60: {  	v4 =	vld.idx.msk [tilespmem:v16+s6+$0x0], $0xffff  }
0x61: {  	v8 =	vor.u32 $0x3, v16  }
0x62: {  	v23 =	vimm.s32 $0x0;
	v3 =	vld.idx.msk [tilespmem:v3+s6+$0x0], $0xffff  }
0x63: {  	v10 =	vor.u32 $0x4, v16;
	v9 =	vperm.xlane v26, v23  }
0x64: {  	v20 =	vimm.s32 $0x1;
	v5 =	vld.idx.msk [tilespmem:v5+s6+$0x0], $0xffff  }
0x65: {  	v11 =	vor.u32 $0x5, v16;
	v28 =	vperm.xlane v26, v20;
	v4 =	vmul.f32 v9, v4  }
0x66: {  	v19 =	vimm.s32 $0x2;
	v12 =	vor.u32 $0x6, v16;
	v8 =	vld.idx.msk [tilespmem:v8+s6+$0x0], $0xffff  }
0x67: {  	v29 =	vperm.xlane v26, v19;
	v3 =	vmul.f32 v28, v3;
	v4 =	vadd.f32 $0.0e+00, v4  }
0x68: {  	v18 =	vimm.s32 $0x3;
	v32 =	vor.u32 $0x7, v16;
	v30 =	vld.idx.msk [tilespmem:v10+s6+$0x0], $0xffff  }
0x69: {  	v31 =	vperm.xlane v26, v18;
	v5 =	vmul.f32 v29, v5;
	v3 =	vadd.f32 v3, v4  }
0x6a: {  	v17 =	vimm.s32 $0x4;
	v36 =	vor.u32 $0x8, v16;
	v11 =	vld.idx.msk [tilespmem:v11+s6+$0x0], $0xffff  }
0x6b: {  	v34 =	vperm.xlane v26, v17;
	v33 =	vmul.f32 v31, v8;
	v3 =	vadd.f32 v5, v3  }
0x6c: {  	v15 =	vimm.s32 $0x5;
	v39 =	vor.u32 $0x9, v16;
	v35 =	vld.idx.msk [tilespmem:v12+s6+$0x0], $0xffff  }
0x6d: {  	v37 =	vperm.xlane v26, v15;
	v4 =	vmul.f32 v34, v30;
	v3 =	vadd.f32 v33, v3  }
0x6e: {  	v14 =	vimm.s32 $0x6;
	v13 =	vimm.s32 $0x7;
	v27 =	vor.u32 $0xA, v16;
	v38 =	vld.idx.msk [tilespmem:v32+s6+$0x0], $0xffff  }
0x6f: {  	v41 =	vperm.xlane v26, v14;
	v40 =	vmul.f32 v37, v11;
	v3 =	vadd.f32 v4, v3  }
0x70: {  	v44 =	vld.idx.msk [tilespmem:v36+s6+$0x0], $0xffff;
	v12 =	vimm.s32 $0x8;
	v43 =	vperm.xlane v26, v13  }
0x71: {  	v42 =	vmul.f32 v41, v35;
	v28 =	vor.u32 $0xB, v16;
	v3 =	vadd.f32 v40, v3  }
0x72: {  	v46 =	vld.idx.msk [tilespmem:v39+s6+$0x0], $0xffff;
	v47 =	vperm.xlane v26, v12  }
0x73: {  	v45 =	vmul.f32 v43, v38;
	v29 =	vor.u32 $0xC, v16;
	v3 =	vadd.f32 v42, v3  }
0x74: {  	v50 =	vor.u32 $0xD, v16;
	v48 =	vld.idx.msk [tilespmem:v27+s6+$0x0], $0xffff;
	v11 =	vimm.s32 $0x9  }
0x75: {  	v8 =	vmul.f32 v47, v44;
	v49 =	vperm.xlane v26, v11;
	v3 =	vadd.f32 v45, v3  }
0x76: {  	v10 =	vimm.s32 $0xA;
	v28 =	vld.idx.msk [tilespmem:v28+s6+$0x0], $0xffff  }
0x77: {  	v51 =	vperm.xlane v26, v10;
	v5 =	vmul.f32 v49, v46;
	v3 =	vadd.f32 v8, v3  }
0x78: {  	v9 =	vimm.s32 $0xB;
	v31 =	vor.u32 $0xF, v16;
	v30 =	vor.u32 $0xE, v16;
	v29 =	vld.idx.msk [tilespmem:v29+s6+$0x0], $0xffff  }
0x79: {  	v52 =	vperm.xlane v26, v9;
	v4 =	vmul.f32 v51, v48;
	v3 =	vadd.f32 v5, v3  }
0x7a: {  	v27 =	vld.idx.msk [tilespmem:v50+s6+$0x0], $0xffff;
	v8 =	vimm.s32 $0xC  }
0x7b: {  	v53 =	vmul.f32 v52, v28;
	v54 =	vperm.xlane v26, v8;
	v3 =	vadd.f32 v4, v3  }
0x7c: {  	v32 =	vor.u32 $0x10, v16;
	v5 =	vimm.s32 $0xD  }
0x7d: {  	v57 =	vld.idx.msk [tilespmem:v30+s6+$0x0], $0xffff;
	v55 =	vmul.f32 v54, v29;
	v56 =	vperm.xlane v26, v5;
	v3 =	vadd.f32 v53, v3  }
0x7e: {  	v58 =	vld.idx.msk [tilespmem:v31+s6+$0x0], $0xffff;
	v33 =	vor.u32 $0x11, v16  }
0x7f: {  	v30 =	vld [tilespmem:$0x210];
	v4 =	vimm.s32 $0xE;
	v27 =	vmul.f32 v56, v27;
	v3 =	vadd.f32 v55, v3  }
0x80: {  	v34 =	vor.u32 $0x12, v16;
	v59 =	vperm.xlane v26, v4  }
0x81: {  	v32 =	vld.idx.msk [tilespmem:v32+s6+$0x0], $0xffff;
	v27 =	vadd.f32 v27, v3;
	v3 =	vimm.s32 $0xF  }
0x82: {  	v60 =	vor.u32 $0x13, v16;
	v29 =	vmul.f32 v59, v57;
	v26 =	vperm.xlane v26, v3  }
0x83: {  	v63 =	vor.u32 $0x14, v16;
	v33 =	vld.idx.msk [tilespmem:v33+s6+$0x0], $0xffff  }
0x84: {  	v61 =	vperm.xlane v30, v23;
	v27 =	vadd.f32 v29, v27;
	v26 =	vmul.f32 v26, v58  }
0x85: {  	v38 =	vor.u32 $0x15, v16;
	v62 =	vld.idx.msk [tilespmem:v34+s6+$0x0], $0xffff  }
0x86: {  	v37 =	vperm.xlane v30, v20;
	v36 =	vmul.f32 v61, v32;
	v26 =	vadd.f32 v26, v27  }
0x87: {  	v41 =	vor.u32 $0x16, v16;
	v31 =	vld.idx.msk [tilespmem:v60+s6+$0x0], $0xffff  }
0x88: {  	v40 =	vperm.xlane v30, v19;
	v39 =	vmul.f32 v37, v33;
	v26 =	vadd.f32 v36, v26  }
0x89: {  	v44 =	vld.idx.msk [tilespmem:v63+s6+$0x0], $0xffff;
	v43 =	vperm.xlane v30, v18  }
0x8a: {  	v47 =	vld.idx.msk [tilespmem:v38+s6+$0x0], $0xffff;
	v42 =	vmul.f32 v40, v62;
	v45 =	vor.u32 $0x17, v16;
	v26 =	vadd.f32 v39, v26  }
0x8b: {  	v49 =	vor.u32 $0x18, v16  }
0x8c: {  	v48 =	vperm.xlane v30, v17;
	v46 =	vmul.f32 v43, v31;
	v26 =	vadd.f32 v42, v26  }
0x8d: {  	v50 =	vld.idx.msk [tilespmem:v41+s6+$0x0], $0xffff;
	v51 =	vperm.xlane v30, v15  }
0x8e: {  	v52 =	vor.u32 $0x19, v16;
	v29 =	vmul.f32 v48, v44;
	v26 =	vadd.f32 v46, v26  }
0x8f: {  	v28 =	vmul.f32 v51, v47;
	v34 =	vld.idx.msk [tilespmem:v45+s6+$0x0], $0xffff  }
0x90: {  	v53 =	vperm.xlane v30, v14;
	v55 =	vor.u32 $0x1A, v16;
	v26 =	vadd.f32 v29, v26  }
0x91: {  	v54 =	vld.idx.msk [tilespmem:v49+s6+$0x0], $0xffff;
	v56 =	vperm.xlane v30, v13  }
0x92: {  	v58 =	vor.u32 $0x1B, v16;
	v27 =	vmul.f32 v53, v50;
	v26 =	vadd.f32 v28, v26  }
0x93: {  	v60 =	vperm.xlane v30, v12;
	v57 =	vld.idx.msk [tilespmem:v52+s6+$0x0], $0xffff  }
0x94: {  	v61 =	vor.u32 $0x1C, v16;
	v59 =	vmul.f32 v56, v34;
	v26 =	vadd.f32 v27, v26  }
0x95: {  	v63 =	vperm.xlane v30, v11;
	v36 =	vld.idx.msk [tilespmem:v55+s6+$0x0], $0xffff  }
0x96: {  	v37 =	vor.u32 $0x1D, v16;
	v62 =	vmul.f32 v60, v54;
	v26 =	vadd.f32 v59, v26  }
0x97: {  	v41 =	vor.u32 $0x1E, v16;
	v39 =	vld.idx.msk [tilespmem:v58+s6+$0x0], $0xffff  }
0x98: {  	v40 =	vperm.xlane v30, v10;
	v38 =	vmul.f32 v63, v57;
	v26 =	vadd.f32 v62, v26  }
0x99: {  	v43 =	vperm.xlane v30, v9;
	v42 =	vld.idx.msk [tilespmem:v61+s6+$0x0], $0xffff  }
0x9a: {  	v16 =	vor.u32 $0x1F, v16;
	v29 =	vmul.f32 v40, v36;
	v26 =	vadd.f32 v38, v26  }
0x9b: {  	v32 =	vld.idx.msk [tilespmem:v37+s6+$0x0], $0xffff  }
0x9c: {  	v44 =	vperm.xlane v30, v8;
	v28 =	vmul.f32 v43, v39;
	v26 =	vadd.f32 v29, v26  }
0x9d: {  	v45 =	vld.idx.msk [tilespmem:v41+s6+$0x0], $0xffff  }
0x9e: {  	v46 =	vperm.xlane v30, v5;
	v27 =	vmul.f32 v44, v42;
	v26 =	vadd.f32 v28, v26  }
0x9f: {  	v16 =	vld.idx.msk [tilespmem:v16+s6+$0x0], $0xffff  }
0xa0: {  	v48 =	vperm.xlane v30, v4;
	v47 =	vmul.f32 v46, v32;
	v26 =	vadd.f32 v27, v26;
	_ =	sdelay $0x1  }
0xa1: {  	v49 =	vmul.f32 v48, v45;
	v50 =	vperm.xlane v30, v3;
	v26 =	vadd.f32 v47, v26;
	_ =	sdelay $0x1  }
0xa2: {  	v16 =	vmul.f32 v50, v16;
	v26 =	vadd.f32 v49, v26  }
0xa3: {  	v51 =	vperm.xlane v7, v23  }
0xa4: {  	v16 =	vadd.f32 v16, v26  }
0xa5: {  	s24 =	sshll.u32 s1, $0x4;
	v26 =	vshll.u32 v51, $0x5  }
0xa6: {  	s25 =	simm.s32 $0x290;
	s26 =	simm.s32 $0x3;
	s7 =	sadd.s32 s24, s9;
	v52 =	vor.u32 v1, v26;
	[tilespmem:$0x290] =	vst v16  }
0xa7: {  	[spmem:s7] =	stream.linear.scatter [tilespmem:s25], [sflag:$0x3], $0x10, $0x38;
	[tilespmem:$0x5C0] =	vst v63  }
0xa8: {  	_ =	swait.ge [sflag:s26], $0x10  }
0xa9: {  	[sflag:s26] =	ssyncset.done $0x0  }
0xaa: {  	v53 =	vperm.xlane v6, v23;
	[sflag:s26] =	ssyncadd.s32 $0xFFFFFFF0  }
0xab: {  	v54 =	vld.idx.msk [tilespmem:v52+s6+$0x0], $0xffff  }
0xac: {  	v27 =	vshll.u32 v53, $0x5  }
0xad: {  	v55 =	vor.u32 v1, v27;
	v16 =	vor.u32 $0x10, v1  }
0xae: {  	v25 =	vperm.xlane v25, v23;
	v26 =	vor.u32 v16, v26;
	_ =	sdelay $0x1  }
0xaf: {  	v28 =	vmul.f32 v54, v25  }
0xb0: {  	s28 =	simm.s32 $0x3C0  }
0xb1: {  	[tilespmem:v55+s28+$0x0] =	vst.idx.add.f32.msk $0xffff, v28  }
0xb2: {  	v56 =	vperm.xlane v7, v20;
	v26 =	vld.idx.msk [tilespmem:v26+s6+$0x0], $0xffff;
	_ =	sdelay $0x1  }
0xb3: {  	v27 =	vor.u32 v16, v27;
	v28 =	vshll.u32 v56, $0x5  }
0xb4: {  	v57 =	vor.u32 v1, v28;
	_ =	sdelay $0x1  }
0xb5: {  	v26 =	vmul.f32 v26, v25;
	_ =	sdelay $0x1  }
0xb6: {  	v58 =	vperm.xlane v6, v20;
	[tilespmem:v27+s28+$0x0] =	vst.idx.add.f32.msk $0xffff, v26  }
0xb7: {  	v27 =	vld.idx.msk [tilespmem:v57+s6+$0x0], $0xffff  }
0xb8: {  	v26 =	vshll.u32 v58, $0x5  }
0xb9: {  	v59 =	vor.u32 v1, v26  }
0xba: {  	v28 =	vor.u32 v16, v28;
	_ =	sdelay $0x1  }
0xbb: {  	v27 =	vmul.f32 v27, v25;
	_ =	sdelay $0x1  }
0xbc: {  	[tilespmem:v59+s28+$0x0] =	vst.idx.add.f32.msk $0xffff, v27  }
0xbd: {  	v60 =	vperm.xlane v7, v19;
	v27 =	vld.idx.msk [tilespmem:v28+s6+$0x0], $0xffff;
	_ =	sdelay $0x1  }
0xbe: {  	v26 =	vor.u32 v16, v26;
	v28 =	vshll.u32 v60, $0x5  }
0xbf: {  	v61 =	vor.u32 v1, v28;
	_ =	sdelay $0x1  }
0xc0: {  	v27 =	vmul.f32 v27, v25;
	_ =	sdelay $0x1  }
0xc1: {  	v62 =	vperm.xlane v6, v19;
	[tilespmem:v26+s28+$0x0] =	vst.idx.add.f32.msk $0xffff, v27  }
0xc2: {  	v27 =	vld.idx.msk [tilespmem:v61+s6+$0x0], $0xffff  }
0xc3: {  	v26 =	vshll.u32 v62, $0x5  }
0xc4: {  	v63 =	vor.u32 v1, v26  }
0xc5: {  	v28 =	vor.u32 v16, v28;
	_ =	sdelay $0x1  }
0xc6: {  	v27 =	vmul.f32 v27, v25;
	_ =	sdelay $0x1  }
0xc7: {  	[tilespmem:v63+s28+$0x0] =	vst.idx.add.f32.msk $0xffff, v27  }
0xc8: {  	v32 =	vperm.xlane v7, v18;
	v27 =	vld.idx.msk [tilespmem:v28+s6+$0x0], $0xffff;
	_ =	sdelay $0x1  }
0xc9: {  	v26 =	vor.u32 v16, v26;
	v28 =	vshll.u32 v32, $0x5  }
0xca: {  	v33 =	vor.u32 v1, v28;
	_ =	sdelay $0x1  }
0xcb: {  	v27 =	vmul.f32 v27, v25;
	_ =	sdelay $0x1  }
0xcc: {  	v34 =	vperm.xlane v6, v18;
	[tilespmem:v26+s28+$0x0] =	vst.idx.add.f32.msk $0xffff, v27  }
0xcd: {  	v27 =	vld.idx.msk [tilespmem:v33+s6+$0x0], $0xffff  }
0xce: {  	v26 =	vshll.u32 v34, $0x5  }
0xcf: {  	v35 =	vor.u32 v1, v26  }
0xd0: {  	v28 =	vor.u32 v16, v28;
	_ =	sdelay $0x1  }
0xd1: {  	v27 =	vmul.f32 v27, v25;
	_ =	sdelay $0x1  }
0xd2: {  	[tilespmem:v35+s28+$0x0] =	vst.idx.add.f32.msk $0xffff, v27  }
0xd3: {  	v36 =	vperm.xlane v7, v17;
	v27 =	vld.idx.msk [tilespmem:v28+s6+$0x0], $0xffff;
	_ =	sdelay $0x1  }
0xd4: {  	v26 =	vor.u32 v16, v26;
	v28 =	vshll.u32 v36, $0x5  }
0xd5: {  	v37 =	vor.u32 v1, v28;
	_ =	sdelay $0x1  }
0xd6: {  	v27 =	vmul.f32 v27, v25;
	_ =	sdelay $0x1  }
0xd7: {  	v38 =	vperm.xlane v6, v17;
	[tilespmem:v26+s28+$0x0] =	vst.idx.add.f32.msk $0xffff, v27  }
0xd8: {  	v27 =	vld.idx.msk [tilespmem:v37+s6+$0x0], $0xffff  }
0xd9: {  	v26 =	vshll.u32 v38, $0x5  }
0xda: {  	v39 =	vor.u32 v1, v26  }
0xdb: {  	v28 =	vor.u32 v16, v28;
	_ =	sdelay $0x1  }
0xdc: {  	v27 =	vmul.f32 v27, v25;
	_ =	sdelay $0x1  }
0xdd: {  	[tilespmem:v39+s28+$0x0] =	vst.idx.add.f32.msk $0xffff, v27  }
0xde: {  	v40 =	vperm.xlane v7, v15;
	v27 =	vld.idx.msk [tilespmem:v28+s6+$0x0], $0xffff;
	_ =	sdelay $0x1  }
0xdf: {  	v26 =	vor.u32 v16, v26;
	v28 =	vshll.u32 v40, $0x5  }
0xe0: {  	v41 =	vor.u32 v1, v28;
	_ =	sdelay $0x1  }
0xe1: {  	v27 =	vmul.f32 v27, v25;
	_ =	sdelay $0x1  }
0xe2: {  	v42 =	vperm.xlane v6, v15;
	[tilespmem:v26+s28+$0x0] =	vst.idx.add.f32.msk $0xffff, v27  }
0xe3: {  	v27 =	vld.idx.msk [tilespmem:v41+s6+$0x0], $0xffff  }
0xe4: {  	v26 =	vshll.u32 v42, $0x5  }
0xe5: {  	v43 =	vor.u32 v1, v26  }
0xe6: {  	v28 =	vor.u32 v16, v28;
	_ =	sdelay $0x1  }
0xe7: {  	v27 =	vmul.f32 v27, v25;
	_ =	sdelay $0x1  }
0xe8: {  	[tilespmem:v43+s28+$0x0] =	vst.idx.add.f32.msk $0xffff, v27  }
0xe9: {  	v44 =	vperm.xlane v7, v14;
	v27 =	vld.idx.msk [tilespmem:v28+s6+$0x0], $0xffff;
	_ =	sdelay $0x1  }
0xea: {  	v26 =	vor.u32 v16, v26;
	v28 =	vshll.u32 v44, $0x5  }
0xeb: {  	v45 =	vor.u32 v1, v28;
	_ =	sdelay $0x1  }
0xec: {  	v27 =	vmul.f32 v27, v25;
	_ =	sdelay $0x1  }
0xed: {  	v46 =	vperm.xlane v6, v14;
	[tilespmem:v26+s28+$0x0] =	vst.idx.add.f32.msk $0xffff, v27  }
0xee: {  	v27 =	vld.idx.msk [tilespmem:v45+s6+$0x0], $0xffff  }
0xef: {  	v26 =	vshll.u32 v46, $0x5  }
0xf0: {  	v47 =	vor.u32 v1, v26  }
0xf1: {  	v28 =	vor.u32 v16, v28;
	_ =	sdelay $0x1  }
0xf2: {  	v27 =	vmul.f32 v27, v25;
	_ =	sdelay $0x1  }
0xf3: {  	[tilespmem:v47+s28+$0x0] =	vst.idx.add.f32.msk $0xffff, v27  }
0xf4: {  	v48 =	vperm.xlane v7, v13;
	v27 =	vld.idx.msk [tilespmem:v28+s6+$0x0], $0xffff;
	_ =	sdelay $0x1  }
0xf5: {  	v26 =	vor.u32 v16, v26;
	v28 =	vshll.u32 v48, $0x5  }
0xf6: {  	v49 =	vor.u32 v1, v28;
	_ =	sdelay $0x1  }
0xf7: {  	v27 =	vmul.f32 v27, v25;
	_ =	sdelay $0x1  }
0xf8: {  	v50 =	vperm.xlane v6, v13;
	[tilespmem:v26+s28+$0x0] =	vst.idx.add.f32.msk $0xffff, v27  }
0xf9: {  	v27 =	vld.idx.msk [tilespmem:v49+s6+$0x0], $0xffff  }
0xfa: {  	v26 =	vshll.u32 v50, $0x5  }
0xfb: {  	v51 =	vor.u32 v1, v26  }
0xfc: {  	v28 =	vor.u32 v16, v28;
	_ =	sdelay $0x1  }
0xfd: {  	v27 =	vmul.f32 v27, v25;
	_ =	sdelay $0x1  }
0xfe: {  	[tilespmem:v51+s28+$0x0] =	vst.idx.add.f32.msk $0xffff, v27  }
0xff: {  	v27 =	vld.idx.msk [tilespmem:v28+s6+$0x0], $0xffff;
	_ =	sdelay $0x1  }
0x100: {  	v26 =	vor.u32 v16, v26;
	_ =	sdelay $0x2  }
0x101: {  	v25 =	vmul.f32 v27, v25;
	_ =	sdelay $0x1  }
0x102: {  	[tilespmem:v26+s28+$0x0] =	vst.idx.add.f32.msk $0xffff, v25  }
0x103: {  	s29 =	simm.s32 $0x2A0;
	[bflag:$0x0] =	sbarrier.arrive $0xFFFF  }
0x104: {  	[tilespmem:s29], [sflag:$0x3] =	stream.linear.gather [spmem:s9], $0x100, $0x38;
	[tilespmem:$0x5C0] =	vst v63  }
0x105: {  	_ =	swait.ge [sflag:s26], $0x100  }
0x106: {  	[sflag:s26] =	ssyncset.done $0x0  }
0x107: {  	[sflag:s26] =	ssyncadd.s32 $0xFFFFFF00  }
0x108: {  	v52 =	vld [tilespmem:$0x2A0];
	_ =	sdelay $0x1  }
0x109: {  	v53 =	vld [tilespmem:$0x2B0];
	_ =	sdelay $0x1  }
0x10a: {  	v54 =	vld [tilespmem:$0x2C0]  }
0x10b: {  	v25 =	vadd.f32 $0.0e+00, v52  }
0x10c: {  	v55 =	vld [tilespmem:$0x2D0]  }
0x10d: {  	v25 =	vadd.f32 v53, v25  }
0x10e: {  	v56 =	vld [tilespmem:$0x2E0]  }
0x10f: {  	v25 =	vadd.f32 v54, v25  }
0x110: {  	v57 =	vld [tilespmem:$0x2F0]  }
0x111: {  	v25 =	vadd.f32 v55, v25  }
0x112: {  	v58 =	vld [tilespmem:$0x300]  }
0x113: {  	v25 =	vadd.f32 v56, v25  }
0x114: {  	v59 =	vld [tilespmem:$0x310]  }
0x115: {  	v25 =	vadd.f32 v57, v25  }
0x116: {  	v60 =	vld [tilespmem:$0x320]  }
0x117: {  	v25 =	vadd.f32 v58, v25  }
0x118: {  	v61 =	vld [tilespmem:$0x330]  }
0x119: {  	v25 =	vadd.f32 v59, v25  }
0x11a: {  	v62 =	vld [tilespmem:$0x340]  }
0x11b: {  	v25 =	vadd.f32 v60, v25  }
0x11c: {  	v63 =	vld [tilespmem:$0x350]  }
0x11d: {  	v25 =	vadd.f32 v61, v25  }
0x11e: {  	v32 =	vld [tilespmem:$0x360]  }
0x11f: {  	v25 =	vadd.f32 v62, v25  }
0x120: {  	v33 =	vld [tilespmem:$0x370]  }
0x121: {  	v25 =	vadd.f32 v63, v25  }
0x122: {  	v34 =	vld [tilespmem:$0x380]  }
0x123: {  	v25 =	vadd.f32 v32, v25  }
0x124: {  	v35 =	vld [tilespmem:$0x390]  }
0x125: {  	v25 =	vadd.f32 v33, v25;
	_ =	sdelay $0x1  }
0x126: {  	v25 =	vadd.f32 v34, v25;
	_ =	sdelay $0x1  }
0x127: {  	v25 =	vadd.f32 v35, v25;
	_ =	sdelay $0x1  }
0x128: {  	v36 =	vperm.xlane v25, v7;
	v37 =	vperm.xlane v25, v6  }
0x129: {  	vm0 =	vcmask $0x3F20;
	v38 =	vperm.xlane v25, v2;
	v25 =	vperm.xlane v25, v0  }
0x12a: {  	v24 =	vperm.xlane v24, v23;
	v26 =	vsub.f32 v36, v37  }
0x12b: {  	vm1 =	vcmask $0xB08;
	v25 =	vsub.f32 v38, v25  }
0x12c: {  	vm2 =	vcmask $0x300;
	v39 =	vperm.xlane v7, v12;
	v26 =	vadd.f32 v26, v24  }
0x12d: {  	s30 =	simm.s32 $0x3A0;
	vm9 =	vcmask $0x1310;
	vm1 =	vmor vm2, vm1;
	[tilespmem:$0x3A0] =	vst v24;
	v25 =	vadd.f32 v25, v24  }
0x12e: {  	vm10 =	vcmask $0x1B18;
	vm1 =	vmor vm1, vm9;
	v40 =	vshll.u32 v39, $0x5;
	[tilespmem:v6+s30+$0x0] =	vst.idx.add.f32.msk $0xffff, v26  }
0x12f: {  	vm12 =	vcmask $0x2320;
	vm11 =	vmor vm1, vm10;
	v41 =	vor.u32 v1, v40;
	[tilespmem:v0+s30+$0x0] =	vst.idx.add.f32.msk vm0, v25  }
0x130: {  	vm13 =	vcmask $0x2B28;
	vm0 =	vmor vm11, vm12;
	v26 =	vld [tilespmem:$0x3A0]  }
0x131: {  	vm14 =	vcmask $0x3330;
	vm15 =	vcmask $0x3B38;
	vm0 =	vmor vm0, vm13  }
0x132: {  	v22 =	vperm.xlane v22, v23;
	v21 =	vperm.xlane v21, v23;
	vm0 =	vmor vm0, vm14  }
0x133: {  	v42 =	vperm.xlane v6, v12;
	vm0 =	vmor vm0, vm15  }
0x134: {  	v43 =	vld.idx.msk [tilespmem:v41+s6+$0x0], $0xffff;
	v21 =	vsel vm0, v22, v21  }
0x135: {  	v44 =	vshll.u32 v42, $0x5;
	v21 =	vadd.f32 v26, v21  }
0x136: {  	v45 =	vor.u32 v1, v44  }
0x137: {  	v24 =	vor.u32 v16, v40;
	v23 =	vperm.xlane v21, v23;
	_ =	sdelay $0x1  }
0x138: {  	v22 =	vmul.f32 v43, v23;
	_ =	sdelay $0x1  }
0x139: {  	[tilespmem:v45+s28+$0x0] =	vst.idx.add.f32.msk $0xffff, v22  }
0x13a: {  	v46 =	vperm.xlane v7, v11;
	v22 =	vld.idx.msk [tilespmem:v24+s6+$0x0], $0xffff;
	_ =	sdelay $0x1  }
0x13b: {  	v25 =	vor.u32 v16, v44;
	v24 =	vshll.u32 v46, $0x5  }
0x13c: {  	v47 =	vor.u32 v1, v24;
	_ =	sdelay $0x1  }
0x13d: {  	v22 =	vmul.f32 v22, v23;
	_ =	sdelay $0x1  }
0x13e: {  	v48 =	vperm.xlane v6, v11;
	[tilespmem:v25+s28+$0x0] =	vst.idx.add.f32.msk $0xffff, v22  }
0x13f: {  	v49 =	vld.idx.msk [tilespmem:v47+s6+$0x0], $0xffff  }
0x140: {  	v22 =	vshll.u32 v48, $0x5  }
0x141: {  	v50 =	vor.u32 v1, v22  }
0x142: {  	v20 =	vperm.xlane v21, v20;
	v24 =	vor.u32 v16, v24;
	_ =	sdelay $0x1  }
0x143: {  	v23 =	vmul.f32 v49, v20;
	_ =	sdelay $0x1  }
0x144: {  	[tilespmem:v50+s28+$0x0] =	vst.idx.add.f32.msk $0xffff, v23  }
0x145: {  	v51 =	vperm.xlane v7, v10;
	v23 =	vld.idx.msk [tilespmem:v24+s6+$0x0], $0xffff;
	_ =	sdelay $0x1  }
0x146: {  	v22 =	vor.u32 v16, v22;
	v24 =	vshll.u32 v51, $0x5  }
0x147: {  	v52 =	vor.u32 v1, v24;
	_ =	sdelay $0x1  }
0x148: {  	v20 =	vmul.f32 v23, v20;
	_ =	sdelay $0x1  }
0x149: {  	v53 =	vperm.xlane v6, v10;
	[tilespmem:v22+s28+$0x0] =	vst.idx.add.f32.msk $0xffff, v20  }
0x14a: {  	v22 =	vld.idx.msk [tilespmem:v52+s6+$0x0], $0xffff  }
0x14b: {  	v20 =	vshll.u32 v53, $0x5  }
0x14c: {  	v54 =	vor.u32 v1, v20  }
0x14d: {  	v19 =	vperm.xlane v21, v19;
	v24 =	vor.u32 v16, v24;
	_ =	sdelay $0x1  }
0x14e: {  	v22 =	vmul.f32 v22, v19;
	_ =	sdelay $0x1  }
0x14f: {  	[tilespmem:v54+s28+$0x0] =	vst.idx.add.f32.msk $0xffff, v22  }
0x150: {  	v55 =	vperm.xlane v7, v9;
	v22 =	vld.idx.msk [tilespmem:v24+s6+$0x0], $0xffff;
	_ =	sdelay $0x1  }
0x151: {  	v23 =	vshll.u32 v55, $0x5;
	v20 =	vor.u32 v16, v20  }
0x152: {  	v56 =	vor.u32 v1, v23;
	_ =	sdelay $0x1  }
0x153: {  	v19 =	vmul.f32 v22, v19;
	_ =	sdelay $0x1  }
0x154: {  	v57 =	vperm.xlane v6, v9;
	[tilespmem:v20+s28+$0x0] =	vst.idx.add.f32.msk $0xffff, v19  }
0x155: {  	v20 =	vld.idx.msk [tilespmem:v56+s6+$0x0], $0xffff  }
0x156: {  	v19 =	vshll.u32 v57, $0x5  }
0x157: {  	v58 =	vor.u32 v1, v19  }
0x158: {  	v18 =	vperm.xlane v21, v18;
	v23 =	vor.u32 v16, v23;
	_ =	sdelay $0x1  }
0x159: {  	v20 =	vmul.f32 v20, v18;
	_ =	sdelay $0x1  }
0x15a: {  	[tilespmem:v58+s28+$0x0] =	vst.idx.add.f32.msk $0xffff, v20  }
0x15b: {  	v59 =	vperm.xlane v7, v8;
	v20 =	vld.idx.msk [tilespmem:v23+s6+$0x0], $0xffff;
	_ =	sdelay $0x1  }
0x15c: {  	v22 =	vshll.u32 v59, $0x5;
	v19 =	vor.u32 v16, v19  }
0x15d: {  	v60 =	vor.u32 v1, v22;
	_ =	sdelay $0x1  }
0x15e: {  	v18 =	vmul.f32 v20, v18;
	_ =	sdelay $0x1  }
0x15f: {  	v61 =	vperm.xlane v6, v8;
	[tilespmem:v19+s28+$0x0] =	vst.idx.add.f32.msk $0xffff, v18  }
0x160: {  	v19 =	vld.idx.msk [tilespmem:v60+s6+$0x0], $0xffff  }
0x161: {  	v18 =	vshll.u32 v61, $0x5  }
0x162: {  	v62 =	vor.u32 v1, v18  }
0x163: {  	v17 =	vperm.xlane v21, v17;
	v22 =	vor.u32 v16, v22;
	_ =	sdelay $0x1  }
0x164: {  	v19 =	vmul.f32 v19, v17;
	_ =	sdelay $0x1  }
0x165: {  	[tilespmem:v62+s28+$0x0] =	vst.idx.add.f32.msk $0xffff, v19  }
0x166: {  	v63 =	vperm.xlane v7, v5;
	v19 =	vld.idx.msk [tilespmem:v22+s6+$0x0], $0xffff;
	_ =	sdelay $0x1  }
0x167: {  	v20 =	vshll.u32 v63, $0x5;
	v18 =	vor.u32 v16, v18  }
0x168: {  	v24 =	vor.u32 v1, v20;
	_ =	sdelay $0x1  }
0x169: {  	v17 =	vmul.f32 v19, v17;
	_ =	sdelay $0x1  }
0x16a: {  	v25 =	vperm.xlane v6, v5;
	[tilespmem:v18+s28+$0x0] =	vst.idx.add.f32.msk $0xffff, v17  }
0x16b: {  	v18 =	vld.idx.msk [tilespmem:v24+s6+$0x0], $0xffff  }
0x16c: {  	v17 =	vshll.u32 v25, $0x5  }
0x16d: {  	v26 =	vor.u32 v1, v17  }
0x16e: {  	v15 =	vperm.xlane v21, v15;
	v20 =	vor.u32 v16, v20;
	_ =	sdelay $0x1  }
0x16f: {  	v18 =	vmul.f32 v18, v15;
	_ =	sdelay $0x1  }
0x170: {  	[tilespmem:v26+s28+$0x0] =	vst.idx.add.f32.msk $0xffff, v18  }
0x171: {  	v27 =	vperm.xlane v7, v4;
	v18 =	vld.idx.msk [tilespmem:v20+s6+$0x0], $0xffff;
	_ =	sdelay $0x1  }
0x172: {  	v19 =	vshll.u32 v27, $0x5;
	v17 =	vor.u32 v16, v17  }
0x173: {  	v28 =	vor.u32 v1, v19;
	_ =	sdelay $0x1  }
0x174: {  	v15 =	vmul.f32 v18, v15;
	_ =	sdelay $0x1  }
0x175: {  	v29 =	vperm.xlane v6, v4;
	[tilespmem:v17+s28+$0x0] =	vst.idx.add.f32.msk $0xffff, v15  }
0x176: {  	v17 =	vld.idx.msk [tilespmem:v28+s6+$0x0], $0xffff  }
0x177: {  	v15 =	vshll.u32 v29, $0x5  }
0x178: {  	v30 =	vor.u32 v1, v15  }
0x179: {  	v14 =	vperm.xlane v21, v14;
	v19 =	vor.u32 v16, v19;
	_ =	sdelay $0x1  }
0x17a: {  	v17 =	vmul.f32 v17, v14;
	_ =	sdelay $0x1  }
0x17b: {  	[tilespmem:v30+s28+$0x0] =	vst.idx.add.f32.msk $0xffff, v17  }
0x17c: {  	v7 =	vperm.xlane v7, v3;
	v17 =	vld.idx.msk [tilespmem:v19+s6+$0x0], $0xffff;
	_ =	sdelay $0x1  }
0x17d: {  	v7 =	vshll.u32 v7, $0x5;
	v15 =	vor.u32 v16, v15  }
0x17e: {  	v31 =	vor.u32 v1, v7;
	_ =	sdelay $0x1  }
0x17f: {  	v14 =	vmul.f32 v17, v14;
	_ =	sdelay $0x1  }
0x180: {  	v6 =	vperm.xlane v6, v3;
	[tilespmem:v15+s28+$0x0] =	vst.idx.add.f32.msk $0xffff, v14  }
0x181: {  	v14 =	vld.idx.msk [tilespmem:v31+s6+$0x0], $0xffff  }
0x182: {  	v6 =	vshll.u32 v6, $0x5  }
0x183: {  	v32 =	vor.u32 v1, v6  }
0x184: {  	v7 =	vor.u32 v16, v7;
	v13 =	vperm.xlane v21, v13;
	_ =	sdelay $0x1  }
0x185: {  	v14 =	vmul.f32 v14, v13;
	_ =	sdelay $0x1  }
0x186: {  	[tilespmem:v32+s28+$0x0] =	vst.idx.add.f32.msk $0xffff, v14  }
0x187: {  	v33 =	vperm.xlane v2, v12;
	v7 =	vld.idx.msk [tilespmem:v7+s6+$0x0], $0xffff;
	_ =	sdelay $0x1  }
0x188: {  	v6 =	vor.u32 v16, v6;
	v14 =	vshll.u32 v33, $0x5  }
0x189: {  	v34 =	vor.u32 v1, v14;
	_ =	sdelay $0x1  }
0x18a: {  	v7 =	vmul.f32 v7, v13;
	_ =	sdelay $0x1  }
0x18b: {  	v35 =	vperm.xlane v0, v12;
	[tilespmem:v6+s28+$0x0] =	vst.idx.add.f32.msk $0xffff, v7  }
0x18c: {  	v7 =	vld.idx.msk [tilespmem:v34+s6+$0x0], $0xffff  }
0x18d: {  	v6 =	vshll.u32 v35, $0x5  }
0x18e: {  	v36 =	vor.u32 v1, v6  }
0x18f: {  	v12 =	vperm.xlane v21, v12;
	v14 =	vor.u32 v16, v14;
	_ =	sdelay $0x1  }
0x190: {  	v7 =	vmul.f32 v7, v12;
	_ =	sdelay $0x1  }
0x191: {  	[tilespmem:v36+s28+$0x0] =	vst.idx.add.f32.msk $0xffff, v7  }
0x192: {  	v37 =	vperm.xlane v2, v11;
	v7 =	vld.idx.msk [tilespmem:v14+s6+$0x0], $0xffff;
	_ =	sdelay $0x1  }
0x193: {  	v13 =	vshll.u32 v37, $0x5;
	v6 =	vor.u32 v16, v6  }
0x194: {  	v38 =	vor.u32 v1, v13;
	_ =	sdelay $0x1  }
0x195: {  	v7 =	vmul.f32 v7, v12;
	_ =	sdelay $0x1  }
0x196: {  	v39 =	vperm.xlane v0, v11;
	[tilespmem:v6+s28+$0x0] =	vst.idx.add.f32.msk $0xffff, v7  }
0x197: {  	v7 =	vld.idx.msk [tilespmem:v38+s6+$0x0], $0xffff  }
0x198: {  	v6 =	vshll.u32 v39, $0x5  }
0x199: {  	v40 =	vor.u32 v1, v6  }
0x19a: {  	v11 =	vperm.xlane v21, v11;
	v13 =	vor.u32 v16, v13;
	_ =	sdelay $0x1  }
0x19b: {  	v7 =	vmul.f32 v7, v11;
	_ =	sdelay $0x1  }
0x19c: {  	[tilespmem:v40+s28+$0x0] =	vst.idx.add.f32.msk $0xffff, v7  }
0x19d: {  	v41 =	vperm.xlane v2, v10;
	v7 =	vld.idx.msk [tilespmem:v13+s6+$0x0], $0xffff;
	_ =	sdelay $0x1  }
0x19e: {  	v12 =	vshll.u32 v41, $0x5;
	v6 =	vor.u32 v16, v6  }
0x19f: {  	v42 =	vor.u32 v1, v12;
	_ =	sdelay $0x1  }
0x1a0: {  	v7 =	vmul.f32 v7, v11;
	_ =	sdelay $0x1  }
0x1a1: {  	v43 =	vperm.xlane v0, v10;
	[tilespmem:v6+s28+$0x0] =	vst.idx.add.f32.msk $0xffff, v7  }
0x1a2: {  	v7 =	vld.idx.msk [tilespmem:v42+s6+$0x0], $0xffff  }
0x1a3: {  	v6 =	vshll.u32 v43, $0x5  }
0x1a4: {  	v44 =	vor.u32 v1, v6  }
0x1a5: {  	v10 =	vperm.xlane v21, v10;
	v12 =	vor.u32 v16, v12;
	_ =	sdelay $0x1  }
0x1a6: {  	v7 =	vmul.f32 v7, v10;
	_ =	sdelay $0x1  }
0x1a7: {  	[tilespmem:v44+s28+$0x0] =	vst.idx.add.f32.msk $0xffff, v7  }
0x1a8: {  	v45 =	vperm.xlane v2, v9;
	v7 =	vld.idx.msk [tilespmem:v12+s6+$0x0], $0xffff;
	_ =	sdelay $0x1  }
0x1a9: {  	v11 =	vshll.u32 v45, $0x5;
	v6 =	vor.u32 v16, v6  }
0x1aa: {  	v46 =	vor.u32 v1, v11;
	_ =	sdelay $0x1  }
0x1ab: {  	v7 =	vmul.f32 v7, v10;
	_ =	sdelay $0x1  }
0x1ac: {  	v47 =	vperm.xlane v0, v9;
	[tilespmem:v6+s28+$0x0] =	vst.idx.add.f32.msk $0xffff, v7  }
0x1ad: {  	v7 =	vld.idx.msk [tilespmem:v46+s6+$0x0], $0xffff  }
0x1ae: {  	v6 =	vshll.u32 v47, $0x5  }
0x1af: {  	v48 =	vor.u32 v1, v6  }
0x1b0: {  	v9 =	vperm.xlane v21, v9;
	v11 =	vor.u32 v16, v11;
	_ =	sdelay $0x1  }
0x1b1: {  	v7 =	vmul.f32 v7, v9;
	_ =	sdelay $0x1  }
0x1b2: {  	[tilespmem:v48+s28+$0x0] =	vst.idx.add.f32.msk $0xffff, v7  }
0x1b3: {  	v49 =	vperm.xlane v2, v8;
	v7 =	vld.idx.msk [tilespmem:v11+s6+$0x0], $0xffff;
	_ =	sdelay $0x1  }
0x1b4: {  	v10 =	vshll.u32 v49, $0x5;
	v6 =	vor.u32 v16, v6  }
0x1b5: {  	v50 =	vor.u32 v1, v10;
	_ =	sdelay $0x1  }
0x1b6: {  	v7 =	vmul.f32 v7, v9;
	_ =	sdelay $0x1  }
0x1b7: {  	v51 =	vperm.xlane v0, v8;
	[tilespmem:v6+s28+$0x0] =	vst.idx.add.f32.msk $0xffff, v7  }
0x1b8: {  	v7 =	vld.idx.msk [tilespmem:v50+s6+$0x0], $0xffff  }
0x1b9: {  	v6 =	vshll.u32 v51, $0x5  }
0x1ba: {  	v52 =	vor.u32 v1, v6  }
0x1bb: {  	v8 =	vperm.xlane v21, v8;
	v10 =	vor.u32 v16, v10;
	_ =	sdelay $0x1  }
0x1bc: {  	v7 =	vmul.f32 v7, v8;
	_ =	sdelay $0x1  }
0x1bd: {  	[tilespmem:v52+s28+$0x0] =	vst.idx.add.f32.msk $0xffff, v7  }
0x1be: {  	v53 =	vperm.xlane v2, v5;
	v7 =	vld.idx.msk [tilespmem:v10+s6+$0x0], $0xffff;
	_ =	sdelay $0x1  }
0x1bf: {  	v9 =	vshll.u32 v53, $0x5;
	v6 =	vor.u32 v16, v6  }
0x1c0: {  	v54 =	vor.u32 v1, v9;
	_ =	sdelay $0x1  }
0x1c1: {  	v7 =	vmul.f32 v7, v8;
	_ =	sdelay $0x1  }
0x1c2: {  	v55 =	vperm.xlane v0, v5;
	[tilespmem:v6+s28+$0x0] =	vst.idx.add.f32.msk $0xffff, v7  }
0x1c3: {  	v7 =	vld.idx.msk [tilespmem:v54+s6+$0x0], $0xffff  }
0x1c4: {  	v6 =	vshll.u32 v55, $0x5  }
0x1c5: {  	v56 =	vor.u32 v1, v6  }
0x1c6: {  	v5 =	vperm.xlane v21, v5;
	v9 =	vor.u32 v16, v9;
	_ =	sdelay $0x1  }
0x1c7: {  	v7 =	vmul.f32 v7, v5;
	_ =	sdelay $0x1  }
0x1c8: {  	[tilespmem:v56+s28+$0x0] =	vst.idx.add.f32.msk $0xffff, v7  }
0x1c9: {  	v57 =	vperm.xlane v2, v4;
	v7 =	vld.idx.msk [tilespmem:v9+s6+$0x0], $0xffff;
	_ =	sdelay $0x1  }
0x1ca: {  	v8 =	vshll.u32 v57, $0x5;
	v6 =	vor.u32 v16, v6  }
0x1cb: {  	v58 =	vor.u32 v1, v8;
	_ =	sdelay $0x1  }
0x1cc: {  	v5 =	vmul.f32 v7, v5;
	_ =	sdelay $0x1  }
0x1cd: {  	v59 =	vperm.xlane v0, v4;
	[tilespmem:v6+s28+$0x0] =	vst.idx.add.f32.msk $0xffff, v5  }
0x1ce: {  	v6 =	vld.idx.msk [tilespmem:v58+s6+$0x0], $0xffff  }
0x1cf: {  	v5 =	vshll.u32 v59, $0x5  }
0x1d0: {  	v60 =	vor.u32 v1, v5  }
0x1d1: {  	v4 =	vperm.xlane v21, v4;
	v8 =	vor.u32 v16, v8;
	_ =	sdelay $0x1  }
0x1d2: {  	v6 =	vmul.f32 v6, v4;
	_ =	sdelay $0x1  }
0x1d3: {  	[tilespmem:v60+s28+$0x0] =	vst.idx.add.f32.msk $0xffff, v6  }
0x1d4: {  	v2 =	vperm.xlane v2, v3;
	v6 =	vld.idx.msk [tilespmem:v8+s6+$0x0], $0xffff;
	_ =	sdelay $0x1  }
0x1d5: {  	v2 =	vshll.u32 v2, $0x5;
	v5 =	vor.u32 v16, v5  }
0x1d6: {  	v61 =	vor.u32 v1, v2;
	_ =	sdelay $0x1  }
0x1d7: {  	v4 =	vmul.f32 v6, v4;
	_ =	sdelay $0x1  }
0x1d8: {  	v0 =	vperm.xlane v0, v3;
	[tilespmem:v5+s28+$0x0] =	vst.idx.add.f32.msk $0xffff, v4  }
0x1d9: {  	v4 =	vld.idx.msk [tilespmem:v61+s6+$0x0], $0xffff  }
0x1da: {  	v0 =	vshll.u32 v0, $0x5  }
0x1db: {  	v1 =	vor.u32 v1, v0  }
0x1dc: {  	v3 =	vperm.xlane v21, v3;
	v2 =	vor.u32 v16, v2;
	_ =	sdelay $0x1  }
0x1dd: {  	v4 =	vmul.f32 v4, v3;
	_ =	sdelay $0x1  }
0x1de: {  	[tilespmem:v1+s28+$0x0] =	vst.idx.add.f32.msk $0xffff, v4  }
0x1df: {  	v1 =	vld.idx.msk [tilespmem:v2+s6+$0x0], $0xffff;
	_ =	sdelay $0x1  }
0x1e0: {  	v0 =	vor.u32 v16, v0;
	_ =	sdelay $0x2  }
0x1e1: {  	v1 =	vmul.f32 v1, v3;
	_ =	sdelay $0x1  }
0x1e2: {  	[tilespmem:v0+s28+$0x0] =	vst.idx.add.f32.msk $0xffff, v1  }
0x1e3: {  	v0 =	vld [tilespmem:$0x3C0]  }
0x1e4: {  	v1 =	vld [tilespmem:$0x3D0]  }
0x1e5: {  	v62 =	vld [tilespmem:$0x3E0]  }
0x1e6: {  	v63 =	vld [tilespmem:$0x3F0]  }
0x1e7: {  	v4 =	vld [tilespmem:$0x400]  }
0x1e8: {  	v5 =	vld [tilespmem:$0x410];
	v0 =	vmax.f32 v0, $0.0e+00  }
0x1e9: {  	v8 =	vld [tilespmem:$0x420];
	v7 =	vmax.f32 v1, $0.0e+00;
	[tilespmem:$0x3C0] =	vst v0  }
0x1ea: {  	v10 =	vld [tilespmem:$0x430];
	v9 =	vmax.f32 v62, $0.0e+00;
	[tilespmem:$0x3D0] =	vst v7  }
0x1eb: {  	v12 =	vld [tilespmem:$0x440];
	v11 =	vmax.f32 v63, $0.0e+00;
	[tilespmem:$0x3E0] =	vst v9  }
0x1ec: {  	v14 =	vld [tilespmem:$0x450];
	v13 =	vmax.f32 v4, $0.0e+00;
	[tilespmem:$0x3F0] =	vst v11  }
0x1ed: {  	v16 =	vld [tilespmem:$0x460];
	v15 =	vmax.f32 v5, $0.0e+00;
	[tilespmem:$0x400] =	vst v13  }
0x1ee: {  	v18 =	vld [tilespmem:$0x470];
	v17 =	vmax.f32 v8, $0.0e+00;
	[tilespmem:$0x410] =	vst v15  }
0x1ef: {  	v20 =	vld [tilespmem:$0x480];
	v19 =	vmax.f32 v10, $0.0e+00;
	[tilespmem:$0x420] =	vst v17  }
0x1f0: {  	v22 =	vld [tilespmem:$0x490];
	v21 =	vmax.f32 v12, $0.0e+00;
	[tilespmem:$0x430] =	vst v19  }
0x1f1: {  	v24 =	vld [tilespmem:$0x4A0];
	v23 =	vmax.f32 v14, $0.0e+00;
	[tilespmem:$0x440] =	vst v21  }
0x1f2: {  	v26 =	vld [tilespmem:$0x4B0];
	v25 =	vmax.f32 v16, $0.0e+00;
	[tilespmem:$0x450] =	vst v23  }
0x1f3: {  	v28 =	vld [tilespmem:$0x4C0];
	v27 =	vmax.f32 v18, $0.0e+00;
	[tilespmem:$0x460] =	vst v25  }
0x1f4: {  	v30 =	vld [tilespmem:$0x4D0];
	v29 =	vmax.f32 v20, $0.0e+00;
	[tilespmem:$0x470] =	vst v27  }
0x1f5: {  	v32 =	vld [tilespmem:$0x4E0];
	v31 =	vmax.f32 v22, $0.0e+00;
	[tilespmem:$0x480] =	vst v29  }
0x1f6: {  	v34 =	vld [tilespmem:$0x4F0];
	v33 =	vmax.f32 v24, $0.0e+00;
	[tilespmem:$0x490] =	vst v31  }
0x1f7: {  	v36 =	vld [tilespmem:$0x500];
	v35 =	vmax.f32 v26, $0.0e+00;
	[tilespmem:$0x4A0] =	vst v33  }
0x1f8: {  	v38 =	vld [tilespmem:$0x510];
	v37 =	vmax.f32 v28, $0.0e+00;
	[tilespmem:$0x4B0] =	vst v35  }
0x1f9: {  	v40 =	vld [tilespmem:$0x520];
	v39 =	vmax.f32 v30, $0.0e+00;
	[tilespmem:$0x4C0] =	vst v37  }
0x1fa: {  	v42 =	vld [tilespmem:$0x530];
	v41 =	vmax.f32 v32, $0.0e+00;
	[tilespmem:$0x4D0] =	vst v39  }
0x1fb: {  	v44 =	vld [tilespmem:$0x540];
	v43 =	vmax.f32 v34, $0.0e+00;
	[tilespmem:$0x4E0] =	vst v41  }
0x1fc: {  	v46 =	vld [tilespmem:$0x550];
	v45 =	vmax.f32 v36, $0.0e+00;
	[tilespmem:$0x4F0] =	vst v43  }
0x1fd: {  	v48 =	vld [tilespmem:$0x560];
	v47 =	vmax.f32 v38, $0.0e+00;
	[tilespmem:$0x500] =	vst v45  }
0x1fe: {  	v50 =	vld [tilespmem:$0x570];
	v49 =	vmax.f32 v40, $0.0e+00;
	[tilespmem:$0x510] =	vst v47  }
0x1ff: {  	v52 =	vld [tilespmem:$0x580];
	v51 =	vmax.f32 v42, $0.0e+00;
	[tilespmem:$0x520] =	vst v49  }
0x200: {  	v54 =	vld [tilespmem:$0x590];
	v53 =	vmax.f32 v44, $0.0e+00;
	[tilespmem:$0x530] =	vst v51  }
0x201: {  	v56 =	vld [tilespmem:$0x5A0];
	v55 =	vmax.f32 v46, $0.0e+00;
	[tilespmem:$0x540] =	vst v53  }
0x202: {  	v58 =	vld [tilespmem:$0x5B0];
	v57 =	vmax.f32 v48, $0.0e+00;
	[tilespmem:$0x550] =	vst v55  }
0x203: {  	v59 =	vmax.f32 v50, $0.0e+00;
	[tilespmem:$0x560] =	vst v57  }
0x204: {  	v60 =	vmax.f32 v52, $0.0e+00;
	[tilespmem:$0x570] =	vst v59  }
0x205: {  	v61 =	vmax.f32 v54, $0.0e+00;
	[tilespmem:$0x580] =	vst v60  }
0x206: {  	v62 =	vmax.f32 v56, $0.0e+00;
	[tilespmem:$0x590] =	vst v61  }
0x207: {  	v63 =	vmax.f32 v58, $0.0e+00;
	[tilespmem:$0x5A0] =	vst v62  }
0x208: {  	s2 =	sadd.s32 s2, s5;
	[tilespmem:$0x5B0] =	vst v63  }
0x209: {  	[hbm4b:s2+s3] =	stream.strided.scatter [tilespmem:s28], [sflag:$0x3], $0x100, s4, s3, $0x38;
	[tilespmem:$0x5C0] =	vst v63  }
0x20a: {  	s31 =	simm.s32 $0x4C0;
	s2 =	sadd.s32 $0x200, s2  }
0x20b: {  	[hbm4b:s2+s3] =	stream.strided.scatter [tilespmem:s31], [sflag:$0x3], $0x100, s4, s3, $0x38;
	[tilespmem:$0x5C0] =	vst v63  }
0x20c: {  	_ =	swait.ge [sflag:s26], $0x200  }
0x20d: {  	[sflag:s26] =	ssyncset.done $0x0  }
0x20e: {  	[sflag:s26] =	ssyncadd.s32 $0xFFFFFE00  }
0x20f: {  	_ =	sfence.sel $0x180000  }
0x210: {  	[bflag:$0x0] =	sbarrier.arrive $0xFFFF  }
0x211: {  	p0 =	sne.s32 s1, $0x0;
	_ =	strace $0x90000047  }
0x212: {  	s0 =	sadd.s32 @!p0 $0x100000, s0;
	[bflag:$0x2] =	sbarrier.arrive $0xFFFF  }
0x213: {  	[sflag:s0] =	ssyncadd.tile.s32 @!p0 $0x1;
	_ =	shalt  }
.Lfunc_end2:
_tile_overlayer_lowered:
.L_overlay_start_2:
0x214: {  	(tag) =	ssettag $0x2  }
0x215: {  	s0 =	rddreg [dreg:$0x0];
	s2 =	stileid.u32  }
0x216: {  	s1 =	rddreg [dreg:$0x1];
	p0 =	sne.s32 s2, $0x0  }
0x217: {  	s3 =	rddreg [dreg:$0x2];
	[bflag:$0x3] =	sbarrier.arrive $0xFFFF;
	s2 =	simm.s32 @!p0 $0x1C03  }
0x218: {  	[timem:s3], [sflag:s2] =	dma.local @!p0 [hbm:s0], s1  }
0x219: {  	s0 =	simm.s32 @!p0 $0x3  }
0x21a: {  	_ =	swait.ge @!p0 [sflag:s0], s1  }
0x21b: {  	s1 =	ssub.s32 @!p0 $0x0, s1;
	[sflag:s0] =	ssyncset.done @!p0 $0x0  }
0x21c: {  	[sflag:s0] =	ssyncadd.s32 @!p0 s1  }
0x21d: {  	[bflag:$0x3] =	sbarrier.arrive $0xFFFF  }
0x21e: {  	_ =	shalt  }

</sc_bundles>
